<compile_context>
chip_gen: v7x
topology: tpu7x:2x2x1
jax: 0.10.2.dev20260603
libtpu: 0.0.44.dev20260713+nightly
codegen_flags: <defaults>
</compile_context>

<pallas_src>
import functools

import jax
import jax.numpy as jnp
from jax import lax
from jax.experimental import pallas as pl
from jax.experimental.pallas import tpu as pltpu
from jax.experimental.pallas import tpu_sc as plsc

N = 10000
E = 160000
F = 128
C = 128
N_PAD = 10240
NC, NS = 2, 16
NW = NC * NS
L = 16
CHUNK = 128
CPT = 40
E_PAD = NW * CPT * CHUNK
NROWS = E_PAD // CHUNK
T_SIZE = N_PAD * N
ROWS_PER_TILE = N_PAD // NS
NEG_E = 0.2
NEG_OUT = 0.3

_sc_mesh = plsc.VectorSubcoreMesh(
    core_axis_name="c", subcore_axis_name="s", num_cores=NC, num_subcores=NS
)
_sc_params = pltpu.CompilerParams(needs_layout_passes=False)



BN_A = 400

def _tc_project_body(x_ref, w_ref, a2_ref, h_ref, f2_ref, hsum_ref):
    xb = x_ref[...]
    hb = jnp.dot(xb, w_ref[...], preferred_element_type=jnp.float32)
    h_ref[...] = hb
    f2_ref[...] = jnp.dot(hb, a2_ref[...], preferred_element_type=jnp.float32)

    @pl.when(pl.program_id(0) == 0)
    def _():
        hsum_ref[...] = jnp.zeros_like(hsum_ref)

    hsum_ref[...] += jnp.sum(hb, axis=0, keepdims=True)


def _tc_project(x, w, a2):
    return pl.pallas_call(
        _tc_project_body,
        grid=(N // BN_A,),
        in_specs=[
            pl.BlockSpec((BN_A, F), lambda i: (i, 0)),
            pl.BlockSpec((F, C), lambda i: (0, 0)),
            pl.BlockSpec((C, C), lambda i: (0, 0)),
        ],
        out_specs=[
            pl.BlockSpec((BN_A, C), lambda i: (i, 0)),
            pl.BlockSpec((BN_A, C), lambda i: (i, 0)),
            pl.BlockSpec((1, C), lambda i: (0, 0)),
        ],
        out_shape=[
            jax.ShapeDtypeStruct((N, C), jnp.float32),
            jax.ShapeDtypeStruct((N, C), jnp.float32),
            jax.ShapeDtypeStruct((1, C), jnp.float32),
        ],
    )(x, w, a2)



EPT = CPT * CHUNK

@functools.partial(
    pl.kernel,
    out_type=jax.ShapeDtypeStruct((T_SIZE,), jnp.int32),
    mesh=_sc_mesh,
    scratch_types=[pltpu.VMEM((EPT,), jnp.int32) for _ in range(4)]
    + [pltpu.SemaphoreType.DMA],
    compiler_params=_sc_params,
)
def _sc_dedup(s1_hbm, d1_hbm, t_hbm, s1, d1, kslab, idslab, sem_in):
    wid = lax.axis_index("c") * NS + lax.axis_index("s")
    e0 = wid * EPT
    pltpu.async_copy(s1_hbm.at[pl.ds(e0, EPT)], s1, sem_in)
    pltpu.async_copy(d1_hbm.at[pl.ds(e0, EPT)], d1, sem_in)
    pltpu.make_async_copy(s1_hbm.at[pl.ds(e0, EPT)], s1, sem_in).wait()
    pltpu.make_async_copy(d1_hbm.at[pl.ds(e0, EPT)], d1, sem_in).wait()

    @pl.loop(0, EPT // L)
    def _(i):
        sl = pl.ds(i * L, L)
        kslab[sl] = s1[sl] * N + d1[sl]
        idslab[sl] = e0 + i * L + lax.iota(jnp.int32, L)

    pltpu.sync_copy(idslab, t_hbm.at[kslab])



WPW = 8
NWAVES = CPT // WPW
WE = WPW * CHUNK

@functools.partial(
    pl.kernel,
    out_type=[
        jax.ShapeDtypeStruct((NC, N_PAD, C), jnp.float32),
        jax.ShapeDtypeStruct((NC, N_PAD), jnp.float32),
    ],
    mesh=_sc_mesh,
    scratch_types=[
        pltpu.VMEM((WE,), jnp.int32),
        pltpu.VMEM((WE,), jnp.int32),
        pltpu.VMEM((WE,), jnp.int32),
        pltpu.VMEM((WE,), jnp.int32),
        pltpu.VMEM((WE,), jnp.float32),
        pltpu.VMEM((WE,), jnp.float32),
        pltpu.VMEM((WE,), jnp.float32),
        pltpu.VMEM((WPW, CHUNK), jnp.int32),
        pltpu.VMEM((CHUNK, C), jnp.float32),
        pltpu.VMEM((CHUNK, C), jnp.float32),
        pltpu.VMEM_SHARED((N_PAD, C), jnp.float32),
        pltpu.VMEM_SHARED((N_PAD,), jnp.float32),
        pltpu.SemaphoreType.DMA,
        pltpu.SemaphoreType.DMA,
        pltpu.SemaphoreType.DMA,
        pltpu.SemaphoreType.DMA,
        pltpu.SemaphoreType.DMA,
        pltpu.SemaphoreType.DMA,
        pltpu.SemaphoreType.DMA,
        pltpu.SemaphoreType.DMA,
    ],
    compiler_params=_sc_params,
)
def _sc_agg(h_hbm, fs_hbm, fd_hbm, s1_hbm, d1_hbm, t_hbm, acc_hbm, z_hbm,
            s1, d1, kslab, tslab, fsl, fdl, w1, srow2d, bufA, bufB,
            acc_sh, z_sh, sem_in, sem_t, sem_f, sem_z, sgA, sgB, ssA, ssB):
    cid = lax.axis_index("c")
    sid = lax.axis_index("s")
    wid = cid * NS + sid
    row0 = sid * ROWS_PER_TILE

    @pl.loop(0, CHUNK)
    def _(row):
        for q in range(C // L):
            bufA[row, pl.ds(q * L, L)] = jnp.zeros((L,), jnp.float32)

    @pl.loop(0, ROWS_PER_TILE // CHUNK)
    def _(jj):
        pltpu.sync_copy(bufA, acc_sh.at[pl.ds(row0 + jj * CHUNK, CHUNK)])
        pltpu.sync_copy(bufA.at[0], z_sh.at[pl.ds(row0 + jj * CHUNK, CHUNK)])

    plsc.subcore_barrier()

    def scale(buf, g):
        @pl.loop(0, CHUNK // L)
        def _(g2):
            w16 = w1[pl.ds(g * CHUNK + g2 * L, L)]
            for r in range(L):
                ws = w16[r]
                row = g2 * L + r
                for q in range(C // L):
                    slq = pl.ds(q * L, L)
                    buf[row, slq] = buf[row, slq] * ws

    @pl.loop(0, NWAVES)
    def _(v):
        e0w = (wid * CPT + v * WPW) * CHUNK

        pltpu.async_copy(s1_hbm.at[pl.ds(e0w, WE)], s1, sem_in)
        pltpu.async_copy(d1_hbm.at[pl.ds(e0w, WE)], d1, sem_in)
        pltpu.make_async_copy(s1_hbm.at[pl.ds(e0w, WE)], s1, sem_in).wait()
        pltpu.make_async_copy(d1_hbm.at[pl.ds(e0w, WE)], d1, sem_in).wait()

        @pl.loop(0, WE // L)
        def _(i):
            sl = pl.ds(i * L, L)
            kslab[sl] = s1[sl] * N + d1[sl]

        pltpu.async_copy(t_hbm.at[kslab], tslab, sem_t)
        pltpu.async_copy(fs_hbm.at[s1], fsl, sem_f)
        pltpu.async_copy(fd_hbm.at[d1], fdl, sem_f)
        pltpu.make_async_copy(t_hbm.at[kslab], tslab, sem_t).wait()
        pltpu.make_async_copy(fs_hbm.at[s1], fsl, sem_f).wait()
        pltpu.make_async_copy(fd_hbm.at[d1], fdl, sem_f).wait()

        @pl.loop(0, WE // L)
        def _(i):
            sl = pl.ds(i * L, L)
            ids = e0w + i * L + lax.iota(jnp.int32, L)
            s16 = s1[sl]
            real = s16 < N
            logit = fsl[sl] + fdl[sl]
            logit = jnp.where(logit > 0, logit, logit * NEG_E)
            p = jnp.exp(logit)
            w1[sl] = jnp.where(real & (tslab[sl] == ids), p, jnp.float32(0.0))
            srow = jnp.where(real, s16, d1[sl])
            s1[sl] = srow
            srow2d[i // WPW, pl.ds((i % WPW) * L, L)] = srow

        pltpu.async_copy(w1, z_sh.at[s1], sem_z, add=True)

        pltpu.async_copy(h_hbm.at[d1.at[pl.ds(0, CHUNK)]], bufA, sgA)

        @pl.loop(0, WPW // 2)
        def _(i):
            a = 2 * i
            bb = 2 * i + 1
            pltpu.make_async_copy(h_hbm.at[d1.at[pl.ds(0, CHUNK)]], bufA,
                                  sgA).wait()

            @pl.when(i > 0)
            def _():
                pltpu.make_async_copy(bufB, acc_sh.at[srow2d.at[0]], ssB).wait()

            pltpu.async_copy(h_hbm.at[d1.at[pl.ds(bb * CHUNK, CHUNK)]], bufB,
                             sgB)
            scale(bufA, a)
            pltpu.async_copy(bufA, acc_sh.at[srow2d.at[a]], ssA, add=True)
            pltpu.make_async_copy(h_hbm.at[d1.at[pl.ds(0, CHUNK)]], bufB,
                                  sgB).wait()
            pltpu.make_async_copy(bufA, acc_sh.at[srow2d.at[0]], ssA).wait()

            @pl.when(i < WPW // 2 - 1)
            def _():
                pltpu.async_copy(h_hbm.at[d1.at[pl.ds((a + 2) * CHUNK, CHUNK)]],
                                 bufA, sgA)

            scale(bufB, bb)
            pltpu.async_copy(bufB, acc_sh.at[srow2d.at[bb]], ssB, add=True)

        pltpu.make_async_copy(bufB, acc_sh.at[srow2d.at[0]], ssB).wait()
        pltpu.make_async_copy(w1, z_sh.at[s1], sem_z).wait()

    plsc.subcore_barrier()
    pltpu.sync_copy(acc_sh.at[pl.ds(row0, ROWS_PER_TILE)],
                    acc_hbm.at[cid, pl.ds(row0, ROWS_PER_TILE)])
    pltpu.sync_copy(z_sh.at[pl.ds(row0, ROWS_PER_TILE)],
                    z_hbm.at[cid, pl.ds(row0, ROWS_PER_TILE)])



BN_D = 512

def _tc_finalize_body(acc_ref, z_ref, hsum_ref, b_ref, o_ref):
    a = acc_ref[0] + acc_ref[1]
    z = z_ref[0] + z_ref[1]
    nonempty = z > 0
    mean = hsum_ref[...] * jnp.float32(1.0 / N)
    val = jnp.where(nonempty, a / jnp.where(nonempty, z, jnp.float32(1.0)), mean)
    val = val + b_ref[...]
    o_ref[...] = jnp.where(val > 0, val, val * NEG_OUT)


def _tc_finalize(acc, z3, hsum, b2):
    return pl.pallas_call(
        _tc_finalize_body,
        grid=(N_PAD // BN_D,),
        in_specs=[
            pl.BlockSpec((NC, BN_D, C), lambda i: (0, i, 0)),
            pl.BlockSpec((NC, BN_D, 1), lambda i: (0, i, 0)),
            pl.BlockSpec((1, C), lambda i: (0, 0)),
            pl.BlockSpec((1, C), lambda i: (0, 0)),
        ],
        out_specs=pl.BlockSpec((BN_D, C), lambda i: (i, 0)),
        out_shape=jax.ShapeDtypeStruct((N_PAD, C), jnp.float32),
    )(acc, z3, hsum, b2)


def kernel(x, edge_index, W, a_src, a_dst, b):
    pad_i = jnp.arange(E_PAD - E, dtype=jnp.int32)
    srcs1d = jnp.concatenate([edge_index[0], N + pad_i % (N_PAD - N)])
    dsts1d = jnp.concatenate([edge_index[1], pad_i])
    a2 = jnp.concatenate(
        [a_src, a_dst, jnp.zeros((C, C - 2), jnp.float32)], axis=1)
    h, f2, hsum = _tc_project(x, W, a2)
    fs_p = jnp.pad(f2[:, 0], (0, N_PAD - N))
    fd_p = jnp.pad(f2[:, 1], (0, N_PAD - N))
    t_tab = _sc_dedup(srcs1d, dsts1d)
    acc, z = _sc_agg(h, fs_p, fd_p, srcs1d, dsts1d, t_tab)
    out = _tc_finalize(acc, z.reshape(NC, N_PAD, 1), hsum, b.reshape(1, C))
    return out[:N]

# --- scband reference (transcript-rebuilt; emitter-appended) ---
"""Pipeline reference for scband-graph-attention-layer-78537771975042 (READ-ONLY COPY).

The authoritative reference and input builder live on the scoring server;
editing this copy changes nothing except your own understanding.
"""

import jax, jax.numpy as jnp
import numpy as np

N = 10000
E = 160000
F = 128
C = 128

def setup_inputs(seed: int = 0) -> dict:
    key = jax.random.key(seed)
    k1, k2, k3, k4, k5 = jax.random.split(key, 5)
    x = jax.random.normal(k1, (N, F), dtype=jnp.float32)
    edge_index = jax.random.randint(k2, (2, E), 0, N, dtype=jnp.int32)
    # Learned parameters of GATConv(channels=128, attn_heads=1, concat_heads=True)
    W = jax.random.normal(k3, (F, C), dtype=jnp.float32) * 0.05
    a_src = jax.random.normal(k4, (C, 1), dtype=jnp.float32) * 0.05
    a_dst = jax.random.normal(k5, (C, 1), dtype=jnp.float32) * 0.05
    b = jnp.zeros((C,), dtype=jnp.float32)
    return {"x": x, "edge_index": edge_index, "W": W, "a_src": a_src, "a_dst": a_dst, "b": b}

def reference(x, edge_index, W, a_src, a_dst, b):
    # Build dense adjacency from edge list (scatter-overwrite -> SparseCore friendly)
    A = jnp.zeros((N, N), dtype=x.dtype).at[edge_index[0], edge_index[1]].set(1.0)
    # GATConv forward (single head, dropout disabled for deterministic reference)
    h = x @ W                                  # [N, C]
    f_src = h @ a_src                          # [N, 1]
    f_dst = h @ a_dst                          # [N, 1]
    e = f_src + f_dst.T                        # [N, N] broadcast attention logits
    e = jax.nn.leaky_relu(e, negative_slope=0.2)
    e = jnp.where(A > 0, e, jnp.float32(-1e9)) # mask non-edges like spektral (-10e9*(1-A))
    alpha = jax.nn.softmax(e, axis=-1)         # [N, N]
    out = alpha @ h + b                        # [N, C]
    # Outer GraphAttentionLayer applies LeakyReLU(alpha=0.3)
    return jax.nn.leaky_relu(out, negative_slope=0.3)

if __name__ == "__main__":
    import jax
    _d = setup_inputs()
    print(jax.jit(kernel)(*tuple(_d.values())))

</pallas_src>

<mosaic_0001>
#map = affine_map<(d0, d1) -> (0, 0)>
#map1 = affine_map<(d0, d1) -> (0)>
#map2 = affine_map<(d0, d1) -> (0, 0, 0)>
module attributes {stable_mosaic.version = 14 : i64} {
  func.func @_sc_agg(%arg0: i32, %arg1: i32, %arg2: memref<10000x128xf32, #tpu.memory_space<hbm>>, %arg3: memref<10240xf32, #tpu.memory_space<hbm>>, %arg4: memref<10240xf32, #tpu.memory_space<hbm>>, %arg5: memref<163840xi32, #tpu.memory_space<hbm>>, %arg6: memref<163840xi32, #tpu.memory_space<hbm>>, %arg7: memref<102400000xi32, #tpu.memory_space<hbm>>, %arg8: memref<2x10240x128xf32, #tpu.memory_space<hbm>>, %arg9: memref<2x10240xf32, #tpu.memory_space<hbm>>, %arg10: memref<1024xi32, #tpu.memory_space<vmem>>, %arg11: memref<1024xi32, #tpu.memory_space<vmem>>, %arg12: memref<1024xi32, #tpu.memory_space<vmem>>, %arg13: memref<1024xi32, #tpu.memory_space<vmem>>, %arg14: memref<1024xf32, #tpu.memory_space<vmem>>, %arg15: memref<1024xf32, #tpu.memory_space<vmem>>, %arg16: memref<1024xf32, #tpu.memory_space<vmem>>, %arg17: memref<8x128xi32, #tpu.memory_space<vmem>>, %arg18: memref<128x128xf32, #tpu.memory_space<vmem>>, %arg19: memref<128x128xf32, #tpu.memory_space<vmem>>, %arg20: memref<10240x128xf32, #tpu.memory_space<vmem_shared>>, %arg21: memref<10240xf32, #tpu.memory_space<vmem_shared>>, %arg22: memref<!tpu.dma_semaphore, #tpu.memory_space<semaphore_mem>>, %arg23: memref<!tpu.dma_semaphore, #tpu.memory_space<semaphore_mem>>, %arg24: memref<!tpu.dma_semaphore, #tpu.memory_space<semaphore_mem>>, %arg25: memref<!tpu.dma_semaphore, #tpu.memory_space<semaphore_mem>>, %arg26: memref<!tpu.dma_semaphore, #tpu.memory_space<semaphore_mem>>, %arg27: memref<!tpu.dma_semaphore, #tpu.memory_space<semaphore_mem>>, %arg28: memref<!tpu.dma_semaphore, #tpu.memory_space<semaphore_mem>>, %arg29: memref<!tpu.dma_semaphore, #tpu.memory_space<semaphore_mem>>) attributes {dimension_semantics = [#tpu.dimension_semantics<core_parallel>, #tpu.dimension_semantics<subcore_parallel>], iteration_bounds = array<i64: 2, 16>, scalar_prefetch = 0 : i64, scratch_operands = 20 : i64, tpu.core_type = #tpu.core_type<sc_vector_subcore>, window_params = [{transform_indices = #map}, {transform_indices = #map1}, {transform_indices = #map1}, {transform_indices = #map1}, {transform_indices = #map1}, {transform_indices = #map1}, {transform_indices = #map2}, {transform_indices = #map}]} {
    %mul3A = arith.constant 16 : i32
    %mul3A_0 = arith.muli %arg0, %mul3A : i32
    %add3A = arith.addi %mul3A_0, %arg1 : i32
    %mul3A_1 = arith.constant 640 : i32
    %mul3A_2 = arith.muli %arg1, %mul3A_1 : i32
    %scan3A = arith.constant 0 : i32
    %scan3A_3 = arith.constant 128 : i32
    %scan3A_4 = arith.addi %scan3A, %scan3A_3 : i32
    %scan3A_5 = arith.constant 1 : i32
    scf.for %scan3A_18 = %scan3A to %scan3A_4 step %scan3A_5  : i32 {
      %mul3A_19 = arith.constant 1 : i32
      %mul3A_20 = arith.muli %scan3A_18, %mul3A_19 : i32
      %add3A_21 = arith.constant 0 : i32
      %add3A_22 = arith.addi %add3A_21, %mul3A_20 : i32
      %broadcast_in_dim3A = arith.constant 0.000000e+00 : f32
      %broadcast_in_dim3A_23 = vector.broadcast %broadcast_in_dim3A : f32 to vector<16xf32>
      %swap3A = arith.index_cast %add3A_22 : i32 to index
      %swap3A_24 = arith.constant 0 : index
      %swap3A_25 = tpu.vector_load %arg18[%swap3A, %swap3A_24] {strides = array<i32>} : memref<128x128xf32, #tpu.memory_space<vmem>>, vector<16xf32>,
      tpu.vector_store %arg18[%swap3A, %swap3A_24], %broadcast_in_dim3A_23 {strides = array<i32>} : memref<128x128xf32, #tpu.memory_space<vmem>>, vector<16xf32>,
      %broadcast_in_dim3A_26 = arith.constant 0.000000e+00 : f32
      %broadcast_in_dim3A_27 = vector.broadcast %broadcast_in_dim3A_26 : f32 to vector<16xf32>
      %swap3A_28 = arith.index_cast %add3A_22 : i32 to index
      %swap3A_29 = arith.constant 16 : index
      %swap3A_30 = tpu.vector_load %arg18[%swap3A_28, %swap3A_29] {strides = array<i32>} : memref<128x128xf32, #tpu.memory_space<vmem>>, vector<16xf32>,
      tpu.vector_store %arg18[%swap3A_28, %swap3A_29], %broadcast_in_dim3A_27 {strides = array<i32>} : memref<128x128xf32, #tpu.memory_space<vmem>>, vector<16xf32>,
      %broadcast_in_dim3A_31 = arith.constant 0.000000e+00 : f32
      %broadcast_in_dim3A_32 = vector.broadcast %broadcast_in_dim3A_31 : f32 to vector<16xf32>
      %swap3A_33 = arith.index_cast %add3A_22 : i32 to index
      %swap3A_34 = arith.constant 32 : index
      %swap3A_35 = tpu.vector_load %arg18[%swap3A_33, %swap3A_34] {strides = array<i32>} : memref<128x128xf32, #tpu.memory_space<vmem>>, vector<16xf32>,
      tpu.vector_store %arg18[%swap3A_33, %swap3A_34], %broadcast_in_dim3A_32 {strides = array<i32>} : memref<128x128xf32, #tpu.memory_space<vmem>>, vector<16xf32>,
      %broadcast_in_dim3A_36 = arith.constant 0.000000e+00 : f32
      %broadcast_in_dim3A_37 = vector.broadcast %broadcast_in_dim3A_36 : f32 to vector<16xf32>
      %swap3A_38 = arith.index_cast %add3A_22 : i32 to index
      %swap3A_39 = arith.constant 48 : index
      %swap3A_40 = tpu.vector_load %arg18[%swap3A_38, %swap3A_39] {strides = array<i32>} : memref<128x128xf32, #tpu.memory_space<vmem>>, vector<16xf32>,
      tpu.vector_store %arg18[%swap3A_38, %swap3A_39], %broadcast_in_dim3A_37 {strides = array<i32>} : memref<128x128xf32, #tpu.memory_space<vmem>>, vector<16xf32>,
      %broadcast_in_dim3A_41 = arith.constant 0.000000e+00 : f32
      %broadcast_in_dim3A_42 = vector.broadcast %broadcast_in_dim3A_41 : f32 to vector<16xf32>
      %swap3A_43 = arith.index_cast %add3A_22 : i32 to index
      %swap3A_44 = arith.constant 64 : index
      %swap3A_45 = tpu.vector_load %arg18[%swap3A_43, %swap3A_44] {strides = array<i32>} : memref<128x128xf32, #tpu.memory_space<vmem>>, vector<16xf32>,
      tpu.vector_store %arg18[%swap3A_43, %swap3A_44], %broadcast_in_dim3A_42 {strides = array<i32>} : memref<128x128xf32, #tpu.memory_space<vmem>>, vector<16xf32>,
      %broadcast_in_dim3A_46 = arith.constant 0.000000e+00 : f32
      %broadcast_in_dim3A_47 = vector.broadcast %broadcast_in_dim3A_46 : f32 to vector<16xf32>
      %swap3A_48 = arith.index_cast %add3A_22 : i32 to index
      %swap3A_49 = arith.constant 80 : index
      %swap3A_50 = tpu.vector_load %arg18[%swap3A_48, %swap3A_49] {strides = array<i32>} : memref<128x128xf32, #tpu.memory_space<vmem>>, vector<16xf32>,
      tpu.vector_store %arg18[%swap3A_48, %swap3A_49], %broadcast_in_dim3A_47 {strides = array<i32>} : memref<128x128xf32, #tpu.memory_space<vmem>>, vector<16xf32>,
      %broadcast_in_dim3A_51 = arith.constant 0.000000e+00 : f32
      %broadcast_in_dim3A_52 = vector.broadcast %broadcast_in_dim3A_51 : f32 to vector<16xf32>
      %swap3A_53 = arith.index_cast %add3A_22 : i32 to index
      %swap3A_54 = arith.constant 96 : index
      %swap3A_55 = tpu.vector_load %arg18[%swap3A_53, %swap3A_54] {strides = array<i32>} : memref<128x128xf32, #tpu.memory_space<vmem>>, vector<16xf32>,
      tpu.vector_store %arg18[%swap3A_53, %swap3A_54], %broadcast_in_dim3A_52 {strides = array<i32>} : memref<128x128xf32, #tpu.memory_space<vmem>>, vector<16xf32>,
      %broadcast_in_dim3A_56 = arith.constant 0.000000e+00 : f32
      %broadcast_in_dim3A_57 = vector.broadcast %broadcast_in_dim3A_56 : f32 to vector<16xf32>
      %swap3A_58 = arith.index_cast %add3A_22 : i32 to index
      %swap3A_59 = arith.constant 112 : index
      %swap3A_60 = tpu.vector_load %arg18[%swap3A_58, %swap3A_59] {strides = array<i32>} : memref<128x128xf32, #tpu.memory_space<vmem>>, vector<16xf32>,
      tpu.vector_store %arg18[%swap3A_58, %swap3A_59], %broadcast_in_dim3A_57 {strides = array<i32>} : memref<128x128xf32, #tpu.memory_space<vmem>>, vector<16xf32>,
    }
    %scan3A_6 = arith.constant 128 : i32
    %scan3A_7 = arith.constant 0 : i32
    %scan3A_8 = arith.constant 5 : i32
    %scan3A_9 = arith.addi %scan3A_7, %scan3A_8 : i32
    %scan3A_10 = arith.constant 1 : i32
    scf.for %scan3A_18 = %scan3A_7 to %scan3A_9 step %scan3A_10  : i32 {
      %mul3A_19 = arith.constant 1 : i32
      %mul3A_20 = arith.muli %scan3A_18, %mul3A_19 : i32
      %add3A_21 = arith.constant 0 : i32
      %add3A_22 = arith.addi %add3A_21, %mul3A_20 : i32
      %mul3A_23 = arith.constant 128 : i32
      %mul3A_24 = arith.muli %add3A_22, %mul3A_23 : i32
      %add3A_25 = arith.addi %mul3A_2, %mul3A_24 : i32
      "tpu.region"() ({
        %run_scoped3A_29 = tpu.sem_alloc : memref<!tpu.dma_semaphore, #tpu.memory_space<semaphore_mem>>
        %dma_start3A = arith.constant 0 : i32
        %dma_start3A_30 = tpu.memref_slice %arg20[%add3A_25, %dma_start3A] : memref<10240x128xf32, #tpu.memory_space<vmem_shared>> -> memref<128x128xf32, #tpu.memory_space<vmem_shared>>
        %dma_start3A_31 = arith.constant 0 : i32
        %dma_start3A_32 = tpu.memref_slice %arg20[%add3A_25, %dma_start3A_31] : memref<10240x128xf32, #tpu.memory_space<vmem_shared>> -> memref<128x128xf32, #tpu.memory_space<vmem_shared>>
        tpu.enqueue_dma source(%arg18 : memref<128x128xf32, #tpu.memory_space<vmem>>) target(%dma_start3A_32 : memref<128x128xf32, #tpu.memory_space<vmem_shared>>) target_semaphore(%run_scoped3A_29 : memref<!tpu.dma_semaphore, #tpu.memory_space<semaphore_mem>>)
        %dma_wait3A = arith.constant 0 : i32
        %dma_wait3A_33 = tpu.memref_slice %arg20[%add3A_25, %dma_wait3A] : memref<10240x128xf32, #tpu.memory_space<vmem_shared>> -> memref<128x128xf32, #tpu.memory_space<vmem_shared>>
        %dma_wait3A_34 = arith.constant 0 : i32
        %dma_wait3A_35 = tpu.memref_slice %arg20[%add3A_25, %dma_wait3A_34] : memref<10240x128xf32, #tpu.memory_space<vmem_shared>> -> memref<128x128xf32, #tpu.memory_space<vmem_shared>>
        tpu.wait_dma2 semaphore(%run_scoped3A_29 : memref<!tpu.dma_semaphore, #tpu.memory_space<semaphore_mem>>) src(%arg18 : memref<128x128xf32, #tpu.memory_space<vmem>>) dst(%dma_wait3A_35 : memref<128x128xf32, #tpu.memory_space<vmem_shared>>)
        tpu.yield
      }) : () -> ()
      %mul3A_26 = arith.constant 128 : i32
      %mul3A_27 = arith.muli %add3A_22, %mul3A_26 : i32
      %add3A_28 = arith.addi %mul3A_2, %mul3A_27 : i32
      %run_scoped3A = arith.constant 0 : i32
      "tpu.region"() ({
        %run_scoped3A_29 = tpu.sem_alloc : memref<!tpu.dma_semaphore, #tpu.memory_space<semaphore_mem>>
        %dma_start3A = arith.constant 0 : i32
        %dma_start3A_30 = tpu.memref_slice %arg18[%run_scoped3A, %dma_start3A] : memref<128x128xf32, #tpu.memory_space<vmem>> -> memref<1x128xf32, #tpu.memory_space<vmem>>
        %dma_start3A_31 = tpu.memref_squeeze %dma_start3A_30 : memref<1x128xf32, #tpu.memory_space<vmem>> -> memref<128xf32, #tpu.memory_space<vmem>>
        %dma_start3A_32 = tpu.memref_slice %arg21[%add3A_28] : memref<10240xf32, #tpu.memory_space<vmem_shared>> -> memref<128xf32, #tpu.memory_space<vmem_shared>>
        %dma_start3A_33 = tpu.memref_slice %arg21[%add3A_28] : memref<10240xf32, #tpu.memory_space<vmem_shared>> -> memref<128xf32, #tpu.memory_space<vmem_shared>>
        %dma_start3A_34 = arith.constant 0 : i32
        %dma_start3A_35 = tpu.memref_slice %arg18[%run_scoped3A, %dma_start3A_34] : memref<128x128xf32, #tpu.memory_space<vmem>> -> memref<1x128xf32, #tpu.memory_space<vmem>>
        %dma_start3A_36 = tpu.memref_squeeze %dma_start3A_35 : memref<1x128xf32, #tpu.memory_space<vmem>> -> memref<128xf32, #tpu.memory_space<vmem>>
        tpu.enqueue_dma source(%dma_start3A_36 : memref<128xf32, #tpu.memory_space<vmem>>) target(%dma_start3A_33 : memref<128xf32, #tpu.memory_space<vmem_shared>>) target_semaphore(%run_scoped3A_29 : memref<!tpu.dma_semaphore, #tpu.memory_space<semaphore_mem>>)
        %dma_wait3A = arith.constant 0 : i32
        %dma_wait3A_37 = tpu.memref_slice %arg18[%run_scoped3A, %dma_wait3A] : memref<128x128xf32, #tpu.memory_space<vmem>> -> memref<1x128xf32, #tpu.memory_space<vmem>>
        %dma_wait3A_38 = tpu.memref_squeeze %dma_wait3A_37 : memref<1x128xf32, #tpu.memory_space<vmem>> -> memref<128xf32, #tpu.memory_space<vmem>>
        %dma_wait3A_39 = tpu.memref_slice %arg21[%add3A_28] : memref<10240xf32, #tpu.memory_space<vmem_shared>> -> memref<128xf32, #tpu.memory_space<vmem_shared>>
        %dma_wait3A_40 = tpu.memref_slice %arg21[%add3A_28] : memref<10240xf32, #tpu.memory_space<vmem_shared>> -> memref<128xf32, #tpu.memory_space<vmem_shared>>
        %dma_wait3A_41 = arith.constant 0 : i32
        %dma_wait3A_42 = tpu.memref_slice %arg18[%run_scoped3A, %dma_wait3A_41] : memref<128x128xf32, #tpu.memory_space<vmem>> -> memref<1x128xf32, #tpu.memory_space<vmem>>
        %dma_wait3A_43 = tpu.memref_squeeze %dma_wait3A_42 : memref<1x128xf32, #tpu.memory_space<vmem>> -> memref<128xf32, #tpu.memory_space<vmem>>
        tpu.wait_dma2 semaphore(%run_scoped3A_29 : memref<!tpu.dma_semaphore, #tpu.memory_space<semaphore_mem>>) src(%dma_wait3A_43 : memref<128xf32, #tpu.memory_space<vmem>>) dst(%dma_wait3A_40 : memref<128xf32, #tpu.memory_space<vmem_shared>>)
        tpu.yield
      }) : () -> ()
    }
    %scan3A_11 = arith.constant 5 : i32
    %barrier3A = arith.constant 0 : index
    tpu.barrier barrier_id(%barrier3A)
    %scan3A_12 = arith.constant 0 : i32
    %scan3A_13 = arith.constant 5 : i32
    %scan3A_14 = arith.addi %scan3A_12, %scan3A_13 : i32
    %scan3A_15 = arith.constant 1 : i32
    scf.for %scan3A_18 = %scan3A_12 to %scan3A_14 step %scan3A_15  : i32 {
      %mul3A_19 = arith.constant 1 : i32
      %mul3A_20 = arith.muli %scan3A_18, %mul3A_19 : i32
      %add3A_21 = arith.constant 0 : i32
      %add3A_22 = arith.addi %add3A_21, %mul3A_20 : i32
      %mul3A_23 = arith.constant 40 : i32
      %mul3A_24 = arith.muli %add3A, %mul3A_23 : i32
      %mul3A_25 = arith.constant 8 : i32
      %mul3A_26 = arith.muli %add3A_22, %mul3A_25 : i32
      %add3A_27 = arith.addi %mul3A_24, %mul3A_26 : i32
      %mul3A_28 = arith.constant 128 : i32
      %mul3A_29 = arith.muli %add3A_27, %mul3A_28 : i32
      %dma_start3A = tpu.memref_slice %arg5[%mul3A_29] : memref<163840xi32, #tpu.memory_space<hbm>> -> memref<1024xi32, #tpu.memory_space<hbm>>
      %dma_start3A_30 = tpu.memref_slice %arg5[%mul3A_29] : memref<163840xi32, #tpu.memory_space<hbm>> -> memref<1024xi32, #tpu.memory_space<hbm>>
      tpu.enqueue_dma source(%dma_start3A_30 : memref<1024xi32, #tpu.memory_space<hbm>>) target(%arg10 : memref<1024xi32, #tpu.memory_space<vmem>>) target_semaphore(%arg22 : memref<!tpu.dma_semaphore, #tpu.memory_space<semaphore_mem>>)
      %dma_start3A_31 = tpu.memref_slice %arg6[%mul3A_29] : memref<163840xi32, #tpu.memory_space<hbm>> -> memref<1024xi32, #tpu.memory_space<hbm>>
      %dma_start3A_32 = tpu.memref_slice %arg6[%mul3A_29] : memref<163840xi32, #tpu.memory_space<hbm>> -> memref<1024xi32, #tpu.memory_space<hbm>>
      tpu.enqueue_dma source(%dma_start3A_32 : memref<1024xi32, #tpu.memory_space<hbm>>) target(%arg11 : memref<1024xi32, #tpu.memory_space<vmem>>) target_semaphore(%arg22 : memref<!tpu.dma_semaphore, #tpu.memory_space<semaphore_mem>>)
      %dma_wait3A = tpu.memref_slice %arg5[%mul3A_29] : memref<163840xi32, #tpu.memory_space<hbm>> -> memref<1024xi32, #tpu.memory_space<hbm>>
      %dma_wait3A_33 = tpu.memref_slice %arg5[%mul3A_29] : memref<163840xi32, #tpu.memory_space<hbm>> -> memref<1024xi32, #tpu.memory_space<hbm>>
      tpu.wait_dma2 semaphore(%arg22 : memref<!tpu.dma_semaphore, #tpu.memory_space<semaphore_mem>>) src(%dma_wait3A_33 : memref<1024xi32, #tpu.memory_space<hbm>>) dst(%arg10 : memref<1024xi32, #tpu.memory_space<vmem>>)
      %dma_wait3A_34 = tpu.memref_slice %arg6[%mul3A_29] : memref<163840xi32, #tpu.memory_space<hbm>> -> memref<1024xi32, #tpu.memory_space<hbm>>
      %dma_wait3A_35 = tpu.memref_slice %arg6[%mul3A_29] : memref<163840xi32, #tpu.memory_space<hbm>> -> memref<1024xi32, #tpu.memory_space<hbm>>
      tpu.wait_dma2 semaphore(%arg22 : memref<!tpu.dma_semaphore, #tpu.memory_space<semaphore_mem>>) src(%dma_wait3A_35 : memref<1024xi32, #tpu.memory_space<hbm>>) dst(%arg11 : memref<1024xi32, #tpu.memory_space<vmem>>)
      %scan3A_36 = arith.constant 0 : i32
      %scan3A_37 = arith.constant 64 : i32
      %scan3A_38 = arith.addi %scan3A_36, %scan3A_37 : i32
      %scan3A_39 = arith.constant 1 : i32
      scf.for %scan3A_79 = %scan3A_36 to %scan3A_38 step %scan3A_39  : i32 {
        %mul3A_80 = arith.constant 1 : i32
        %mul3A_81 = arith.muli %scan3A_79, %mul3A_80 : i32
        %add3A_82 = arith.constant 0 : i32
        %add3A_83 = arith.addi %add3A_82, %mul3A_81 : i32
        %mul3A_84 = arith.constant 16 : i32
        %mul3A_85 = arith.muli %add3A_83, %mul3A_84 : i32
        %get3A = arith.index_cast %mul3A_85 : i32 to index
        %get3A_86 = tpu.vector_load %arg10[%get3A] {strides = array<i32>} : memref<1024xi32, #tpu.memory_space<vmem>>, vector<16xi32>,
        %mul3A_87 = arith.constant 10000 : i32
        %mul3A_88 = vector.broadcast %mul3A_87 : i32 to vector<16xi32>
        %mul3A_89 = arith.muli %get3A_86, %mul3A_88 : vector<16xi32>
        %get3A_90 = arith.index_cast %mul3A_85 : i32 to index
        %get3A_91 = tpu.vector_load %arg11[%get3A_90] {strides = array<i32>} : memref<1024xi32, #tpu.memory_space<vmem>>, vector<16xi32>,
        %add3A_92 = arith.addi %mul3A_89, %get3A_91 : vector<16xi32>
        %swap3A = arith.index_cast %mul3A_85 : i32 to index
        %swap3A_93 = tpu.vector_load %arg12[%swap3A] {strides = array<i32>} : memref<1024xi32, #tpu.memory_space<vmem>>, vector<16xi32>,
        tpu.vector_store %arg12[%swap3A], %add3A_92 {strides = array<i32>} : memref<1024xi32, #tpu.memory_space<vmem>>, vector<16xi32>,
      }
      %scan3A_40 = arith.constant 64 : i32
      %dma_start3A_41 = arith.constant 0 : i32
      %dma_start3A_42 = tpu.memref_slice %arg7[%dma_start3A_41] : memref<102400000xi32, #tpu.memory_space<hbm>> -> memref<102400000xi32, #tpu.memory_space<hbm>>
      tpu.enqueue_indirect_dma source(%dma_start3A_42 : memref<102400000xi32, #tpu.memory_space<hbm>>) target(%arg13 : memref<1024xi32, #tpu.memory_space<vmem>>) offsets(%arg12 : memref<1024xi32, #tpu.memory_space<vmem>>) semaphore(%arg23 : memref<!tpu.dma_semaphore, #tpu.memory_space<semaphore_mem>>)
      %dma_start3A_43 = arith.constant 0 : i32
      %dma_start3A_44 = tpu.memref_slice %arg3[%dma_start3A_43] : memref<10240xf32, #tpu.memory_space<hbm>> -> memref<10240xf32, #tpu.memory_space<hbm>>
      tpu.enqueue_indirect_dma source(%dma_start3A_44 : memref<10240xf32, #tpu.memory_space<hbm>>) target(%arg14 : memref<1024xf32, #tpu.memory_space<vmem>>) offsets(%arg10 : memref<1024xi32, #tpu.memory_space<vmem>>) semaphore(%arg24 : memref<!tpu.dma_semaphore, #tpu.memory_space<semaphore_mem>>)
      %dma_start3A_45 = arith.constant 0 : i32
      %dma_start3A_46 = tpu.memref_slice %arg4[%dma_start3A_45] : memref<10240xf32, #tpu.memory_space<hbm>> -> memref<10240xf32, #tpu.memory_space<hbm>>
      tpu.enqueue_indirect_dma source(%dma_start3A_46 : memref<10240xf32, #tpu.memory_space<hbm>>) target(%arg15 : memref<1024xf32, #tpu.memory_space<vmem>>) offsets(%arg11 : memref<1024xi32, #tpu.memory_space<vmem>>) semaphore(%arg24 : memref<!tpu.dma_semaphore, #tpu.memory_space<semaphore_mem>>)
      %dma_wait3A_47 = arith.constant 0 : i32
      %dma_wait3A_48 = tpu.memref_slice %arg7[%dma_wait3A_47] : memref<102400000xi32, #tpu.memory_space<hbm>> -> memref<102400000xi32, #tpu.memory_space<hbm>>
      tpu.wait_indirect_dma semaphore(%arg23 : memref<!tpu.dma_semaphore, #tpu.memory_space<semaphore_mem>>) src(%dma_wait3A_48 : memref<102400000xi32, #tpu.memory_space<hbm>>) dst(%arg13 : memref<1024xi32, #tpu.memory_space<vmem>>)
      %dma_wait3A_49 = arith.constant 0 : i32
      %dma_wait3A_50 = tpu.memref_slice %arg3[%dma_wait3A_49] : memref<10240xf32, #tpu.memory_space<hbm>> -> memref<10240xf32, #tpu.memory_space<hbm>>
      tpu.wait_indirect_dma semaphore(%arg24 : memref<!tpu.dma_semaphore, #tpu.memory_space<semaphore_mem>>) src(%dma_wait3A_50 : memref<10240xf32, #tpu.memory_space<hbm>>) dst(%arg14 : memref<1024xf32, #tpu.memory_space<vmem>>)
      %dma_wait3A_51 = arith.constant 0 : i32
      %dma_wait3A_52 = tpu.memref_slice %arg4[%dma_wait3A_51] : memref<10240xf32, #tpu.memory_space<hbm>> -> memref<10240xf32, #tpu.memory_space<hbm>>
      tpu.wait_indirect_dma semaphore(%arg24 : memref<!tpu.dma_semaphore, #tpu.memory_space<semaphore_mem>>) src(%dma_wait3A_52 : memref<10240xf32, #tpu.memory_space<hbm>>) dst(%arg15 : memref<1024xf32, #tpu.memory_space<vmem>>)
      %scan3A_53 = arith.constant 0 : i32
      %scan3A_54 = arith.constant 64 : i32
      %scan3A_55 = arith.addi %scan3A_53, %scan3A_54 : i32
      %scan3A_56 = arith.constant 1 : i32
      scf.for %scan3A_79 = %scan3A_53 to %scan3A_55 step %scan3A_56  : i32 {
        %mul3A_80 = arith.constant 1 : i32
        %mul3A_81 = arith.muli %scan3A_79, %mul3A_80 : i32
        %add3A_82 = arith.constant 0 : i32
        %add3A_83 = arith.addi %add3A_82, %mul3A_81 : i32
        %mul3A_84 = arith.constant 16 : i32
        %mul3A_85 = arith.muli %add3A_83, %mul3A_84 : i32
        %mul3A_86 = arith.constant 16 : i32
        %mul3A_87 = arith.muli %add3A_83, %mul3A_86 : i32
        %add3A_88 = arith.addi %mul3A_29, %mul3A_87 : i32
        %iota3A = tpu.iota {dimensions = array<i32: 0>} : vector<16xi32>
        %add3A_89 = vector.broadcast %add3A_88 : i32 to vector<16xi32>
        %add3A_90 = arith.addi %add3A_89, %iota3A : vector<16xi32>
        %get3A = arith.index_cast %mul3A_85 : i32 to index
        %get3A_91 = tpu.vector_load %arg10[%get3A] {strides = array<i32>} : memref<1024xi32, #tpu.memory_space<vmem>>, vector<16xi32>,
        %lt3A = arith.constant 10000 : i32
        %lt3A_92 = vector.broadcast %lt3A : i32 to vector<16xi32>
        %lt3A_93 = arith.cmpi slt, %get3A_91, %lt3A_92 : vector<16xi32>
        %get3A_94 = arith.index_cast %mul3A_85 : i32 to index
        %get3A_95 = tpu.vector_load %arg14[%get3A_94] {strides = array<i32>} : memref<1024xf32, #tpu.memory_space<vmem>>, vector<16xf32>,
        %get3A_96 = arith.index_cast %mul3A_85 : i32 to index
        %get3A_97 = tpu.vector_load %arg15[%get3A_96] {strides = array<i32>} : memref<1024xf32, #tpu.memory_space<vmem>>, vector<16xf32>,
        %add3A_98 = arith.addf %get3A_95, %get3A_97 : vector<16xf32>
        %gt3A = arith.constant 0.000000e+00 : f32
        %gt3A_99 = vector.broadcast %gt3A : f32 to vector<16xf32>
        %gt3A_100 = arith.cmpf ogt, %add3A_98, %gt3A_99 : vector<16xf32>
        %mul3A_101 = arith.constant 2.000000e-01 : f32
        %mul3A_102 = vector.broadcast %mul3A_101 : f32 to vector<16xf32>
        %mul3A_103 = arith.mulf %add3A_98, %mul3A_102 : vector<16xf32>
        %select_n3A = arith.select %gt3A_100, %add3A_98, %mul3A_103 : vector<16xi1>, vector<16xf32>
        %exp3A = math.exp %select_n3A : vector<16xf32>
        %get3A_104 = arith.index_cast %mul3A_85 : i32 to index
        %get3A_105 = tpu.vector_load %arg13[%get3A_104] {strides = array<i32>} : memref<1024xi32, #tpu.memory_space<vmem>>, vector<16xi32>,
        %eq3A = arith.cmpi eq, %get3A_105, %add3A_90 : vector<16xi32>
        %and3A = arith.andi %lt3A_93, %eq3A : vector<16xi1>
        %jit3A = arith.constant 0.000000e+00 : f32
        %broadcast_in_dim3A = vector.broadcast %jit3A : f32 to vector<16xf32>
        %select_n3A_106 = arith.select %and3A, %exp3A, %broadcast_in_dim3A : vector<16xi1>, vector<16xf32>
        %swap3A = arith.index_cast %mul3A_85 : i32 to index
        %swap3A_107 = tpu.vector_load %arg16[%swap3A] {strides = array<i32>} : memref<1024xf32, #tpu.memory_space<vmem>>, vector<16xf32>,
        tpu.vector_store %arg16[%swap3A], %select_n3A_106 {strides = array<i32>} : memref<1024xf32, #tpu.memory_space<vmem>>, vector<16xf32>,
        %get3A_108 = arith.index_cast %mul3A_85 : i32 to index
        %get3A_109 = tpu.vector_load %arg11[%get3A_108] {strides = array<i32>} : memref<1024xi32, #tpu.memory_space<vmem>>, vector<16xi32>,
        %select_n3A_110 = arith.select %lt3A_93, %get3A_91, %get3A_109 : vector<16xi1>, vector<16xi32>
        %swap3A_111 = arith.index_cast %mul3A_85 : i32 to index
        %swap3A_112 = tpu.vector_load %arg10[%swap3A_111] {strides = array<i32>} : memref<1024xi32, #tpu.memory_space<vmem>>, vector<16xi32>,
        tpu.vector_store %arg10[%swap3A_111], %select_n3A_110 {strides = array<i32>} : memref<1024xi32, #tpu.memory_space<vmem>>, vector<16xi32>,
        %jit3A_113 = arith.constant 8 : i32
        %div3A = arith.divsi %add3A_83, %jit3A_113 : i32
        %sign3A = arith.constant 0 : i32
        %sign3A_114 = arith.cmpi sgt, %add3A_83, %sign3A : i32
        %sign3A_115 = arith.extui %sign3A_114 : i1 to i32
        %sign3A_116 = arith.constant 0 : i32
        %sign3A_117 = arith.cmpi slt, %add3A_83, %sign3A_116 : i32
        %sign3A_118 = arith.extui %sign3A_117 : i1 to i32
        %sign3A_119 = arith.subi %sign3A_115, %sign3A_118 : i32
        %sign3A_120 = arith.constant 0 : i32
        %sign3A_121 = arith.cmpi sgt, %jit3A_113, %sign3A_120 : i32
        %sign3A_122 = arith.extui %sign3A_121 : i1 to i32
        %sign3A_123 = arith.constant 0 : i32
        %sign3A_124 = arith.cmpi slt, %jit3A_113, %sign3A_123 : i32
        %sign3A_125 = arith.extui %sign3A_124 : i1 to i32
        %sign3A_126 = arith.subi %sign3A_122, %sign3A_125 : i32
        %ne3A = arith.cmpi ne, %sign3A_119, %sign3A_126 : i32
        %rem3A = arith.remsi %add3A_83, %jit3A_113 : i32
        %ne3A_127 = arith.constant 0 : i32
        %ne3A_128 = arith.cmpi ne, %rem3A, %ne3A_127 : i32
        %and3A_129 = arith.andi %ne3A, %ne3A_128 : i1
        %sub3A = arith.constant 1 : i32
        %sub3A_130 = arith.subi %div3A, %sub3A : i32
        %select_n3A_131 = arith.select %and3A_129, %sub3A_130, %div3A : i32
        %jit3A_132 = arith.constant 8 : i32
        %eq3A_133 = arith.constant 0 : i32
        %eq3A_134 = arith.cmpi eq, %jit3A_132, %eq3A_133 : i32
        %jit3A_135 = arith.constant 1 : i32
        %select_n3A_136 = arith.select %eq3A_134, %jit3A_135, %jit3A_132 : i32
        %rem3A_137 = arith.remsi %add3A_83, %select_n3A_136 : i32
        %ne3A_138 = arith.constant 0 : i32
        %ne3A_139 = arith.cmpi ne, %rem3A_137, %ne3A_138 : i32
        %lt3A_140 = arith.constant 0 : i32
        %lt3A_141 = arith.cmpi slt, %rem3A_137, %lt3A_140 : i32
        %lt3A_142 = arith.constant 0 : i32
        %lt3A_143 = arith.cmpi slt, %select_n3A_136, %lt3A_142 : i32
        %ne3A_144 = arith.xori %lt3A_141, %lt3A_143 : i1
        %and3A_145 = arith.andi %ne3A_144, %ne3A_139 : i1
        %add3A_146 = arith.addi %rem3A_137, %select_n3A_136 : i32
        %select_n3A_147 = arith.select %and3A_145, %add3A_146, %rem3A_137 : i32
        %mul3A_148 = arith.constant 16 : i32
        %mul3A_149 = arith.muli %select_n3A_147, %mul3A_148 : i32
        %swap3A_150 = arith.index_cast %select_n3A_131 : i32 to index
        %swap3A_151 = arith.index_cast %mul3A_149 : i32 to index
        %swap3A_152 = tpu.vector_load %arg17[%swap3A_150, %swap3A_151] {strides = array<i32>} : memref<8x128xi32, #tpu.memory_space<vmem>>, vector<16xi32>,
        tpu.vector_store %arg17[%swap3A_150, %swap3A_151], %select_n3A_110 {strides = array<i32>} : memref<8x128xi32, #tpu.memory_space<vmem>>, vector<16xi32>,
      }
      %scan3A_57 = arith.constant 64 : i32
      %dma_start3A_58 = arith.constant 0 : i32
      %dma_start3A_59 = tpu.memref_slice %arg21[%dma_start3A_58] : memref<10240xf32, #tpu.memory_space<vmem_shared>> -> memref<10240xf32, #tpu.memory_space<vmem_shared>>
      tpu.enqueue_indirect_dma source(%arg16 : memref<1024xf32, #tpu.memory_space<vmem>>) target(%dma_start3A_59 : memref<10240xf32, #tpu.memory_space<vmem_shared>>) offsets(%arg10 : memref<1024xi32, #tpu.memory_space<vmem>>) semaphore(%arg25 : memref<!tpu.dma_semaphore, #tpu.memory_space<semaphore_mem>>) {add = true}
      %dma_start3A_60 = arith.constant 0 : i32
      %dma_start3A_61 = tpu.memref_slice %arg11[%dma_start3A_60] : memref<1024xi32, #tpu.memory_space<vmem>> -> memref<128xi32, #tpu.memory_space<vmem>>
      %dma_start3A_62 = arith.constant 0 : i32
      %dma_start3A_63 = arith.constant 0 : i32
      %dma_start3A_64 = tpu.memref_slice %arg2[%dma_start3A_62, %dma_start3A_63] : memref<10000x128xf32, #tpu.memory_space<hbm>> -> memref<10000x128xf32, #tpu.memory_space<hbm>>
      tpu.enqueue_indirect_dma source(%dma_start3A_64 : memref<10000x128xf32, #tpu.memory_space<hbm>>) target(%arg18 : memref<128x128xf32, #tpu.memory_space<vmem>>) offsets(%dma_start3A_61 : memref<128xi32, #tpu.memory_space<vmem>>) semaphore(%arg26 : memref<!tpu.dma_semaphore, #tpu.memory_space<semaphore_mem>>)
      %scan3A_65 = arith.constant 0 : i32
      %scan3A_66 = arith.constant 4 : i32
      %scan3A_67 = arith.addi %scan3A_65, %scan3A_66 : i32
      %scan3A_68 = arith.constant 1 : i32
      scf.for %scan3A_79 = %scan3A_65 to %scan3A_67 step %scan3A_68  : i32 {
        %mul3A_80 = arith.constant 1 : i32
        %mul3A_81 = arith.muli %scan3A_79, %mul3A_80 : i32
        %add3A_82 = arith.constant 0 : i32
        %add3A_83 = arith.addi %add3A_82, %mul3A_81 : i32
        %mul3A_84 = arith.constant 2 : i32
        %mul3A_85 = arith.muli %mul3A_84, %add3A_83 : i32
        %mul3A_86 = arith.constant 2 : i32
        %mul3A_87 = arith.muli %mul3A_86, %add3A_83 : i32
        %add3A_88 = arith.constant 1 : i32
        %add3A_89 = arith.addi %mul3A_87, %add3A_88 : i32
        %dma_wait3A_90 = arith.constant 0 : i32
        %dma_wait3A_91 = tpu.memref_slice %arg11[%dma_wait3A_90] : memref<1024xi32, #tpu.memory_space<vmem>> -> memref<128xi32, #tpu.memory_space<vmem>>
        %dma_wait3A_92 = arith.constant 0 : i32
        %dma_wait3A_93 = arith.constant 0 : i32
        %dma_wait3A_94 = tpu.memref_slice %arg2[%dma_wait3A_92, %dma_wait3A_93] : memref<10000x128xf32, #tpu.memory_space<hbm>> -> memref<10000x128xf32, #tpu.memory_space<hbm>>
        tpu.wait_indirect_dma semaphore(%arg26 : memref<!tpu.dma_semaphore, #tpu.memory_space<semaphore_mem>>) src(%dma_wait3A_94 : memref<10000x128xf32, #tpu.memory_space<hbm>>) dst(%arg18 : memref<128x128xf32, #tpu.memory_space<vmem>>)
        %gt3A = arith.constant 0 : i32
        %gt3A_95 = arith.cmpi sgt, %add3A_83, %gt3A : i32
        %convert_element_type3A = arith.extui %gt3A_95 : i1 to i32
        %cond3A = arith.constant 0 : i32
        %cond3A_96 = arith.cmpi ne, %convert_element_type3A, %cond3A : i32
        scf.if %cond3A_96 {
          %dma_wait3A_141 = arith.constant 0 : i32
          %dma_wait3A_142 = arith.constant 0 : i32
          %dma_wait3A_143 = tpu.memref_slice %arg17[%dma_wait3A_141, %dma_wait3A_142] : memref<8x128xi32, #tpu.memory_space<vmem>> -> memref<1x128xi32, #tpu.memory_space<vmem>>
          %dma_wait3A_144 = tpu.memref_squeeze %dma_wait3A_143 : memref<1x128xi32, #tpu.memory_space<vmem>> -> memref<128xi32, #tpu.memory_space<vmem>>
          %dma_wait3A_145 = arith.constant 0 : i32
          %dma_wait3A_146 = arith.constant 0 : i32
          %dma_wait3A_147 = tpu.memref_slice %arg20[%dma_wait3A_145, %dma_wait3A_146] : memref<10240x128xf32, #tpu.memory_space<vmem_shared>> -> memref<10240x128xf32, #tpu.memory_space<vmem_shared>>
          tpu.wait_indirect_dma semaphore(%arg29 : memref<!tpu.dma_semaphore, #tpu.memory_space<semaphore_mem>>) src(%arg19 : memref<128x128xf32, #tpu.memory_space<vmem>>) dst(%dma_wait3A_147 : memref<10240x128xf32, #tpu.memory_space<vmem_shared>>)
        } else {
        }
        %mul3A_97 = arith.constant 128 : i32
        %mul3A_98 = arith.muli %add3A_89, %mul3A_97 : i32
        %dma_start3A_99 = tpu.memref_slice %arg11[%mul3A_98] : memref<1024xi32, #tpu.memory_space<vmem>> -> memref<128xi32, #tpu.memory_space<vmem>>
        %dma_start3A_100 = arith.constant 0 : i32
        %dma_start3A_101 = arith.constant 0 : i32
        %dma_start3A_102 = tpu.memref_slice %arg2[%dma_start3A_100, %dma_start3A_101] : memref<10000x128xf32, #tpu.memory_space<hbm>> -> memref<10000x128xf32, #tpu.memory_space<hbm>>
        tpu.enqueue_indirect_dma source(%dma_start3A_102 : memref<10000x128xf32, #tpu.memory_space<hbm>>) target(%arg19 : memref<128x128xf32, #tpu.memory_space<vmem>>) offsets(%dma_start3A_99 : memref<128xi32, #tpu.memory_space<vmem>>) semaphore(%arg27 : memref<!tpu.dma_semaphore, #tpu.memory_space<semaphore_mem>>)
        %scan3A_103 = arith.constant 0 : i32
        %scan3A_104 = arith.constant 8 : i32
        %scan3A_105 = arith.addi %scan3A_103, %scan3A_104 : i32
        %scan3A_106 = arith.constant 1 : i32
        scf.for %scan3A_141 = %scan3A_103 to %scan3A_105 step %scan3A_106  : i32 {
          %mul3A_142 = arith.constant 1 : i32
          %mul3A_143 = arith.muli %scan3A_141, %mul3A_142 : i32
          %add3A_144 = arith.constant 0 : i32
          %add3A_145 = arith.addi %add3A_144, %mul3A_143 : i32
          %mul3A_146 = arith.constant 128 : i32
          %mul3A_147 = arith.muli %mul3A_85, %mul3A_146 : i32
          %mul3A_148 = arith.constant 16 : i32
          %mul3A_149 = arith.muli %add3A_145, %mul3A_148 : i32
          %add3A_150 = arith.addi %mul3A_147, %mul3A_149 : i32
          %get3A = arith.index_cast %add3A_150 : i32 to index
          %get3A_151 = tpu.vector_load %arg16[%get3A] {strides = array<i32>} : memref<1024xf32, #tpu.memory_space<vmem>>, vector<16xf32>,
          %slice3A = vector.extract_strided_slice %get3A_151 {offsets = [0], sizes = [1], strides = [1]} : vector<16xf32> to vector<1xf32>
          %squeeze3A = vector.extract %slice3A[0] : f32 from vector<1xf32>
          %mul3A_152 = arith.constant 16 : i32
          %mul3A_153 = arith.muli %add3A_145, %mul3A_152 : i32
          %add3A_154 = arith.constant 0 : i32
          %add3A_155 = arith.addi %mul3A_153, %add3A_154 : i32
          %get3A_156 = arith.index_cast %add3A_155 : i32 to index
          %get3A_157 = arith.constant 0 : index
          %get3A_158 = tpu.vector_load %arg18[%get3A_156, %get3A_157] {strides = array<i32>} : memref<128x128xf32, #tpu.memory_space<vmem>>, vector<16xf32>,
          %mul3A_159 = vector.broadcast %squeeze3A : f32 to vector<16xf32>
          %mul3A_160 = arith.mulf %get3A_158, %mul3A_159 : vector<16xf32>
          %swap3A = arith.index_cast %add3A_155 : i32 to index
          %swap3A_161 = arith.constant 0 : index
          %swap3A_162 = tpu.vector_load %arg18[%swap3A, %swap3A_161] {strides = array<i32>} : memref<128x128xf32, #tpu.memory_space<vmem>>, vector<16xf32>,
          tpu.vector_store %arg18[%swap3A, %swap3A_161], %mul3A_160 {strides = array<i32>} : memref<128x128xf32, #tpu.memory_space<vmem>>, vector<16xf32>,
          %get3A_163 = arith.index_cast %add3A_155 : i32 to index
          %get3A_164 = arith.constant 16 : index
          %get3A_165 = tpu.vector_load %arg18[%get3A_163, %get3A_164] {strides = array<i32>} : memref<128x128xf32, #tpu.memory_space<vmem>>, vector<16xf32>,
          %mul3A_166 = vector.broadcast %squeeze3A : f32 to vector<16xf32>
          %mul3A_167 = arith.mulf %get3A_165, %mul3A_166 : vector<16xf32>
          %swap3A_168 = arith.index_cast %add3A_155 : i32 to index
          %swap3A_169 = arith.constant 16 : index
          %swap3A_170 = tpu.vector_load %arg18[%swap3A_168, %swap3A_169] {strides = array<i32>} : memref<128x128xf32, #tpu.memory_space<vmem>>, vector<16xf32>,
          tpu.vector_store %arg18[%swap3A_168, %swap3A_169], %mul3A_167 {strides = array<i32>} : memref<128x128xf32, #tpu.memory_space<vmem>>, vector<16xf32>,
          %get3A_171 = arith.index_cast %add3A_155 : i32 to index
          %get3A_172 = arith.constant 32 : index
          %get3A_173 = tpu.vector_load %arg18[%get3A_171, %get3A_172] {strides = array<i32>} : memref<128x128xf32, #tpu.memory_space<vmem>>, vector<16xf32>,
          %mul3A_174 = vector.broadcast %squeeze3A : f32 to vector<16xf32>
          %mul3A_175 = arith.mulf %get3A_173, %mul3A_174 : vector<16xf32>
          %swap3A_176 = arith.index_cast %add3A_155 : i32 to index
          %swap3A_177 = arith.constant 32 : index
          %swap3A_178 = tpu.vector_load %arg18[%swap3A_176, %swap3A_177] {strides = array<i32>} : memref<128x128xf32, #tpu.memory_space<vmem>>, vector<16xf32>,
          tpu.vector_store %arg18[%swap3A_176, %swap3A_177], %mul3A_175 {strides = array<i32>} : memref<128x128xf32, #tpu.memory_space<vmem>>, vector<16xf32>,
          %get3A_179 = arith.index_cast %add3A_155 : i32 to index
          %get3A_180 = arith.constant 48 : index
          %get3A_181 = tpu.vector_load %arg18[%get3A_179, %get3A_180] {strides = array<i32>} : memref<128x128xf32, #tpu.memory_space<vmem>>, vector<16xf32>,
          %mul3A_182 = vector.broadcast %squeeze3A : f32 to vector<16xf32>
          %mul3A_183 = arith.mulf %get3A_181, %mul3A_182 : vector<16xf32>
          %swap3A_184 = arith.index_cast %add3A_155 : i32 to index
          %swap3A_185 = arith.constant 48 : index
          %swap3A_186 = tpu.vector_load %arg18[%swap3A_184, %swap3A_185] {strides = array<i32>} : memref<128x128xf32, #tpu.memory_space<vmem>>, vector<16xf32>,
          tpu.vector_store %arg18[%swap3A_184, %swap3A_185], %mul3A_183 {strides = array<i32>} : memref<128x128xf32, #tpu.memory_space<vmem>>, vector<16xf32>,
          %get3A_187 = arith.index_cast %add3A_155 : i32 to index
          %get3A_188 = arith.constant 64 : index
          %get3A_189 = tpu.vector_load %arg18[%get3A_187, %get3A_188] {strides = array<i32>} : memref<128x128xf32, #tpu.memory_space<vmem>>, vector<16xf32>,
          %mul3A_190 = vector.broadcast %squeeze3A : f32 to vector<16xf32>
          %mul3A_191 = arith.mulf %get3A_189, %mul3A_190 : vector<16xf32>
          %swap3A_192 = arith.index_cast %add3A_155 : i32 to index
          %swap3A_193 = arith.constant 64 : index
          %swap3A_194 = tpu.vector_load %arg18[%swap3A_192, %swap3A_193] {strides = array<i32>} : memref<128x128xf32, #tpu.memory_space<vmem>>, vector<16xf32>,
          tpu.vector_store %arg18[%swap3A_192, %swap3A_193], %mul3A_191 {strides = array<i32>} : memref<128x128xf32, #tpu.memory_space<vmem>>, vector<16xf32>,
          %get3A_195 = arith.index_cast %add3A_155 : i32 to index
          %get3A_196 = arith.constant 80 : index
          %get3A_197 = tpu.vector_load %arg18[%get3A_195, %get3A_196] {strides = array<i32>} : memref<128x128xf32, #tpu.memory_space<vmem>>, vector<16xf32>,
          %mul3A_198 = vector.broadcast %squeeze3A : f32 to vector<16xf32>
          %mul3A_199 = arith.mulf %get3A_197, %mul3A_198 : vector<16xf32>
          %swap3A_200 = arith.index_cast %add3A_155 : i32 to index
          %swap3A_201 = arith.constant 80 : index
          %swap3A_202 = tpu.vector_load %arg18[%swap3A_200, %swap3A_201] {strides = array<i32>} : memref<128x128xf32, #tpu.memory_space<vmem>>, vector<16xf32>,
          tpu.vector_store %arg18[%swap3A_200, %swap3A_201], %mul3A_199 {strides = array<i32>} : memref<128x128xf32, #tpu.memory_space<vmem>>, vector<16xf32>,
          %get3A_203 = arith.index_cast %add3A_155 : i32 to index
          %get3A_204 = arith.constant 96 : index
          %get3A_205 = tpu.vector_load %arg18[%get3A_203, %get3A_204] {strides = array<i32>} : memref<128x128xf32, #tpu.memory_space<vmem>>, vector<16xf32>,
          %mul3A_206 = vector.broadcast %squeeze3A : f32 to vector<16xf32>
          %mul3A_207 = arith.mulf %get3A_205, %mul3A_206 : vector<16xf32>
          %swap3A_208 = arith.index_cast %add3A_155 : i32 to index
          %swap3A_209 = arith.constant 96 : index
          %swap3A_210 = tpu.vector_load %arg18[%swap3A_208, %swap3A_209] {strides = array<i32>} : memref<128x128xf32, #tpu.memory_space<vmem>>, vector<16xf32>,
          tpu.vector_store %arg18[%swap3A_208, %swap3A_209], %mul3A_207 {strides = array<i32>} : memref<128x128xf32, #tpu.memory_space<vmem>>, vector<16xf32>,
          %get3A_211 = arith.index_cast %add3A_155 : i32 to index
          %get3A_212 = arith.constant 112 : index
          %get3A_213 = tpu.vector_load %arg18[%get3A_211, %get3A_212] {strides = array<i32>} : memref<128x128xf32, #tpu.memory_space<vmem>>, vector<16xf32>,
          %mul3A_214 = vector.broadcast %squeeze3A : f32 to vector<16xf32>
          %mul3A_215 = arith.mulf %get3A_213, %mul3A_214 : vector<16xf32>
          %swap3A_216 = arith.index_cast %add3A_155 : i32 to index
          %swap3A_217 = arith.constant 112 : index
          %swap3A_218 = tpu.vector_load %arg18[%swap3A_216, %swap3A_217] {strides = array<i32>} : memref<128x128xf32, #tpu.memory_space<vmem>>, vector<16xf32>,
          tpu.vector_store %arg18[%swap3A_216, %swap3A_217], %mul3A_215 {strides = array<i32>} : memref<128x128xf32, #tpu.memory_space<vmem>>, vector<16xf32>,
          %slice3A_219 = vector.extract_strided_slice %get3A_151 {offsets = [1], sizes = [1], strides = [1]} : vector<16xf32> to vector<1xf32>
          %squeeze3A_220 = vector.extract %slice3A_219[0] : f32 from vector<1xf32>
          %mul3A_221 = arith.constant 16 : i32
          %mul3A_222 = arith.muli %add3A_145, %mul3A_221 : i32
          %add3A_223 = arith.constant 1 : i32
          %add3A_224 = arith.addi %mul3A_222, %add3A_223 : i32
          %get3A_225 = arith.index_cast %add3A_224 : i32 to index
          %get3A_226 = arith.constant 0 : index
          %get3A_227 = tpu.vector_load %arg18[%get3A_225, %get3A_226] {strides = array<i32>} : memref<128x128xf32, #tpu.memory_space<vmem>>, vector<16xf32>,
          %mul3A_228 = vector.broadcast %squeeze3A_220 : f32 to vector<16xf32>
          %mul3A_229 = arith.mulf %get3A_227, %mul3A_228 : vector<16xf32>
          %swap3A_230 = arith.index_cast %add3A_224 : i32 to index
          %swap3A_231 = arith.constant 0 : index
          %swap3A_232 = tpu.vector_load %arg18[%swap3A_230, %swap3A_231] {strides = array<i32>} : memref<128x128xf32, #tpu.memory_space<vmem>>, vector<16xf32>,
          tpu.vector_store %arg18[%swap3A_230, %swap3A_231], %mul3A_229 {strides = array<i32>} : memref<128x128xf32, #tpu.memory_space<vmem>>, vector<16xf32>,
          %get3A_233 = arith.index_cast %add3A_224 : i32 to index
          %get3A_234 = arith.constant 16 : index
          %get3A_235 = tpu.vector_load %arg18[%get3A_233, %get3A_234] {strides = array<i32>} : memref<128x128xf32, #tpu.memory_space<vmem>>, vector<16xf32>,
          %mul3A_236 = vector.broadcast %squeeze3A_220 : f32 to vector<16xf32>
          %mul3A_237 = arith.mulf %get3A_235, %mul3A_236 : vector<16xf32>
          %swap3A_238 = arith.index_cast %add3A_224 : i32 to index
          %swap3A_239 = arith.constant 16 : index
          %swap3A_240 = tpu.vector_load %arg18[%swap3A_238, %swap3A_239] {strides = array<i32>} : memref<128x128xf32, #tpu.memory_space<vmem>>, vector<16xf32>,
          tpu.vector_store %arg18[%swap3A_238, %swap3A_239], %mul3A_237 {strides = array<i32>} : memref<128x128xf32, #tpu.memory_space<vmem>>, vector<16xf32>,
          %get3A_241 = arith.index_cast %add3A_224 : i32 to index
          %get3A_242 = arith.constant 32 : index
          %get3A_243 = tpu.vector_load %arg18[%get3A_241, %get3A_242] {strides = array<i32>} : memref<128x128xf32, #tpu.memory_space<vmem>>, vector<16xf32>,
          %mul3A_244 = vector.broadcast %squeeze3A_220 : f32 to vector<16xf32>
          %mul3A_245 = arith.mulf %get3A_243, %mul3A_244 : vector<16xf32>
          %swap3A_246 = arith.index_cast %add3A_224 : i32 to index
          %swap3A_247 = arith.constant 32 : index
          %swap3A_248 = tpu.vector_load %arg18[%swap3A_246, %swap3A_247] {strides = array<i32>} : memref<128x128xf32, #tpu.memory_space<vmem>>, vector<16xf32>,
          tpu.vector_store %arg18[%swap3A_246, %swap3A_247], %mul3A_245 {strides = array<i32>} : memref<128x128xf32, #tpu.memory_space<vmem>>, vector<16xf32>,
          %get3A_249 = arith.index_cast %add3A_224 : i32 to index
          %get3A_250 = arith.constant 48 : index
          %get3A_251 = tpu.vector_load %arg18[%get3A_249, %get3A_250] {strides = array<i32>} : memref<128x128xf32, #tpu.memory_space<vmem>>, vector<16xf32>,
          %mul3A_252 = vector.broadcast %squeeze3A_220 : f32 to vector<16xf32>
          %mul3A_253 = arith.mulf %get3A_251, %mul3A_252 : vector<16xf32>
          %swap3A_254 = arith.index_cast %add3A_224 : i32 to index
          %swap3A_255 = arith.constant 48 : index
          %swap3A_256 = tpu.vector_load %arg18[%swap3A_254, %swap3A_255] {strides = array<i32>} : memref<128x128xf32, #tpu.memory_space<vmem>>, vector<16xf32>,
          tpu.vector_store %arg18[%swap3A_254, %swap3A_255], %mul3A_253 {strides = array<i32>} : memref<128x128xf32, #tpu.memory_space<vmem>>, vector<16xf32>,
          %get3A_257 = arith.index_cast %add3A_224 : i32 to index
          %get3A_258 = arith.constant 64 : index
          %get3A_259 = tpu.vector_load %arg18[%get3A_257, %get3A_258] {strides = array<i32>} : memref<128x128xf32, #tpu.memory_space<vmem>>, vector<16xf32>,
          %mul3A_260 = vector.broadcast %squeeze3A_220 : f32 to vector<16xf32>
          %mul3A_261 = arith.mulf %get3A_259, %mul3A_260 : vector<16xf32>
          %swap3A_262 = arith.index_cast %add3A_224 : i32 to index
          %swap3A_263 = arith.constant 64 : index
          %swap3A_264 = tpu.vector_load %arg18[%swap3A_262, %swap3A_263] {strides = array<i32>} : memref<128x128xf32, #tpu.memory_space<vmem>>, vector<16xf32>,
          tpu.vector_store %arg18[%swap3A_262, %swap3A_263], %mul3A_261 {strides = array<i32>} : memref<128x128xf32, #tpu.memory_space<vmem>>, vector<16xf32>,
          %get3A_265 = arith.index_cast %add3A_224 : i32 to index
          %get3A_266 = arith.constant 80 : index
          %get3A_267 = tpu.vector_load %arg18[%get3A_265, %get3A_266] {strides = array<i32>} : memref<128x128xf32, #tpu.memory_space<vmem>>, vector<16xf32>,
          %mul3A_268 = vector.broadcast %squeeze3A_220 : f32 to vector<16xf32>
          %mul3A_269 = arith.mulf %get3A_267, %mul3A_268 : vector<16xf32>
          %swap3A_270 = arith.index_cast %add3A_224 : i32 to index
          %swap3A_271 = arith.constant 80 : index
          %swap3A_272 = tpu.vector_load %arg18[%swap3A_270, %swap3A_271] {strides = array<i32>} : memref<128x128xf32, #tpu.memory_space<vmem>>, vector<16xf32>,
          tpu.vector_store %arg18[%swap3A_270, %swap3A_271], %mul3A_269 {strides = array<i32>} : memref<128x128xf32, #tpu.memory_space<vmem>>, vector<16xf32>,
          %get3A_273 = arith.index_cast %add3A_224 : i32 to index
          %get3A_274 = arith.constant 96 : index
          %get3A_275 = tpu.vector_load %arg18[%get3A_273, %get3A_274] {strides = array<i32>} : memref<128x128xf32, #tpu.memory_space<vmem>>, vector<16xf32>,
          %mul3A_276 = vector.broadcast %squeeze3A_220 : f32 to vector<16xf32>
          %mul3A_277 = arith.mulf %get3A_275, %mul3A_276 : vector<16xf32>
          %swap3A_278 = arith.index_cast %add3A_224 : i32 to index
          %swap3A_279 = arith.constant 96 : index
          %swap3A_280 = tpu.vector_load %arg18[%swap3A_278, %swap3A_279] {strides = array<i32>} : memref<128x128xf32, #tpu.memory_space<vmem>>, vector<16xf32>,
          tpu.vector_store %arg18[%swap3A_278, %swap3A_279], %mul3A_277 {strides = array<i32>} : memref<128x128xf32, #tpu.memory_space<vmem>>, vector<16xf32>,
          %get3A_281 = arith.index_cast %add3A_224 : i32 to index
          %get3A_282 = arith.constant 112 : index
          %get3A_283 = tpu.vector_load %arg18[%get3A_281, %get3A_282] {strides = array<i32>} : memref<128x128xf32, #tpu.memory_space<vmem>>, vector<16xf32>,
          %mul3A_284 = vector.broadcast %squeeze3A_220 : f32 to vector<16xf32>
          %mul3A_285 = arith.mulf %get3A_283, %mul3A_284 : vector<16xf32>
          %swap3A_286 = arith.index_cast %add3A_224 : i32 to index
          %swap3A_287 = arith.constant 112 : index
          %swap3A_288 = tpu.vector_load %arg18[%swap3A_286, %swap3A_287] {strides = array<i32>} : memref<128x128xf32, #tpu.memory_space<vmem>>, vector<16xf32>,
          tpu.vector_store %arg18[%swap3A_286, %swap3A_287], %mul3A_285 {strides = array<i32>} : memref<128x128xf32, #tpu.memory_space<vmem>>, vector<16xf32>,
          %slice3A_289 = vector.extract_strided_slice %get3A_151 {offsets = [2], sizes = [1], strides = [1]} : vector<16xf32> to vector<1xf32>
          %squeeze3A_290 = vector.extract %slice3A_289[0] : f32 from vector<1xf32>
          %mul3A_291 = arith.constant 16 : i32
          %mul3A_292 = arith.muli %add3A_145, %mul3A_291 : i32
          %add3A_293 = arith.constant 2 : i32
          %add3A_294 = arith.addi %mul3A_292, %add3A_293 : i32
          %get3A_295 = arith.index_cast %add3A_294 : i32 to index
          %get3A_296 = arith.constant 0 : index
          %get3A_297 = tpu.vector_load %arg18[%get3A_295, %get3A_296] {strides = array<i32>} : memref<128x128xf32, #tpu.memory_space<vmem>>, vector<16xf32>,
          %mul3A_298 = vector.broadcast %squeeze3A_290 : f32 to vector<16xf32>
          %mul3A_299 = arith.mulf %get3A_297, %mul3A_298 : vector<16xf32>
          %swap3A_300 = arith.index_cast %add3A_294 : i32 to index
          %swap3A_301 = arith.constant 0 : index
          %swap3A_302 = tpu.vector_load %arg18[%swap3A_300, %swap3A_301] {strides = array<i32>} : memref<128x128xf32, #tpu.memory_space<vmem>>, vector<16xf32>,
          tpu.vector_store %arg18[%swap3A_300, %swap3A_301], %mul3A_299 {strides = array<i32>} : memref<128x128xf32, #tpu.memory_space<vmem>>, vector<16xf32>,
          %get3A_303 = arith.index_cast %add3A_294 : i32 to index
          %get3A_304 = arith.constant 16 : index
          %get3A_305 = tpu.vector_load %arg18[%get3A_303, %get3A_304] {strides = array<i32>} : memref<128x128xf32, #tpu.memory_space<vmem>>, vector<16xf32>,
          %mul3A_306 = vector.broadcast %squeeze3A_290 : f32 to vector<16xf32>
          %mul3A_307 = arith.mulf %get3A_305, %mul3A_306 : vector<16xf32>
          %swap3A_308 = arith.index_cast %add3A_294 : i32 to index
          %swap3A_309 = arith.constant 16 : index
          %swap3A_310 = tpu.vector_load %arg18[%swap3A_308, %swap3A_309] {strides = array<i32>} : memref<128x128xf32, #tpu.memory_space<vmem>>, vector<16xf32>,
          tpu.vector_store %arg18[%swap3A_308, %swap3A_309], %mul3A_307 {strides = array<i32>} : memref<128x128xf32, #tpu.memory_space<vmem>>, vector<16xf32>,
          %get3A_311 = arith.index_cast %add3A_294 : i32 to index
          %get3A_312 = arith.constant 32 : index
          %get3A_313 = tpu.vector_load %arg18[%get3A_311, %get3A_312] {strides = array<i32>} : memref<128x128xf32, #tpu.memory_space<vmem>>, vector<16xf32>,
          %mul3A_314 = vector.broadcast %squeeze3A_290 : f32 to vector<16xf32>
          %mul3A_315 = arith.mulf %get3A_313, %mul3A_314 : vector<16xf32>
          %swap3A_316 = arith.index_cast %add3A_294 : i32 to index
          %swap3A_317 = arith.constant 32 : index
          %swap3A_318 = tpu.vector_load %arg18[%swap3A_316, %swap3A_317] {strides = array<i32>} : memref<128x128xf32, #tpu.memory_space<vmem>>, vector<16xf32>,
          tpu.vector_store %arg18[%swap3A_316, %swap3A_317], %mul3A_315 {strides = array<i32>} : memref<128x128xf32, #tpu.memory_space<vmem>>, vector<16xf32>,
          %get3A_319 = arith.index_cast %add3A_294 : i32 to index
          %get3A_320 = arith.constant 48 : index
          %get3A_321 = tpu.vector_load %arg18[%get3A_319, %get3A_320] {strides = array<i32>} : memref<128x128xf32, #tpu.memory_space<vmem>>, vector<16xf32>,
          %mul3A_322 = vector.broadcast %squeeze3A_290 : f32 to vector<16xf32>
          %mul3A_323 = arith.mulf %get3A_321, %mul3A_322 : vector<16xf32>
          %swap3A_324 = arith.index_cast %add3A_294 : i32 to index
          %swap3A_325 = arith.constant 48 : index
          %swap3A_326 = tpu.vector_load %arg18[%swap3A_324, %swap3A_325] {strides = array<i32>} : memref<128x128xf32, #tpu.memory_space<vmem>>, vector<16xf32>,
          tpu.vector_store %arg18[%swap3A_324, %swap3A_325], %mul3A_323 {strides = array<i32>} : memref<128x128xf32, #tpu.memory_space<vmem>>, vector<16xf32>,
          %get3A_327 = arith.index_cast %add3A_294 : i32 to index
          %get3A_328 = arith.constant 64 : index
          %get3A_329 = tpu.vector_load %arg18[%get3A_327, %get3A_328] {strides = array<i32>} : memref<128x128xf32, #tpu.memory_space<vmem>>, vector<16xf32>,
          %mul3A_330 = vector.broadcast %squeeze3A_290 : f32 to vector<16xf32>
          %mul3A_331 = arith.mulf %get3A_329, %mul3A_330 : vector<16xf32>
          %swap3A_332 = arith.index_cast %add3A_294 : i32 to index
          %swap3A_333 = arith.constant 64 : index
          %swap3A_334 = tpu.vector_load %arg18[%swap3A_332, %swap3A_333] {strides = array<i32>} : memref<128x128xf32, #tpu.memory_space<vmem>>, vector<16xf32>,
          tpu.vector_store %arg18[%swap3A_332, %swap3A_333], %mul3A_331 {strides = array<i32>} : memref<128x128xf32, #tpu.memory_space<vmem>>, vector<16xf32>,
          %get3A_335 = arith.index_cast %add3A_294 : i32 to index
          %get3A_336 = arith.constant 80 : index
          %get3A_337 = tpu.vector_load %arg18[%get3A_335, %get3A_336] {strides = array<i32>} : memref<128x128xf32, #tpu.memory_space<vmem>>, vector<16xf32>,
          %mul3A_338 = vector.broadcast %squeeze3A_290 : f32 to vector<16xf32>
          %mul3A_339 = arith.mulf %get3A_337, %mul3A_338 : vector<16xf32>
          %swap3A_340 = arith.index_cast %add3A_294 : i32 to index
          %swap3A_341 = arith.constant 80 : index
          %swap3A_342 = tpu.vector_load %arg18[%swap3A_340, %swap3A_341] {strides = array<i32>} : memref<128x128xf32, #tpu.memory_space<vmem>>, vector<16xf32>,
          tpu.vector_store %arg18[%swap3A_340, %swap3A_341], %mul3A_339 {strides = array<i32>} : memref<128x128xf32, #tpu.memory_space<vmem>>, vector<16xf32>,
          %get3A_343 = arith.index_cast %add3A_294 : i32 to index
          %get3A_344 = arith.constant 96 : index
          %get3A_345 = tpu.vector_load %arg18[%get3A_343, %get3A_344] {strides = array<i32>} : memref<128x128xf32, #tpu.memory_space<vmem>>, vector<16xf32>,
          %mul3A_346 = vector.broadcast %squeeze3A_290 : f32 to vector<16xf32>
          %mul3A_347 = arith.mulf %get3A_345, %mul3A_346 : vector<16xf32>
          %swap3A_348 = arith.index_cast %add3A_294 : i32 to index
          %swap3A_349 = arith.constant 96 : index
          %swap3A_350 = tpu.vector_load %arg18[%swap3A_348, %swap3A_349] {strides = array<i32>} : memref<128x128xf32, #tpu.memory_space<vmem>>, vector<16xf32>,
          tpu.vector_store %arg18[%swap3A_348, %swap3A_349], %mul3A_347 {strides = array<i32>} : memref<128x128xf32, #tpu.memory_space<vmem>>, vector<16xf32>,
          %get3A_351 = arith.index_cast %add3A_294 : i32 to index
          %get3A_352 = arith.constant 112 : index
          %get3A_353 = tpu.vector_load %arg18[%get3A_351, %get3A_352] {strides = array<i32>} : memref<128x128xf32, #tpu.memory_space<vmem>>, vector<16xf32>,
          %mul3A_354 = vector.broadcast %squeeze3A_290 : f32 to vector<16xf32>
          %mul3A_355 = arith.mulf %get3A_353, %mul3A_354 : vector<16xf32>
          %swap3A_356 = arith.index_cast %add3A_294 : i32 to index
          %swap3A_357 = arith.constant 112 : index
          %swap3A_358 = tpu.vector_load %arg18[%swap3A_356, %swap3A_357] {strides = array<i32>} : memref<128x128xf32, #tpu.memory_space<vmem>>, vector<16xf32>,
          tpu.vector_store %arg18[%swap3A_356, %swap3A_357], %mul3A_355 {strides = array<i32>} : memref<128x128xf32, #tpu.memory_space<vmem>>, vector<16xf32>,
          %slice3A_359 = vector.extract_strided_slice %get3A_151 {offsets = [3], sizes = [1], strides = [1]} : vector<16xf32> to vector<1xf32>
          %squeeze3A_360 = vector.extract %slice3A_359[0] : f32 from vector<1xf32>
          %mul3A_361 = arith.constant 16 : i32
          %mul3A_362 = arith.muli %add3A_145, %mul3A_361 : i32
          %add3A_363 = arith.constant 3 : i32
          %add3A_364 = arith.addi %mul3A_362, %add3A_363 : i32
          %get3A_365 = arith.index_cast %add3A_364 : i32 to index
          %get3A_366 = arith.constant 0 : index
          %get3A_367 = tpu.vector_load %arg18[%get3A_365, %get3A_366] {strides = array<i32>} : memref<128x128xf32, #tpu.memory_space<vmem>>, vector<16xf32>,
          %mul3A_368 = vector.broadcast %squeeze3A_360 : f32 to vector<16xf32>
          %mul3A_369 = arith.mulf %get3A_367, %mul3A_368 : vector<16xf32>
          %swap3A_370 = arith.index_cast %add3A_364 : i32 to index
          %swap3A_371 = arith.constant 0 : index
          %swap3A_372 = tpu.vector_load %arg18[%swap3A_370, %swap3A_371] {strides = array<i32>} : memref<128x128xf32, #tpu.memory_space<vmem>>, vector<16xf32>,
          tpu.vector_store %arg18[%swap3A_370, %swap3A_371], %mul3A_369 {strides = array<i32>} : memref<128x128xf32, #tpu.memory_space<vmem>>, vector<16xf32>,
          %get3A_373 = arith.index_cast %add3A_364 : i32 to index
          %get3A_374 = arith.constant 16 : index
          %get3A_375 = tpu.vector_load %arg18[%get3A_373, %get3A_374] {strides = array<i32>} : memref<128x128xf32, #tpu.memory_space<vmem>>, vector<16xf32>,
          %mul3A_376 = vector.broadcast %squeeze3A_360 : f32 to vector<16xf32>
          %mul3A_377 = arith.mulf %get3A_375, %mul3A_376 : vector<16xf32>
          %swap3A_378 = arith.index_cast %add3A_364 : i32 to index
          %swap3A_379 = arith.constant 16 : index
          %swap3A_380 = tpu.vector_load %arg18[%swap3A_378, %swap3A_379] {strides = array<i32>} : memref<128x128xf32, #tpu.memory_space<vmem>>, vector<16xf32>,
          tpu.vector_store %arg18[%swap3A_378, %swap3A_379], %mul3A_377 {strides = array<i32>} : memref<128x128xf32, #tpu.memory_space<vmem>>, vector<16xf32>,
          %get3A_381 = arith.index_cast %add3A_364 : i32 to index
          %get3A_382 = arith.constant 32 : index
          %get3A_383 = tpu.vector_load %arg18[%get3A_381, %get3A_382] {strides = array<i32>} : memref<128x128xf32, #tpu.memory_space<vmem>>, vector<16xf32>,
          %mul3A_384 = vector.broadcast %squeeze3A_360 : f32 to vector<16xf32>
          %mul3A_385 = arith.mulf %get3A_383, %mul3A_384 : vector<16xf32>
          %swap3A_386 = arith.index_cast %add3A_364 : i32 to index
          %swap3A_387 = arith.constant 32 : index
          %swap3A_388 = tpu.vector_load %arg18[%swap3A_386, %swap3A_387] {strides = array<i32>} : memref<128x128xf32, #tpu.memory_space<vmem>>, vector<16xf32>,
          tpu.vector_store %arg18[%swap3A_386, %swap3A_387], %mul3A_385 {strides = array<i32>} : memref<128x128xf32, #tpu.memory_space<vmem>>, vector<16xf32>,
          %get3A_389 = arith.index_cast %add3A_364 : i32 to index
          %get3A_390 = arith.constant 48 : index
          %get3A_391 = tpu.vector_load %arg18[%get3A_389, %get3A_390] {strides = array<i32>} : memref<128x128xf32, #tpu.memory_space<vmem>>, vector<16xf32>,
          %mul3A_392 = vector.broadcast %squeeze3A_360 : f32 to vector<16xf32>
          %mul3A_393 = arith.mulf %get3A_391, %mul3A_392 : vector<16xf32>
          %swap3A_394 = arith.index_cast %add3A_364 : i32 to index
          %swap3A_395 = arith.constant 48 : index
          %swap3A_396 = tpu.vector_load %arg18[%swap3A_394, %swap3A_395] {strides = array<i32>} : memref<128x128xf32, #tpu.memory_space<vmem>>, vector<16xf32>,
          tpu.vector_store %arg18[%swap3A_394, %swap3A_395], %mul3A_393 {strides = array<i32>} : memref<128x128xf32, #tpu.memory_space<vmem>>, vector<16xf32>,
          %get3A_397 = arith.index_cast %add3A_364 : i32 to index
          %get3A_398 = arith.constant 64 : index
          %get3A_399 = tpu.vector_load %arg18[%get3A_397, %get3A_398] {strides = array<i32>} : memref<128x128xf32, #tpu.memory_space<vmem>>, vector<16xf32>,
          %mul3A_400 = vector.broadcast %squeeze3A_360 : f32 to vector<16xf32>
          %mul3A_401 = arith.mulf %get3A_399, %mul3A_400 : vector<16xf32>
          %swap3A_402 = arith.index_cast %add3A_364 : i32 to index
          %swap3A_403 = arith.constant 64 : index
          %swap3A_404 = tpu.vector_load %arg18[%swap3A_402, %swap3A_403] {strides = array<i32>} : memref<128x128xf32, #tpu.memory_space<vmem>>, vector<16xf32>,
          tpu.vector_store %arg18[%swap3A_402, %swap3A_403], %mul3A_401 {strides = array<i32>} : memref<128x128xf32, #tpu.memory_space<vmem>>, vector<16xf32>,
          %get3A_405 = arith.index_cast %add3A_364 : i32 to index
          %get3A_406 = arith.constant 80 : index
          %get3A_407 = tpu.vector_load %arg18[%get3A_405, %get3A_406] {strides = array<i32>} : memref<128x128xf32, #tpu.memory_space<vmem>>, vector<16xf32>,
          %mul3A_408 = vector.broadcast %squeeze3A_360 : f32 to vector<16xf32>
          %mul3A_409 = arith.mulf %get3A_407, %mul3A_408 : vector<16xf32>
          %swap3A_410 = arith.index_cast %add3A_364 : i32 to index
          %swap3A_411 = arith.constant 80 : index
          %swap3A_412 = tpu.vector_load %arg18[%swap3A_410, %swap3A_411] {strides = array<i32>} : memref<128x128xf32, #tpu.memory_space<vmem>>, vector<16xf32>,
          tpu.vector_store %arg18[%swap3A_410, %swap3A_411], %mul3A_409 {strides = array<i32>} : memref<128x128xf32, #tpu.memory_space<vmem>>, vector<16xf32>,
          %get3A_413 = arith.index_cast %add3A_364 : i32 to index
          %get3A_414 = arith.constant 96 : index
          %get3A_415 = tpu.vector_load %arg18[%get3A_413, %get3A_414] {strides = array<i32>} : memref<128x128xf32, #tpu.memory_space<vmem>>, vector<16xf32>,
          %mul3A_416 = vector.broadcast %squeeze3A_360 : f32 to vector<16xf32>
          %mul3A_417 = arith.mulf %get3A_415, %mul3A_416 : vector<16xf32>
          %swap3A_418 = arith.index_cast %add3A_364 : i32 to index
          %swap3A_419 = arith.constant 96 : index
          %swap3A_420 = tpu.vector_load %arg18[%swap3A_418, %swap3A_419] {strides = array<i32>} : memref<128x128xf32, #tpu.memory_space<vmem>>, vector<16xf32>,
          tpu.vector_store %arg18[%swap3A_418, %swap3A_419], %mul3A_417 {strides = array<i32>} : memref<128x128xf32, #tpu.memory_space<vmem>>, vector<16xf32>,
          %get3A_421 = arith.index_cast %add3A_364 : i32 to index
          %get3A_422 = arith.constant 112 : index
          %get3A_423 = tpu.vector_load %arg18[%get3A_421, %get3A_422] {strides = array<i32>} : memref<128x128xf32, #tpu.memory_space<vmem>>, vector<16xf32>,
          %mul3A_424 = vector.broadcast %squeeze3A_360 : f32 to vector<16xf32>
          %mul3A_425 = arith.mulf %get3A_423, %mul3A_424 : vector<16xf32>
          %swap3A_426 = arith.index_cast %add3A_364 : i32 to index
          %swap3A_427 = arith.constant 112 : index
          %swap3A_428 = tpu.vector_load %arg18[%swap3A_426, %swap3A_427] {strides = array<i32>} : memref<128x128xf32, #tpu.memory_space<vmem>>, vector<16xf32>,
          tpu.vector_store %arg18[%swap3A_426, %swap3A_427], %mul3A_425 {strides = array<i32>} : memref<128x128xf32, #tpu.memory_space<vmem>>, vector<16xf32>,
          %slice3A_429 = vector.extract_strided_slice %get3A_151 {offsets = [4], sizes = [1], strides = [1]} : vector<16xf32> to vector<1xf32>
          %squeeze3A_430 = vector.extract %slice3A_429[0] : f32 from vector<1xf32>
          %mul3A_431 = arith.constant 16 : i32
          %mul3A_432 = arith.muli %add3A_145, %mul3A_431 : i32
          %add3A_433 = arith.constant 4 : i32
          %add3A_434 = arith.addi %mul3A_432, %add3A_433 : i32
          %get3A_435 = arith.index_cast %add3A_434 : i32 to index
          %get3A_436 = arith.constant 0 : index
          %get3A_437 = tpu.vector_load %arg18[%get3A_435, %get3A_436] {strides = array<i32>} : memref<128x128xf32, #tpu.memory_space<vmem>>, vector<16xf32>,
          %mul3A_438 = vector.broadcast %squeeze3A_430 : f32 to vector<16xf32>
          %mul3A_439 = arith.mulf %get3A_437, %mul3A_438 : vector<16xf32>
          %swap3A_440 = arith.index_cast %add3A_434 : i32 to index
          %swap3A_441 = arith.constant 0 : index
          %swap3A_442 = tpu.vector_load %arg18[%swap3A_440, %swap3A_441] {strides = array<i32>} : memref<128x128xf32, #tpu.memory_space<vmem>>, vector<16xf32>,
          tpu.vector_store %arg18[%swap3A_440, %swap3A_441], %mul3A_439 {strides = array<i32>} : memref<128x128xf32, #tpu.memory_space<vmem>>, vector<16xf32>,
          %get3A_443 = arith.index_cast %add3A_434 : i32 to index
          %get3A_444 = arith.constant 16 : index
          %get3A_445 = tpu.vector_load %arg18[%get3A_443, %get3A_444] {strides = array<i32>} : memref<128x128xf32, #tpu.memory_space<vmem>>, vector<16xf32>,
          %mul3A_446 = vector.broadcast %squeeze3A_430 : f32 to vector<16xf32>
          %mul3A_447 = arith.mulf %get3A_445, %mul3A_446 : vector<16xf32>
          %swap3A_448 = arith.index_cast %add3A_434 : i32 to index
          %swap3A_449 = arith.constant 16 : index
          %swap3A_450 = tpu.vector_load %arg18[%swap3A_448, %swap3A_449] {strides = array<i32>} : memref<128x128xf32, #tpu.memory_space<vmem>>, vector<16xf32>,
          tpu.vector_store %arg18[%swap3A_448, %swap3A_449], %mul3A_447 {strides = array<i32>} : memref<128x128xf32, #tpu.memory_space<vmem>>, vector<16xf32>,
          %get3A_451 = arith.index_cast %add3A_434 : i32 to index
          %get3A_452 = arith.constant 32 : index
          %get3A_453 = tpu.vector_load %arg18[%get3A_451, %get3A_452] {strides = array<i32>} : memref<128x128xf32, #tpu.memory_space<vmem>>, vector<16xf32>,
          %mul3A_454 = vector.broadcast %squeeze3A_430 : f32 to vector<16xf32>
          %mul3A_455 = arith.mulf %get3A_453, %mul3A_454 : vector<16xf32>
          %swap3A_456 = arith.index_cast %add3A_434 : i32 to index
          %swap3A_457 = arith.constant 32 : index
          %swap3A_458 = tpu.vector_load %arg18[%swap3A_456, %swap3A_457] {strides = array<i32>} : memref<128x128xf32, #tpu.memory_space<vmem>>, vector<16xf32>,
          tpu.vector_store %arg18[%swap3A_456, %swap3A_457], %mul3A_455 {strides = array<i32>} : memref<128x128xf32, #tpu.memory_space<vmem>>, vector<16xf32>,
          %get3A_459 = arith.index_cast %add3A_434 : i32 to index
          %get3A_460 = arith.constant 48 : index
          %get3A_461 = tpu.vector_load %arg18[%get3A_459, %get3A_460] {strides = array<i32>} : memref<128x128xf32, #tpu.memory_space<vmem>>, vector<16xf32>,
          %mul3A_462 = vector.broadcast %squeeze3A_430 : f32 to vector<16xf32>
          %mul3A_463 = arith.mulf %get3A_461, %mul3A_462 : vector<16xf32>
          %swap3A_464 = arith.index_cast %add3A_434 : i32 to index
          %swap3A_465 = arith.constant 48 : index
          %swap3A_466 = tpu.vector_load %arg18[%swap3A_464, %swap3A_465] {strides = array<i32>} : memref<128x128xf32, #tpu.memory_space<vmem>>, vector<16xf32>,
          tpu.vector_store %arg18[%swap3A_464, %swap3A_465], %mul3A_463 {strides = array<i32>} : memref<128x128xf32, #tpu.memory_space<vmem>>, vector<16xf32>,
          %get3A_467 = arith.index_cast %add3A_434 : i32 to index
          %get3A_468 = arith.constant 64 : index
          %get3A_469 = tpu.vector_load %arg18[%get3A_467, %get3A_468] {strides = array<i32>} : memref<128x128xf32, #tpu.memory_space<vmem>>, vector<16xf32>,
          %mul3A_470 = vector.broadcast %squeeze3A_430 : f32 to vector<16xf32>
          %mul3A_471 = arith.mulf %get3A_469, %mul3A_470 : vector<16xf32>
          %swap3A_472 = arith.index_cast %add3A_434 : i32 to index
          %swap3A_473 = arith.constant 64 : index
          %swap3A_474 = tpu.vector_load %arg18[%swap3A_472, %swap3A_473] {strides = array<i32>} : memref<128x128xf32, #tpu.memory_space<vmem>>, vector<16xf32>,
          tpu.vector_store %arg18[%swap3A_472, %swap3A_473], %mul3A_471 {strides = array<i32>} : memref<128x128xf32, #tpu.memory_space<vmem>>, vector<16xf32>,
          %get3A_475 = arith.index_cast %add3A_434 : i32 to index
          %get3A_476 = arith.constant 80 : index
          %get3A_477 = tpu.vector_load %arg18[%get3A_475, %get3A_476] {strides = array<i32>} : memref<128x128xf32, #tpu.memory_space<vmem>>, vector<16xf32>,
          %mul3A_478 = vector.broadcast %squeeze3A_430 : f32 to vector<16xf32>
          %mul3A_479 = arith.mulf %get3A_477, %mul3A_478 : vector<16xf32>
          %swap3A_480 = arith.index_cast %add3A_434 : i32 to index
          %swap3A_481 = arith.constant 80 : index
          %swap3A_482 = tpu.vector_load %arg18[%swap3A_480, %swap3A_481] {strides = array<i32>} : memref<128x128xf32, #tpu.memory_space<vmem>>, vector<16xf32>,
          tpu.vector_store %arg18[%swap3A_480, %swap3A_481], %mul3A_479 {strides = array<i32>} : memref<128x128xf32, #tpu.memory_space<vmem>>, vector<16xf32>,
          %get3A_483 = arith.index_cast %add3A_434 : i32 to index
          %get3A_484 = arith.constant 96 : index
          %get3A_485 = tpu.vector_load %arg18[%get3A_483, %get3A_484] {strides = array<i32>} : memref<128x128xf32, #tpu.memory_space<vmem>>, vector<16xf32>,
          %mul3A_486 = vector.broadcast %squeeze3A_430 : f32 to vector<16xf32>
          %mul3A_487 = arith.mulf %get3A_485, %mul3A_486 : vector<16xf32>
          %swap3A_488 = arith.index_cast %add3A_434 : i32 to index
          %swap3A_489 = arith.constant 96 : index
          %swap3A_490 = tpu.vector_load %arg18[%swap3A_488, %swap3A_489] {strides = array<i32>} : memref<128x128xf32, #tpu.memory_space<vmem>>, vector<16xf32>,
          tpu.vector_store %arg18[%swap3A_488, %swap3A_489], %mul3A_487 {strides = array<i32>} : memref<128x128xf32, #tpu.memory_space<vmem>>, vector<16xf32>,
          %get3A_491 = arith.index_cast %add3A_434 : i32 to index
          %get3A_492 = arith.constant 112 : index
          %get3A_493 = tpu.vector_load %arg18[%get3A_491, %get3A_492] {strides = array<i32>} : memref<128x128xf32, #tpu.memory_space<vmem>>, vector<16xf32>,
          %mul3A_494 = vector.broadcast %squeeze3A_430 : f32 to vector<16xf32>
          %mul3A_495 = arith.mulf %get3A_493, %mul3A_494 : vector<16xf32>
          %swap3A_496 = arith.index_cast %add3A_434 : i32 to index
          %swap3A_497 = arith.constant 112 : index
          %swap3A_498 = tpu.vector_load %arg18[%swap3A_496, %swap3A_497] {strides = array<i32>} : memref<128x128xf32, #tpu.memory_space<vmem>>, vector<16xf32>,
          tpu.vector_store %arg18[%swap3A_496, %swap3A_497], %mul3A_495 {strides = array<i32>} : memref<128x128xf32, #tpu.memory_space<vmem>>, vector<16xf32>,
          %slice3A_499 = vector.extract_strided_slice %get3A_151 {offsets = [5], sizes = [1], strides = [1]} : vector<16xf32> to vector<1xf32>
          %squeeze3A_500 = vector.extract %slice3A_499[0] : f32 from vector<1xf32>
          %mul3A_501 = arith.constant 16 : i32
          %mul3A_502 = arith.muli %add3A_145, %mul3A_501 : i32
          %add3A_503 = arith.constant 5 : i32
          %add3A_504 = arith.addi %mul3A_502, %add3A_503 : i32
          %get3A_505 = arith.index_cast %add3A_504 : i32 to index
          %get3A_506 = arith.constant 0 : index
          %get3A_507 = tpu.vector_load %arg18[%get3A_505, %get3A_506] {strides = array<i32>} : memref<128x128xf32, #tpu.memory_space<vmem>>, vector<16xf32>,
          %mul3A_508 = vector.broadcast %squeeze3A_500 : f32 to vector<16xf32>
          %mul3A_509 = arith.mulf %get3A_507, %mul3A_508 : vector<16xf32>
          %swap3A_510 = arith.index_cast %add3A_504 : i32 to index
          %swap3A_511 = arith.constant 0 : index
          %swap3A_512 = tpu.vector_load %arg18[%swap3A_510, %swap3A_511] {strides = array<i32>} : memref<128x128xf32, #tpu.memory_space<vmem>>, vector<16xf32>,
          tpu.vector_store %arg18[%swap3A_510, %swap3A_511], %mul3A_509 {strides = array<i32>} : memref<128x128xf32, #tpu.memory_space<vmem>>, vector<16xf32>,
          %get3A_513 = arith.index_cast %add3A_504 : i32 to index
          %get3A_514 = arith.constant 16 : index
          %get3A_515 = tpu.vector_load %arg18[%get3A_513, %get3A_514] {strides = array<i32>} : memref<128x128xf32, #tpu.memory_space<vmem>>, vector<16xf32>,
          %mul3A_516 = vector.broadcast %squeeze3A_500 : f32 to vector<16xf32>
          %mul3A_517 = arith.mulf %get3A_515, %mul3A_516 : vector<16xf32>
          %swap3A_518 = arith.index_cast %add3A_504 : i32 to index
          %swap3A_519 = arith.constant 16 : index
          %swap3A_520 = tpu.vector_load %arg18[%swap3A_518, %swap3A_519] {strides = array<i32>} : memref<128x128xf32, #tpu.memory_space<vmem>>, vector<16xf32>,
          tpu.vector_store %arg18[%swap3A_518, %swap3A_519], %mul3A_517 {strides = array<i32>} : memref<128x128xf32, #tpu.memory_space<vmem>>, vector<16xf32>,
          %get3A_521 = arith.index_cast %add3A_504 : i32 to index
          %get3A_522 = arith.constant 32 : index
          %get3A_523 = tpu.vector_load %arg18[%get3A_521, %get3A_522] {strides = array<i32>} : memref<128x128xf32, #tpu.memory_space<vmem>>, vector<16xf32>,
          %mul3A_524 = vector.broadcast %squeeze3A_500 : f32 to vector<16xf32>
          %mul3A_525 = arith.mulf %get3A_523, %mul3A_524 : vector<16xf32>
          %swap3A_526 = arith.index_cast %add3A_504 : i32 to index
          %swap3A_527 = arith.constant 32 : index
          %swap3A_528 = tpu.vector_load %arg18[%swap3A_526, %swap3A_527] {strides = array<i32>} : memref<128x128xf32, #tpu.memory_space<vmem>>, vector<16xf32>,
          tpu.vector_store %arg18[%swap3A_526, %swap3A_527], %mul3A_525 {strides = array<i32>} : memref<128x128xf32, #tpu.memory_space<vmem>>, vector<16xf32>,
          %get3A_529 = arith.index_cast %add3A_504 : i32 to index
          %get3A_530 = arith.constant 48 : index
          %get3A_531 = tpu.vector_load %arg18[%get3A_529, %get3A_530] {strides = array<i32>} : memref<128x128xf32, #tpu.memory_space<vmem>>, vector<16xf32>,
          %mul3A_532 = vector.broadcast %squeeze3A_500 : f32 to vector<16xf32>
          %mul3A_533 = arith.mulf %get3A_531, %mul3A_532 : vector<16xf32>
          %swap3A_534 = arith.index_cast %add3A_504 : i32 to index
          %swap3A_535 = arith.constant 48 : index
          %swap3A_536 = tpu.vector_load %arg18[%swap3A_534, %swap3A_535] {strides = array<i32>} : memref<128x128xf32, #tpu.memory_space<vmem>>, vector<16xf32>,
          tpu.vector_store %arg18[%swap3A_534, %swap3A_535], %mul3A_533 {strides = array<i32>} : memref<128x128xf32, #tpu.memory_space<vmem>>, vector<16xf32>,
          %get3A_537 = arith.index_cast %add3A_504 : i32 to index
          %get3A_538 = arith.constant 64 : index
          %get3A_539 = tpu.vector_load %arg18[%get3A_537, %get3A_538] {strides = array<i32>} : memref<128x128xf32, #tpu.memory_space<vmem>>, vector<16xf32>,
          %mul3A_540 = vector.broadcast %squeeze3A_500 : f32 to vector<16xf32>
          %mul3A_541 = arith.mulf %get3A_539, %mul3A_540 : vector<16xf32>
          %swap3A_542 = arith.index_cast %add3A_504 : i32 to index
          %swap3A_543 = arith.constant 64 : index
          %swap3A_544 = tpu.vector_load %arg18[%swap3A_542, %swap3A_543] {strides = array<i32>} : memref<128x128xf32, #tpu.memory_space<vmem>>, vector<16xf32>,
          tpu.vector_store %arg18[%swap3A_542, %swap3A_543], %mul3A_541 {strides = array<i32>} : memref<128x128xf32, #tpu.memory_space<vmem>>, vector<16xf32>,
          %get3A_545 = arith.index_cast %add3A_504 : i32 to index
          %get3A_546 = arith.constant 80 : index
          %get3A_547 = tpu.vector_load %arg18[%get3A_545, %get3A_546] {strides = array<i32>} : memref<128x128xf32, #tpu.memory_space<vmem>>, vector<16xf32>,
          %mul3A_548 = vector.broadcast %squeeze3A_500 : f32 to vector<16xf32>
          %mul3A_549 = arith.mulf %get3A_547, %mul3A_548 : vector<16xf32>
          %swap3A_550 = arith.index_cast %add3A_504 : i32 to index
          %swap3A_551 = arith.constant 80 : index
          %swap3A_552 = tpu.vector_load %arg18[%swap3A_550, %swap3A_551] {strides = array<i32>} : memref<128x128xf32, #tpu.memory_space<vmem>>, vector<16xf32>,
          tpu.vector_store %arg18[%swap3A_550, %swap3A_551], %mul3A_549 {strides = array<i32>} : memref<128x128xf32, #tpu.memory_space<vmem>>, vector<16xf32>,
          %get3A_553 = arith.index_cast %add3A_504 : i32 to index
          %get3A_554 = arith.constant 96 : index
          %get3A_555 = tpu.vector_load %arg18[%get3A_553, %get3A_554] {strides = array<i32>} : memref<128x128xf32, #tpu.memory_space<vmem>>, vector<16xf32>,
          %mul3A_556 = vector.broadcast %squeeze3A_500 : f32 to vector<16xf32>
          %mul3A_557 = arith.mulf %get3A_555, %mul3A_556 : vector<16xf32>
          %swap3A_558 = arith.index_cast %add3A_504 : i32 to index
          %swap3A_559 = arith.constant 96 : index
          %swap3A_560 = tpu.vector_load %arg18[%swap3A_558, %swap3A_559] {strides = array<i32>} : memref<128x128xf32, #tpu.memory_space<vmem>>, vector<16xf32>,
          tpu.vector_store %arg18[%swap3A_558, %swap3A_559], %mul3A_557 {strides = array<i32>} : memref<128x128xf32, #tpu.memory_space<vmem>>, vector<16xf32>,
          %get3A_561 = arith.index_cast %add3A_504 : i32 to index
          %get3A_562 = arith.constant 112 : index
          %get3A_563 = tpu.vector_load %arg18[%get3A_561, %get3A_562] {strides = array<i32>} : memref<128x128xf32, #tpu.memory_space<vmem>>, vector<16xf32>,
          %mul3A_564 = vector.broadcast %squeeze3A_500 : f32 to vector<16xf32>
          %mul3A_565 = arith.mulf %get3A_563, %mul3A_564 : vector<16xf32>
          %swap3A_566 = arith.index_cast %add3A_504 : i32 to index
          %swap3A_567 = arith.constant 112 : index
          %swap3A_568 = tpu.vector_load %arg18[%swap3A_566, %swap3A_567] {strides = array<i32>} : memref<128x128xf32, #tpu.memory_space<vmem>>, vector<16xf32>,
          tpu.vector_store %arg18[%swap3A_566, %swap3A_567], %mul3A_565 {strides = array<i32>} : memref<128x128xf32, #tpu.memory_space<vmem>>, vector<16xf32>,
          %slice3A_569 = vector.extract_strided_slice %get3A_151 {offsets = [6], sizes = [1], strides = [1]} : vector<16xf32> to vector<1xf32>
          %squeeze3A_570 = vector.extract %slice3A_569[0] : f32 from vector<1xf32>
          %mul3A_571 = arith.constant 16 : i32
          %mul3A_572 = arith.muli %add3A_145, %mul3A_571 : i32
          %add3A_573 = arith.constant 6 : i32
          %add3A_574 = arith.addi %mul3A_572, %add3A_573 : i32
          %get3A_575 = arith.index_cast %add3A_574 : i32 to index
          %get3A_576 = arith.constant 0 : index
          %get3A_577 = tpu.vector_load %arg18[%get3A_575, %get3A_576] {strides = array<i32>} : memref<128x128xf32, #tpu.memory_space<vmem>>, vector<16xf32>,
          %mul3A_578 = vector.broadcast %squeeze3A_570 : f32 to vector<16xf32>
          %mul3A_579 = arith.mulf %get3A_577, %mul3A_578 : vector<16xf32>
          %swap3A_580 = arith.index_cast %add3A_574 : i32 to index
          %swap3A_581 = arith.constant 0 : index
          %swap3A_582 = tpu.vector_load %arg18[%swap3A_580, %swap3A_581] {strides = array<i32>} : memref<128x128xf32, #tpu.memory_space<vmem>>, vector<16xf32>,
          tpu.vector_store %arg18[%swap3A_580, %swap3A_581], %mul3A_579 {strides = array<i32>} : memref<128x128xf32, #tpu.memory_space<vmem>>, vector<16xf32>,
          %get3A_583 = arith.index_cast %add3A_574 : i32 to index
          %get3A_584 = arith.constant 16 : index
          %get3A_585 = tpu.vector_load %arg18[%get3A_583, %get3A_584] {strides = array<i32>} : memref<128x128xf32, #tpu.memory_space<vmem>>, vector<16xf32>,
          %mul3A_586 = vector.broadcast %squeeze3A_570 : f32 to vector<16xf32>
          %mul3A_587 = arith.mulf %get3A_585, %mul3A_586 : vector<16xf32>
          %swap3A_588 = arith.index_cast %add3A_574 : i32 to index
          %swap3A_589 = arith.constant 16 : index
          %swap3A_590 = tpu.vector_load %arg18[%swap3A_588, %swap3A_589] {strides = array<i32>} : memref<128x128xf32, #tpu.memory_space<vmem>>, vector<16xf32>,
          tpu.vector_store %arg18[%swap3A_588, %swap3A_589], %mul3A_587 {strides = array<i32>} : memref<128x128xf32, #tpu.memory_space<vmem>>, vector<16xf32>,
          %get3A_591 = arith.index_cast %add3A_574 : i32 to index
          %get3A_592 = arith.constant 32 : index
          %get3A_593 = tpu.vector_load %arg18[%get3A_591, %get3A_592] {strides = array<i32>} : memref<128x128xf32, #tpu.memory_space<vmem>>, vector<16xf32>,
          %mul3A_594 = vector.broadcast %squeeze3A_570 : f32 to vector<16xf32>
          %mul3A_595 = arith.mulf %get3A_593, %mul3A_594 : vector<16xf32>
          %swap3A_596 = arith.index_cast %add3A_574 : i32 to index
          %swap3A_597 = arith.constant 32 : index
          %swap3A_598 = tpu.vector_load %arg18[%swap3A_596, %swap3A_597] {strides = array<i32>} : memref<128x128xf32, #tpu.memory_space<vmem>>, vector<16xf32>,
          tpu.vector_store %arg18[%swap3A_596, %swap3A_597], %mul3A_595 {strides = array<i32>} : memref<128x128xf32, #tpu.memory_space<vmem>>, vector<16xf32>,
          %get3A_599 = arith.index_cast %add3A_574 : i32 to index
          %get3A_600 = arith.constant 48 : index
          %get3A_601 = tpu.vector_load %arg18[%get3A_599, %get3A_600] {strides = array<i32>} : memref<128x128xf32, #tpu.memory_space<vmem>>, vector<16xf32>,
          %mul3A_602 = vector.broadcast %squeeze3A_570 : f32 to vector<16xf32>
          %mul3A_603 = arith.mulf %get3A_601, %mul3A_602 : vector<16xf32>
          %swap3A_604 = arith.index_cast %add3A_574 : i32 to index
          %swap3A_605 = arith.constant 48 : index
          %swap3A_606 = tpu.vector_load %arg18[%swap3A_604, %swap3A_605] {strides = array<i32>} : memref<128x128xf32, #tpu.memory_space<vmem>>, vector<16xf32>,
          tpu.vector_store %arg18[%swap3A_604, %swap3A_605], %mul3A_603 {strides = array<i32>} : memref<128x128xf32, #tpu.memory_space<vmem>>, vector<16xf32>,
          %get3A_607 = arith.index_cast %add3A_574 : i32 to index
          %get3A_608 = arith.constant 64 : index
          %get3A_609 = tpu.vector_load %arg18[%get3A_607, %get3A_608] {strides = array<i32>} : memref<128x128xf32, #tpu.memory_space<vmem>>, vector<16xf32>,
          %mul3A_610 = vector.broadcast %squeeze3A_570 : f32 to vector<16xf32>
          %mul3A_611 = arith.mulf %get3A_609, %mul3A_610 : vector<16xf32>
          %swap3A_612 = arith.index_cast %add3A_574 : i32 to index
          %swap3A_613 = arith.constant 64 : index
          %swap3A_614 = tpu.vector_load %arg18[%swap3A_612, %swap3A_613] {strides = array<i32>} : memref<128x128xf32, #tpu.memory_space<vmem>>, vector<16xf32>,
          tpu.vector_store %arg18[%swap3A_612, %swap3A_613], %mul3A_611 {strides = array<i32>} : memref<128x128xf32, #tpu.memory_space<vmem>>, vector<16xf32>,
          %get3A_615 = arith.index_cast %add3A_574 : i32 to index
          %get3A_616 = arith.constant 80 : index
          %get3A_617 = tpu.vector_load %arg18[%get3A_615, %get3A_616] {strides = array<i32>} : memref<128x128xf32, #tpu.memory_space<vmem>>, vector<16xf32>,
          %mul3A_618 = vector.broadcast %squeeze3A_570 : f32 to vector<16xf32>
          %mul3A_619 = arith.mulf %get3A_617, %mul3A_618 : vector<16xf32>
          %swap3A_620 = arith.index_cast %add3A_574 : i32 to index
          %swap3A_621 = arith.constant 80 : index
          %swap3A_622 = tpu.vector_load %arg18[%swap3A_620, %swap3A_621] {strides = array<i32>} : memref<128x128xf32, #tpu.memory_space<vmem>>, vector<16xf32>,
          tpu.vector_store %arg18[%swap3A_620, %swap3A_621], %mul3A_619 {strides = array<i32>} : memref<128x128xf32, #tpu.memory_space<vmem>>, vector<16xf32>,
          %get3A_623 = arith.index_cast %add3A_574 : i32 to index
          %get3A_624 = arith.constant 96 : index
          %get3A_625 = tpu.vector_load %arg18[%get3A_623, %get3A_624] {strides = array<i32>} : memref<128x128xf32, #tpu.memory_space<vmem>>, vector<16xf32>,
          %mul3A_626 = vector.broadcast %squeeze3A_570 : f32 to vector<16xf32>
          %mul3A_627 = arith.mulf %get3A_625, %mul3A_626 : vector<16xf32>
          %swap3A_628 = arith.index_cast %add3A_574 : i32 to index
          %swap3A_629 = arith.constant 96 : index
          %swap3A_630 = tpu.vector_load %arg18[%swap3A_628, %swap3A_629] {strides = array<i32>} : memref<128x128xf32, #tpu.memory_space<vmem>>, vector<16xf32>,
          tpu.vector_store %arg18[%swap3A_628, %swap3A_629], %mul3A_627 {strides = array<i32>} : memref<128x128xf32, #tpu.memory_space<vmem>>, vector<16xf32>,
          %get3A_631 = arith.index_cast %add3A_574 : i32 to index
          %get3A_632 = arith.constant 112 : index
          %get3A_633 = tpu.vector_load %arg18[%get3A_631, %get3A_632] {strides = array<i32>} : memref<128x128xf32, #tpu.memory_space<vmem>>, vector<16xf32>,
          %mul3A_634 = vector.broadcast %squeeze3A_570 : f32 to vector<16xf32>
          %mul3A_635 = arith.mulf %get3A_633, %mul3A_634 : vector<16xf32>
          %swap3A_636 = arith.index_cast %add3A_574 : i32 to index
          %swap3A_637 = arith.constant 112 : index
          %swap3A_638 = tpu.vector_load %arg18[%swap3A_636, %swap3A_637] {strides = array<i32>} : memref<128x128xf32, #tpu.memory_space<vmem>>, vector<16xf32>,
          tpu.vector_store %arg18[%swap3A_636, %swap3A_637], %mul3A_635 {strides = array<i32>} : memref<128x128xf32, #tpu.memory_space<vmem>>, vector<16xf32>,
          %slice3A_639 = vector.extract_strided_slice %get3A_151 {offsets = [7], sizes = [1], strides = [1]} : vector<16xf32> to vector<1xf32>
          %squeeze3A_640 = vector.extract %slice3A_639[0] : f32 from vector<1xf32>
          %mul3A_641 = arith.constant 16 : i32
          %mul3A_642 = arith.muli %add3A_145, %mul3A_641 : i32
          %add3A_643 = arith.constant 7 : i32
          %add3A_644 = arith.addi %mul3A_642, %add3A_643 : i32
          %get3A_645 = arith.index_cast %add3A_644 : i32 to index
          %get3A_646 = arith.constant 0 : index
          %get3A_647 = tpu.vector_load %arg18[%get3A_645, %get3A_646] {strides = array<i32>} : memref<128x128xf32, #tpu.memory_space<vmem>>, vector<16xf32>,
          %mul3A_648 = vector.broadcast %squeeze3A_640 : f32 to vector<16xf32>
          %mul3A_649 = arith.mulf %get3A_647, %mul3A_648 : vector<16xf32>
          %swap3A_650 = arith.index_cast %add3A_644 : i32 to index
          %swap3A_651 = arith.constant 0 : index
          %swap3A_652 = tpu.vector_load %arg18[%swap3A_650, %swap3A_651] {strides = array<i32>} : memref<128x128xf32, #tpu.memory_space<vmem>>, vector<16xf32>,
          tpu.vector_store %arg18[%swap3A_650, %swap3A_651], %mul3A_649 {strides = array<i32>} : memref<128x128xf32, #tpu.memory_space<vmem>>, vector<16xf32>,
          %get3A_653 = arith.index_cast %add3A_644 : i32 to index
          %get3A_654 = arith.constant 16 : index
          %get3A_655 = tpu.vector_load %arg18[%get3A_653, %get3A_654] {strides = array<i32>} : memref<128x128xf32, #tpu.memory_space<vmem>>, vector<16xf32>,
          %mul3A_656 = vector.broadcast %squeeze3A_640 : f32 to vector<16xf32>
          %mul3A_657 = arith.mulf %get3A_655, %mul3A_656 : vector<16xf32>
          %swap3A_658 = arith.index_cast %add3A_644 : i32 to index
          %swap3A_659 = arith.constant 16 : index
          %swap3A_660 = tpu.vector_load %arg18[%swap3A_658, %swap3A_659] {strides = array<i32>} : memref<128x128xf32, #tpu.memory_space<vmem>>, vector<16xf32>,
          tpu.vector_store %arg18[%swap3A_658, %swap3A_659], %mul3A_657 {strides = array<i32>} : memref<128x128xf32, #tpu.memory_space<vmem>>, vector<16xf32>,
          %get3A_661 = arith.index_cast %add3A_644 : i32 to index
          %get3A_662 = arith.constant 32 : index
          %get3A_663 = tpu.vector_load %arg18[%get3A_661, %get3A_662] {strides = array<i32>} : memref<128x128xf32, #tpu.memory_space<vmem>>, vector<16xf32>,
          %mul3A_664 = vector.broadcast %squeeze3A_640 : f32 to vector<16xf32>
          %mul3A_665 = arith.mulf %get3A_663, %mul3A_664 : vector<16xf32>
          %swap3A_666 = arith.index_cast %add3A_644 : i32 to index
          %swap3A_667 = arith.constant 32 : index
          %swap3A_668 = tpu.vector_load %arg18[%swap3A_666, %swap3A_667] {strides = array<i32>} : memref<128x128xf32, #tpu.memory_space<vmem>>, vector<16xf32>,
          tpu.vector_store %arg18[%swap3A_666, %swap3A_667], %mul3A_665 {strides = array<i32>} : memref<128x128xf32, #tpu.memory_space<vmem>>, vector<16xf32>,
          %get3A_669 = arith.index_cast %add3A_644 : i32 to index
          %get3A_670 = arith.constant 48 : index
          %get3A_671 = tpu.vector_load %arg18[%get3A_669, %get3A_670] {strides = array<i32>} : memref<128x128xf32, #tpu.memory_space<vmem>>, vector<16xf32>,
          %mul3A_672 = vector.broadcast %squeeze3A_640 : f32 to vector<16xf32>
          %mul3A_673 = arith.mulf %get3A_671, %mul3A_672 : vector<16xf32>
          %swap3A_674 = arith.index_cast %add3A_644 : i32 to index
          %swap3A_675 = arith.constant 48 : index
          %swap3A_676 = tpu.vector_load %arg18[%swap3A_674, %swap3A_675] {strides = array<i32>} : memref<128x128xf32, #tpu.memory_space<vmem>>, vector<16xf32>,
          tpu.vector_store %arg18[%swap3A_674, %swap3A_675], %mul3A_673 {strides = array<i32>} : memref<128x128xf32, #tpu.memory_space<vmem>>, vector<16xf32>,
          %get3A_677 = arith.index_cast %add3A_644 : i32 to index
          %get3A_678 = arith.constant 64 : index
          %get3A_679 = tpu.vector_load %arg18[%get3A_677, %get3A_678] {strides = array<i32>} : memref<128x128xf32, #tpu.memory_space<vmem>>, vector<16xf32>,
          %mul3A_680 = vector.broadcast %squeeze3A_640 : f32 to vector<16xf32>
          %mul3A_681 = arith.mulf %get3A_679, %mul3A_680 : vector<16xf32>
          %swap3A_682 = arith.index_cast %add3A_644 : i32 to index
          %swap3A_683 = arith.constant 64 : index
          %swap3A_684 = tpu.vector_load %arg18[%swap3A_682, %swap3A_683] {strides = array<i32>} : memref<128x128xf32, #tpu.memory_space<vmem>>, vector<16xf32>,
          tpu.vector_store %arg18[%swap3A_682, %swap3A_683], %mul3A_681 {strides = array<i32>} : memref<128x128xf32, #tpu.memory_space<vmem>>, vector<16xf32>,
          %get3A_685 = arith.index_cast %add3A_644 : i32 to index
          %get3A_686 = arith.constant 80 : index
          %get3A_687 = tpu.vector_load %arg18[%get3A_685, %get3A_686] {strides = array<i32>} : memref<128x128xf32, #tpu.memory_space<vmem>>, vector<16xf32>,
          %mul3A_688 = vector.broadcast %squeeze3A_640 : f32 to vector<16xf32>
          %mul3A_689 = arith.mulf %get3A_687, %mul3A_688 : vector<16xf32>
          %swap3A_690 = arith.index_cast %add3A_644 : i32 to index
          %swap3A_691 = arith.constant 80 : index
          %swap3A_692 = tpu.vector_load %arg18[%swap3A_690, %swap3A_691] {strides = array<i32>} : memref<128x128xf32, #tpu.memory_space<vmem>>, vector<16xf32>,
          tpu.vector_store %arg18[%swap3A_690, %swap3A_691], %mul3A_689 {strides = array<i32>} : memref<128x128xf32, #tpu.memory_space<vmem>>, vector<16xf32>,
          %get3A_693 = arith.index_cast %add3A_644 : i32 to index
          %get3A_694 = arith.constant 96 : index
          %get3A_695 = tpu.vector_load %arg18[%get3A_693, %get3A_694] {strides = array<i32>} : memref<128x128xf32, #tpu.memory_space<vmem>>, vector<16xf32>,
          %mul3A_696 = vector.broadcast %squeeze3A_640 : f32 to vector<16xf32>
          %mul3A_697 = arith.mulf %get3A_695, %mul3A_696 : vector<16xf32>
          %swap3A_698 = arith.index_cast %add3A_644 : i32 to index
          %swap3A_699 = arith.constant 96 : index
          %swap3A_700 = tpu.vector_load %arg18[%swap3A_698, %swap3A_699] {strides = array<i32>} : memref<128x128xf32, #tpu.memory_space<vmem>>, vector<16xf32>,
          tpu.vector_store %arg18[%swap3A_698, %swap3A_699], %mul3A_697 {strides = array<i32>} : memref<128x128xf32, #tpu.memory_space<vmem>>, vector<16xf32>,
          %get3A_701 = arith.index_cast %add3A_644 : i32 to index
          %get3A_702 = arith.constant 112 : index
          %get3A_703 = tpu.vector_load %arg18[%get3A_701, %get3A_702] {strides = array<i32>} : memref<128x128xf32, #tpu.memory_space<vmem>>, vector<16xf32>,
          %mul3A_704 = vector.broadcast %squeeze3A_640 : f32 to vector<16xf32>
          %mul3A_705 = arith.mulf %get3A_703, %mul3A_704 : vector<16xf32>
          %swap3A_706 = arith.index_cast %add3A_644 : i32 to index
          %swap3A_707 = arith.constant 112 : index
          %swap3A_708 = tpu.vector_load %arg18[%swap3A_706, %swap3A_707] {strides = array<i32>} : memref<128x128xf32, #tpu.memory_space<vmem>>, vector<16xf32>,
          tpu.vector_store %arg18[%swap3A_706, %swap3A_707], %mul3A_705 {strides = array<i32>} : memref<128x128xf32, #tpu.memory_space<vmem>>, vector<16xf32>,
          %slice3A_709 = vector.extract_strided_slice %get3A_151 {offsets = [8], sizes = [1], strides = [1]} : vector<16xf32> to vector<1xf32>
          %squeeze3A_710 = vector.extract %slice3A_709[0] : f32 from vector<1xf32>
          %mul3A_711 = arith.constant 16 : i32
          %mul3A_712 = arith.muli %add3A_145, %mul3A_711 : i32
          %add3A_713 = arith.constant 8 : i32
          %add3A_714 = arith.addi %mul3A_712, %add3A_713 : i32
          %get3A_715 = arith.index_cast %add3A_714 : i32 to index
          %get3A_716 = arith.constant 0 : index
          %get3A_717 = tpu.vector_load %arg18[%get3A_715, %get3A_716] {strides = array<i32>} : memref<128x128xf32, #tpu.memory_space<vmem>>, vector<16xf32>,
          %mul3A_718 = vector.broadcast %squeeze3A_710 : f32 to vector<16xf32>
          %mul3A_719 = arith.mulf %get3A_717, %mul3A_718 : vector<16xf32>
          %swap3A_720 = arith.index_cast %add3A_714 : i32 to index
          %swap3A_721 = arith.constant 0 : index
          %swap3A_722 = tpu.vector_load %arg18[%swap3A_720, %swap3A_721] {strides = array<i32>} : memref<128x128xf32, #tpu.memory_space<vmem>>, vector<16xf32>,
          tpu.vector_store %arg18[%swap3A_720, %swap3A_721], %mul3A_719 {strides = array<i32>} : memref<128x128xf32, #tpu.memory_space<vmem>>, vector<16xf32>,
          %get3A_723 = arith.index_cast %add3A_714 : i32 to index
          %get3A_724 = arith.constant 16 : index
          %get3A_725 = tpu.vector_load %arg18[%get3A_723, %get3A_724] {strides = array<i32>} : memref<128x128xf32, #tpu.memory_space<vmem>>, vector<16xf32>,
          %mul3A_726 = vector.broadcast %squeeze3A_710 : f32 to vector<16xf32>
          %mul3A_727 = arith.mulf %get3A_725, %mul3A_726 : vector<16xf32>
          %swap3A_728 = arith.index_cast %add3A_714 : i32 to index
          %swap3A_729 = arith.constant 16 : index
          %swap3A_730 = tpu.vector_load %arg18[%swap3A_728, %swap3A_729] {strides = array<i32>} : memref<128x128xf32, #tpu.memory_space<vmem>>, vector<16xf32>,
          tpu.vector_store %arg18[%swap3A_728, %swap3A_729], %mul3A_727 {strides = array<i32>} : memref<128x128xf32, #tpu.memory_space<vmem>>, vector<16xf32>,
          %get3A_731 = arith.index_cast %add3A_714 : i32 to index
          %get3A_732 = arith.constant 32 : index
          %get3A_733 = tpu.vector_load %arg18[%get3A_731, %get3A_732] {strides = array<i32>} : memref<128x128xf32, #tpu.memory_space<vmem>>, vector<16xf32>,
          %mul3A_734 = vector.broadcast %squeeze3A_710 : f32 to vector<16xf32>
          %mul3A_735 = arith.mulf %get3A_733, %mul3A_734 : vector<16xf32>
          %swap3A_736 = arith.index_cast %add3A_714 : i32 to index
          %swap3A_737 = arith.constant 32 : index
          %swap3A_738 = tpu.vector_load %arg18[%swap3A_736, %swap3A_737] {strides = array<i32>} : memref<128x128xf32, #tpu.memory_space<vmem>>, vector<16xf32>,
          tpu.vector_store %arg18[%swap3A_736, %swap3A_737], %mul3A_735 {strides = array<i32>} : memref<128x128xf32, #tpu.memory_space<vmem>>, vector<16xf32>,
          %get3A_739 = arith.index_cast %add3A_714 : i32 to index
          %get3A_740 = arith.constant 48 : index
          %get3A_741 = tpu.vector_load %arg18[%get3A_739, %get3A_740] {strides = array<i32>} : memref<128x128xf32, #tpu.memory_space<vmem>>, vector<16xf32>,
          %mul3A_742 = vector.broadcast %squeeze3A_710 : f32 to vector<16xf32>
          %mul3A_743 = arith.mulf %get3A_741, %mul3A_742 : vector<16xf32>
          %swap3A_744 = arith.index_cast %add3A_714 : i32 to index
          %swap3A_745 = arith.constant 48 : index
          %swap3A_746 = tpu.vector_load %arg18[%swap3A_744, %swap3A_745] {strides = array<i32>} : memref<128x128xf32, #tpu.memory_space<vmem>>, vector<16xf32>,
          tpu.vector_store %arg18[%swap3A_744, %swap3A_745], %mul3A_743 {strides = array<i32>} : memref<128x128xf32, #tpu.memory_space<vmem>>, vector<16xf32>,
          %get3A_747 = arith.index_cast %add3A_714 : i32 to index
          %get3A_748 = arith.constant 64 : index
          %get3A_749 = tpu.vector_load %arg18[%get3A_747, %get3A_748] {strides = array<i32>} : memref<128x128xf32, #tpu.memory_space<vmem>>, vector<16xf32>,
          %mul3A_750 = vector.broadcast %squeeze3A_710 : f32 to vector<16xf32>
          %mul3A_751 = arith.mulf %get3A_749, %mul3A_750 : vector<16xf32>
          %swap3A_752 = arith.index_cast %add3A_714 : i32 to index
          %swap3A_753 = arith.constant 64 : index
          %swap3A_754 = tpu.vector_load %arg18[%swap3A_752, %swap3A_753] {strides = array<i32>} : memref<128x128xf32, #tpu.memory_space<vmem>>, vector<16xf32>,
          tpu.vector_store %arg18[%swap3A_752, %swap3A_753], %mul3A_751 {strides = array<i32>} : memref<128x128xf32, #tpu.memory_space<vmem>>, vector<16xf32>,
          %get3A_755 = arith.index_cast %add3A_714 : i32 to index
          %get3A_756 = arith.constant 80 : index
          %get3A_757 = tpu.vector_load %arg18[%get3A_755, %get3A_756] {strides = array<i32>} : memref<128x128xf32, #tpu.memory_space<vmem>>, vector<16xf32>,
          %mul3A_758 = vector.broadcast %squeeze3A_710 : f32 to vector<16xf32>
          %mul3A_759 = arith.mulf %get3A_757, %mul3A_758 : vector<16xf32>
          %swap3A_760 = arith.index_cast %add3A_714 : i32 to index
          %swap3A_761 = arith.constant 80 : index
          %swap3A_762 = tpu.vector_load %arg18[%swap3A_760, %swap3A_761] {strides = array<i32>} : memref<128x128xf32, #tpu.memory_space<vmem>>, vector<16xf32>,
          tpu.vector_store %arg18[%swap3A_760, %swap3A_761], %mul3A_759 {strides = array<i32>} : memref<128x128xf32, #tpu.memory_space<vmem>>, vector<16xf32>,
          %get3A_763 = arith.index_cast %add3A_714 : i32 to index
          %get3A_764 = arith.constant 96 : index
          %get3A_765 = tpu.vector_load %arg18[%get3A_763, %get3A_764] {strides = array<i32>} : memref<128x128xf32, #tpu.memory_space<vmem>>, vector<16xf32>,
          %mul3A_766 = vector.broadcast %squeeze3A_710 : f32 to vector<16xf32>
          %mul3A_767 = arith.mulf %get3A_765, %mul3A_766 : vector<16xf32>
          %swap3A_768 = arith.index_cast %add3A_714 : i32 to index
          %swap3A_769 = arith.constant 96 : index
          %swap3A_770 = tpu.vector_load %arg18[%swap3A_768, %swap3A_769] {strides = array<i32>} : memref<128x128xf32, #tpu.memory_space<vmem>>, vector<16xf32>,
          tpu.vector_store %arg18[%swap3A_768, %swap3A_769], %mul3A_767 {strides = array<i32>} : memref<128x128xf32, #tpu.memory_space<vmem>>, vector<16xf32>,
          %get3A_771 = arith.index_cast %add3A_714 : i32 to index
          %get3A_772 = arith.constant 112 : index
          %get3A_773 = tpu.vector_load %arg18[%get3A_771, %get3A_772] {strides = array<i32>} : memref<128x128xf32, #tpu.memory_space<vmem>>, vector<16xf32>,
          %mul3A_774 = vector.broadcast %squeeze3A_710 : f32 to vector<16xf32>
          %mul3A_775 = arith.mulf %get3A_773, %mul3A_774 : vector<16xf32>
          %swap3A_776 = arith.index_cast %add3A_714 : i32 to index
          %swap3A_777 = arith.constant 112 : index
          %swap3A_778 = tpu.vector_load %arg18[%swap3A_776, %swap3A_777] {strides = array<i32>} : memref<128x128xf32, #tpu.memory_space<vmem>>, vector<16xf32>,
          tpu.vector_store %arg18[%swap3A_776, %swap3A_777], %mul3A_775 {strides = array<i32>} : memref<128x128xf32, #tpu.memory_space<vmem>>, vector<16xf32>,
          %slice3A_779 = vector.extract_strided_slice %get3A_151 {offsets = [9], sizes = [1], strides = [1]} : vector<16xf32> to vector<1xf32>
          %squeeze3A_780 = vector.extract %slice3A_779[0] : f32 from vector<1xf32>
          %mul3A_781 = arith.constant 16 : i32
          %mul3A_782 = arith.muli %add3A_145, %mul3A_781 : i32
          %add3A_783 = arith.constant 9 : i32
          %add3A_784 = arith.addi %mul3A_782, %add3A_783 : i32
          %get3A_785 = arith.index_cast %add3A_784 : i32 to index
          %get3A_786 = arith.constant 0 : index
          %get3A_787 = tpu.vector_load %arg18[%get3A_785, %get3A_786] {strides = array<i32>} : memref<128x128xf32, #tpu.memory_space<vmem>>, vector<16xf32>,
          %mul3A_788 = vector.broadcast %squeeze3A_780 : f32 to vector<16xf32>
          %mul3A_789 = arith.mulf %get3A_787, %mul3A_788 : vector<16xf32>
          %swap3A_790 = arith.index_cast %add3A_784 : i32 to index
          %swap3A_791 = arith.constant 0 : index
          %swap3A_792 = tpu.vector_load %arg18[%swap3A_790, %swap3A_791] {strides = array<i32>} : memref<128x128xf32, #tpu.memory_space<vmem>>, vector<16xf32>,
          tpu.vector_store %arg18[%swap3A_790, %swap3A_791], %mul3A_789 {strides = array<i32>} : memref<128x128xf32, #tpu.memory_space<vmem>>, vector<16xf32>,
          %get3A_793 = arith.index_cast %add3A_784 : i32 to index
          %get3A_794 = arith.constant 16 : index
          %get3A_795 = tpu.vector_load %arg18[%get3A_793, %get3A_794] {strides = array<i32>} : memref<128x128xf32, #tpu.memory_space<vmem>>, vector<16xf32>,
          %mul3A_796 = vector.broadcast %squeeze3A_780 : f32 to vector<16xf32>
          %mul3A_797 = arith.mulf %get3A_795, %mul3A_796 : vector<16xf32>
          %swap3A_798 = arith.index_cast %add3A_784 : i32 to index
          %swap3A_799 = arith.constant 16 : index
          %swap3A_800 = tpu.vector_load %arg18[%swap3A_798, %swap3A_799] {strides = array<i32>} : memref<128x128xf32, #tpu.memory_space<vmem>>, vector<16xf32>,
          tpu.vector_store %arg18[%swap3A_798, %swap3A_799], %mul3A_797 {strides = array<i32>} : memref<128x128xf32, #tpu.memory_space<vmem>>, vector<16xf32>,
          %get3A_801 = arith.index_cast %add3A_784 : i32 to index
          %get3A_802 = arith.constant 32 : index
          %get3A_803 = tpu.vector_load %arg18[%get3A_801, %get3A_802] {strides = array<i32>} : memref<128x128xf32, #tpu.memory_space<vmem>>, vector<16xf32>,
          %mul3A_804 = vector.broadcast %squeeze3A_780 : f32 to vector<16xf32>
          %mul3A_805 = arith.mulf %get3A_803, %mul3A_804 : vector<16xf32>
          %swap3A_806 = arith.index_cast %add3A_784 : i32 to index
          %swap3A_807 = arith.constant 32 : index
          %swap3A_808 = tpu.vector_load %arg18[%swap3A_806, %swap3A_807] {strides = array<i32>} : memref<128x128xf32, #tpu.memory_space<vmem>>, vector<16xf32>,
          tpu.vector_store %arg18[%swap3A_806, %swap3A_807], %mul3A_805 {strides = array<i32>} : memref<128x128xf32, #tpu.memory_space<vmem>>, vector<16xf32>,
          %get3A_809 = arith.index_cast %add3A_784 : i32 to index
          %get3A_810 = arith.constant 48 : index
          %get3A_811 = tpu.vector_load %arg18[%get3A_809, %get3A_810] {strides = array<i32>} : memref<128x128xf32, #tpu.memory_space<vmem>>, vector<16xf32>,
          %mul3A_812 = vector.broadcast %squeeze3A_780 : f32 to vector<16xf32>
          %mul3A_813 = arith.mulf %get3A_811, %mul3A_812 : vector<16xf32>
          %swap3A_814 = arith.index_cast %add3A_784 : i32 to index
          %swap3A_815 = arith.constant 48 : index
          %swap3A_816 = tpu.vector_load %arg18[%swap3A_814, %swap3A_815] {strides = array<i32>} : memref<128x128xf32, #tpu.memory_space<vmem>>, vector<16xf32>,
          tpu.vector_store %arg18[%swap3A_814, %swap3A_815], %mul3A_813 {strides = array<i32>} : memref<128x128xf32, #tpu.memory_space<vmem>>, vector<16xf32>,
          %get3A_817 = arith.index_cast %add3A_784 : i32 to index
          %get3A_818 = arith.constant 64 : index
          %get3A_819 = tpu.vector_load %arg18[%get3A_817, %get3A_818] {strides = array<i32>} : memref<128x128xf32, #tpu.memory_space<vmem>>, vector<16xf32>,
          %mul3A_820 = vector.broadcast %squeeze3A_780 : f32 to vector<16xf32>
          %mul3A_821 = arith.mulf %get3A_819, %mul3A_820 : vector<16xf32>
          %swap3A_822 = arith.index_cast %add3A_784 : i32 to index
          %swap3A_823 = arith.constant 64 : index
          %swap3A_824 = tpu.vector_load %arg18[%swap3A_822, %swap3A_823] {strides = array<i32>} : memref<128x128xf32, #tpu.memory_space<vmem>>, vector<16xf32>,
          tpu.vector_store %arg18[%swap3A_822, %swap3A_823], %mul3A_821 {strides = array<i32>} : memref<128x128xf32, #tpu.memory_space<vmem>>, vector<16xf32>,
          %get3A_825 = arith.index_cast %add3A_784 : i32 to index
          %get3A_826 = arith.constant 80 : index
          %get3A_827 = tpu.vector_load %arg18[%get3A_825, %get3A_826] {strides = array<i32>} : memref<128x128xf32, #tpu.memory_space<vmem>>, vector<16xf32>,
          %mul3A_828 = vector.broadcast %squeeze3A_780 : f32 to vector<16xf32>
          %mul3A_829 = arith.mulf %get3A_827, %mul3A_828 : vector<16xf32>
          %swap3A_830 = arith.index_cast %add3A_784 : i32 to index
          %swap3A_831 = arith.constant 80 : index
          %swap3A_832 = tpu.vector_load %arg18[%swap3A_830, %swap3A_831] {strides = array<i32>} : memref<128x128xf32, #tpu.memory_space<vmem>>, vector<16xf32>,
          tpu.vector_store %arg18[%swap3A_830, %swap3A_831], %mul3A_829 {strides = array<i32>} : memref<128x128xf32, #tpu.memory_space<vmem>>, vector<16xf32>,
          %get3A_833 = arith.index_cast %add3A_784 : i32 to index
          %get3A_834 = arith.constant 96 : index
          %get3A_835 = tpu.vector_load %arg18[%get3A_833, %get3A_834] {strides = array<i32>} : memref<128x128xf32, #tpu.memory_space<vmem>>, vector<16xf32>,
          %mul3A_836 = vector.broadcast %squeeze3A_780 : f32 to vector<16xf32>
          %mul3A_837 = arith.mulf %get3A_835, %mul3A_836 : vector<16xf32>
          %swap3A_838 = arith.index_cast %add3A_784 : i32 to index
          %swap3A_839 = arith.constant 96 : index
          %swap3A_840 = tpu.vector_load %arg18[%swap3A_838, %swap3A_839] {strides = array<i32>} : memref<128x128xf32, #tpu.memory_space<vmem>>, vector<16xf32>,
          tpu.vector_store %arg18[%swap3A_838, %swap3A_839], %mul3A_837 {strides = array<i32>} : memref<128x128xf32, #tpu.memory_space<vmem>>, vector<16xf32>,
          %get3A_841 = arith.index_cast %add3A_784 : i32 to index
          %get3A_842 = arith.constant 112 : index
          %get3A_843 = tpu.vector_load %arg18[%get3A_841, %get3A_842] {strides = array<i32>} : memref<128x128xf32, #tpu.memory_space<vmem>>, vector<16xf32>,
          %mul3A_844 = vector.broadcast %squeeze3A_780 : f32 to vector<16xf32>
          %mul3A_845 = arith.mulf %get3A_843, %mul3A_844 : vector<16xf32>
          %swap3A_846 = arith.index_cast %add3A_784 : i32 to index
          %swap3A_847 = arith.constant 112 : index
          %swap3A_848 = tpu.vector_load %arg18[%swap3A_846, %swap3A_847] {strides = array<i32>} : memref<128x128xf32, #tpu.memory_space<vmem>>, vector<16xf32>,
          tpu.vector_store %arg18[%swap3A_846, %swap3A_847], %mul3A_845 {strides = array<i32>} : memref<128x128xf32, #tpu.memory_space<vmem>>, vector<16xf32>,
          %slice3A_849 = vector.extract_strided_slice %get3A_151 {offsets = [10], sizes = [1], strides = [1]} : vector<16xf32> to vector<1xf32>
          %squeeze3A_850 = vector.extract %slice3A_849[0] : f32 from vector<1xf32>
          %mul3A_851 = arith.constant 16 : i32
          %mul3A_852 = arith.muli %add3A_145, %mul3A_851 : i32
          %add3A_853 = arith.constant 10 : i32
          %add3A_854 = arith.addi %mul3A_852, %add3A_853 : i32
          %get3A_855 = arith.index_cast %add3A_854 : i32 to index
          %get3A_856 = arith.constant 0 : index
          %get3A_857 = tpu.vector_load %arg18[%get3A_855, %get3A_856] {strides = array<i32>} : memref<128x128xf32, #tpu.memory_space<vmem>>, vector<16xf32>,
          %mul3A_858 = vector.broadcast %squeeze3A_850 : f32 to vector<16xf32>
          %mul3A_859 = arith.mulf %get3A_857, %mul3A_858 : vector<16xf32>
          %swap3A_860 = arith.index_cast %add3A_854 : i32 to index
          %swap3A_861 = arith.constant 0 : index
          %swap3A_862 = tpu.vector_load %arg18[%swap3A_860, %swap3A_861] {strides = array<i32>} : memref<128x128xf32, #tpu.memory_space<vmem>>, vector<16xf32>,
          tpu.vector_store %arg18[%swap3A_860, %swap3A_861], %mul3A_859 {strides = array<i32>} : memref<128x128xf32, #tpu.memory_space<vmem>>, vector<16xf32>,
          %get3A_863 = arith.index_cast %add3A_854 : i32 to index
          %get3A_864 = arith.constant 16 : index
          %get3A_865 = tpu.vector_load %arg18[%get3A_863, %get3A_864] {strides = array<i32>} : memref<128x128xf32, #tpu.memory_space<vmem>>, vector<16xf32>,
          %mul3A_866 = vector.broadcast %squeeze3A_850 : f32 to vector<16xf32>
          %mul3A_867 = arith.mulf %get3A_865, %mul3A_866 : vector<16xf32>
          %swap3A_868 = arith.index_cast %add3A_854 : i32 to index
          %swap3A_869 = arith.constant 16 : index
          %swap3A_870 = tpu.vector_load %arg18[%swap3A_868, %swap3A_869] {strides = array<i32>} : memref<128x128xf32, #tpu.memory_space<vmem>>, vector<16xf32>,
          tpu.vector_store %arg18[%swap3A_868, %swap3A_869], %mul3A_867 {strides = array<i32>} : memref<128x128xf32, #tpu.memory_space<vmem>>, vector<16xf32>,
          %get3A_871 = arith.index_cast %add3A_854 : i32 to index
          %get3A_872 = arith.constant 32 : index
          %get3A_873 = tpu.vector_load %arg18[%get3A_871, %get3A_872] {strides = array<i32>} : memref<128x128xf32, #tpu.memory_space<vmem>>, vector<16xf32>,
          %mul3A_874 = vector.broadcast %squeeze3A_850 : f32 to vector<16xf32>
          %mul3A_875 = arith.mulf %get3A_873, %mul3A_874 : vector<16xf32>
          %swap3A_876 = arith.index_cast %add3A_854 : i32 to index
          %swap3A_877 = arith.constant 32 : index
          %swap3A_878 = tpu.vector_load %arg18[%swap3A_876, %swap3A_877] {strides = array<i32>} : memref<128x128xf32, #tpu.memory_space<vmem>>, vector<16xf32>,
          tpu.vector_store %arg18[%swap3A_876, %swap3A_877], %mul3A_875 {strides = array<i32>} : memref<128x128xf32, #tpu.memory_space<vmem>>, vector<16xf32>,
          %get3A_879 = arith.index_cast %add3A_854 : i32 to index
          %get3A_880 = arith.constant 48 : index
          %get3A_881 = tpu.vector_load %arg18[%get3A_879, %get3A_880] {strides = array<i32>} : memref<128x128xf32, #tpu.memory_space<vmem>>, vector<16xf32>,
          %mul3A_882 = vector.broadcast %squeeze3A_850 : f32 to vector<16xf32>
          %mul3A_883 = arith.mulf %get3A_881, %mul3A_882 : vector<16xf32>
          %swap3A_884 = arith.index_cast %add3A_854 : i32 to index
          %swap3A_885 = arith.constant 48 : index
          %swap3A_886 = tpu.vector_load %arg18[%swap3A_884, %swap3A_885] {strides = array<i32>} : memref<128x128xf32, #tpu.memory_space<vmem>>, vector<16xf32>,
          tpu.vector_store %arg18[%swap3A_884, %swap3A_885], %mul3A_883 {strides = array<i32>} : memref<128x128xf32, #tpu.memory_space<vmem>>, vector<16xf32>,
          %get3A_887 = arith.index_cast %add3A_854 : i32 to index
          %get3A_888 = arith.constant 64 : index
          %get3A_889 = tpu.vector_load %arg18[%get3A_887, %get3A_888] {strides = array<i32>} : memref<128x128xf32, #tpu.memory_space<vmem>>, vector<16xf32>,
          %mul3A_890 = vector.broadcast %squeeze3A_850 : f32 to vector<16xf32>
          %mul3A_891 = arith.mulf %get3A_889, %mul3A_890 : vector<16xf32>
          %swap3A_892 = arith.index_cast %add3A_854 : i32 to index
          %swap3A_893 = arith.constant 64 : index
          %swap3A_894 = tpu.vector_load %arg18[%swap3A_892, %swap3A_893] {strides = array<i32>} : memref<128x128xf32, #tpu.memory_space<vmem>>, vector<16xf32>,
          tpu.vector_store %arg18[%swap3A_892, %swap3A_893], %mul3A_891 {strides = array<i32>} : memref<128x128xf32, #tpu.memory_space<vmem>>, vector<16xf32>,
          %get3A_895 = arith.index_cast %add3A_854 : i32 to index
          %get3A_896 = arith.constant 80 : index
          %get3A_897 = tpu.vector_load %arg18[%get3A_895, %get3A_896] {strides = array<i32>} : memref<128x128xf32, #tpu.memory_space<vmem>>, vector<16xf32>,
          %mul3A_898 = vector.broadcast %squeeze3A_850 : f32 to vector<16xf32>
          %mul3A_899 = arith.mulf %get3A_897, %mul3A_898 : vector<16xf32>
          %swap3A_900 = arith.index_cast %add3A_854 : i32 to index
          %swap3A_901 = arith.constant 80 : index
          %swap3A_902 = tpu.vector_load %arg18[%swap3A_900, %swap3A_901] {strides = array<i32>} : memref<128x128xf32, #tpu.memory_space<vmem>>, vector<16xf32>,
          tpu.vector_store %arg18[%swap3A_900, %swap3A_901], %mul3A_899 {strides = array<i32>} : memref<128x128xf32, #tpu.memory_space<vmem>>, vector<16xf32>,
          %get3A_903 = arith.index_cast %add3A_854 : i32 to index
          %get3A_904 = arith.constant 96 : index
          %get3A_905 = tpu.vector_load %arg18[%get3A_903, %get3A_904] {strides = array<i32>} : memref<128x128xf32, #tpu.memory_space<vmem>>, vector<16xf32>,
          %mul3A_906 = vector.broadcast %squeeze3A_850 : f32 to vector<16xf32>
          %mul3A_907 = arith.mulf %get3A_905, %mul3A_906 : vector<16xf32>
          %swap3A_908 = arith.index_cast %add3A_854 : i32 to index
          %swap3A_909 = arith.constant 96 : index
          %swap3A_910 = tpu.vector_load %arg18[%swap3A_908, %swap3A_909] {strides = array<i32>} : memref<128x128xf32, #tpu.memory_space<vmem>>, vector<16xf32>,
          tpu.vector_store %arg18[%swap3A_908, %swap3A_909], %mul3A_907 {strides = array<i32>} : memref<128x128xf32, #tpu.memory_space<vmem>>, vector<16xf32>,
          %get3A_911 = arith.index_cast %add3A_854 : i32 to index
          %get3A_912 = arith.constant 112 : index
          %get3A_913 = tpu.vector_load %arg18[%get3A_911, %get3A_912] {strides = array<i32>} : memref<128x128xf32, #tpu.memory_space<vmem>>, vector<16xf32>,
          %mul3A_914 = vector.broadcast %squeeze3A_850 : f32 to vector<16xf32>
          %mul3A_915 = arith.mulf %get3A_913, %mul3A_914 : vector<16xf32>
          %swap3A_916 = arith.index_cast %add3A_854 : i32 to index
          %swap3A_917 = arith.constant 112 : index
          %swap3A_918 = tpu.vector_load %arg18[%swap3A_916, %swap3A_917] {strides = array<i32>} : memref<128x128xf32, #tpu.memory_space<vmem>>, vector<16xf32>,
          tpu.vector_store %arg18[%swap3A_916, %swap3A_917], %mul3A_915 {strides = array<i32>} : memref<128x128xf32, #tpu.memory_space<vmem>>, vector<16xf32>,
          %slice3A_919 = vector.extract_strided_slice %get3A_151 {offsets = [11], sizes = [1], strides = [1]} : vector<16xf32> to vector<1xf32>
          %squeeze3A_920 = vector.extract %slice3A_919[0] : f32 from vector<1xf32>
          %mul3A_921 = arith.constant 16 : i32
          %mul3A_922 = arith.muli %add3A_145, %mul3A_921 : i32
          %add3A_923 = arith.constant 11 : i32
          %add3A_924 = arith.addi %mul3A_922, %add3A_923 : i32
          %get3A_925 = arith.index_cast %add3A_924 : i32 to index
          %get3A_926 = arith.constant 0 : index
          %get3A_927 = tpu.vector_load %arg18[%get3A_925, %get3A_926] {strides = array<i32>} : memref<128x128xf32, #tpu.memory_space<vmem>>, vector<16xf32>,
          %mul3A_928 = vector.broadcast %squeeze3A_920 : f32 to vector<16xf32>
          %mul3A_929 = arith.mulf %get3A_927, %mul3A_928 : vector<16xf32>
          %swap3A_930 = arith.index_cast %add3A_924 : i32 to index
          %swap3A_931 = arith.constant 0 : index
          %swap3A_932 = tpu.vector_load %arg18[%swap3A_930, %swap3A_931] {strides = array<i32>} : memref<128x128xf32, #tpu.memory_space<vmem>>, vector<16xf32>,
          tpu.vector_store %arg18[%swap3A_930, %swap3A_931], %mul3A_929 {strides = array<i32>} : memref<128x128xf32, #tpu.memory_space<vmem>>, vector<16xf32>,
          %get3A_933 = arith.index_cast %add3A_924 : i32 to index
          %get3A_934 = arith.constant 16 : index
          %get3A_935 = tpu.vector_load %arg18[%get3A_933, %get3A_934] {strides = array<i32>} : memref<128x128xf32, #tpu.memory_space<vmem>>, vector<16xf32>,
          %mul3A_936 = vector.broadcast %squeeze3A_920 : f32 to vector<16xf32>
          %mul3A_937 = arith.mulf %get3A_935, %mul3A_936 : vector<16xf32>
          %swap3A_938 = arith.index_cast %add3A_924 : i32 to index
          %swap3A_939 = arith.constant 16 : index
          %swap3A_940 = tpu.vector_load %arg18[%swap3A_938, %swap3A_939] {strides = array<i32>} : memref<128x128xf32, #tpu.memory_space<vmem>>, vector<16xf32>,
          tpu.vector_store %arg18[%swap3A_938, %swap3A_939], %mul3A_937 {strides = array<i32>} : memref<128x128xf32, #tpu.memory_space<vmem>>, vector<16xf32>,
          %get3A_941 = arith.index_cast %add3A_924 : i32 to index
          %get3A_942 = arith.constant 32 : index
          %get3A_943 = tpu.vector_load %arg18[%get3A_941, %get3A_942] {strides = array<i32>} : memref<128x128xf32, #tpu.memory_space<vmem>>, vector<16xf32>,
          %mul3A_944 = vector.broadcast %squeeze3A_920 : f32 to vector<16xf32>
          %mul3A_945 = arith.mulf %get3A_943, %mul3A_944 : vector<16xf32>
          %swap3A_946 = arith.index_cast %add3A_924 : i32 to index
          %swap3A_947 = arith.constant 32 : index
          %swap3A_948 = tpu.vector_load %arg18[%swap3A_946, %swap3A_947] {strides = array<i32>} : memref<128x128xf32, #tpu.memory_space<vmem>>, vector<16xf32>,
          tpu.vector_store %arg18[%swap3A_946, %swap3A_947], %mul3A_945 {strides = array<i32>} : memref<128x128xf32, #tpu.memory_space<vmem>>, vector<16xf32>,
          %get3A_949 = arith.index_cast %add3A_924 : i32 to index
          %get3A_950 = arith.constant 48 : index
          %get3A_951 = tpu.vector_load %arg18[%get3A_949, %get3A_950] {strides = array<i32>} : memref<128x128xf32, #tpu.memory_space<vmem>>, vector<16xf32>,
          %mul3A_952 = vector.broadcast %squeeze3A_920 : f32 to vector<16xf32>
          %mul3A_953 = arith.mulf %get3A_951, %mul3A_952 : vector<16xf32>
          %swap3A_954 = arith.index_cast %add3A_924 : i32 to index
          %swap3A_955 = arith.constant 48 : index
          %swap3A_956 = tpu.vector_load %arg18[%swap3A_954, %swap3A_955] {strides = array<i32>} : memref<128x128xf32, #tpu.memory_space<vmem>>, vector<16xf32>,
          tpu.vector_store %arg18[%swap3A_954, %swap3A_955], %mul3A_953 {strides = array<i32>} : memref<128x128xf32, #tpu.memory_space<vmem>>, vector<16xf32>,
          %get3A_957 = arith.index_cast %add3A_924 : i32 to index
          %get3A_958 = arith.constant 64 : index
          %get3A_959 = tpu.vector_load %arg18[%get3A_957, %get3A_958] {strides = array<i32>} : memref<128x128xf32, #tpu.memory_space<vmem>>, vector<16xf32>,
          %mul3A_960 = vector.broadcast %squeeze3A_920 : f32 to vector<16xf32>
          %mul3A_961 = arith.mulf %get3A_959, %mul3A_960 : vector<16xf32>
          %swap3A_962 = arith.index_cast %add3A_924 : i32 to index
          %swap3A_963 = arith.constant 64 : index
          %swap3A_964 = tpu.vector_load %arg18[%swap3A_962, %swap3A_963] {strides = array<i32>} : memref<128x128xf32, #tpu.memory_space<vmem>>, vector<16xf32>,
          tpu.vector_store %arg18[%swap3A_962, %swap3A_963], %mul3A_961 {strides = array<i32>} : memref<128x128xf32, #tpu.memory_space<vmem>>, vector<16xf32>,
          %get3A_965 = arith.index_cast %add3A_924 : i32 to index
          %get3A_966 = arith.constant 80 : index
          %get3A_967 = tpu.vector_load %arg18[%get3A_965, %get3A_966] {strides = array<i32>} : memref<128x128xf32, #tpu.memory_space<vmem>>, vector<16xf32>,
          %mul3A_968 = vector.broadcast %squeeze3A_920 : f32 to vector<16xf32>
          %mul3A_969 = arith.mulf %get3A_967, %mul3A_968 : vector<16xf32>
          %swap3A_970 = arith.index_cast %add3A_924 : i32 to index
          %swap3A_971 = arith.constant 80 : index
          %swap3A_972 = tpu.vector_load %arg18[%swap3A_970, %swap3A_971] {strides = array<i32>} : memref<128x128xf32, #tpu.memory_space<vmem>>, vector<16xf32>,
          tpu.vector_store %arg18[%swap3A_970, %swap3A_971], %mul3A_969 {strides = array<i32>} : memref<128x128xf32, #tpu.memory_space<vmem>>, vector<16xf32>,
          %get3A_973 = arith.index_cast %add3A_924 : i32 to index
          %get3A_974 = arith.constant 96 : index
          %get3A_975 = tpu.vector_load %arg18[%get3A_973, %get3A_974] {strides = array<i32>} : memref<128x128xf32, #tpu.memory_space<vmem>>, vector<16xf32>,
          %mul3A_976 = vector.broadcast %squeeze3A_920 : f32 to vector<16xf32>
          %mul3A_977 = arith.mulf %get3A_975, %mul3A_976 : vector<16xf32>
          %swap3A_978 = arith.index_cast %add3A_924 : i32 to index
          %swap3A_979 = arith.constant 96 : index
          %swap3A_980 = tpu.vector_load %arg18[%swap3A_978, %swap3A_979] {strides = array<i32>} : memref<128x128xf32, #tpu.memory_space<vmem>>, vector<16xf32>,
          tpu.vector_store %arg18[%swap3A_978, %swap3A_979], %mul3A_977 {strides = array<i32>} : memref<128x128xf32, #tpu.memory_space<vmem>>, vector<16xf32>,
          %get3A_981 = arith.index_cast %add3A_924 : i32 to index
          %get3A_982 = arith.constant 112 : index
          %get3A_983 = tpu.vector_load %arg18[%get3A_981, %get3A_982] {strides = array<i32>} : memref<128x128xf32, #tpu.memory_space<vmem>>, vector<16xf32>,
          %mul3A_984 = vector.broadcast %squeeze3A_920 : f32 to vector<16xf32>
          %mul3A_985 = arith.mulf %get3A_983, %mul3A_984 : vector<16xf32>
          %swap3A_986 = arith.index_cast %add3A_924 : i32 to index
          %swap3A_987 = arith.constant 112 : index
          %swap3A_988 = tpu.vector_load %arg18[%swap3A_986, %swap3A_987] {strides = array<i32>} : memref<128x128xf32, #tpu.memory_space<vmem>>, vector<16xf32>,
          tpu.vector_store %arg18[%swap3A_986, %swap3A_987], %mul3A_985 {strides = array<i32>} : memref<128x128xf32, #tpu.memory_space<vmem>>, vector<16xf32>,
          %slice3A_989 = vector.extract_strided_slice %get3A_151 {offsets = [12], sizes = [1], strides = [1]} : vector<16xf32> to vector<1xf32>
          %squeeze3A_990 = vector.extract %slice3A_989[0] : f32 from vector<1xf32>
          %mul3A_991 = arith.constant 16 : i32
          %mul3A_992 = arith.muli %add3A_145, %mul3A_991 : i32
          %add3A_993 = arith.constant 12 : i32
          %add3A_994 = arith.addi %mul3A_992, %add3A_993 : i32
          %get3A_995 = arith.index_cast %add3A_994 : i32 to index
          %get3A_996 = arith.constant 0 : index
          %get3A_997 = tpu.vector_load %arg18[%get3A_995, %get3A_996] {strides = array<i32>} : memref<128x128xf32, #tpu.memory_space<vmem>>, vector<16xf32>,
          %mul3A_998 = vector.broadcast %squeeze3A_990 : f32 to vector<16xf32>
          %mul3A_999 = arith.mulf %get3A_997, %mul3A_998 : vector<16xf32>
          %swap3A_1000 = arith.index_cast %add3A_994 : i32 to index
          %swap3A_1001 = arith.constant 0 : index
          %swap3A_1002 = tpu.vector_load %arg18[%swap3A_1000, %swap3A_1001] {strides = array<i32>} : memref<128x128xf32, #tpu.memory_space<vmem>>, vector<16xf32>,
          tpu.vector_store %arg18[%swap3A_1000, %swap3A_1001], %mul3A_999 {strides = array<i32>} : memref<128x128xf32, #tpu.memory_space<vmem>>, vector<16xf32>,
          %get3A_1003 = arith.index_cast %add3A_994 : i32 to index
          %get3A_1004 = arith.constant 16 : index
          %get3A_1005 = tpu.vector_load %arg18[%get3A_1003, %get3A_1004] {strides = array<i32>} : memref<128x128xf32, #tpu.memory_space<vmem>>, vector<16xf32>,
          %mul3A_1006 = vector.broadcast %squeeze3A_990 : f32 to vector<16xf32>
          %mul3A_1007 = arith.mulf %get3A_1005, %mul3A_1006 : vector<16xf32>
          %swap3A_1008 = arith.index_cast %add3A_994 : i32 to index
          %swap3A_1009 = arith.constant 16 : index
          %swap3A_1010 = tpu.vector_load %arg18[%swap3A_1008, %swap3A_1009] {strides = array<i32>} : memref<128x128xf32, #tpu.memory_space<vmem>>, vector<16xf32>,
          tpu.vector_store %arg18[%swap3A_1008, %swap3A_1009], %mul3A_1007 {strides = array<i32>} : memref<128x128xf32, #tpu.memory_space<vmem>>, vector<16xf32>,
          %get3A_1011 = arith.index_cast %add3A_994 : i32 to index
          %get3A_1012 = arith.constant 32 : index
          %get3A_1013 = tpu.vector_load %arg18[%get3A_1011, %get3A_1012] {strides = array<i32>} : memref<128x128xf32, #tpu.memory_space<vmem>>, vector<16xf32>,
          %mul3A_1014 = vector.broadcast %squeeze3A_990 : f32 to vector<16xf32>
          %mul3A_1015 = arith.mulf %get3A_1013, %mul3A_1014 : vector<16xf32>
          %swap3A_1016 = arith.index_cast %add3A_994 : i32 to index
          %swap3A_1017 = arith.constant 32 : index
          %swap3A_1018 = tpu.vector_load %arg18[%swap3A_1016, %swap3A_1017] {strides = array<i32>} : memref<128x128xf32, #tpu.memory_space<vmem>>, vector<16xf32>,
          tpu.vector_store %arg18[%swap3A_1016, %swap3A_1017], %mul3A_1015 {strides = array<i32>} : memref<128x128xf32, #tpu.memory_space<vmem>>, vector<16xf32>,
          %get3A_1019 = arith.index_cast %add3A_994 : i32 to index
          %get3A_1020 = arith.constant 48 : index
          %get3A_1021 = tpu.vector_load %arg18[%get3A_1019, %get3A_1020] {strides = array<i32>} : memref<128x128xf32, #tpu.memory_space<vmem>>, vector<16xf32>,
          %mul3A_1022 = vector.broadcast %squeeze3A_990 : f32 to vector<16xf32>
          %mul3A_1023 = arith.mulf %get3A_1021, %mul3A_1022 : vector<16xf32>
          %swap3A_1024 = arith.index_cast %add3A_994 : i32 to index
          %swap3A_1025 = arith.constant 48 : index
          %swap3A_1026 = tpu.vector_load %arg18[%swap3A_1024, %swap3A_1025] {strides = array<i32>} : memref<128x128xf32, #tpu.memory_space<vmem>>, vector<16xf32>,
          tpu.vector_store %arg18[%swap3A_1024, %swap3A_1025], %mul3A_1023 {strides = array<i32>} : memref<128x128xf32, #tpu.memory_space<vmem>>, vector<16xf32>,
          %get3A_1027 = arith.index_cast %add3A_994 : i32 to index
          %get3A_1028 = arith.constant 64 : index
          %get3A_1029 = tpu.vector_load %arg18[%get3A_1027, %get3A_1028] {strides = array<i32>} : memref<128x128xf32, #tpu.memory_space<vmem>>, vector<16xf32>,
          %mul3A_1030 = vector.broadcast %squeeze3A_990 : f32 to vector<16xf32>
          %mul3A_1031 = arith.mulf %get3A_1029, %mul3A_1030 : vector<16xf32>
          %swap3A_1032 = arith.index_cast %add3A_994 : i32 to index
          %swap3A_1033 = arith.constant 64 : index
          %swap3A_1034 = tpu.vector_load %arg18[%swap3A_1032, %swap3A_1033] {strides = array<i32>} : memref<128x128xf32, #tpu.memory_space<vmem>>, vector<16xf32>,
          tpu.vector_store %arg18[%swap3A_1032, %swap3A_1033], %mul3A_1031 {strides = array<i32>} : memref<128x128xf32, #tpu.memory_space<vmem>>, vector<16xf32>,
          %get3A_1035 = arith.index_cast %add3A_994 : i32 to index
          %get3A_1036 = arith.constant 80 : index
          %get3A_1037 = tpu.vector_load %arg18[%get3A_1035, %get3A_1036] {strides = array<i32>} : memref<128x128xf32, #tpu.memory_space<vmem>>, vector<16xf32>,
          %mul3A_1038 = vector.broadcast %squeeze3A_990 : f32 to vector<16xf32>
          %mul3A_1039 = arith.mulf %get3A_1037, %mul3A_1038 : vector<16xf32>
          %swap3A_1040 = arith.index_cast %add3A_994 : i32 to index
          %swap3A_1041 = arith.constant 80 : index
          %swap3A_1042 = tpu.vector_load %arg18[%swap3A_1040, %swap3A_1041] {strides = array<i32>} : memref<128x128xf32, #tpu.memory_space<vmem>>, vector<16xf32>,
          tpu.vector_store %arg18[%swap3A_1040, %swap3A_1041], %mul3A_1039 {strides = array<i32>} : memref<128x128xf32, #tpu.memory_space<vmem>>, vector<16xf32>,
          %get3A_1043 = arith.index_cast %add3A_994 : i32 to index
          %get3A_1044 = arith.constant 96 : index
          %get3A_1045 = tpu.vector_load %arg18[%get3A_1043, %get3A_1044] {strides = array<i32>} : memref<128x128xf32, #tpu.memory_space<vmem>>, vector<16xf32>,
          %mul3A_1046 = vector.broadcast %squeeze3A_990 : f32 to vector<16xf32>
          %mul3A_1047 = arith.mulf %get3A_1045, %mul3A_1046 : vector<16xf32>
          %swap3A_1048 = arith.index_cast %add3A_994 : i32 to index
          %swap3A_1049 = arith.constant 96 : index
          %swap3A_1050 = tpu.vector_load %arg18[%swap3A_1048, %swap3A_1049] {strides = array<i32>} : memref<128x128xf32, #tpu.memory_space<vmem>>, vector<16xf32>,
          tpu.vector_store %arg18[%swap3A_1048, %swap3A_1049], %mul3A_1047 {strides = array<i32>} : memref<128x128xf32, #tpu.memory_space<vmem>>, vector<16xf32>,
          %get3A_1051 = arith.index_cast %add3A_994 : i32 to index
          %get3A_1052 = arith.constant 112 : index
          %get3A_1053 = tpu.vector_load %arg18[%get3A_1051, %get3A_1052] {strides = array<i32>} : memref<128x128xf32, #tpu.memory_space<vmem>>, vector<16xf32>,
          %mul3A_1054 = vector.broadcast %squeeze3A_990 : f32 to vector<16xf32>
          %mul3A_1055 = arith.mulf %get3A_1053, %mul3A_1054 : vector<16xf32>
          %swap3A_1056 = arith.index_cast %add3A_994 : i32 to index
          %swap3A_1057 = arith.constant 112 : index
          %swap3A_1058 = tpu.vector_load %arg18[%swap3A_1056, %swap3A_1057] {strides = array<i32>} : memref<128x128xf32, #tpu.memory_space<vmem>>, vector<16xf32>,
          tpu.vector_store %arg18[%swap3A_1056, %swap3A_1057], %mul3A_1055 {strides = array<i32>} : memref<128x128xf32, #tpu.memory_space<vmem>>, vector<16xf32>,
          %slice3A_1059 = vector.extract_strided_slice %get3A_151 {offsets = [13], sizes = [1], strides = [1]} : vector<16xf32> to vector<1xf32>
          %squeeze3A_1060 = vector.extract %slice3A_1059[0] : f32 from vector<1xf32>
          %mul3A_1061 = arith.constant 16 : i32
          %mul3A_1062 = arith.muli %add3A_145, %mul3A_1061 : i32
          %add3A_1063 = arith.constant 13 : i32
          %add3A_1064 = arith.addi %mul3A_1062, %add3A_1063 : i32
          %get3A_1065 = arith.index_cast %add3A_1064 : i32 to index
          %get3A_1066 = arith.constant 0 : index
          %get3A_1067 = tpu.vector_load %arg18[%get3A_1065, %get3A_1066] {strides = array<i32>} : memref<128x128xf32, #tpu.memory_space<vmem>>, vector<16xf32>,
          %mul3A_1068 = vector.broadcast %squeeze3A_1060 : f32 to vector<16xf32>
          %mul3A_1069 = arith.mulf %get3A_1067, %mul3A_1068 : vector<16xf32>
          %swap3A_1070 = arith.index_cast %add3A_1064 : i32 to index
          %swap3A_1071 = arith.constant 0 : index
          %swap3A_1072 = tpu.vector_load %arg18[%swap3A_1070, %swap3A_1071] {strides = array<i32>} : memref<128x128xf32, #tpu.memory_space<vmem>>, vector<16xf32>,
          tpu.vector_store %arg18[%swap3A_1070, %swap3A_1071], %mul3A_1069 {strides = array<i32>} : memref<128x128xf32, #tpu.memory_space<vmem>>, vector<16xf32>,
          %get3A_1073 = arith.index_cast %add3A_1064 : i32 to index
          %get3A_1074 = arith.constant 16 : index
          %get3A_1075 = tpu.vector_load %arg18[%get3A_1073, %get3A_1074] {strides = array<i32>} : memref<128x128xf32, #tpu.memory_space<vmem>>, vector<16xf32>,
          %mul3A_1076 = vector.broadcast %squeeze3A_1060 : f32 to vector<16xf32>
          %mul3A_1077 = arith.mulf %get3A_1075, %mul3A_1076 : vector<16xf32>
          %swap3A_1078 = arith.index_cast %add3A_1064 : i32 to index
          %swap3A_1079 = arith.constant 16 : index
          %swap3A_1080 = tpu.vector_load %arg18[%swap3A_1078, %swap3A_1079] {strides = array<i32>} : memref<128x128xf32, #tpu.memory_space<vmem>>, vector<16xf32>,
          tpu.vector_store %arg18[%swap3A_1078, %swap3A_1079], %mul3A_1077 {strides = array<i32>} : memref<128x128xf32, #tpu.memory_space<vmem>>, vector<16xf32>,
          %get3A_1081 = arith.index_cast %add3A_1064 : i32 to index
          %get3A_1082 = arith.constant 32 : index
          %get3A_1083 = tpu.vector_load %arg18[%get3A_1081, %get3A_1082] {strides = array<i32>} : memref<128x128xf32, #tpu.memory_space<vmem>>, vector<16xf32>,
          %mul3A_1084 = vector.broadcast %squeeze3A_1060 : f32 to vector<16xf32>
          %mul3A_1085 = arith.mulf %get3A_1083, %mul3A_1084 : vector<16xf32>
          %swap3A_1086 = arith.index_cast %add3A_1064 : i32 to index
          %swap3A_1087 = arith.constant 32 : index
          %swap3A_1088 = tpu.vector_load %arg18[%swap3A_1086, %swap3A_1087] {strides = array<i32>} : memref<128x128xf32, #tpu.memory_space<vmem>>, vector<16xf32>,
          tpu.vector_store %arg18[%swap3A_1086, %swap3A_1087], %mul3A_1085 {strides = array<i32>} : memref<128x128xf32, #tpu.memory_space<vmem>>, vector<16xf32>,
          %get3A_1089 = arith.index_cast %add3A_1064 : i32 to index
          %get3A_1090 = arith.constant 48 : index
          %get3A_1091 = tpu.vector_load %arg18[%get3A_1089, %get3A_1090] {strides = array<i32>} : memref<128x128xf32, #tpu.memory_space<vmem>>, vector<16xf32>,
          %mul3A_1092 = vector.broadcast %squeeze3A_1060 : f32 to vector<16xf32>
          %mul3A_1093 = arith.mulf %get3A_1091, %mul3A_1092 : vector<16xf32>
          %swap3A_1094 = arith.index_cast %add3A_1064 : i32 to index
          %swap3A_1095 = arith.constant 48 : index
          %swap3A_1096 = tpu.vector_load %arg18[%swap3A_1094, %swap3A_1095] {strides = array<i32>} : memref<128x128xf32, #tpu.memory_space<vmem>>, vector<16xf32>,
          tpu.vector_store %arg18[%swap3A_1094, %swap3A_1095], %mul3A_1093 {strides = array<i32>} : memref<128x128xf32, #tpu.memory_space<vmem>>, vector<16xf32>,
          %get3A_1097 = arith.index_cast %add3A_1064 : i32 to index
          %get3A_1098 = arith.constant 64 : index
          %get3A_1099 = tpu.vector_load %arg18[%get3A_1097, %get3A_1098] {strides = array<i32>} : memref<128x128xf32, #tpu.memory_space<vmem>>, vector<16xf32>,
          %mul3A_1100 = vector.broadcast %squeeze3A_1060 : f32 to vector<16xf32>
          %mul3A_1101 = arith.mulf %get3A_1099, %mul3A_1100 : vector<16xf32>
          %swap3A_1102 = arith.index_cast %add3A_1064 : i32 to index
          %swap3A_1103 = arith.constant 64 : index
          %swap3A_1104 = tpu.vector_load %arg18[%swap3A_1102, %swap3A_1103] {strides = array<i32>} : memref<128x128xf32, #tpu.memory_space<vmem>>, vector<16xf32>,
          tpu.vector_store %arg18[%swap3A_1102, %swap3A_1103], %mul3A_1101 {strides = array<i32>} : memref<128x128xf32, #tpu.memory_space<vmem>>, vector<16xf32>,
          %get3A_1105 = arith.index_cast %add3A_1064 : i32 to index
          %get3A_1106 = arith.constant 80 : index
          %get3A_1107 = tpu.vector_load %arg18[%get3A_1105, %get3A_1106] {strides = array<i32>} : memref<128x128xf32, #tpu.memory_space<vmem>>, vector<16xf32>,
          %mul3A_1108 = vector.broadcast %squeeze3A_1060 : f32 to vector<16xf32>
          %mul3A_1109 = arith.mulf %get3A_1107, %mul3A_1108 : vector<16xf32>
          %swap3A_1110 = arith.index_cast %add3A_1064 : i32 to index
          %swap3A_1111 = arith.constant 80 : index
          %swap3A_1112 = tpu.vector_load %arg18[%swap3A_1110, %swap3A_1111] {strides = array<i32>} : memref<128x128xf32, #tpu.memory_space<vmem>>, vector<16xf32>,
          tpu.vector_store %arg18[%swap3A_1110, %swap3A_1111], %mul3A_1109 {strides = array<i32>} : memref<128x128xf32, #tpu.memory_space<vmem>>, vector<16xf32>,
          %get3A_1113 = arith.index_cast %add3A_1064 : i32 to index
          %get3A_1114 = arith.constant 96 : index
          %get3A_1115 = tpu.vector_load %arg18[%get3A_1113, %get3A_1114] {strides = array<i32>} : memref<128x128xf32, #tpu.memory_space<vmem>>, vector<16xf32>,
          %mul3A_1116 = vector.broadcast %squeeze3A_1060 : f32 to vector<16xf32>
          %mul3A_1117 = arith.mulf %get3A_1115, %mul3A_1116 : vector<16xf32>
          %swap3A_1118 = arith.index_cast %add3A_1064 : i32 to index
          %swap3A_1119 = arith.constant 96 : index
          %swap3A_1120 = tpu.vector_load %arg18[%swap3A_1118, %swap3A_1119] {strides = array<i32>} : memref<128x128xf32, #tpu.memory_space<vmem>>, vector<16xf32>,
          tpu.vector_store %arg18[%swap3A_1118, %swap3A_1119], %mul3A_1117 {strides = array<i32>} : memref<128x128xf32, #tpu.memory_space<vmem>>, vector<16xf32>,
          %get3A_1121 = arith.index_cast %add3A_1064 : i32 to index
          %get3A_1122 = arith.constant 112 : index
          %get3A_1123 = tpu.vector_load %arg18[%get3A_1121, %get3A_1122] {strides = array<i32>} : memref<128x128xf32, #tpu.memory_space<vmem>>, vector<16xf32>,
          %mul3A_1124 = vector.broadcast %squeeze3A_1060 : f32 to vector<16xf32>
          %mul3A_1125 = arith.mulf %get3A_1123, %mul3A_1124 : vector<16xf32>
          %swap3A_1126 = arith.index_cast %add3A_1064 : i32 to index
          %swap3A_1127 = arith.constant 112 : index
          %swap3A_1128 = tpu.vector_load %arg18[%swap3A_1126, %swap3A_1127] {strides = array<i32>} : memref<128x128xf32, #tpu.memory_space<vmem>>, vector<16xf32>,
          tpu.vector_store %arg18[%swap3A_1126, %swap3A_1127], %mul3A_1125 {strides = array<i32>} : memref<128x128xf32, #tpu.memory_space<vmem>>, vector<16xf32>,
          %slice3A_1129 = vector.extract_strided_slice %get3A_151 {offsets = [14], sizes = [1], strides = [1]} : vector<16xf32> to vector<1xf32>
          %squeeze3A_1130 = vector.extract %slice3A_1129[0] : f32 from vector<1xf32>
          %mul3A_1131 = arith.constant 16 : i32
          %mul3A_1132 = arith.muli %add3A_145, %mul3A_1131 : i32
          %add3A_1133 = arith.constant 14 : i32
          %add3A_1134 = arith.addi %mul3A_1132, %add3A_1133 : i32
          %get3A_1135 = arith.index_cast %add3A_1134 : i32 to index
          %get3A_1136 = arith.constant 0 : index
          %get3A_1137 = tpu.vector_load %arg18[%get3A_1135, %get3A_1136] {strides = array<i32>} : memref<128x128xf32, #tpu.memory_space<vmem>>, vector<16xf32>,
          %mul3A_1138 = vector.broadcast %squeeze3A_1130 : f32 to vector<16xf32>
          %mul3A_1139 = arith.mulf %get3A_1137, %mul3A_1138 : vector<16xf32>
          %swap3A_1140 = arith.index_cast %add3A_1134 : i32 to index
          %swap3A_1141 = arith.constant 0 : index
          %swap3A_1142 = tpu.vector_load %arg18[%swap3A_1140, %swap3A_1141] {strides = array<i32>} : memref<128x128xf32, #tpu.memory_space<vmem>>, vector<16xf32>,
          tpu.vector_store %arg18[%swap3A_1140, %swap3A_1141], %mul3A_1139 {strides = array<i32>} : memref<128x128xf32, #tpu.memory_space<vmem>>, vector<16xf32>,
          %get3A_1143 = arith.index_cast %add3A_1134 : i32 to index
          %get3A_1144 = arith.constant 16 : index
          %get3A_1145 = tpu.vector_load %arg18[%get3A_1143, %get3A_1144] {strides = array<i32>} : memref<128x128xf32, #tpu.memory_space<vmem>>, vector<16xf32>,
          %mul3A_1146 = vector.broadcast %squeeze3A_1130 : f32 to vector<16xf32>
          %mul3A_1147 = arith.mulf %get3A_1145, %mul3A_1146 : vector<16xf32>
          %swap3A_1148 = arith.index_cast %add3A_1134 : i32 to index
          %swap3A_1149 = arith.constant 16 : index
          %swap3A_1150 = tpu.vector_load %arg18[%swap3A_1148, %swap3A_1149] {strides = array<i32>} : memref<128x128xf32, #tpu.memory_space<vmem>>, vector<16xf32>,
          tpu.vector_store %arg18[%swap3A_1148, %swap3A_1149], %mul3A_1147 {strides = array<i32>} : memref<128x128xf32, #tpu.memory_space<vmem>>, vector<16xf32>,
          %get3A_1151 = arith.index_cast %add3A_1134 : i32 to index
          %get3A_1152 = arith.constant 32 : index
          %get3A_1153 = tpu.vector_load %arg18[%get3A_1151, %get3A_1152] {strides = array<i32>} : memref<128x128xf32, #tpu.memory_space<vmem>>, vector<16xf32>,
          %mul3A_1154 = vector.broadcast %squeeze3A_1130 : f32 to vector<16xf32>
          %mul3A_1155 = arith.mulf %get3A_1153, %mul3A_1154 : vector<16xf32>
          %swap3A_1156 = arith.index_cast %add3A_1134 : i32 to index
          %swap3A_1157 = arith.constant 32 : index
          %swap3A_1158 = tpu.vector_load %arg18[%swap3A_1156, %swap3A_1157] {strides = array<i32>} : memref<128x128xf32, #tpu.memory_space<vmem>>, vector<16xf32>,
          tpu.vector_store %arg18[%swap3A_1156, %swap3A_1157], %mul3A_1155 {strides = array<i32>} : memref<128x128xf32, #tpu.memory_space<vmem>>, vector<16xf32>,
          %get3A_1159 = arith.index_cast %add3A_1134 : i32 to index
          %get3A_1160 = arith.constant 48 : index
          %get3A_1161 = tpu.vector_load %arg18[%get3A_1159, %get3A_1160] {strides = array<i32>} : memref<128x128xf32, #tpu.memory_space<vmem>>, vector<16xf32>,
          %mul3A_1162 = vector.broadcast %squeeze3A_1130 : f32 to vector<16xf32>
          %mul3A_1163 = arith.mulf %get3A_1161, %mul3A_1162 : vector<16xf32>
          %swap3A_1164 = arith.index_cast %add3A_1134 : i32 to index
          %swap3A_1165 = arith.constant 48 : index
          %swap3A_1166 = tpu.vector_load %arg18[%swap3A_1164, %swap3A_1165] {strides = array<i32>} : memref<128x128xf32, #tpu.memory_space<vmem>>, vector<16xf32>,
          tpu.vector_store %arg18[%swap3A_1164, %swap3A_1165], %mul3A_1163 {strides = array<i32>} : memref<128x128xf32, #tpu.memory_space<vmem>>, vector<16xf32>,
          %get3A_1167 = arith.index_cast %add3A_1134 : i32 to index
          %get3A_1168 = arith.constant 64 : index
          %get3A_1169 = tpu.vector_load %arg18[%get3A_1167, %get3A_1168] {strides = array<i32>} : memref<128x128xf32, #tpu.memory_space<vmem>>, vector<16xf32>,
          %mul3A_1170 = vector.broadcast %squeeze3A_1130 : f32 to vector<16xf32>
          %mul3A_1171 = arith.mulf %get3A_1169, %mul3A_1170 : vector<16xf32>
          %swap3A_1172 = arith.index_cast %add3A_1134 : i32 to index
          %swap3A_1173 = arith.constant 64 : index
          %swap3A_1174 = tpu.vector_load %arg18[%swap3A_1172, %swap3A_1173] {strides = array<i32>} : memref<128x128xf32, #tpu.memory_space<vmem>>, vector<16xf32>,
          tpu.vector_store %arg18[%swap3A_1172, %swap3A_1173], %mul3A_1171 {strides = array<i32>} : memref<128x128xf32, #tpu.memory_space<vmem>>, vector<16xf32>,
          %get3A_1175 = arith.index_cast %add3A_1134 : i32 to index
          %get3A_1176 = arith.constant 80 : index
          %get3A_1177 = tpu.vector_load %arg18[%get3A_1175, %get3A_1176] {strides = array<i32>} : memref<128x128xf32, #tpu.memory_space<vmem>>, vector<16xf32>,
          %mul3A_1178 = vector.broadcast %squeeze3A_1130 : f32 to vector<16xf32>
          %mul3A_1179 = arith.mulf %get3A_1177, %mul3A_1178 : vector<16xf32>
          %swap3A_1180 = arith.index_cast %add3A_1134 : i32 to index
          %swap3A_1181 = arith.constant 80 : index
          %swap3A_1182 = tpu.vector_load %arg18[%swap3A_1180, %swap3A_1181] {strides = array<i32>} : memref<128x128xf32, #tpu.memory_space<vmem>>, vector<16xf32>,
          tpu.vector_store %arg18[%swap3A_1180, %swap3A_1181], %mul3A_1179 {strides = array<i32>} : memref<128x128xf32, #tpu.memory_space<vmem>>, vector<16xf32>,
          %get3A_1183 = arith.index_cast %add3A_1134 : i32 to index
          %get3A_1184 = arith.constant 96 : index
          %get3A_1185 = tpu.vector_load %arg18[%get3A_1183, %get3A_1184] {strides = array<i32>} : memref<128x128xf32, #tpu.memory_space<vmem>>, vector<16xf32>,
          %mul3A_1186 = vector.broadcast %squeeze3A_1130 : f32 to vector<16xf32>
          %mul3A_1187 = arith.mulf %get3A_1185, %mul3A_1186 : vector<16xf32>
          %swap3A_1188 = arith.index_cast %add3A_1134 : i32 to index
          %swap3A_1189 = arith.constant 96 : index
          %swap3A_1190 = tpu.vector_load %arg18[%swap3A_1188, %swap3A_1189] {strides = array<i32>} : memref<128x128xf32, #tpu.memory_space<vmem>>, vector<16xf32>,
          tpu.vector_store %arg18[%swap3A_1188, %swap3A_1189], %mul3A_1187 {strides = array<i32>} : memref<128x128xf32, #tpu.memory_space<vmem>>, vector<16xf32>,
          %get3A_1191 = arith.index_cast %add3A_1134 : i32 to index
          %get3A_1192 = arith.constant 112 : index
          %get3A_1193 = tpu.vector_load %arg18[%get3A_1191, %get3A_1192] {strides = array<i32>} : memref<128x128xf32, #tpu.memory_space<vmem>>, vector<16xf32>,
          %mul3A_1194 = vector.broadcast %squeeze3A_1130 : f32 to vector<16xf32>
          %mul3A_1195 = arith.mulf %get3A_1193, %mul3A_1194 : vector<16xf32>
          %swap3A_1196 = arith.index_cast %add3A_1134 : i32 to index
          %swap3A_1197 = arith.constant 112 : index
          %swap3A_1198 = tpu.vector_load %arg18[%swap3A_1196, %swap3A_1197] {strides = array<i32>} : memref<128x128xf32, #tpu.memory_space<vmem>>, vector<16xf32>,
          tpu.vector_store %arg18[%swap3A_1196, %swap3A_1197], %mul3A_1195 {strides = array<i32>} : memref<128x128xf32, #tpu.memory_space<vmem>>, vector<16xf32>,
          %slice3A_1199 = vector.extract_strided_slice %get3A_151 {offsets = [15], sizes = [1], strides = [1]} : vector<16xf32> to vector<1xf32>
          %squeeze3A_1200 = vector.extract %slice3A_1199[0] : f32 from vector<1xf32>
          %mul3A_1201 = arith.constant 16 : i32
          %mul3A_1202 = arith.muli %add3A_145, %mul3A_1201 : i32
          %add3A_1203 = arith.constant 15 : i32
          %add3A_1204 = arith.addi %mul3A_1202, %add3A_1203 : i32
          %get3A_1205 = arith.index_cast %add3A_1204 : i32 to index
          %get3A_1206 = arith.constant 0 : index
          %get3A_1207 = tpu.vector_load %arg18[%get3A_1205, %get3A_1206] {strides = array<i32>} : memref<128x128xf32, #tpu.memory_space<vmem>>, vector<16xf32>,
          %mul3A_1208 = vector.broadcast %squeeze3A_1200 : f32 to vector<16xf32>
          %mul3A_1209 = arith.mulf %get3A_1207, %mul3A_1208 : vector<16xf32>
          %swap3A_1210 = arith.index_cast %add3A_1204 : i32 to index
          %swap3A_1211 = arith.constant 0 : index
          %swap3A_1212 = tpu.vector_load %arg18[%swap3A_1210, %swap3A_1211] {strides = array<i32>} : memref<128x128xf32, #tpu.memory_space<vmem>>, vector<16xf32>,
          tpu.vector_store %arg18[%swap3A_1210, %swap3A_1211], %mul3A_1209 {strides = array<i32>} : memref<128x128xf32, #tpu.memory_space<vmem>>, vector<16xf32>,
          %get3A_1213 = arith.index_cast %add3A_1204 : i32 to index
          %get3A_1214 = arith.constant 16 : index
          %get3A_1215 = tpu.vector_load %arg18[%get3A_1213, %get3A_1214] {strides = array<i32>} : memref<128x128xf32, #tpu.memory_space<vmem>>, vector<16xf32>,
          %mul3A_1216 = vector.broadcast %squeeze3A_1200 : f32 to vector<16xf32>
          %mul3A_1217 = arith.mulf %get3A_1215, %mul3A_1216 : vector<16xf32>
          %swap3A_1218 = arith.index_cast %add3A_1204 : i32 to index
          %swap3A_1219 = arith.constant 16 : index
          %swap3A_1220 = tpu.vector_load %arg18[%swap3A_1218, %swap3A_1219] {strides = array<i32>} : memref<128x128xf32, #tpu.memory_space<vmem>>, vector<16xf32>,
          tpu.vector_store %arg18[%swap3A_1218, %swap3A_1219], %mul3A_1217 {strides = array<i32>} : memref<128x128xf32, #tpu.memory_space<vmem>>, vector<16xf32>,
          %get3A_1221 = arith.index_cast %add3A_1204 : i32 to index
          %get3A_1222 = arith.constant 32 : index
          %get3A_1223 = tpu.vector_load %arg18[%get3A_1221, %get3A_1222] {strides = array<i32>} : memref<128x128xf32, #tpu.memory_space<vmem>>, vector<16xf32>,
          %mul3A_1224 = vector.broadcast %squeeze3A_1200 : f32 to vector<16xf32>
          %mul3A_1225 = arith.mulf %get3A_1223, %mul3A_1224 : vector<16xf32>
          %swap3A_1226 = arith.index_cast %add3A_1204 : i32 to index
          %swap3A_1227 = arith.constant 32 : index
          %swap3A_1228 = tpu.vector_load %arg18[%swap3A_1226, %swap3A_1227] {strides = array<i32>} : memref<128x128xf32, #tpu.memory_space<vmem>>, vector<16xf32>,
          tpu.vector_store %arg18[%swap3A_1226, %swap3A_1227], %mul3A_1225 {strides = array<i32>} : memref<128x128xf32, #tpu.memory_space<vmem>>, vector<16xf32>,
          %get3A_1229 = arith.index_cast %add3A_1204 : i32 to index
          %get3A_1230 = arith.constant 48 : index
          %get3A_1231 = tpu.vector_load %arg18[%get3A_1229, %get3A_1230] {strides = array<i32>} : memref<128x128xf32, #tpu.memory_space<vmem>>, vector<16xf32>,
          %mul3A_1232 = vector.broadcast %squeeze3A_1200 : f32 to vector<16xf32>
          %mul3A_1233 = arith.mulf %get3A_1231, %mul3A_1232 : vector<16xf32>
          %swap3A_1234 = arith.index_cast %add3A_1204 : i32 to index
          %swap3A_1235 = arith.constant 48 : index
          %swap3A_1236 = tpu.vector_load %arg18[%swap3A_1234, %swap3A_1235] {strides = array<i32>} : memref<128x128xf32, #tpu.memory_space<vmem>>, vector<16xf32>,
          tpu.vector_store %arg18[%swap3A_1234, %swap3A_1235], %mul3A_1233 {strides = array<i32>} : memref<128x128xf32, #tpu.memory_space<vmem>>, vector<16xf32>,
          %get3A_1237 = arith.index_cast %add3A_1204 : i32 to index
          %get3A_1238 = arith.constant 64 : index
          %get3A_1239 = tpu.vector_load %arg18[%get3A_1237, %get3A_1238] {strides = array<i32>} : memref<128x128xf32, #tpu.memory_space<vmem>>, vector<16xf32>,
          %mul3A_1240 = vector.broadcast %squeeze3A_1200 : f32 to vector<16xf32>
          %mul3A_1241 = arith.mulf %get3A_1239, %mul3A_1240 : vector<16xf32>
          %swap3A_1242 = arith.index_cast %add3A_1204 : i32 to index
          %swap3A_1243 = arith.constant 64 : index
          %swap3A_1244 = tpu.vector_load %arg18[%swap3A_1242, %swap3A_1243] {strides = array<i32>} : memref<128x128xf32, #tpu.memory_space<vmem>>, vector<16xf32>,
          tpu.vector_store %arg18[%swap3A_1242, %swap3A_1243], %mul3A_1241 {strides = array<i32>} : memref<128x128xf32, #tpu.memory_space<vmem>>, vector<16xf32>,
          %get3A_1245 = arith.index_cast %add3A_1204 : i32 to index
          %get3A_1246 = arith.constant 80 : index
          %get3A_1247 = tpu.vector_load %arg18[%get3A_1245, %get3A_1246] {strides = array<i32>} : memref<128x128xf32, #tpu.memory_space<vmem>>, vector<16xf32>,
          %mul3A_1248 = vector.broadcast %squeeze3A_1200 : f32 to vector<16xf32>
          %mul3A_1249 = arith.mulf %get3A_1247, %mul3A_1248 : vector<16xf32>
          %swap3A_1250 = arith.index_cast %add3A_1204 : i32 to index
          %swap3A_1251 = arith.constant 80 : index
          %swap3A_1252 = tpu.vector_load %arg18[%swap3A_1250, %swap3A_1251] {strides = array<i32>} : memref<128x128xf32, #tpu.memory_space<vmem>>, vector<16xf32>,
          tpu.vector_store %arg18[%swap3A_1250, %swap3A_1251], %mul3A_1249 {strides = array<i32>} : memref<128x128xf32, #tpu.memory_space<vmem>>, vector<16xf32>,
          %get3A_1253 = arith.index_cast %add3A_1204 : i32 to index
          %get3A_1254 = arith.constant 96 : index
          %get3A_1255 = tpu.vector_load %arg18[%get3A_1253, %get3A_1254] {strides = array<i32>} : memref<128x128xf32, #tpu.memory_space<vmem>>, vector<16xf32>,
          %mul3A_1256 = vector.broadcast %squeeze3A_1200 : f32 to vector<16xf32>
          %mul3A_1257 = arith.mulf %get3A_1255, %mul3A_1256 : vector<16xf32>
          %swap3A_1258 = arith.index_cast %add3A_1204 : i32 to index
          %swap3A_1259 = arith.constant 96 : index
          %swap3A_1260 = tpu.vector_load %arg18[%swap3A_1258, %swap3A_1259] {strides = array<i32>} : memref<128x128xf32, #tpu.memory_space<vmem>>, vector<16xf32>,
          tpu.vector_store %arg18[%swap3A_1258, %swap3A_1259], %mul3A_1257 {strides = array<i32>} : memref<128x128xf32, #tpu.memory_space<vmem>>, vector<16xf32>,
          %get3A_1261 = arith.index_cast %add3A_1204 : i32 to index
          %get3A_1262 = arith.constant 112 : index
          %get3A_1263 = tpu.vector_load %arg18[%get3A_1261, %get3A_1262] {strides = array<i32>} : memref<128x128xf32, #tpu.memory_space<vmem>>, vector<16xf32>,
          %mul3A_1264 = vector.broadcast %squeeze3A_1200 : f32 to vector<16xf32>
          %mul3A_1265 = arith.mulf %get3A_1263, %mul3A_1264 : vector<16xf32>
          %swap3A_1266 = arith.index_cast %add3A_1204 : i32 to index
          %swap3A_1267 = arith.constant 112 : index
          %swap3A_1268 = tpu.vector_load %arg18[%swap3A_1266, %swap3A_1267] {strides = array<i32>} : memref<128x128xf32, #tpu.memory_space<vmem>>, vector<16xf32>,
          tpu.vector_store %arg18[%swap3A_1266, %swap3A_1267], %mul3A_1265 {strides = array<i32>} : memref<128x128xf32, #tpu.memory_space<vmem>>, vector<16xf32>,
        }
        %scan3A_107 = arith.constant 8 : i32
        %dma_start3A_108 = arith.constant 0 : i32
        %dma_start3A_109 = tpu.memref_slice %arg17[%mul3A_85, %dma_start3A_108] : memref<8x128xi32, #tpu.memory_space<vmem>> -> memref<1x128xi32, #tpu.memory_space<vmem>>
        %dma_start3A_110 = tpu.memref_squeeze %dma_start3A_109 : memref<1x128xi32, #tpu.memory_space<vmem>> -> memref<128xi32, #tpu.memory_space<vmem>>
        %dma_start3A_111 = arith.constant 0 : i32
        %dma_start3A_112 = arith.constant 0 : i32
        %dma_start3A_113 = tpu.memref_slice %arg20[%dma_start3A_111, %dma_start3A_112] : memref<10240x128xf32, #tpu.memory_space<vmem_shared>> -> memref<10240x128xf32, #tpu.memory_space<vmem_shared>>
        tpu.enqueue_indirect_dma source(%arg18 : memref<128x128xf32, #tpu.memory_space<vmem>>) target(%dma_start3A_113 : memref<10240x128xf32, #tpu.memory_space<vmem_shared>>) offsets(%dma_start3A_110 : memref<128xi32, #tpu.memory_space<vmem>>) semaphore(%arg28 : memref<!tpu.dma_semaphore, #tpu.memory_space<semaphore_mem>>) {add = true}
        %dma_wait3A_114 = arith.constant 0 : i32
        %dma_wait3A_115 = tpu.memref_slice %arg11[%dma_wait3A_114] : memref<1024xi32, #tpu.memory_space<vmem>> -> memref<128xi32, #tpu.memory_space<vmem>>
        %dma_wait3A_116 = arith.constant 0 : i32
        %dma_wait3A_117 = arith.constant 0 : i32
        %dma_wait3A_118 = tpu.memref_slice %arg2[%dma_wait3A_116, %dma_wait3A_117] : memref<10000x128xf32, #tpu.memory_space<hbm>> -> memref<10000x128xf32, #tpu.memory_space<hbm>>
        tpu.wait_indirect_dma semaphore(%arg27 : memref<!tpu.dma_semaphore, #tpu.memory_space<semaphore_mem>>) src(%dma_wait3A_118 : memref<10000x128xf32, #tpu.memory_space<hbm>>) dst(%arg19 : memref<128x128xf32, #tpu.memory_space<vmem>>)
        %dma_wait3A_119 = arith.constant 0 : i32
        %dma_wait3A_120 = arith.constant 0 : i32
        %dma_wait3A_121 = tpu.memref_slice %arg17[%dma_wait3A_119, %dma_wait3A_120] : memref<8x128xi32, #tpu.memory_space<vmem>> -> memref<1x128xi32, #tpu.memory_space<vmem>>
        %dma_wait3A_122 = tpu.memref_squeeze %dma_wait3A_121 : memref<1x128xi32, #tpu.memory_space<vmem>> -> memref<128xi32, #tpu.memory_space<vmem>>
        %dma_wait3A_123 = arith.constant 0 : i32
        %dma_wait3A_124 = arith.constant 0 : i32
        %dma_wait3A_125 = tpu.memref_slice %arg20[%dma_wait3A_123, %dma_wait3A_124] : memref<10240x128xf32, #tpu.memory_space<vmem_shared>> -> memref<10240x128xf32, #tpu.memory_space<vmem_shared>>
        tpu.wait_indirect_dma semaphore(%arg28 : memref<!tpu.dma_semaphore, #tpu.memory_space<semaphore_mem>>) src(%arg18 : memref<128x128xf32, #tpu.memory_space<vmem>>) dst(%dma_wait3A_125 : memref<10240x128xf32, #tpu.memory_space<vmem_shared>>)
        %lt3A = arith.constant 3 : i32
        %lt3A_126 = arith.cmpi slt, %add3A_83, %lt3A : i32
        %convert_element_type3A_127 = arith.extui %lt3A_126 : i1 to i32
        %cond3A_128 = arith.constant 0 : i32
        %cond3A_129 = arith.cmpi ne, %convert_element_type3A_127, %cond3A_128 : i32
        scf.if %cond3A_129 {
          %add3A_141 = arith.constant 2 : i32
          %add3A_142 = arith.addi %mul3A_85, %add3A_141 : i32
          %mul3A_143 = arith.constant 128 : i32
          %mul3A_144 = arith.muli %add3A_142, %mul3A_143 : i32
          %dma_start3A_145 = tpu.memref_slice %arg11[%mul3A_144] : memref<1024xi32, #tpu.memory_space<vmem>> -> memref<128xi32, #tpu.memory_space<vmem>>
          %dma_start3A_146 = arith.constant 0 : i32
          %dma_start3A_147 = arith.constant 0 : i32
          %dma_start3A_148 = tpu.memref_slice %arg2[%dma_start3A_146, %dma_start3A_147] : memref<10000x128xf32, #tpu.memory_space<hbm>> -> memref<10000x128xf32, #tpu.memory_space<hbm>>
          tpu.enqueue_indirect_dma source(%dma_start3A_148 : memref<10000x128xf32, #tpu.memory_space<hbm>>) target(%arg18 : memref<128x128xf32, #tpu.memory_space<vmem>>) offsets(%dma_start3A_145 : memref<128xi32, #tpu.memory_space<vmem>>) semaphore(%arg26 : memref<!tpu.dma_semaphore, #tpu.memory_space<semaphore_mem>>)
        } else {
        }
        %scan3A_130 = arith.constant 0 : i32
        %scan3A_131 = arith.constant 8 : i32
        %scan3A_132 = arith.addi %scan3A_130, %scan3A_131 : i32
        %scan3A_133 = arith.constant 1 : i32
        scf.for %scan3A_141 = %scan3A_130 to %scan3A_132 step %scan3A_133  : i32 {
          %mul3A_142 = arith.constant 1 : i32
          %mul3A_143 = arith.muli %scan3A_141, %mul3A_142 : i32
          %add3A_144 = arith.constant 0 : i32
          %add3A_145 = arith.addi %add3A_144, %mul3A_143 : i32
          %mul3A_146 = arith.constant 128 : i32
          %mul3A_147 = arith.muli %add3A_89, %mul3A_146 : i32
          %mul3A_148 = arith.constant 16 : i32
          %mul3A_149 = arith.muli %add3A_145, %mul3A_148 : i32
          %add3A_150 = arith.addi %mul3A_147, %mul3A_149 : i32
          %get3A = arith.index_cast %add3A_150 : i32 to index
          %get3A_151 = tpu.vector_load %arg16[%get3A] {strides = array<i32>} : memref<1024xf32, #tpu.memory_space<vmem>>, vector<16xf32>,
          %slice3A = vector.extract_strided_slice %get3A_151 {offsets = [0], sizes = [1], strides = [1]} : vector<16xf32> to vector<1xf32>
          %squeeze3A = vector.extract %slice3A[0] : f32 from vector<1xf32>
          %mul3A_152 = arith.constant 16 : i32
          %mul3A_153 = arith.muli %add3A_145, %mul3A_152 : i32
          %add3A_154 = arith.constant 0 : i32
          %add3A_155 = arith.addi %mul3A_153, %add3A_154 : i32
          %get3A_156 = arith.index_cast %add3A_155 : i32 to index
          %get3A_157 = arith.constant 0 : index
          %get3A_158 = tpu.vector_load %arg19[%get3A_156, %get3A_157] {strides = array<i32>} : memref<128x128xf32, #tpu.memory_space<vmem>>, vector<16xf32>,
          %mul3A_159 = vector.broadcast %squeeze3A : f32 to vector<16xf32>
          %mul3A_160 = arith.mulf %get3A_158, %mul3A_159 : vector<16xf32>
          %swap3A = arith.index_cast %add3A_155 : i32 to index
          %swap3A_161 = arith.constant 0 : index
          %swap3A_162 = tpu.vector_load %arg19[%swap3A, %swap3A_161] {strides = array<i32>} : memref<128x128xf32, #tpu.memory_space<vmem>>, vector<16xf32>,
          tpu.vector_store %arg19[%swap3A, %swap3A_161], %mul3A_160 {strides = array<i32>} : memref<128x128xf32, #tpu.memory_space<vmem>>, vector<16xf32>,
          %get3A_163 = arith.index_cast %add3A_155 : i32 to index
          %get3A_164 = arith.constant 16 : index
          %get3A_165 = tpu.vector_load %arg19[%get3A_163, %get3A_164] {strides = array<i32>} : memref<128x128xf32, #tpu.memory_space<vmem>>, vector<16xf32>,
          %mul3A_166 = vector.broadcast %squeeze3A : f32 to vector<16xf32>
          %mul3A_167 = arith.mulf %get3A_165, %mul3A_166 : vector<16xf32>
          %swap3A_168 = arith.index_cast %add3A_155 : i32 to index
          %swap3A_169 = arith.constant 16 : index
          %swap3A_170 = tpu.vector_load %arg19[%swap3A_168, %swap3A_169] {strides = array<i32>} : memref<128x128xf32, #tpu.memory_space<vmem>>, vector<16xf32>,
          tpu.vector_store %arg19[%swap3A_168, %swap3A_169], %mul3A_167 {strides = array<i32>} : memref<128x128xf32, #tpu.memory_space<vmem>>, vector<16xf32>,
          %get3A_171 = arith.index_cast %add3A_155 : i32 to index
          %get3A_172 = arith.constant 32 : index
          %get3A_173 = tpu.vector_load %arg19[%get3A_171, %get3A_172] {strides = array<i32>} : memref<128x128xf32, #tpu.memory_space<vmem>>, vector<16xf32>,
          %mul3A_174 = vector.broadcast %squeeze3A : f32 to vector<16xf32>
          %mul3A_175 = arith.mulf %get3A_173, %mul3A_174 : vector<16xf32>
          %swap3A_176 = arith.index_cast %add3A_155 : i32 to index
          %swap3A_177 = arith.constant 32 : index
          %swap3A_178 = tpu.vector_load %arg19[%swap3A_176, %swap3A_177] {strides = array<i32>} : memref<128x128xf32, #tpu.memory_space<vmem>>, vector<16xf32>,
          tpu.vector_store %arg19[%swap3A_176, %swap3A_177], %mul3A_175 {strides = array<i32>} : memref<128x128xf32, #tpu.memory_space<vmem>>, vector<16xf32>,
          %get3A_179 = arith.index_cast %add3A_155 : i32 to index
          %get3A_180 = arith.constant 48 : index
          %get3A_181 = tpu.vector_load %arg19[%get3A_179, %get3A_180] {strides = array<i32>} : memref<128x128xf32, #tpu.memory_space<vmem>>, vector<16xf32>,
          %mul3A_182 = vector.broadcast %squeeze3A : f32 to vector<16xf32>
          %mul3A_183 = arith.mulf %get3A_181, %mul3A_182 : vector<16xf32>
          %swap3A_184 = arith.index_cast %add3A_155 : i32 to index
          %swap3A_185 = arith.constant 48 : index
          %swap3A_186 = tpu.vector_load %arg19[%swap3A_184, %swap3A_185] {strides = array<i32>} : memref<128x128xf32, #tpu.memory_space<vmem>>, vector<16xf32>,
          tpu.vector_store %arg19[%swap3A_184, %swap3A_185], %mul3A_183 {strides = array<i32>} : memref<128x128xf32, #tpu.memory_space<vmem>>, vector<16xf32>,
          %get3A_187 = arith.index_cast %add3A_155 : i32 to index
          %get3A_188 = arith.constant 64 : index
          %get3A_189 = tpu.vector_load %arg19[%get3A_187, %get3A_188] {strides = array<i32>} : memref<128x128xf32, #tpu.memory_space<vmem>>, vector<16xf32>,
          %mul3A_190 = vector.broadcast %squeeze3A : f32 to vector<16xf32>
          %mul3A_191 = arith.mulf %get3A_189, %mul3A_190 : vector<16xf32>
          %swap3A_192 = arith.index_cast %add3A_155 : i32 to index
          %swap3A_193 = arith.constant 64 : index
          %swap3A_194 = tpu.vector_load %arg19[%swap3A_192, %swap3A_193] {strides = array<i32>} : memref<128x128xf32, #tpu.memory_space<vmem>>, vector<16xf32>,
          tpu.vector_store %arg19[%swap3A_192, %swap3A_193], %mul3A_191 {strides = array<i32>} : memref<128x128xf32, #tpu.memory_space<vmem>>, vector<16xf32>,
          %get3A_195 = arith.index_cast %add3A_155 : i32 to index
          %get3A_196 = arith.constant 80 : index
          %get3A_197 = tpu.vector_load %arg19[%get3A_195, %get3A_196] {strides = array<i32>} : memref<128x128xf32, #tpu.memory_space<vmem>>, vector<16xf32>,
          %mul3A_198 = vector.broadcast %squeeze3A : f32 to vector<16xf32>
          %mul3A_199 = arith.mulf %get3A_197, %mul3A_198 : vector<16xf32>
          %swap3A_200 = arith.index_cast %add3A_155 : i32 to index
          %swap3A_201 = arith.constant 80 : index
          %swap3A_202 = tpu.vector_load %arg19[%swap3A_200, %swap3A_201] {strides = array<i32>} : memref<128x128xf32, #tpu.memory_space<vmem>>, vector<16xf32>,
          tpu.vector_store %arg19[%swap3A_200, %swap3A_201], %mul3A_199 {strides = array<i32>} : memref<128x128xf32, #tpu.memory_space<vmem>>, vector<16xf32>,
          %get3A_203 = arith.index_cast %add3A_155 : i32 to index
          %get3A_204 = arith.constant 96 : index
          %get3A_205 = tpu.vector_load %arg19[%get3A_203, %get3A_204] {strides = array<i32>} : memref<128x128xf32, #tpu.memory_space<vmem>>, vector<16xf32>,
          %mul3A_206 = vector.broadcast %squeeze3A : f32 to vector<16xf32>
          %mul3A_207 = arith.mulf %get3A_205, %mul3A_206 : vector<16xf32>
          %swap3A_208 = arith.index_cast %add3A_155 : i32 to index
          %swap3A_209 = arith.constant 96 : index
          %swap3A_210 = tpu.vector_load %arg19[%swap3A_208, %swap3A_209] {strides = array<i32>} : memref<128x128xf32, #tpu.memory_space<vmem>>, vector<16xf32>,
          tpu.vector_store %arg19[%swap3A_208, %swap3A_209], %mul3A_207 {strides = array<i32>} : memref<128x128xf32, #tpu.memory_space<vmem>>, vector<16xf32>,
          %get3A_211 = arith.index_cast %add3A_155 : i32 to index
          %get3A_212 = arith.constant 112 : index
          %get3A_213 = tpu.vector_load %arg19[%get3A_211, %get3A_212] {strides = array<i32>} : memref<128x128xf32, #tpu.memory_space<vmem>>, vector<16xf32>,
          %mul3A_214 = vector.broadcast %squeeze3A : f32 to vector<16xf32>
          %mul3A_215 = arith.mulf %get3A_213, %mul3A_214 : vector<16xf32>
          %swap3A_216 = arith.index_cast %add3A_155 : i32 to index
          %swap3A_217 = arith.constant 112 : index
          %swap3A_218 = tpu.vector_load %arg19[%swap3A_216, %swap3A_217] {strides = array<i32>} : memref<128x128xf32, #tpu.memory_space<vmem>>, vector<16xf32>,
          tpu.vector_store %arg19[%swap3A_216, %swap3A_217], %mul3A_215 {strides = array<i32>} : memref<128x128xf32, #tpu.memory_space<vmem>>, vector<16xf32>,
          %slice3A_219 = vector.extract_strided_slice %get3A_151 {offsets = [1], sizes = [1], strides = [1]} : vector<16xf32> to vector<1xf32>
          %squeeze3A_220 = vector.extract %slice3A_219[0] : f32 from vector<1xf32>
          %mul3A_221 = arith.constant 16 : i32
          %mul3A_222 = arith.muli %add3A_145, %mul3A_221 : i32
          %add3A_223 = arith.constant 1 : i32
          %add3A_224 = arith.addi %mul3A_222, %add3A_223 : i32
          %get3A_225 = arith.index_cast %add3A_224 : i32 to index
          %get3A_226 = arith.constant 0 : index
          %get3A_227 = tpu.vector_load %arg19[%get3A_225, %get3A_226] {strides = array<i32>} : memref<128x128xf32, #tpu.memory_space<vmem>>, vector<16xf32>,
          %mul3A_228 = vector.broadcast %squeeze3A_220 : f32 to vector<16xf32>
          %mul3A_229 = arith.mulf %get3A_227, %mul3A_228 : vector<16xf32>
          %swap3A_230 = arith.index_cast %add3A_224 : i32 to index
          %swap3A_231 = arith.constant 0 : index
          %swap3A_232 = tpu.vector_load %arg19[%swap3A_230, %swap3A_231] {strides = array<i32>} : memref<128x128xf32, #tpu.memory_space<vmem>>, vector<16xf32>,
          tpu.vector_store %arg19[%swap3A_230, %swap3A_231], %mul3A_229 {strides = array<i32>} : memref<128x128xf32, #tpu.memory_space<vmem>>, vector<16xf32>,
          %get3A_233 = arith.index_cast %add3A_224 : i32 to index
          %get3A_234 = arith.constant 16 : index
          %get3A_235 = tpu.vector_load %arg19[%get3A_233, %get3A_234] {strides = array<i32>} : memref<128x128xf32, #tpu.memory_space<vmem>>, vector<16xf32>,
          %mul3A_236 = vector.broadcast %squeeze3A_220 : f32 to vector<16xf32>
          %mul3A_237 = arith.mulf %get3A_235, %mul3A_236 : vector<16xf32>
          %swap3A_238 = arith.index_cast %add3A_224 : i32 to index
          %swap3A_239 = arith.constant 16 : index
          %swap3A_240 = tpu.vector_load %arg19[%swap3A_238, %swap3A_239] {strides = array<i32>} : memref<128x128xf32, #tpu.memory_space<vmem>>, vector<16xf32>,
          tpu.vector_store %arg19[%swap3A_238, %swap3A_239], %mul3A_237 {strides = array<i32>} : memref<128x128xf32, #tpu.memory_space<vmem>>, vector<16xf32>,
          %get3A_241 = arith.index_cast %add3A_224 : i32 to index
          %get3A_242 = arith.constant 32 : index
          %get3A_243 = tpu.vector_load %arg19[%get3A_241, %get3A_242] {strides = array<i32>} : memref<128x128xf32, #tpu.memory_space<vmem>>, vector<16xf32>,
          %mul3A_244 = vector.broadcast %squeeze3A_220 : f32 to vector<16xf32>
          %mul3A_245 = arith.mulf %get3A_243, %mul3A_244 : vector<16xf32>
          %swap3A_246 = arith.index_cast %add3A_224 : i32 to index
          %swap3A_247 = arith.constant 32 : index
          %swap3A_248 = tpu.vector_load %arg19[%swap3A_246, %swap3A_247] {strides = array<i32>} : memref<128x128xf32, #tpu.memory_space<vmem>>, vector<16xf32>,
          tpu.vector_store %arg19[%swap3A_246, %swap3A_247], %mul3A_245 {strides = array<i32>} : memref<128x128xf32, #tpu.memory_space<vmem>>, vector<16xf32>,
          %get3A_249 = arith.index_cast %add3A_224 : i32 to index
          %get3A_250 = arith.constant 48 : index
          %get3A_251 = tpu.vector_load %arg19[%get3A_249, %get3A_250] {strides = array<i32>} : memref<128x128xf32, #tpu.memory_space<vmem>>, vector<16xf32>,
          %mul3A_252 = vector.broadcast %squeeze3A_220 : f32 to vector<16xf32>
          %mul3A_253 = arith.mulf %get3A_251, %mul3A_252 : vector<16xf32>
          %swap3A_254 = arith.index_cast %add3A_224 : i32 to index
          %swap3A_255 = arith.constant 48 : index
          %swap3A_256 = tpu.vector_load %arg19[%swap3A_254, %swap3A_255] {strides = array<i32>} : memref<128x128xf32, #tpu.memory_space<vmem>>, vector<16xf32>,
          tpu.vector_store %arg19[%swap3A_254, %swap3A_255], %mul3A_253 {strides = array<i32>} : memref<128x128xf32, #tpu.memory_space<vmem>>, vector<16xf32>,
          %get3A_257 = arith.index_cast %add3A_224 : i32 to index
          %get3A_258 = arith.constant 64 : index
          %get3A_259 = tpu.vector_load %arg19[%get3A_257, %get3A_258] {strides = array<i32>} : memref<128x128xf32, #tpu.memory_space<vmem>>, vector<16xf32>,
          %mul3A_260 = vector.broadcast %squeeze3A_220 : f32 to vector<16xf32>
          %mul3A_261 = arith.mulf %get3A_259, %mul3A_260 : vector<16xf32>
          %swap3A_262 = arith.index_cast %add3A_224 : i32 to index
          %swap3A_263 = arith.constant 64 : index
          %swap3A_264 = tpu.vector_load %arg19[%swap3A_262, %swap3A_263] {strides = array<i32>} : memref<128x128xf32, #tpu.memory_space<vmem>>, vector<16xf32>,
          tpu.vector_store %arg19[%swap3A_262, %swap3A_263], %mul3A_261 {strides = array<i32>} : memref<128x128xf32, #tpu.memory_space<vmem>>, vector<16xf32>,
          %get3A_265 = arith.index_cast %add3A_224 : i32 to index
          %get3A_266 = arith.constant 80 : index
          %get3A_267 = tpu.vector_load %arg19[%get3A_265, %get3A_266] {strides = array<i32>} : memref<128x128xf32, #tpu.memory_space<vmem>>, vector<16xf32>,
          %mul3A_268 = vector.broadcast %squeeze3A_220 : f32 to vector<16xf32>
          %mul3A_269 = arith.mulf %get3A_267, %mul3A_268 : vector<16xf32>
          %swap3A_270 = arith.index_cast %add3A_224 : i32 to index
          %swap3A_271 = arith.constant 80 : index
          %swap3A_272 = tpu.vector_load %arg19[%swap3A_270, %swap3A_271] {strides = array<i32>} : memref<128x128xf32, #tpu.memory_space<vmem>>, vector<16xf32>,
          tpu.vector_store %arg19[%swap3A_270, %swap3A_271], %mul3A_269 {strides = array<i32>} : memref<128x128xf32, #tpu.memory_space<vmem>>, vector<16xf32>,
          %get3A_273 = arith.index_cast %add3A_224 : i32 to index
          %get3A_274 = arith.constant 96 : index
          %get3A_275 = tpu.vector_load %arg19[%get3A_273, %get3A_274] {strides = array<i32>} : memref<128x128xf32, #tpu.memory_space<vmem>>, vector<16xf32>,
          %mul3A_276 = vector.broadcast %squeeze3A_220 : f32 to vector<16xf32>
          %mul3A_277 = arith.mulf %get3A_275, %mul3A_276 : vector<16xf32>
          %swap3A_278 = arith.index_cast %add3A_224 : i32 to index
          %swap3A_279 = arith.constant 96 : index
          %swap3A_280 = tpu.vector_load %arg19[%swap3A_278, %swap3A_279] {strides = array<i32>} : memref<128x128xf32, #tpu.memory_space<vmem>>, vector<16xf32>,
          tpu.vector_store %arg19[%swap3A_278, %swap3A_279], %mul3A_277 {strides = array<i32>} : memref<128x128xf32, #tpu.memory_space<vmem>>, vector<16xf32>,
          %get3A_281 = arith.index_cast %add3A_224 : i32 to index
          %get3A_282 = arith.constant 112 : index
          %get3A_283 = tpu.vector_load %arg19[%get3A_281, %get3A_282] {strides = array<i32>} : memref<128x128xf32, #tpu.memory_space<vmem>>, vector<16xf32>,
          %mul3A_284 = vector.broadcast %squeeze3A_220 : f32 to vector<16xf32>
          %mul3A_285 = arith.mulf %get3A_283, %mul3A_284 : vector<16xf32>
          %swap3A_286 = arith.index_cast %add3A_224 : i32 to index
          %swap3A_287 = arith.constant 112 : index
          %swap3A_288 = tpu.vector_load %arg19[%swap3A_286, %swap3A_287] {strides = array<i32>} : memref<128x128xf32, #tpu.memory_space<vmem>>, vector<16xf32>,
          tpu.vector_store %arg19[%swap3A_286, %swap3A_287], %mul3A_285 {strides = array<i32>} : memref<128x128xf32, #tpu.memory_space<vmem>>, vector<16xf32>,
          %slice3A_289 = vector.extract_strided_slice %get3A_151 {offsets = [2], sizes = [1], strides = [1]} : vector<16xf32> to vector<1xf32>
          %squeeze3A_290 = vector.extract %slice3A_289[0] : f32 from vector<1xf32>
          %mul3A_291 = arith.constant 16 : i32
          %mul3A_292 = arith.muli %add3A_145, %mul3A_291 : i32
          %add3A_293 = arith.constant 2 : i32
          %add3A_294 = arith.addi %mul3A_292, %add3A_293 : i32
          %get3A_295 = arith.index_cast %add3A_294 : i32 to index
          %get3A_296 = arith.constant 0 : index
          %get3A_297 = tpu.vector_load %arg19[%get3A_295, %get3A_296] {strides = array<i32>} : memref<128x128xf32, #tpu.memory_space<vmem>>, vector<16xf32>,
          %mul3A_298 = vector.broadcast %squeeze3A_290 : f32 to vector<16xf32>
          %mul3A_299 = arith.mulf %get3A_297, %mul3A_298 : vector<16xf32>
          %swap3A_300 = arith.index_cast %add3A_294 : i32 to index
          %swap3A_301 = arith.constant 0 : index
          %swap3A_302 = tpu.vector_load %arg19[%swap3A_300, %swap3A_301] {strides = array<i32>} : memref<128x128xf32, #tpu.memory_space<vmem>>, vector<16xf32>,
          tpu.vector_store %arg19[%swap3A_300, %swap3A_301], %mul3A_299 {strides = array<i32>} : memref<128x128xf32, #tpu.memory_space<vmem>>, vector<16xf32>,
          %get3A_303 = arith.index_cast %add3A_294 : i32 to index
          %get3A_304 = arith.constant 16 : index
          %get3A_305 = tpu.vector_load %arg19[%get3A_303, %get3A_304] {strides = array<i32>} : memref<128x128xf32, #tpu.memory_space<vmem>>, vector<16xf32>,
          %mul3A_306 = vector.broadcast %squeeze3A_290 : f32 to vector<16xf32>
          %mul3A_307 = arith.mulf %get3A_305, %mul3A_306 : vector<16xf32>
          %swap3A_308 = arith.index_cast %add3A_294 : i32 to index
          %swap3A_309 = arith.constant 16 : index
          %swap3A_310 = tpu.vector_load %arg19[%swap3A_308, %swap3A_309] {strides = array<i32>} : memref<128x128xf32, #tpu.memory_space<vmem>>, vector<16xf32>,
          tpu.vector_store %arg19[%swap3A_308, %swap3A_309], %mul3A_307 {strides = array<i32>} : memref<128x128xf32, #tpu.memory_space<vmem>>, vector<16xf32>,
          %get3A_311 = arith.index_cast %add3A_294 : i32 to index
          %get3A_312 = arith.constant 32 : index
          %get3A_313 = tpu.vector_load %arg19[%get3A_311, %get3A_312] {strides = array<i32>} : memref<128x128xf32, #tpu.memory_space<vmem>>, vector<16xf32>,
          %mul3A_314 = vector.broadcast %squeeze3A_290 : f32 to vector<16xf32>
          %mul3A_315 = arith.mulf %get3A_313, %mul3A_314 : vector<16xf32>
          %swap3A_316 = arith.index_cast %add3A_294 : i32 to index
          %swap3A_317 = arith.constant 32 : index
          %swap3A_318 = tpu.vector_load %arg19[%swap3A_316, %swap3A_317] {strides = array<i32>} : memref<128x128xf32, #tpu.memory_space<vmem>>, vector<16xf32>,
          tpu.vector_store %arg19[%swap3A_316, %swap3A_317], %mul3A_315 {strides = array<i32>} : memref<128x128xf32, #tpu.memory_space<vmem>>, vector<16xf32>,
          %get3A_319 = arith.index_cast %add3A_294 : i32 to index
          %get3A_320 = arith.constant 48 : index
          %get3A_321 = tpu.vector_load %arg19[%get3A_319, %get3A_320] {strides = array<i32>} : memref<128x128xf32, #tpu.memory_space<vmem>>, vector<16xf32>,
          %mul3A_322 = vector.broadcast %squeeze3A_290 : f32 to vector<16xf32>
          %mul3A_323 = arith.mulf %get3A_321, %mul3A_322 : vector<16xf32>
          %swap3A_324 = arith.index_cast %add3A_294 : i32 to index
          %swap3A_325 = arith.constant 48 : index
          %swap3A_326 = tpu.vector_load %arg19[%swap3A_324, %swap3A_325] {strides = array<i32>} : memref<128x128xf32, #tpu.memory_space<vmem>>, vector<16xf32>,
          tpu.vector_store %arg19[%swap3A_324, %swap3A_325], %mul3A_323 {strides = array<i32>} : memref<128x128xf32, #tpu.memory_space<vmem>>, vector<16xf32>,
          %get3A_327 = arith.index_cast %add3A_294 : i32 to index
          %get3A_328 = arith.constant 64 : index
          %get3A_329 = tpu.vector_load %arg19[%get3A_327, %get3A_328] {strides = array<i32>} : memref<128x128xf32, #tpu.memory_space<vmem>>, vector<16xf32>,
          %mul3A_330 = vector.broadcast %squeeze3A_290 : f32 to vector<16xf32>
          %mul3A_331 = arith.mulf %get3A_329, %mul3A_330 : vector<16xf32>
          %swap3A_332 = arith.index_cast %add3A_294 : i32 to index
          %swap3A_333 = arith.constant 64 : index
          %swap3A_334 = tpu.vector_load %arg19[%swap3A_332, %swap3A_333] {strides = array<i32>} : memref<128x128xf32, #tpu.memory_space<vmem>>, vector<16xf32>,
          tpu.vector_store %arg19[%swap3A_332, %swap3A_333], %mul3A_331 {strides = array<i32>} : memref<128x128xf32, #tpu.memory_space<vmem>>, vector<16xf32>,
          %get3A_335 = arith.index_cast %add3A_294 : i32 to index
          %get3A_336 = arith.constant 80 : index
          %get3A_337 = tpu.vector_load %arg19[%get3A_335, %get3A_336] {strides = array<i32>} : memref<128x128xf32, #tpu.memory_space<vmem>>, vector<16xf32>,
          %mul3A_338 = vector.broadcast %squeeze3A_290 : f32 to vector<16xf32>
          %mul3A_339 = arith.mulf %get3A_337, %mul3A_338 : vector<16xf32>
          %swap3A_340 = arith.index_cast %add3A_294 : i32 to index
          %swap3A_341 = arith.constant 80 : index
          %swap3A_342 = tpu.vector_load %arg19[%swap3A_340, %swap3A_341] {strides = array<i32>} : memref<128x128xf32, #tpu.memory_space<vmem>>, vector<16xf32>,
          tpu.vector_store %arg19[%swap3A_340, %swap3A_341], %mul3A_339 {strides = array<i32>} : memref<128x128xf32, #tpu.memory_space<vmem>>, vector<16xf32>,
          %get3A_343 = arith.index_cast %add3A_294 : i32 to index
          %get3A_344 = arith.constant 96 : index
          %get3A_345 = tpu.vector_load %arg19[%get3A_343, %get3A_344] {strides = array<i32>} : memref<128x128xf32, #tpu.memory_space<vmem>>, vector<16xf32>,
          %mul3A_346 = vector.broadcast %squeeze3A_290 : f32 to vector<16xf32>
          %mul3A_347 = arith.mulf %get3A_345, %mul3A_346 : vector<16xf32>
          %swap3A_348 = arith.index_cast %add3A_294 : i32 to index
          %swap3A_349 = arith.constant 96 : index
          %swap3A_350 = tpu.vector_load %arg19[%swap3A_348, %swap3A_349] {strides = array<i32>} : memref<128x128xf32, #tpu.memory_space<vmem>>, vector<16xf32>,
          tpu.vector_store %arg19[%swap3A_348, %swap3A_349], %mul3A_347 {strides = array<i32>} : memref<128x128xf32, #tpu.memory_space<vmem>>, vector<16xf32>,
          %get3A_351 = arith.index_cast %add3A_294 : i32 to index
          %get3A_352 = arith.constant 112 : index
          %get3A_353 = tpu.vector_load %arg19[%get3A_351, %get3A_352] {strides = array<i32>} : memref<128x128xf32, #tpu.memory_space<vmem>>, vector<16xf32>,
          %mul3A_354 = vector.broadcast %squeeze3A_290 : f32 to vector<16xf32>
          %mul3A_355 = arith.mulf %get3A_353, %mul3A_354 : vector<16xf32>
          %swap3A_356 = arith.index_cast %add3A_294 : i32 to index
          %swap3A_357 = arith.constant 112 : index
          %swap3A_358 = tpu.vector_load %arg19[%swap3A_356, %swap3A_357] {strides = array<i32>} : memref<128x128xf32, #tpu.memory_space<vmem>>, vector<16xf32>,
          tpu.vector_store %arg19[%swap3A_356, %swap3A_357], %mul3A_355 {strides = array<i32>} : memref<128x128xf32, #tpu.memory_space<vmem>>, vector<16xf32>,
          %slice3A_359 = vector.extract_strided_slice %get3A_151 {offsets = [3], sizes = [1], strides = [1]} : vector<16xf32> to vector<1xf32>
          %squeeze3A_360 = vector.extract %slice3A_359[0] : f32 from vector<1xf32>
          %mul3A_361 = arith.constant 16 : i32
          %mul3A_362 = arith.muli %add3A_145, %mul3A_361 : i32
          %add3A_363 = arith.constant 3 : i32
          %add3A_364 = arith.addi %mul3A_362, %add3A_363 : i32
          %get3A_365 = arith.index_cast %add3A_364 : i32 to index
          %get3A_366 = arith.constant 0 : index
          %get3A_367 = tpu.vector_load %arg19[%get3A_365, %get3A_366] {strides = array<i32>} : memref<128x128xf32, #tpu.memory_space<vmem>>, vector<16xf32>,
          %mul3A_368 = vector.broadcast %squeeze3A_360 : f32 to vector<16xf32>
          %mul3A_369 = arith.mulf %get3A_367, %mul3A_368 : vector<16xf32>
          %swap3A_370 = arith.index_cast %add3A_364 : i32 to index
          %swap3A_371 = arith.constant 0 : index
          %swap3A_372 = tpu.vector_load %arg19[%swap3A_370, %swap3A_371] {strides = array<i32>} : memref<128x128xf32, #tpu.memory_space<vmem>>, vector<16xf32>,
          tpu.vector_store %arg19[%swap3A_370, %swap3A_371], %mul3A_369 {strides = array<i32>} : memref<128x128xf32, #tpu.memory_space<vmem>>, vector<16xf32>,
          %get3A_373 = arith.index_cast %add3A_364 : i32 to index
          %get3A_374 = arith.constant 16 : index
          %get3A_375 = tpu.vector_load %arg19[%get3A_373, %get3A_374] {strides = array<i32>} : memref<128x128xf32, #tpu.memory_space<vmem>>, vector<16xf32>,
          %mul3A_376 = vector.broadcast %squeeze3A_360 : f32 to vector<16xf32>
          %mul3A_377 = arith.mulf %get3A_375, %mul3A_376 : vector<16xf32>
          %swap3A_378 = arith.index_cast %add3A_364 : i32 to index
          %swap3A_379 = arith.constant 16 : index
          %swap3A_380 = tpu.vector_load %arg19[%swap3A_378, %swap3A_379] {strides = array<i32>} : memref<128x128xf32, #tpu.memory_space<vmem>>, vector<16xf32>,
          tpu.vector_store %arg19[%swap3A_378, %swap3A_379], %mul3A_377 {strides = array<i32>} : memref<128x128xf32, #tpu.memory_space<vmem>>, vector<16xf32>,
          %get3A_381 = arith.index_cast %add3A_364 : i32 to index
          %get3A_382 = arith.constant 32 : index
          %get3A_383 = tpu.vector_load %arg19[%get3A_381, %get3A_382] {strides = array<i32>} : memref<128x128xf32, #tpu.memory_space<vmem>>, vector<16xf32>,
          %mul3A_384 = vector.broadcast %squeeze3A_360 : f32 to vector<16xf32>
          %mul3A_385 = arith.mulf %get3A_383, %mul3A_384 : vector<16xf32>
          %swap3A_386 = arith.index_cast %add3A_364 : i32 to index
          %swap3A_387 = arith.constant 32 : index
          %swap3A_388 = tpu.vector_load %arg19[%swap3A_386, %swap3A_387] {strides = array<i32>} : memref<128x128xf32, #tpu.memory_space<vmem>>, vector<16xf32>,
          tpu.vector_store %arg19[%swap3A_386, %swap3A_387], %mul3A_385 {strides = array<i32>} : memref<128x128xf32, #tpu.memory_space<vmem>>, vector<16xf32>,
          %get3A_389 = arith.index_cast %add3A_364 : i32 to index
          %get3A_390 = arith.constant 48 : index
          %get3A_391 = tpu.vector_load %arg19[%get3A_389, %get3A_390] {strides = array<i32>} : memref<128x128xf32, #tpu.memory_space<vmem>>, vector<16xf32>,
          %mul3A_392 = vector.broadcast %squeeze3A_360 : f32 to vector<16xf32>
          %mul3A_393 = arith.mulf %get3A_391, %mul3A_392 : vector<16xf32>
          %swap3A_394 = arith.index_cast %add3A_364 : i32 to index
          %swap3A_395 = arith.constant 48 : index
          %swap3A_396 = tpu.vector_load %arg19[%swap3A_394, %swap3A_395] {strides = array<i32>} : memref<128x128xf32, #tpu.memory_space<vmem>>, vector<16xf32>,
          tpu.vector_store %arg19[%swap3A_394, %swap3A_395], %mul3A_393 {strides = array<i32>} : memref<128x128xf32, #tpu.memory_space<vmem>>, vector<16xf32>,
          %get3A_397 = arith.index_cast %add3A_364 : i32 to index
          %get3A_398 = arith.constant 64 : index
          %get3A_399 = tpu.vector_load %arg19[%get3A_397, %get3A_398] {strides = array<i32>} : memref<128x128xf32, #tpu.memory_space<vmem>>, vector<16xf32>,
          %mul3A_400 = vector.broadcast %squeeze3A_360 : f32 to vector<16xf32>
          %mul3A_401 = arith.mulf %get3A_399, %mul3A_400 : vector<16xf32>
          %swap3A_402 = arith.index_cast %add3A_364 : i32 to index
          %swap3A_403 = arith.constant 64 : index
          %swap3A_404 = tpu.vector_load %arg19[%swap3A_402, %swap3A_403] {strides = array<i32>} : memref<128x128xf32, #tpu.memory_space<vmem>>, vector<16xf32>,
          tpu.vector_store %arg19[%swap3A_402, %swap3A_403], %mul3A_401 {strides = array<i32>} : memref<128x128xf32, #tpu.memory_space<vmem>>, vector<16xf32>,
          %get3A_405 = arith.index_cast %add3A_364 : i32 to index
          %get3A_406 = arith.constant 80 : index
          %get3A_407 = tpu.vector_load %arg19[%get3A_405, %get3A_406] {strides = array<i32>} : memref<128x128xf32, #tpu.memory_space<vmem>>, vector<16xf32>,
          %mul3A_408 = vector.broadcast %squeeze3A_360 : f32 to vector<16xf32>
          %mul3A_409 = arith.mulf %get3A_407, %mul3A_408 : vector<16xf32>
          %swap3A_410 = arith.index_cast %add3A_364 : i32 to index
          %swap3A_411 = arith.constant 80 : index
          %swap3A_412 = tpu.vector_load %arg19[%swap3A_410, %swap3A_411] {strides = array<i32>} : memref<128x128xf32, #tpu.memory_space<vmem>>, vector<16xf32>,
          tpu.vector_store %arg19[%swap3A_410, %swap3A_411], %mul3A_409 {strides = array<i32>} : memref<128x128xf32, #tpu.memory_space<vmem>>, vector<16xf32>,
          %get3A_413 = arith.index_cast %add3A_364 : i32 to index
          %get3A_414 = arith.constant 96 : index
          %get3A_415 = tpu.vector_load %arg19[%get3A_413, %get3A_414] {strides = array<i32>} : memref<128x128xf32, #tpu.memory_space<vmem>>, vector<16xf32>,
          %mul3A_416 = vector.broadcast %squeeze3A_360 : f32 to vector<16xf32>
          %mul3A_417 = arith.mulf %get3A_415, %mul3A_416 : vector<16xf32>
          %swap3A_418 = arith.index_cast %add3A_364 : i32 to index
          %swap3A_419 = arith.constant 96 : index
          %swap3A_420 = tpu.vector_load %arg19[%swap3A_418, %swap3A_419] {strides = array<i32>} : memref<128x128xf32, #tpu.memory_space<vmem>>, vector<16xf32>,
          tpu.vector_store %arg19[%swap3A_418, %swap3A_419], %mul3A_417 {strides = array<i32>} : memref<128x128xf32, #tpu.memory_space<vmem>>, vector<16xf32>,
          %get3A_421 = arith.index_cast %add3A_364 : i32 to index
          %get3A_422 = arith.constant 112 : index
          %get3A_423 = tpu.vector_load %arg19[%get3A_421, %get3A_422] {strides = array<i32>} : memref<128x128xf32, #tpu.memory_space<vmem>>, vector<16xf32>,
          %mul3A_424 = vector.broadcast %squeeze3A_360 : f32 to vector<16xf32>
          %mul3A_425 = arith.mulf %get3A_423, %mul3A_424 : vector<16xf32>
          %swap3A_426 = arith.index_cast %add3A_364 : i32 to index
          %swap3A_427 = arith.constant 112 : index
          %swap3A_428 = tpu.vector_load %arg19[%swap3A_426, %swap3A_427] {strides = array<i32>} : memref<128x128xf32, #tpu.memory_space<vmem>>, vector<16xf32>,
          tpu.vector_store %arg19[%swap3A_426, %swap3A_427], %mul3A_425 {strides = array<i32>} : memref<128x128xf32, #tpu.memory_space<vmem>>, vector<16xf32>,
          %slice3A_429 = vector.extract_strided_slice %get3A_151 {offsets = [4], sizes = [1], strides = [1]} : vector<16xf32> to vector<1xf32>
          %squeeze3A_430 = vector.extract %slice3A_429[0] : f32 from vector<1xf32>
          %mul3A_431 = arith.constant 16 : i32
          %mul3A_432 = arith.muli %add3A_145, %mul3A_431 : i32
          %add3A_433 = arith.constant 4 : i32
          %add3A_434 = arith.addi %mul3A_432, %add3A_433 : i32
          %get3A_435 = arith.index_cast %add3A_434 : i32 to index
          %get3A_436 = arith.constant 0 : index
          %get3A_437 = tpu.vector_load %arg19[%get3A_435, %get3A_436] {strides = array<i32>} : memref<128x128xf32, #tpu.memory_space<vmem>>, vector<16xf32>,
          %mul3A_438 = vector.broadcast %squeeze3A_430 : f32 to vector<16xf32>
          %mul3A_439 = arith.mulf %get3A_437, %mul3A_438 : vector<16xf32>
          %swap3A_440 = arith.index_cast %add3A_434 : i32 to index
          %swap3A_441 = arith.constant 0 : index
          %swap3A_442 = tpu.vector_load %arg19[%swap3A_440, %swap3A_441] {strides = array<i32>} : memref<128x128xf32, #tpu.memory_space<vmem>>, vector<16xf32>,
          tpu.vector_store %arg19[%swap3A_440, %swap3A_441], %mul3A_439 {strides = array<i32>} : memref<128x128xf32, #tpu.memory_space<vmem>>, vector<16xf32>,
          %get3A_443 = arith.index_cast %add3A_434 : i32 to index
          %get3A_444 = arith.constant 16 : index
          %get3A_445 = tpu.vector_load %arg19[%get3A_443, %get3A_444] {strides = array<i32>} : memref<128x128xf32, #tpu.memory_space<vmem>>, vector<16xf32>,
          %mul3A_446 = vector.broadcast %squeeze3A_430 : f32 to vector<16xf32>
          %mul3A_447 = arith.mulf %get3A_445, %mul3A_446 : vector<16xf32>
          %swap3A_448 = arith.index_cast %add3A_434 : i32 to index
          %swap3A_449 = arith.constant 16 : index
          %swap3A_450 = tpu.vector_load %arg19[%swap3A_448, %swap3A_449] {strides = array<i32>} : memref<128x128xf32, #tpu.memory_space<vmem>>, vector<16xf32>,
          tpu.vector_store %arg19[%swap3A_448, %swap3A_449], %mul3A_447 {strides = array<i32>} : memref<128x128xf32, #tpu.memory_space<vmem>>, vector<16xf32>,
          %get3A_451 = arith.index_cast %add3A_434 : i32 to index
          %get3A_452 = arith.constant 32 : index
          %get3A_453 = tpu.vector_load %arg19[%get3A_451, %get3A_452] {strides = array<i32>} : memref<128x128xf32, #tpu.memory_space<vmem>>, vector<16xf32>,
          %mul3A_454 = vector.broadcast %squeeze3A_430 : f32 to vector<16xf32>
          %mul3A_455 = arith.mulf %get3A_453, %mul3A_454 : vector<16xf32>
          %swap3A_456 = arith.index_cast %add3A_434 : i32 to index
          %swap3A_457 = arith.constant 32 : index
          %swap3A_458 = tpu.vector_load %arg19[%swap3A_456, %swap3A_457] {strides = array<i32>} : memref<128x128xf32, #tpu.memory_space<vmem>>, vector<16xf32>,
          tpu.vector_store %arg19[%swap3A_456, %swap3A_457], %mul3A_455 {strides = array<i32>} : memref<128x128xf32, #tpu.memory_space<vmem>>, vector<16xf32>,
          %get3A_459 = arith.index_cast %add3A_434 : i32 to index
          %get3A_460 = arith.constant 48 : index
          %get3A_461 = tpu.vector_load %arg19[%get3A_459, %get3A_460] {strides = array<i32>} : memref<128x128xf32, #tpu.memory_space<vmem>>, vector<16xf32>,
          %mul3A_462 = vector.broadcast %squeeze3A_430 : f32 to vector<16xf32>
          %mul3A_463 = arith.mulf %get3A_461, %mul3A_462 : vector<16xf32>
          %swap3A_464 = arith.index_cast %add3A_434 : i32 to index
          %swap3A_465 = arith.constant 48 : index
          %swap3A_466 = tpu.vector_load %arg19[%swap3A_464, %swap3A_465] {strides = array<i32>} : memref<128x128xf32, #tpu.memory_space<vmem>>, vector<16xf32>,
          tpu.vector_store %arg19[%swap3A_464, %swap3A_465], %mul3A_463 {strides = array<i32>} : memref<128x128xf32, #tpu.memory_space<vmem>>, vector<16xf32>,
          %get3A_467 = arith.index_cast %add3A_434 : i32 to index
          %get3A_468 = arith.constant 64 : index
          %get3A_469 = tpu.vector_load %arg19[%get3A_467, %get3A_468] {strides = array<i32>} : memref<128x128xf32, #tpu.memory_space<vmem>>, vector<16xf32>,
          %mul3A_470 = vector.broadcast %squeeze3A_430 : f32 to vector<16xf32>
          %mul3A_471 = arith.mulf %get3A_469, %mul3A_470 : vector<16xf32>
          %swap3A_472 = arith.index_cast %add3A_434 : i32 to index
          %swap3A_473 = arith.constant 64 : index
          %swap3A_474 = tpu.vector_load %arg19[%swap3A_472, %swap3A_473] {strides = array<i32>} : memref<128x128xf32, #tpu.memory_space<vmem>>, vector<16xf32>,
          tpu.vector_store %arg19[%swap3A_472, %swap3A_473], %mul3A_471 {strides = array<i32>} : memref<128x128xf32, #tpu.memory_space<vmem>>, vector<16xf32>,
          %get3A_475 = arith.index_cast %add3A_434 : i32 to index
          %get3A_476 = arith.constant 80 : index
          %get3A_477 = tpu.vector_load %arg19[%get3A_475, %get3A_476] {strides = array<i32>} : memref<128x128xf32, #tpu.memory_space<vmem>>, vector<16xf32>,
          %mul3A_478 = vector.broadcast %squeeze3A_430 : f32 to vector<16xf32>
          %mul3A_479 = arith.mulf %get3A_477, %mul3A_478 : vector<16xf32>
          %swap3A_480 = arith.index_cast %add3A_434 : i32 to index
          %swap3A_481 = arith.constant 80 : index
          %swap3A_482 = tpu.vector_load %arg19[%swap3A_480, %swap3A_481] {strides = array<i32>} : memref<128x128xf32, #tpu.memory_space<vmem>>, vector<16xf32>,
          tpu.vector_store %arg19[%swap3A_480, %swap3A_481], %mul3A_479 {strides = array<i32>} : memref<128x128xf32, #tpu.memory_space<vmem>>, vector<16xf32>,
          %get3A_483 = arith.index_cast %add3A_434 : i32 to index
          %get3A_484 = arith.constant 96 : index
          %get3A_485 = tpu.vector_load %arg19[%get3A_483, %get3A_484] {strides = array<i32>} : memref<128x128xf32, #tpu.memory_space<vmem>>, vector<16xf32>,
          %mul3A_486 = vector.broadcast %squeeze3A_430 : f32 to vector<16xf32>
          %mul3A_487 = arith.mulf %get3A_485, %mul3A_486 : vector<16xf32>
          %swap3A_488 = arith.index_cast %add3A_434 : i32 to index
          %swap3A_489 = arith.constant 96 : index
          %swap3A_490 = tpu.vector_load %arg19[%swap3A_488, %swap3A_489] {strides = array<i32>} : memref<128x128xf32, #tpu.memory_space<vmem>>, vector<16xf32>,
          tpu.vector_store %arg19[%swap3A_488, %swap3A_489], %mul3A_487 {strides = array<i32>} : memref<128x128xf32, #tpu.memory_space<vmem>>, vector<16xf32>,
          %get3A_491 = arith.index_cast %add3A_434 : i32 to index
          %get3A_492 = arith.constant 112 : index
          %get3A_493 = tpu.vector_load %arg19[%get3A_491, %get3A_492] {strides = array<i32>} : memref<128x128xf32, #tpu.memory_space<vmem>>, vector<16xf32>,
          %mul3A_494 = vector.broadcast %squeeze3A_430 : f32 to vector<16xf32>
          %mul3A_495 = arith.mulf %get3A_493, %mul3A_494 : vector<16xf32>
          %swap3A_496 = arith.index_cast %add3A_434 : i32 to index
          %swap3A_497 = arith.constant 112 : index
          %swap3A_498 = tpu.vector_load %arg19[%swap3A_496, %swap3A_497] {strides = array<i32>} : memref<128x128xf32, #tpu.memory_space<vmem>>, vector<16xf32>,
          tpu.vector_store %arg19[%swap3A_496, %swap3A_497], %mul3A_495 {strides = array<i32>} : memref<128x128xf32, #tpu.memory_space<vmem>>, vector<16xf32>,
          %slice3A_499 = vector.extract_strided_slice %get3A_151 {offsets = [5], sizes = [1], strides = [1]} : vector<16xf32> to vector<1xf32>
          %squeeze3A_500 = vector.extract %slice3A_499[0] : f32 from vector<1xf32>
          %mul3A_501 = arith.constant 16 : i32
          %mul3A_502 = arith.muli %add3A_145, %mul3A_501 : i32
          %add3A_503 = arith.constant 5 : i32
          %add3A_504 = arith.addi %mul3A_502, %add3A_503 : i32
          %get3A_505 = arith.index_cast %add3A_504 : i32 to index
          %get3A_506 = arith.constant 0 : index
          %get3A_507 = tpu.vector_load %arg19[%get3A_505, %get3A_506] {strides = array<i32>} : memref<128x128xf32, #tpu.memory_space<vmem>>, vector<16xf32>,
          %mul3A_508 = vector.broadcast %squeeze3A_500 : f32 to vector<16xf32>
          %mul3A_509 = arith.mulf %get3A_507, %mul3A_508 : vector<16xf32>
          %swap3A_510 = arith.index_cast %add3A_504 : i32 to index
          %swap3A_511 = arith.constant 0 : index
          %swap3A_512 = tpu.vector_load %arg19[%swap3A_510, %swap3A_511] {strides = array<i32>} : memref<128x128xf32, #tpu.memory_space<vmem>>, vector<16xf32>,
          tpu.vector_store %arg19[%swap3A_510, %swap3A_511], %mul3A_509 {strides = array<i32>} : memref<128x128xf32, #tpu.memory_space<vmem>>, vector<16xf32>,
          %get3A_513 = arith.index_cast %add3A_504 : i32 to index
          %get3A_514 = arith.constant 16 : index
          %get3A_515 = tpu.vector_load %arg19[%get3A_513, %get3A_514] {strides = array<i32>} : memref<128x128xf32, #tpu.memory_space<vmem>>, vector<16xf32>,
          %mul3A_516 = vector.broadcast %squeeze3A_500 : f32 to vector<16xf32>
          %mul3A_517 = arith.mulf %get3A_515, %mul3A_516 : vector<16xf32>
          %swap3A_518 = arith.index_cast %add3A_504 : i32 to index
          %swap3A_519 = arith.constant 16 : index
          %swap3A_520 = tpu.vector_load %arg19[%swap3A_518, %swap3A_519] {strides = array<i32>} : memref<128x128xf32, #tpu.memory_space<vmem>>, vector<16xf32>,
          tpu.vector_store %arg19[%swap3A_518, %swap3A_519], %mul3A_517 {strides = array<i32>} : memref<128x128xf32, #tpu.memory_space<vmem>>, vector<16xf32>,
          %get3A_521 = arith.index_cast %add3A_504 : i32 to index
          %get3A_522 = arith.constant 32 : index
          %get3A_523 = tpu.vector_load %arg19[%get3A_521, %get3A_522] {strides = array<i32>} : memref<128x128xf32, #tpu.memory_space<vmem>>, vector<16xf32>,
          %mul3A_524 = vector.broadcast %squeeze3A_500 : f32 to vector<16xf32>
          %mul3A_525 = arith.mulf %get3A_523, %mul3A_524 : vector<16xf32>
          %swap3A_526 = arith.index_cast %add3A_504 : i32 to index
          %swap3A_527 = arith.constant 32 : index
          %swap3A_528 = tpu.vector_load %arg19[%swap3A_526, %swap3A_527] {strides = array<i32>} : memref<128x128xf32, #tpu.memory_space<vmem>>, vector<16xf32>,
          tpu.vector_store %arg19[%swap3A_526, %swap3A_527], %mul3A_525 {strides = array<i32>} : memref<128x128xf32, #tpu.memory_space<vmem>>, vector<16xf32>,
          %get3A_529 = arith.index_cast %add3A_504 : i32 to index
          %get3A_530 = arith.constant 48 : index
          %get3A_531 = tpu.vector_load %arg19[%get3A_529, %get3A_530] {strides = array<i32>} : memref<128x128xf32, #tpu.memory_space<vmem>>, vector<16xf32>,
          %mul3A_532 = vector.broadcast %squeeze3A_500 : f32 to vector<16xf32>
          %mul3A_533 = arith.mulf %get3A_531, %mul3A_532 : vector<16xf32>
          %swap3A_534 = arith.index_cast %add3A_504 : i32 to index
          %swap3A_535 = arith.constant 48 : index
          %swap3A_536 = tpu.vector_load %arg19[%swap3A_534, %swap3A_535] {strides = array<i32>} : memref<128x128xf32, #tpu.memory_space<vmem>>, vector<16xf32>,
          tpu.vector_store %arg19[%swap3A_534, %swap3A_535], %mul3A_533 {strides = array<i32>} : memref<128x128xf32, #tpu.memory_space<vmem>>, vector<16xf32>,
          %get3A_537 = arith.index_cast %add3A_504 : i32 to index
          %get3A_538 = arith.constant 64 : index
          %get3A_539 = tpu.vector_load %arg19[%get3A_537, %get3A_538] {strides = array<i32>} : memref<128x128xf32, #tpu.memory_space<vmem>>, vector<16xf32>,
          %mul3A_540 = vector.broadcast %squeeze3A_500 : f32 to vector<16xf32>
          %mul3A_541 = arith.mulf %get3A_539, %mul3A_540 : vector<16xf32>
          %swap3A_542 = arith.index_cast %add3A_504 : i32 to index
          %swap3A_543 = arith.constant 64 : index
          %swap3A_544 = tpu.vector_load %arg19[%swap3A_542, %swap3A_543] {strides = array<i32>} : memref<128x128xf32, #tpu.memory_space<vmem>>, vector<16xf32>,
          tpu.vector_store %arg19[%swap3A_542, %swap3A_543], %mul3A_541 {strides = array<i32>} : memref<128x128xf32, #tpu.memory_space<vmem>>, vector<16xf32>,
          %get3A_545 = arith.index_cast %add3A_504 : i32 to index
          %get3A_546 = arith.constant 80 : index
          %get3A_547 = tpu.vector_load %arg19[%get3A_545, %get3A_546] {strides = array<i32>} : memref<128x128xf32, #tpu.memory_space<vmem>>, vector<16xf32>,
          %mul3A_548 = vector.broadcast %squeeze3A_500 : f32 to vector<16xf32>
          %mul3A_549 = arith.mulf %get3A_547, %mul3A_548 : vector<16xf32>
          %swap3A_550 = arith.index_cast %add3A_504 : i32 to index
          %swap3A_551 = arith.constant 80 : index
          %swap3A_552 = tpu.vector_load %arg19[%swap3A_550, %swap3A_551] {strides = array<i32>} : memref<128x128xf32, #tpu.memory_space<vmem>>, vector<16xf32>,
          tpu.vector_store %arg19[%swap3A_550, %swap3A_551], %mul3A_549 {strides = array<i32>} : memref<128x128xf32, #tpu.memory_space<vmem>>, vector<16xf32>,
          %get3A_553 = arith.index_cast %add3A_504 : i32 to index
          %get3A_554 = arith.constant 96 : index
          %get3A_555 = tpu.vector_load %arg19[%get3A_553, %get3A_554] {strides = array<i32>} : memref<128x128xf32, #tpu.memory_space<vmem>>, vector<16xf32>,
          %mul3A_556 = vector.broadcast %squeeze3A_500 : f32 to vector<16xf32>
          %mul3A_557 = arith.mulf %get3A_555, %mul3A_556 : vector<16xf32>
          %swap3A_558 = arith.index_cast %add3A_504 : i32 to index
          %swap3A_559 = arith.constant 96 : index
          %swap3A_560 = tpu.vector_load %arg19[%swap3A_558, %swap3A_559] {strides = array<i32>} : memref<128x128xf32, #tpu.memory_space<vmem>>, vector<16xf32>,
          tpu.vector_store %arg19[%swap3A_558, %swap3A_559], %mul3A_557 {strides = array<i32>} : memref<128x128xf32, #tpu.memory_space<vmem>>, vector<16xf32>,
          %get3A_561 = arith.index_cast %add3A_504 : i32 to index
          %get3A_562 = arith.constant 112 : index
          %get3A_563 = tpu.vector_load %arg19[%get3A_561, %get3A_562] {strides = array<i32>} : memref<128x128xf32, #tpu.memory_space<vmem>>, vector<16xf32>,
          %mul3A_564 = vector.broadcast %squeeze3A_500 : f32 to vector<16xf32>
          %mul3A_565 = arith.mulf %get3A_563, %mul3A_564 : vector<16xf32>
          %swap3A_566 = arith.index_cast %add3A_504 : i32 to index
          %swap3A_567 = arith.constant 112 : index
          %swap3A_568 = tpu.vector_load %arg19[%swap3A_566, %swap3A_567] {strides = array<i32>} : memref<128x128xf32, #tpu.memory_space<vmem>>, vector<16xf32>,
          tpu.vector_store %arg19[%swap3A_566, %swap3A_567], %mul3A_565 {strides = array<i32>} : memref<128x128xf32, #tpu.memory_space<vmem>>, vector<16xf32>,
          %slice3A_569 = vector.extract_strided_slice %get3A_151 {offsets = [6], sizes = [1], strides = [1]} : vector<16xf32> to vector<1xf32>
          %squeeze3A_570 = vector.extract %slice3A_569[0] : f32 from vector<1xf32>
          %mul3A_571 = arith.constant 16 : i32
          %mul3A_572 = arith.muli %add3A_145, %mul3A_571 : i32
          %add3A_573 = arith.constant 6 : i32
          %add3A_574 = arith.addi %mul3A_572, %add3A_573 : i32
          %get3A_575 = arith.index_cast %add3A_574 : i32 to index
          %get3A_576 = arith.constant 0 : index
          %get3A_577 = tpu.vector_load %arg19[%get3A_575, %get3A_576] {strides = array<i32>} : memref<128x128xf32, #tpu.memory_space<vmem>>, vector<16xf32>,
          %mul3A_578 = vector.broadcast %squeeze3A_570 : f32 to vector<16xf32>
          %mul3A_579 = arith.mulf %get3A_577, %mul3A_578 : vector<16xf32>
          %swap3A_580 = arith.index_cast %add3A_574 : i32 to index
          %swap3A_581 = arith.constant 0 : index
          %swap3A_582 = tpu.vector_load %arg19[%swap3A_580, %swap3A_581] {strides = array<i32>} : memref<128x128xf32, #tpu.memory_space<vmem>>, vector<16xf32>,
          tpu.vector_store %arg19[%swap3A_580, %swap3A_581], %mul3A_579 {strides = array<i32>} : memref<128x128xf32, #tpu.memory_space<vmem>>, vector<16xf32>,
          %get3A_583 = arith.index_cast %add3A_574 : i32 to index
          %get3A_584 = arith.constant 16 : index
          %get3A_585 = tpu.vector_load %arg19[%get3A_583, %get3A_584] {strides = array<i32>} : memref<128x128xf32, #tpu.memory_space<vmem>>, vector<16xf32>,
          %mul3A_586 = vector.broadcast %squeeze3A_570 : f32 to vector<16xf32>
          %mul3A_587 = arith.mulf %get3A_585, %mul3A_586 : vector<16xf32>
          %swap3A_588 = arith.index_cast %add3A_574 : i32 to index
          %swap3A_589 = arith.constant 16 : index
          %swap3A_590 = tpu.vector_load %arg19[%swap3A_588, %swap3A_589] {strides = array<i32>} : memref<128x128xf32, #tpu.memory_space<vmem>>, vector<16xf32>,
          tpu.vector_store %arg19[%swap3A_588, %swap3A_589], %mul3A_587 {strides = array<i32>} : memref<128x128xf32, #tpu.memory_space<vmem>>, vector<16xf32>,
          %get3A_591 = arith.index_cast %add3A_574 : i32 to index
          %get3A_592 = arith.constant 32 : index
          %get3A_593 = tpu.vector_load %arg19[%get3A_591, %get3A_592] {strides = array<i32>} : memref<128x128xf32, #tpu.memory_space<vmem>>, vector<16xf32>,
          %mul3A_594 = vector.broadcast %squeeze3A_570 : f32 to vector<16xf32>
          %mul3A_595 = arith.mulf %get3A_593, %mul3A_594 : vector<16xf32>
          %swap3A_596 = arith.index_cast %add3A_574 : i32 to index
          %swap3A_597 = arith.constant 32 : index
          %swap3A_598 = tpu.vector_load %arg19[%swap3A_596, %swap3A_597] {strides = array<i32>} : memref<128x128xf32, #tpu.memory_space<vmem>>, vector<16xf32>,
          tpu.vector_store %arg19[%swap3A_596, %swap3A_597], %mul3A_595 {strides = array<i32>} : memref<128x128xf32, #tpu.memory_space<vmem>>, vector<16xf32>,
          %get3A_599 = arith.index_cast %add3A_574 : i32 to index
          %get3A_600 = arith.constant 48 : index
          %get3A_601 = tpu.vector_load %arg19[%get3A_599, %get3A_600] {strides = array<i32>} : memref<128x128xf32, #tpu.memory_space<vmem>>, vector<16xf32>,
          %mul3A_602 = vector.broadcast %squeeze3A_570 : f32 to vector<16xf32>
          %mul3A_603 = arith.mulf %get3A_601, %mul3A_602 : vector<16xf32>
          %swap3A_604 = arith.index_cast %add3A_574 : i32 to index
          %swap3A_605 = arith.constant 48 : index
          %swap3A_606 = tpu.vector_load %arg19[%swap3A_604, %swap3A_605] {strides = array<i32>} : memref<128x128xf32, #tpu.memory_space<vmem>>, vector<16xf32>,
          tpu.vector_store %arg19[%swap3A_604, %swap3A_605], %mul3A_603 {strides = array<i32>} : memref<128x128xf32, #tpu.memory_space<vmem>>, vector<16xf32>,
          %get3A_607 = arith.index_cast %add3A_574 : i32 to index
          %get3A_608 = arith.constant 64 : index
          %get3A_609 = tpu.vector_load %arg19[%get3A_607, %get3A_608] {strides = array<i32>} : memref<128x128xf32, #tpu.memory_space<vmem>>, vector<16xf32>,
          %mul3A_610 = vector.broadcast %squeeze3A_570 : f32 to vector<16xf32>
          %mul3A_611 = arith.mulf %get3A_609, %mul3A_610 : vector<16xf32>
          %swap3A_612 = arith.index_cast %add3A_574 : i32 to index
          %swap3A_613 = arith.constant 64 : index
          %swap3A_614 = tpu.vector_load %arg19[%swap3A_612, %swap3A_613] {strides = array<i32>} : memref<128x128xf32, #tpu.memory_space<vmem>>, vector<16xf32>,
          tpu.vector_store %arg19[%swap3A_612, %swap3A_613], %mul3A_611 {strides = array<i32>} : memref<128x128xf32, #tpu.memory_space<vmem>>, vector<16xf32>,
          %get3A_615 = arith.index_cast %add3A_574 : i32 to index
          %get3A_616 = arith.constant 80 : index
          %get3A_617 = tpu.vector_load %arg19[%get3A_615, %get3A_616] {strides = array<i32>} : memref<128x128xf32, #tpu.memory_space<vmem>>, vector<16xf32>,
          %mul3A_618 = vector.broadcast %squeeze3A_570 : f32 to vector<16xf32>
          %mul3A_619 = arith.mulf %get3A_617, %mul3A_618 : vector<16xf32>
          %swap3A_620 = arith.index_cast %add3A_574 : i32 to index
          %swap3A_621 = arith.constant 80 : index
          %swap3A_622 = tpu.vector_load %arg19[%swap3A_620, %swap3A_621] {strides = array<i32>} : memref<128x128xf32, #tpu.memory_space<vmem>>, vector<16xf32>,
          tpu.vector_store %arg19[%swap3A_620, %swap3A_621], %mul3A_619 {strides = array<i32>} : memref<128x128xf32, #tpu.memory_space<vmem>>, vector<16xf32>,
          %get3A_623 = arith.index_cast %add3A_574 : i32 to index
          %get3A_624 = arith.constant 96 : index
          %get3A_625 = tpu.vector_load %arg19[%get3A_623, %get3A_624] {strides = array<i32>} : memref<128x128xf32, #tpu.memory_space<vmem>>, vector<16xf32>,
          %mul3A_626 = vector.broadcast %squeeze3A_570 : f32 to vector<16xf32>
          %mul3A_627 = arith.mulf %get3A_625, %mul3A_626 : vector<16xf32>
          %swap3A_628 = arith.index_cast %add3A_574 : i32 to index
          %swap3A_629 = arith.constant 96 : index
          %swap3A_630 = tpu.vector_load %arg19[%swap3A_628, %swap3A_629] {strides = array<i32>} : memref<128x128xf32, #tpu.memory_space<vmem>>, vector<16xf32>,
          tpu.vector_store %arg19[%swap3A_628, %swap3A_629], %mul3A_627 {strides = array<i32>} : memref<128x128xf32, #tpu.memory_space<vmem>>, vector<16xf32>,
          %get3A_631 = arith.index_cast %add3A_574 : i32 to index
          %get3A_632 = arith.constant 112 : index
          %get3A_633 = tpu.vector_load %arg19[%get3A_631, %get3A_632] {strides = array<i32>} : memref<128x128xf32, #tpu.memory_space<vmem>>, vector<16xf32>,
          %mul3A_634 = vector.broadcast %squeeze3A_570 : f32 to vector<16xf32>
          %mul3A_635 = arith.mulf %get3A_633, %mul3A_634 : vector<16xf32>
          %swap3A_636 = arith.index_cast %add3A_574 : i32 to index
          %swap3A_637 = arith.constant 112 : index
          %swap3A_638 = tpu.vector_load %arg19[%swap3A_636, %swap3A_637] {strides = array<i32>} : memref<128x128xf32, #tpu.memory_space<vmem>>, vector<16xf32>,
          tpu.vector_store %arg19[%swap3A_636, %swap3A_637], %mul3A_635 {strides = array<i32>} : memref<128x128xf32, #tpu.memory_space<vmem>>, vector<16xf32>,
          %slice3A_639 = vector.extract_strided_slice %get3A_151 {offsets = [7], sizes = [1], strides = [1]} : vector<16xf32> to vector<1xf32>
          %squeeze3A_640 = vector.extract %slice3A_639[0] : f32 from vector<1xf32>
          %mul3A_641 = arith.constant 16 : i32
          %mul3A_642 = arith.muli %add3A_145, %mul3A_641 : i32
          %add3A_643 = arith.constant 7 : i32
          %add3A_644 = arith.addi %mul3A_642, %add3A_643 : i32
          %get3A_645 = arith.index_cast %add3A_644 : i32 to index
          %get3A_646 = arith.constant 0 : index
          %get3A_647 = tpu.vector_load %arg19[%get3A_645, %get3A_646] {strides = array<i32>} : memref<128x128xf32, #tpu.memory_space<vmem>>, vector<16xf32>,
          %mul3A_648 = vector.broadcast %squeeze3A_640 : f32 to vector<16xf32>
          %mul3A_649 = arith.mulf %get3A_647, %mul3A_648 : vector<16xf32>
          %swap3A_650 = arith.index_cast %add3A_644 : i32 to index
          %swap3A_651 = arith.constant 0 : index
          %swap3A_652 = tpu.vector_load %arg19[%swap3A_650, %swap3A_651] {strides = array<i32>} : memref<128x128xf32, #tpu.memory_space<vmem>>, vector<16xf32>,
          tpu.vector_store %arg19[%swap3A_650, %swap3A_651], %mul3A_649 {strides = array<i32>} : memref<128x128xf32, #tpu.memory_space<vmem>>, vector<16xf32>,
          %get3A_653 = arith.index_cast %add3A_644 : i32 to index
          %get3A_654 = arith.constant 16 : index
          %get3A_655 = tpu.vector_load %arg19[%get3A_653, %get3A_654] {strides = array<i32>} : memref<128x128xf32, #tpu.memory_space<vmem>>, vector<16xf32>,
          %mul3A_656 = vector.broadcast %squeeze3A_640 : f32 to vector<16xf32>
          %mul3A_657 = arith.mulf %get3A_655, %mul3A_656 : vector<16xf32>
          %swap3A_658 = arith.index_cast %add3A_644 : i32 to index
          %swap3A_659 = arith.constant 16 : index
          %swap3A_660 = tpu.vector_load %arg19[%swap3A_658, %swap3A_659] {strides = array<i32>} : memref<128x128xf32, #tpu.memory_space<vmem>>, vector<16xf32>,
          tpu.vector_store %arg19[%swap3A_658, %swap3A_659], %mul3A_657 {strides = array<i32>} : memref<128x128xf32, #tpu.memory_space<vmem>>, vector<16xf32>,
          %get3A_661 = arith.index_cast %add3A_644 : i32 to index
          %get3A_662 = arith.constant 32 : index
          %get3A_663 = tpu.vector_load %arg19[%get3A_661, %get3A_662] {strides = array<i32>} : memref<128x128xf32, #tpu.memory_space<vmem>>, vector<16xf32>,
          %mul3A_664 = vector.broadcast %squeeze3A_640 : f32 to vector<16xf32>
          %mul3A_665 = arith.mulf %get3A_663, %mul3A_664 : vector<16xf32>
          %swap3A_666 = arith.index_cast %add3A_644 : i32 to index
          %swap3A_667 = arith.constant 32 : index
          %swap3A_668 = tpu.vector_load %arg19[%swap3A_666, %swap3A_667] {strides = array<i32>} : memref<128x128xf32, #tpu.memory_space<vmem>>, vector<16xf32>,
          tpu.vector_store %arg19[%swap3A_666, %swap3A_667], %mul3A_665 {strides = array<i32>} : memref<128x128xf32, #tpu.memory_space<vmem>>, vector<16xf32>,
          %get3A_669 = arith.index_cast %add3A_644 : i32 to index
          %get3A_670 = arith.constant 48 : index
          %get3A_671 = tpu.vector_load %arg19[%get3A_669, %get3A_670] {strides = array<i32>} : memref<128x128xf32, #tpu.memory_space<vmem>>, vector<16xf32>,
          %mul3A_672 = vector.broadcast %squeeze3A_640 : f32 to vector<16xf32>
          %mul3A_673 = arith.mulf %get3A_671, %mul3A_672 : vector<16xf32>
          %swap3A_674 = arith.index_cast %add3A_644 : i32 to index
          %swap3A_675 = arith.constant 48 : index
          %swap3A_676 = tpu.vector_load %arg19[%swap3A_674, %swap3A_675] {strides = array<i32>} : memref<128x128xf32, #tpu.memory_space<vmem>>, vector<16xf32>,
          tpu.vector_store %arg19[%swap3A_674, %swap3A_675], %mul3A_673 {strides = array<i32>} : memref<128x128xf32, #tpu.memory_space<vmem>>, vector<16xf32>,
          %get3A_677 = arith.index_cast %add3A_644 : i32 to index
          %get3A_678 = arith.constant 64 : index
          %get3A_679 = tpu.vector_load %arg19[%get3A_677, %get3A_678] {strides = array<i32>} : memref<128x128xf32, #tpu.memory_space<vmem>>, vector<16xf32>,
          %mul3A_680 = vector.broadcast %squeeze3A_640 : f32 to vector<16xf32>
          %mul3A_681 = arith.mulf %get3A_679, %mul3A_680 : vector<16xf32>
          %swap3A_682 = arith.index_cast %add3A_644 : i32 to index
          %swap3A_683 = arith.constant 64 : index
          %swap3A_684 = tpu.vector_load %arg19[%swap3A_682, %swap3A_683] {strides = array<i32>} : memref<128x128xf32, #tpu.memory_space<vmem>>, vector<16xf32>,
          tpu.vector_store %arg19[%swap3A_682, %swap3A_683], %mul3A_681 {strides = array<i32>} : memref<128x128xf32, #tpu.memory_space<vmem>>, vector<16xf32>,
          %get3A_685 = arith.index_cast %add3A_644 : i32 to index
          %get3A_686 = arith.constant 80 : index
          %get3A_687 = tpu.vector_load %arg19[%get3A_685, %get3A_686] {strides = array<i32>} : memref<128x128xf32, #tpu.memory_space<vmem>>, vector<16xf32>,
          %mul3A_688 = vector.broadcast %squeeze3A_640 : f32 to vector<16xf32>
          %mul3A_689 = arith.mulf %get3A_687, %mul3A_688 : vector<16xf32>
          %swap3A_690 = arith.index_cast %add3A_644 : i32 to index
          %swap3A_691 = arith.constant 80 : index
          %swap3A_692 = tpu.vector_load %arg19[%swap3A_690, %swap3A_691] {strides = array<i32>} : memref<128x128xf32, #tpu.memory_space<vmem>>, vector<16xf32>,
          tpu.vector_store %arg19[%swap3A_690, %swap3A_691], %mul3A_689 {strides = array<i32>} : memref<128x128xf32, #tpu.memory_space<vmem>>, vector<16xf32>,
          %get3A_693 = arith.index_cast %add3A_644 : i32 to index
          %get3A_694 = arith.constant 96 : index
          %get3A_695 = tpu.vector_load %arg19[%get3A_693, %get3A_694] {strides = array<i32>} : memref<128x128xf32, #tpu.memory_space<vmem>>, vector<16xf32>,
          %mul3A_696 = vector.broadcast %squeeze3A_640 : f32 to vector<16xf32>
          %mul3A_697 = arith.mulf %get3A_695, %mul3A_696 : vector<16xf32>
          %swap3A_698 = arith.index_cast %add3A_644 : i32 to index
          %swap3A_699 = arith.constant 96 : index
          %swap3A_700 = tpu.vector_load %arg19[%swap3A_698, %swap3A_699] {strides = array<i32>} : memref<128x128xf32, #tpu.memory_space<vmem>>, vector<16xf32>,
          tpu.vector_store %arg19[%swap3A_698, %swap3A_699], %mul3A_697 {strides = array<i32>} : memref<128x128xf32, #tpu.memory_space<vmem>>, vector<16xf32>,
          %get3A_701 = arith.index_cast %add3A_644 : i32 to index
          %get3A_702 = arith.constant 112 : index
          %get3A_703 = tpu.vector_load %arg19[%get3A_701, %get3A_702] {strides = array<i32>} : memref<128x128xf32, #tpu.memory_space<vmem>>, vector<16xf32>,
          %mul3A_704 = vector.broadcast %squeeze3A_640 : f32 to vector<16xf32>
          %mul3A_705 = arith.mulf %get3A_703, %mul3A_704 : vector<16xf32>
          %swap3A_706 = arith.index_cast %add3A_644 : i32 to index
          %swap3A_707 = arith.constant 112 : index
          %swap3A_708 = tpu.vector_load %arg19[%swap3A_706, %swap3A_707] {strides = array<i32>} : memref<128x128xf32, #tpu.memory_space<vmem>>, vector<16xf32>,
          tpu.vector_store %arg19[%swap3A_706, %swap3A_707], %mul3A_705 {strides = array<i32>} : memref<128x128xf32, #tpu.memory_space<vmem>>, vector<16xf32>,
          %slice3A_709 = vector.extract_strided_slice %get3A_151 {offsets = [8], sizes = [1], strides = [1]} : vector<16xf32> to vector<1xf32>
          %squeeze3A_710 = vector.extract %slice3A_709[0] : f32 from vector<1xf32>
          %mul3A_711 = arith.constant 16 : i32
          %mul3A_712 = arith.muli %add3A_145, %mul3A_711 : i32
          %add3A_713 = arith.constant 8 : i32
          %add3A_714 = arith.addi %mul3A_712, %add3A_713 : i32
          %get3A_715 = arith.index_cast %add3A_714 : i32 to index
          %get3A_716 = arith.constant 0 : index
          %get3A_717 = tpu.vector_load %arg19[%get3A_715, %get3A_716] {strides = array<i32>} : memref<128x128xf32, #tpu.memory_space<vmem>>, vector<16xf32>,
          %mul3A_718 = vector.broadcast %squeeze3A_710 : f32 to vector<16xf32>
          %mul3A_719 = arith.mulf %get3A_717, %mul3A_718 : vector<16xf32>
          %swap3A_720 = arith.index_cast %add3A_714 : i32 to index
          %swap3A_721 = arith.constant 0 : index
          %swap3A_722 = tpu.vector_load %arg19[%swap3A_720, %swap3A_721] {strides = array<i32>} : memref<128x128xf32, #tpu.memory_space<vmem>>, vector<16xf32>,
          tpu.vector_store %arg19[%swap3A_720, %swap3A_721], %mul3A_719 {strides = array<i32>} : memref<128x128xf32, #tpu.memory_space<vmem>>, vector<16xf32>,
          %get3A_723 = arith.index_cast %add3A_714 : i32 to index
          %get3A_724 = arith.constant 16 : index
          %get3A_725 = tpu.vector_load %arg19[%get3A_723, %get3A_724] {strides = array<i32>} : memref<128x128xf32, #tpu.memory_space<vmem>>, vector<16xf32>,
          %mul3A_726 = vector.broadcast %squeeze3A_710 : f32 to vector<16xf32>
          %mul3A_727 = arith.mulf %get3A_725, %mul3A_726 : vector<16xf32>
          %swap3A_728 = arith.index_cast %add3A_714 : i32 to index
          %swap3A_729 = arith.constant 16 : index
          %swap3A_730 = tpu.vector_load %arg19[%swap3A_728, %swap3A_729] {strides = array<i32>} : memref<128x128xf32, #tpu.memory_space<vmem>>, vector<16xf32>,
          tpu.vector_store %arg19[%swap3A_728, %swap3A_729], %mul3A_727 {strides = array<i32>} : memref<128x128xf32, #tpu.memory_space<vmem>>, vector<16xf32>,
          %get3A_731 = arith.index_cast %add3A_714 : i32 to index
          %get3A_732 = arith.constant 32 : index
          %get3A_733 = tpu.vector_load %arg19[%get3A_731, %get3A_732] {strides = array<i32>} : memref<128x128xf32, #tpu.memory_space<vmem>>, vector<16xf32>,
          %mul3A_734 = vector.broadcast %squeeze3A_710 : f32 to vector<16xf32>
          %mul3A_735 = arith.mulf %get3A_733, %mul3A_734 : vector<16xf32>
          %swap3A_736 = arith.index_cast %add3A_714 : i32 to index
          %swap3A_737 = arith.constant 32 : index
          %swap3A_738 = tpu.vector_load %arg19[%swap3A_736, %swap3A_737] {strides = array<i32>} : memref<128x128xf32, #tpu.memory_space<vmem>>, vector<16xf32>,
          tpu.vector_store %arg19[%swap3A_736, %swap3A_737], %mul3A_735 {strides = array<i32>} : memref<128x128xf32, #tpu.memory_space<vmem>>, vector<16xf32>,
          %get3A_739 = arith.index_cast %add3A_714 : i32 to index
          %get3A_740 = arith.constant 48 : index
          %get3A_741 = tpu.vector_load %arg19[%get3A_739, %get3A_740] {strides = array<i32>} : memref<128x128xf32, #tpu.memory_space<vmem>>, vector<16xf32>,
          %mul3A_742 = vector.broadcast %squeeze3A_710 : f32 to vector<16xf32>
          %mul3A_743 = arith.mulf %get3A_741, %mul3A_742 : vector<16xf32>
          %swap3A_744 = arith.index_cast %add3A_714 : i32 to index
          %swap3A_745 = arith.constant 48 : index
          %swap3A_746 = tpu.vector_load %arg19[%swap3A_744, %swap3A_745] {strides = array<i32>} : memref<128x128xf32, #tpu.memory_space<vmem>>, vector<16xf32>,
          tpu.vector_store %arg19[%swap3A_744, %swap3A_745], %mul3A_743 {strides = array<i32>} : memref<128x128xf32, #tpu.memory_space<vmem>>, vector<16xf32>,
          %get3A_747 = arith.index_cast %add3A_714 : i32 to index
          %get3A_748 = arith.constant 64 : index
          %get3A_749 = tpu.vector_load %arg19[%get3A_747, %get3A_748] {strides = array<i32>} : memref<128x128xf32, #tpu.memory_space<vmem>>, vector<16xf32>,
          %mul3A_750 = vector.broadcast %squeeze3A_710 : f32 to vector<16xf32>
          %mul3A_751 = arith.mulf %get3A_749, %mul3A_750 : vector<16xf32>
          %swap3A_752 = arith.index_cast %add3A_714 : i32 to index
          %swap3A_753 = arith.constant 64 : index
          %swap3A_754 = tpu.vector_load %arg19[%swap3A_752, %swap3A_753] {strides = array<i32>} : memref<128x128xf32, #tpu.memory_space<vmem>>, vector<16xf32>,
          tpu.vector_store %arg19[%swap3A_752, %swap3A_753], %mul3A_751 {strides = array<i32>} : memref<128x128xf32, #tpu.memory_space<vmem>>, vector<16xf32>,
          %get3A_755 = arith.index_cast %add3A_714 : i32 to index
          %get3A_756 = arith.constant 80 : index
          %get3A_757 = tpu.vector_load %arg19[%get3A_755, %get3A_756] {strides = array<i32>} : memref<128x128xf32, #tpu.memory_space<vmem>>, vector<16xf32>,
          %mul3A_758 = vector.broadcast %squeeze3A_710 : f32 to vector<16xf32>
          %mul3A_759 = arith.mulf %get3A_757, %mul3A_758 : vector<16xf32>
          %swap3A_760 = arith.index_cast %add3A_714 : i32 to index
          %swap3A_761 = arith.constant 80 : index
          %swap3A_762 = tpu.vector_load %arg19[%swap3A_760, %swap3A_761] {strides = array<i32>} : memref<128x128xf32, #tpu.memory_space<vmem>>, vector<16xf32>,
          tpu.vector_store %arg19[%swap3A_760, %swap3A_761], %mul3A_759 {strides = array<i32>} : memref<128x128xf32, #tpu.memory_space<vmem>>, vector<16xf32>,
          %get3A_763 = arith.index_cast %add3A_714 : i32 to index
          %get3A_764 = arith.constant 96 : index
          %get3A_765 = tpu.vector_load %arg19[%get3A_763, %get3A_764] {strides = array<i32>} : memref<128x128xf32, #tpu.memory_space<vmem>>, vector<16xf32>,
          %mul3A_766 = vector.broadcast %squeeze3A_710 : f32 to vector<16xf32>
          %mul3A_767 = arith.mulf %get3A_765, %mul3A_766 : vector<16xf32>
          %swap3A_768 = arith.index_cast %add3A_714 : i32 to index
          %swap3A_769 = arith.constant 96 : index
          %swap3A_770 = tpu.vector_load %arg19[%swap3A_768, %swap3A_769] {strides = array<i32>} : memref<128x128xf32, #tpu.memory_space<vmem>>, vector<16xf32>,
          tpu.vector_store %arg19[%swap3A_768, %swap3A_769], %mul3A_767 {strides = array<i32>} : memref<128x128xf32, #tpu.memory_space<vmem>>, vector<16xf32>,
          %get3A_771 = arith.index_cast %add3A_714 : i32 to index
          %get3A_772 = arith.constant 112 : index
          %get3A_773 = tpu.vector_load %arg19[%get3A_771, %get3A_772] {strides = array<i32>} : memref<128x128xf32, #tpu.memory_space<vmem>>, vector<16xf32>,
          %mul3A_774 = vector.broadcast %squeeze3A_710 : f32 to vector<16xf32>
          %mul3A_775 = arith.mulf %get3A_773, %mul3A_774 : vector<16xf32>
          %swap3A_776 = arith.index_cast %add3A_714 : i32 to index
          %swap3A_777 = arith.constant 112 : index
          %swap3A_778 = tpu.vector_load %arg19[%swap3A_776, %swap3A_777] {strides = array<i32>} : memref<128x128xf32, #tpu.memory_space<vmem>>, vector<16xf32>,
          tpu.vector_store %arg19[%swap3A_776, %swap3A_777], %mul3A_775 {strides = array<i32>} : memref<128x128xf32, #tpu.memory_space<vmem>>, vector<16xf32>,
          %slice3A_779 = vector.extract_strided_slice %get3A_151 {offsets = [9], sizes = [1], strides = [1]} : vector<16xf32> to vector<1xf32>
          %squeeze3A_780 = vector.extract %slice3A_779[0] : f32 from vector<1xf32>
          %mul3A_781 = arith.constant 16 : i32
          %mul3A_782 = arith.muli %add3A_145, %mul3A_781 : i32
          %add3A_783 = arith.constant 9 : i32
          %add3A_784 = arith.addi %mul3A_782, %add3A_783 : i32
          %get3A_785 = arith.index_cast %add3A_784 : i32 to index
          %get3A_786 = arith.constant 0 : index
          %get3A_787 = tpu.vector_load %arg19[%get3A_785, %get3A_786] {strides = array<i32>} : memref<128x128xf32, #tpu.memory_space<vmem>>, vector<16xf32>,
          %mul3A_788 = vector.broadcast %squeeze3A_780 : f32 to vector<16xf32>
          %mul3A_789 = arith.mulf %get3A_787, %mul3A_788 : vector<16xf32>
          %swap3A_790 = arith.index_cast %add3A_784 : i32 to index
          %swap3A_791 = arith.constant 0 : index
          %swap3A_792 = tpu.vector_load %arg19[%swap3A_790, %swap3A_791] {strides = array<i32>} : memref<128x128xf32, #tpu.memory_space<vmem>>, vector<16xf32>,
          tpu.vector_store %arg19[%swap3A_790, %swap3A_791], %mul3A_789 {strides = array<i32>} : memref<128x128xf32, #tpu.memory_space<vmem>>, vector<16xf32>,
          %get3A_793 = arith.index_cast %add3A_784 : i32 to index
          %get3A_794 = arith.constant 16 : index
          %get3A_795 = tpu.vector_load %arg19[%get3A_793, %get3A_794] {strides = array<i32>} : memref<128x128xf32, #tpu.memory_space<vmem>>, vector<16xf32>,
          %mul3A_796 = vector.broadcast %squeeze3A_780 : f32 to vector<16xf32>
          %mul3A_797 = arith.mulf %get3A_795, %mul3A_796 : vector<16xf32>
          %swap3A_798 = arith.index_cast %add3A_784 : i32 to index
          %swap3A_799 = arith.constant 16 : index
          %swap3A_800 = tpu.vector_load %arg19[%swap3A_798, %swap3A_799] {strides = array<i32>} : memref<128x128xf32, #tpu.memory_space<vmem>>, vector<16xf32>,
          tpu.vector_store %arg19[%swap3A_798, %swap3A_799], %mul3A_797 {strides = array<i32>} : memref<128x128xf32, #tpu.memory_space<vmem>>, vector<16xf32>,
          %get3A_801 = arith.index_cast %add3A_784 : i32 to index
          %get3A_802 = arith.constant 32 : index
          %get3A_803 = tpu.vector_load %arg19[%get3A_801, %get3A_802] {strides = array<i32>} : memref<128x128xf32, #tpu.memory_space<vmem>>, vector<16xf32>,
          %mul3A_804 = vector.broadcast %squeeze3A_780 : f32 to vector<16xf32>
          %mul3A_805 = arith.mulf %get3A_803, %mul3A_804 : vector<16xf32>
          %swap3A_806 = arith.index_cast %add3A_784 : i32 to index
          %swap3A_807 = arith.constant 32 : index
          %swap3A_808 = tpu.vector_load %arg19[%swap3A_806, %swap3A_807] {strides = array<i32>} : memref<128x128xf32, #tpu.memory_space<vmem>>, vector<16xf32>,
          tpu.vector_store %arg19[%swap3A_806, %swap3A_807], %mul3A_805 {strides = array<i32>} : memref<128x128xf32, #tpu.memory_space<vmem>>, vector<16xf32>,
          %get3A_809 = arith.index_cast %add3A_784 : i32 to index
          %get3A_810 = arith.constant 48 : index
          %get3A_811 = tpu.vector_load %arg19[%get3A_809, %get3A_810] {strides = array<i32>} : memref<128x128xf32, #tpu.memory_space<vmem>>, vector<16xf32>,
          %mul3A_812 = vector.broadcast %squeeze3A_780 : f32 to vector<16xf32>
          %mul3A_813 = arith.mulf %get3A_811, %mul3A_812 : vector<16xf32>
          %swap3A_814 = arith.index_cast %add3A_784 : i32 to index
          %swap3A_815 = arith.constant 48 : index
          %swap3A_816 = tpu.vector_load %arg19[%swap3A_814, %swap3A_815] {strides = array<i32>} : memref<128x128xf32, #tpu.memory_space<vmem>>, vector<16xf32>,
          tpu.vector_store %arg19[%swap3A_814, %swap3A_815], %mul3A_813 {strides = array<i32>} : memref<128x128xf32, #tpu.memory_space<vmem>>, vector<16xf32>,
          %get3A_817 = arith.index_cast %add3A_784 : i32 to index
          %get3A_818 = arith.constant 64 : index
          %get3A_819 = tpu.vector_load %arg19[%get3A_817, %get3A_818] {strides = array<i32>} : memref<128x128xf32, #tpu.memory_space<vmem>>, vector<16xf32>,
          %mul3A_820 = vector.broadcast %squeeze3A_780 : f32 to vector<16xf32>
          %mul3A_821 = arith.mulf %get3A_819, %mul3A_820 : vector<16xf32>
          %swap3A_822 = arith.index_cast %add3A_784 : i32 to index
          %swap3A_823 = arith.constant 64 : index
          %swap3A_824 = tpu.vector_load %arg19[%swap3A_822, %swap3A_823] {strides = array<i32>} : memref<128x128xf32, #tpu.memory_space<vmem>>, vector<16xf32>,
          tpu.vector_store %arg19[%swap3A_822, %swap3A_823], %mul3A_821 {strides = array<i32>} : memref<128x128xf32, #tpu.memory_space<vmem>>, vector<16xf32>,
          %get3A_825 = arith.index_cast %add3A_784 : i32 to index
          %get3A_826 = arith.constant 80 : index
          %get3A_827 = tpu.vector_load %arg19[%get3A_825, %get3A_826] {strides = array<i32>} : memref<128x128xf32, #tpu.memory_space<vmem>>, vector<16xf32>,
          %mul3A_828 = vector.broadcast %squeeze3A_780 : f32 to vector<16xf32>
          %mul3A_829 = arith.mulf %get3A_827, %mul3A_828 : vector<16xf32>
          %swap3A_830 = arith.index_cast %add3A_784 : i32 to index
          %swap3A_831 = arith.constant 80 : index
          %swap3A_832 = tpu.vector_load %arg19[%swap3A_830, %swap3A_831] {strides = array<i32>} : memref<128x128xf32, #tpu.memory_space<vmem>>, vector<16xf32>,
          tpu.vector_store %arg19[%swap3A_830, %swap3A_831], %mul3A_829 {strides = array<i32>} : memref<128x128xf32, #tpu.memory_space<vmem>>, vector<16xf32>,
          %get3A_833 = arith.index_cast %add3A_784 : i32 to index
          %get3A_834 = arith.constant 96 : index
          %get3A_835 = tpu.vector_load %arg19[%get3A_833, %get3A_834] {strides = array<i32>} : memref<128x128xf32, #tpu.memory_space<vmem>>, vector<16xf32>,
          %mul3A_836 = vector.broadcast %squeeze3A_780 : f32 to vector<16xf32>
          %mul3A_837 = arith.mulf %get3A_835, %mul3A_836 : vector<16xf32>
          %swap3A_838 = arith.index_cast %add3A_784 : i32 to index
          %swap3A_839 = arith.constant 96 : index
          %swap3A_840 = tpu.vector_load %arg19[%swap3A_838, %swap3A_839] {strides = array<i32>} : memref<128x128xf32, #tpu.memory_space<vmem>>, vector<16xf32>,
          tpu.vector_store %arg19[%swap3A_838, %swap3A_839], %mul3A_837 {strides = array<i32>} : memref<128x128xf32, #tpu.memory_space<vmem>>, vector<16xf32>,
          %get3A_841 = arith.index_cast %add3A_784 : i32 to index
          %get3A_842 = arith.constant 112 : index
          %get3A_843 = tpu.vector_load %arg19[%get3A_841, %get3A_842] {strides = array<i32>} : memref<128x128xf32, #tpu.memory_space<vmem>>, vector<16xf32>,
          %mul3A_844 = vector.broadcast %squeeze3A_780 : f32 to vector<16xf32>
          %mul3A_845 = arith.mulf %get3A_843, %mul3A_844 : vector<16xf32>
          %swap3A_846 = arith.index_cast %add3A_784 : i32 to index
          %swap3A_847 = arith.constant 112 : index
          %swap3A_848 = tpu.vector_load %arg19[%swap3A_846, %swap3A_847] {strides = array<i32>} : memref<128x128xf32, #tpu.memory_space<vmem>>, vector<16xf32>,
          tpu.vector_store %arg19[%swap3A_846, %swap3A_847], %mul3A_845 {strides = array<i32>} : memref<128x128xf32, #tpu.memory_space<vmem>>, vector<16xf32>,
          %slice3A_849 = vector.extract_strided_slice %get3A_151 {offsets = [10], sizes = [1], strides = [1]} : vector<16xf32> to vector<1xf32>
          %squeeze3A_850 = vector.extract %slice3A_849[0] : f32 from vector<1xf32>
          %mul3A_851 = arith.constant 16 : i32
          %mul3A_852 = arith.muli %add3A_145, %mul3A_851 : i32
          %add3A_853 = arith.constant 10 : i32
          %add3A_854 = arith.addi %mul3A_852, %add3A_853 : i32
          %get3A_855 = arith.index_cast %add3A_854 : i32 to index
          %get3A_856 = arith.constant 0 : index
          %get3A_857 = tpu.vector_load %arg19[%get3A_855, %get3A_856] {strides = array<i32>} : memref<128x128xf32, #tpu.memory_space<vmem>>, vector<16xf32>,
          %mul3A_858 = vector.broadcast %squeeze3A_850 : f32 to vector<16xf32>
          %mul3A_859 = arith.mulf %get3A_857, %mul3A_858 : vector<16xf32>
          %swap3A_860 = arith.index_cast %add3A_854 : i32 to index
          %swap3A_861 = arith.constant 0 : index
          %swap3A_862 = tpu.vector_load %arg19[%swap3A_860, %swap3A_861] {strides = array<i32>} : memref<128x128xf32, #tpu.memory_space<vmem>>, vector<16xf32>,
          tpu.vector_store %arg19[%swap3A_860, %swap3A_861], %mul3A_859 {strides = array<i32>} : memref<128x128xf32, #tpu.memory_space<vmem>>, vector<16xf32>,
          %get3A_863 = arith.index_cast %add3A_854 : i32 to index
          %get3A_864 = arith.constant 16 : index
          %get3A_865 = tpu.vector_load %arg19[%get3A_863, %get3A_864] {strides = array<i32>} : memref<128x128xf32, #tpu.memory_space<vmem>>, vector<16xf32>,
          %mul3A_866 = vector.broadcast %squeeze3A_850 : f32 to vector<16xf32>
          %mul3A_867 = arith.mulf %get3A_865, %mul3A_866 : vector<16xf32>
          %swap3A_868 = arith.index_cast %add3A_854 : i32 to index
          %swap3A_869 = arith.constant 16 : index
          %swap3A_870 = tpu.vector_load %arg19[%swap3A_868, %swap3A_869] {strides = array<i32>} : memref<128x128xf32, #tpu.memory_space<vmem>>, vector<16xf32>,
          tpu.vector_store %arg19[%swap3A_868, %swap3A_869], %mul3A_867 {strides = array<i32>} : memref<128x128xf32, #tpu.memory_space<vmem>>, vector<16xf32>,
          %get3A_871 = arith.index_cast %add3A_854 : i32 to index
          %get3A_872 = arith.constant 32 : index
          %get3A_873 = tpu.vector_load %arg19[%get3A_871, %get3A_872] {strides = array<i32>} : memref<128x128xf32, #tpu.memory_space<vmem>>, vector<16xf32>,
          %mul3A_874 = vector.broadcast %squeeze3A_850 : f32 to vector<16xf32>
          %mul3A_875 = arith.mulf %get3A_873, %mul3A_874 : vector<16xf32>
          %swap3A_876 = arith.index_cast %add3A_854 : i32 to index
          %swap3A_877 = arith.constant 32 : index
          %swap3A_878 = tpu.vector_load %arg19[%swap3A_876, %swap3A_877] {strides = array<i32>} : memref<128x128xf32, #tpu.memory_space<vmem>>, vector<16xf32>,
          tpu.vector_store %arg19[%swap3A_876, %swap3A_877], %mul3A_875 {strides = array<i32>} : memref<128x128xf32, #tpu.memory_space<vmem>>, vector<16xf32>,
          %get3A_879 = arith.index_cast %add3A_854 : i32 to index
          %get3A_880 = arith.constant 48 : index
          %get3A_881 = tpu.vector_load %arg19[%get3A_879, %get3A_880] {strides = array<i32>} : memref<128x128xf32, #tpu.memory_space<vmem>>, vector<16xf32>,
          %mul3A_882 = vector.broadcast %squeeze3A_850 : f32 to vector<16xf32>
          %mul3A_883 = arith.mulf %get3A_881, %mul3A_882 : vector<16xf32>
          %swap3A_884 = arith.index_cast %add3A_854 : i32 to index
          %swap3A_885 = arith.constant 48 : index
          %swap3A_886 = tpu.vector_load %arg19[%swap3A_884, %swap3A_885] {strides = array<i32>} : memref<128x128xf32, #tpu.memory_space<vmem>>, vector<16xf32>,
          tpu.vector_store %arg19[%swap3A_884, %swap3A_885], %mul3A_883 {strides = array<i32>} : memref<128x128xf32, #tpu.memory_space<vmem>>, vector<16xf32>,
          %get3A_887 = arith.index_cast %add3A_854 : i32 to index
          %get3A_888 = arith.constant 64 : index
          %get3A_889 = tpu.vector_load %arg19[%get3A_887, %get3A_888] {strides = array<i32>} : memref<128x128xf32, #tpu.memory_space<vmem>>, vector<16xf32>,
          %mul3A_890 = vector.broadcast %squeeze3A_850 : f32 to vector<16xf32>
          %mul3A_891 = arith.mulf %get3A_889, %mul3A_890 : vector<16xf32>
          %swap3A_892 = arith.index_cast %add3A_854 : i32 to index
          %swap3A_893 = arith.constant 64 : index
          %swap3A_894 = tpu.vector_load %arg19[%swap3A_892, %swap3A_893] {strides = array<i32>} : memref<128x128xf32, #tpu.memory_space<vmem>>, vector<16xf32>,
          tpu.vector_store %arg19[%swap3A_892, %swap3A_893], %mul3A_891 {strides = array<i32>} : memref<128x128xf32, #tpu.memory_space<vmem>>, vector<16xf32>,
          %get3A_895 = arith.index_cast %add3A_854 : i32 to index
          %get3A_896 = arith.constant 80 : index
          %get3A_897 = tpu.vector_load %arg19[%get3A_895, %get3A_896] {strides = array<i32>} : memref<128x128xf32, #tpu.memory_space<vmem>>, vector<16xf32>,
          %mul3A_898 = vector.broadcast %squeeze3A_850 : f32 to vector<16xf32>
          %mul3A_899 = arith.mulf %get3A_897, %mul3A_898 : vector<16xf32>
          %swap3A_900 = arith.index_cast %add3A_854 : i32 to index
          %swap3A_901 = arith.constant 80 : index
          %swap3A_902 = tpu.vector_load %arg19[%swap3A_900, %swap3A_901] {strides = array<i32>} : memref<128x128xf32, #tpu.memory_space<vmem>>, vector<16xf32>,
          tpu.vector_store %arg19[%swap3A_900, %swap3A_901], %mul3A_899 {strides = array<i32>} : memref<128x128xf32, #tpu.memory_space<vmem>>, vector<16xf32>,
          %get3A_903 = arith.index_cast %add3A_854 : i32 to index
          %get3A_904 = arith.constant 96 : index
          %get3A_905 = tpu.vector_load %arg19[%get3A_903, %get3A_904] {strides = array<i32>} : memref<128x128xf32, #tpu.memory_space<vmem>>, vector<16xf32>,
          %mul3A_906 = vector.broadcast %squeeze3A_850 : f32 to vector<16xf32>
          %mul3A_907 = arith.mulf %get3A_905, %mul3A_906 : vector<16xf32>
          %swap3A_908 = arith.index_cast %add3A_854 : i32 to index
          %swap3A_909 = arith.constant 96 : index
          %swap3A_910 = tpu.vector_load %arg19[%swap3A_908, %swap3A_909] {strides = array<i32>} : memref<128x128xf32, #tpu.memory_space<vmem>>, vector<16xf32>,
          tpu.vector_store %arg19[%swap3A_908, %swap3A_909], %mul3A_907 {strides = array<i32>} : memref<128x128xf32, #tpu.memory_space<vmem>>, vector<16xf32>,
          %get3A_911 = arith.index_cast %add3A_854 : i32 to index
          %get3A_912 = arith.constant 112 : index
          %get3A_913 = tpu.vector_load %arg19[%get3A_911, %get3A_912] {strides = array<i32>} : memref<128x128xf32, #tpu.memory_space<vmem>>, vector<16xf32>,
          %mul3A_914 = vector.broadcast %squeeze3A_850 : f32 to vector<16xf32>
          %mul3A_915 = arith.mulf %get3A_913, %mul3A_914 : vector<16xf32>
          %swap3A_916 = arith.index_cast %add3A_854 : i32 to index
          %swap3A_917 = arith.constant 112 : index
          %swap3A_918 = tpu.vector_load %arg19[%swap3A_916, %swap3A_917] {strides = array<i32>} : memref<128x128xf32, #tpu.memory_space<vmem>>, vector<16xf32>,
          tpu.vector_store %arg19[%swap3A_916, %swap3A_917], %mul3A_915 {strides = array<i32>} : memref<128x128xf32, #tpu.memory_space<vmem>>, vector<16xf32>,
          %slice3A_919 = vector.extract_strided_slice %get3A_151 {offsets = [11], sizes = [1], strides = [1]} : vector<16xf32> to vector<1xf32>
          %squeeze3A_920 = vector.extract %slice3A_919[0] : f32 from vector<1xf32>
          %mul3A_921 = arith.constant 16 : i32
          %mul3A_922 = arith.muli %add3A_145, %mul3A_921 : i32
          %add3A_923 = arith.constant 11 : i32
          %add3A_924 = arith.addi %mul3A_922, %add3A_923 : i32
          %get3A_925 = arith.index_cast %add3A_924 : i32 to index
          %get3A_926 = arith.constant 0 : index
          %get3A_927 = tpu.vector_load %arg19[%get3A_925, %get3A_926] {strides = array<i32>} : memref<128x128xf32, #tpu.memory_space<vmem>>, vector<16xf32>,
          %mul3A_928 = vector.broadcast %squeeze3A_920 : f32 to vector<16xf32>
          %mul3A_929 = arith.mulf %get3A_927, %mul3A_928 : vector<16xf32>
          %swap3A_930 = arith.index_cast %add3A_924 : i32 to index
          %swap3A_931 = arith.constant 0 : index
          %swap3A_932 = tpu.vector_load %arg19[%swap3A_930, %swap3A_931] {strides = array<i32>} : memref<128x128xf32, #tpu.memory_space<vmem>>, vector<16xf32>,
          tpu.vector_store %arg19[%swap3A_930, %swap3A_931], %mul3A_929 {strides = array<i32>} : memref<128x128xf32, #tpu.memory_space<vmem>>, vector<16xf32>,
          %get3A_933 = arith.index_cast %add3A_924 : i32 to index
          %get3A_934 = arith.constant 16 : index
          %get3A_935 = tpu.vector_load %arg19[%get3A_933, %get3A_934] {strides = array<i32>} : memref<128x128xf32, #tpu.memory_space<vmem>>, vector<16xf32>,
          %mul3A_936 = vector.broadcast %squeeze3A_920 : f32 to vector<16xf32>
          %mul3A_937 = arith.mulf %get3A_935, %mul3A_936 : vector<16xf32>
          %swap3A_938 = arith.index_cast %add3A_924 : i32 to index
          %swap3A_939 = arith.constant 16 : index
          %swap3A_940 = tpu.vector_load %arg19[%swap3A_938, %swap3A_939] {strides = array<i32>} : memref<128x128xf32, #tpu.memory_space<vmem>>, vector<16xf32>,
          tpu.vector_store %arg19[%swap3A_938, %swap3A_939], %mul3A_937 {strides = array<i32>} : memref<128x128xf32, #tpu.memory_space<vmem>>, vector<16xf32>,
          %get3A_941 = arith.index_cast %add3A_924 : i32 to index
          %get3A_942 = arith.constant 32 : index
          %get3A_943 = tpu.vector_load %arg19[%get3A_941, %get3A_942] {strides = array<i32>} : memref<128x128xf32, #tpu.memory_space<vmem>>, vector<16xf32>,
          %mul3A_944 = vector.broadcast %squeeze3A_920 : f32 to vector<16xf32>
          %mul3A_945 = arith.mulf %get3A_943, %mul3A_944 : vector<16xf32>
          %swap3A_946 = arith.index_cast %add3A_924 : i32 to index
          %swap3A_947 = arith.constant 32 : index
          %swap3A_948 = tpu.vector_load %arg19[%swap3A_946, %swap3A_947] {strides = array<i32>} : memref<128x128xf32, #tpu.memory_space<vmem>>, vector<16xf32>,
          tpu.vector_store %arg19[%swap3A_946, %swap3A_947], %mul3A_945 {strides = array<i32>} : memref<128x128xf32, #tpu.memory_space<vmem>>, vector<16xf32>,
          %get3A_949 = arith.index_cast %add3A_924 : i32 to index
          %get3A_950 = arith.constant 48 : index
          %get3A_951 = tpu.vector_load %arg19[%get3A_949, %get3A_950] {strides = array<i32>} : memref<128x128xf32, #tpu.memory_space<vmem>>, vector<16xf32>,
          %mul3A_952 = vector.broadcast %squeeze3A_920 : f32 to vector<16xf32>
          %mul3A_953 = arith.mulf %get3A_951, %mul3A_952 : vector<16xf32>
          %swap3A_954 = arith.index_cast %add3A_924 : i32 to index
          %swap3A_955 = arith.constant 48 : index
          %swap3A_956 = tpu.vector_load %arg19[%swap3A_954, %swap3A_955] {strides = array<i32>} : memref<128x128xf32, #tpu.memory_space<vmem>>, vector<16xf32>,
          tpu.vector_store %arg19[%swap3A_954, %swap3A_955], %mul3A_953 {strides = array<i32>} : memref<128x128xf32, #tpu.memory_space<vmem>>, vector<16xf32>,
          %get3A_957 = arith.index_cast %add3A_924 : i32 to index
          %get3A_958 = arith.constant 64 : index
          %get3A_959 = tpu.vector_load %arg19[%get3A_957, %get3A_958] {strides = array<i32>} : memref<128x128xf32, #tpu.memory_space<vmem>>, vector<16xf32>,
          %mul3A_960 = vector.broadcast %squeeze3A_920 : f32 to vector<16xf32>
          %mul3A_961 = arith.mulf %get3A_959, %mul3A_960 : vector<16xf32>
          %swap3A_962 = arith.index_cast %add3A_924 : i32 to index
          %swap3A_963 = arith.constant 64 : index
          %swap3A_964 = tpu.vector_load %arg19[%swap3A_962, %swap3A_963] {strides = array<i32>} : memref<128x128xf32, #tpu.memory_space<vmem>>, vector<16xf32>,
          tpu.vector_store %arg19[%swap3A_962, %swap3A_963], %mul3A_961 {strides = array<i32>} : memref<128x128xf32, #tpu.memory_space<vmem>>, vector<16xf32>,
          %get3A_965 = arith.index_cast %add3A_924 : i32 to index
          %get3A_966 = arith.constant 80 : index
          %get3A_967 = tpu.vector_load %arg19[%get3A_965, %get3A_966] {strides = array<i32>} : memref<128x128xf32, #tpu.memory_space<vmem>>, vector<16xf32>,
          %mul3A_968 = vector.broadcast %squeeze3A_920 : f32 to vector<16xf32>
          %mul3A_969 = arith.mulf %get3A_967, %mul3A_968 : vector<16xf32>
          %swap3A_970 = arith.index_cast %add3A_924 : i32 to index
          %swap3A_971 = arith.constant 80 : index
          %swap3A_972 = tpu.vector_load %arg19[%swap3A_970, %swap3A_971] {strides = array<i32>} : memref<128x128xf32, #tpu.memory_space<vmem>>, vector<16xf32>,
          tpu.vector_store %arg19[%swap3A_970, %swap3A_971], %mul3A_969 {strides = array<i32>} : memref<128x128xf32, #tpu.memory_space<vmem>>, vector<16xf32>,
          %get3A_973 = arith.index_cast %add3A_924 : i32 to index
          %get3A_974 = arith.constant 96 : index
          %get3A_975 = tpu.vector_load %arg19[%get3A_973, %get3A_974] {strides = array<i32>} : memref<128x128xf32, #tpu.memory_space<vmem>>, vector<16xf32>,
          %mul3A_976 = vector.broadcast %squeeze3A_920 : f32 to vector<16xf32>
          %mul3A_977 = arith.mulf %get3A_975, %mul3A_976 : vector<16xf32>
          %swap3A_978 = arith.index_cast %add3A_924 : i32 to index
          %swap3A_979 = arith.constant 96 : index
          %swap3A_980 = tpu.vector_load %arg19[%swap3A_978, %swap3A_979] {strides = array<i32>} : memref<128x128xf32, #tpu.memory_space<vmem>>, vector<16xf32>,
          tpu.vector_store %arg19[%swap3A_978, %swap3A_979], %mul3A_977 {strides = array<i32>} : memref<128x128xf32, #tpu.memory_space<vmem>>, vector<16xf32>,
          %get3A_981 = arith.index_cast %add3A_924 : i32 to index
          %get3A_982 = arith.constant 112 : index
          %get3A_983 = tpu.vector_load %arg19[%get3A_981, %get3A_982] {strides = array<i32>} : memref<128x128xf32, #tpu.memory_space<vmem>>, vector<16xf32>,
          %mul3A_984 = vector.broadcast %squeeze3A_920 : f32 to vector<16xf32>
          %mul3A_985 = arith.mulf %get3A_983, %mul3A_984 : vector<16xf32>
          %swap3A_986 = arith.index_cast %add3A_924 : i32 to index
          %swap3A_987 = arith.constant 112 : index
          %swap3A_988 = tpu.vector_load %arg19[%swap3A_986, %swap3A_987] {strides = array<i32>} : memref<128x128xf32, #tpu.memory_space<vmem>>, vector<16xf32>,
          tpu.vector_store %arg19[%swap3A_986, %swap3A_987], %mul3A_985 {strides = array<i32>} : memref<128x128xf32, #tpu.memory_space<vmem>>, vector<16xf32>,
          %slice3A_989 = vector.extract_strided_slice %get3A_151 {offsets = [12], sizes = [1], strides = [1]} : vector<16xf32> to vector<1xf32>
          %squeeze3A_990 = vector.extract %slice3A_989[0] : f32 from vector<1xf32>
          %mul3A_991 = arith.constant 16 : i32
          %mul3A_992 = arith.muli %add3A_145, %mul3A_991 : i32
          %add3A_993 = arith.constant 12 : i32
          %add3A_994 = arith.addi %mul3A_992, %add3A_993 : i32
          %get3A_995 = arith.index_cast %add3A_994 : i32 to index
          %get3A_996 = arith.constant 0 : index
          %get3A_997 = tpu.vector_load %arg19[%get3A_995, %get3A_996] {strides = array<i32>} : memref<128x128xf32, #tpu.memory_space<vmem>>, vector<16xf32>,
          %mul3A_998 = vector.broadcast %squeeze3A_990 : f32 to vector<16xf32>
          %mul3A_999 = arith.mulf %get3A_997, %mul3A_998 : vector<16xf32>
          %swap3A_1000 = arith.index_cast %add3A_994 : i32 to index
          %swap3A_1001 = arith.constant 0 : index
          %swap3A_1002 = tpu.vector_load %arg19[%swap3A_1000, %swap3A_1001] {strides = array<i32>} : memref<128x128xf32, #tpu.memory_space<vmem>>, vector<16xf32>,
          tpu.vector_store %arg19[%swap3A_1000, %swap3A_1001], %mul3A_999 {strides = array<i32>} : memref<128x128xf32, #tpu.memory_space<vmem>>, vector<16xf32>,
          %get3A_1003 = arith.index_cast %add3A_994 : i32 to index
          %get3A_1004 = arith.constant 16 : index
          %get3A_1005 = tpu.vector_load %arg19[%get3A_1003, %get3A_1004] {strides = array<i32>} : memref<128x128xf32, #tpu.memory_space<vmem>>, vector<16xf32>,
          %mul3A_1006 = vector.broadcast %squeeze3A_990 : f32 to vector<16xf32>
          %mul3A_1007 = arith.mulf %get3A_1005, %mul3A_1006 : vector<16xf32>
          %swap3A_1008 = arith.index_cast %add3A_994 : i32 to index
          %swap3A_1009 = arith.constant 16 : index
          %swap3A_1010 = tpu.vector_load %arg19[%swap3A_1008, %swap3A_1009] {strides = array<i32>} : memref<128x128xf32, #tpu.memory_space<vmem>>, vector<16xf32>,
          tpu.vector_store %arg19[%swap3A_1008, %swap3A_1009], %mul3A_1007 {strides = array<i32>} : memref<128x128xf32, #tpu.memory_space<vmem>>, vector<16xf32>,
          %get3A_1011 = arith.index_cast %add3A_994 : i32 to index
          %get3A_1012 = arith.constant 32 : index
          %get3A_1013 = tpu.vector_load %arg19[%get3A_1011, %get3A_1012] {strides = array<i32>} : memref<128x128xf32, #tpu.memory_space<vmem>>, vector<16xf32>,
          %mul3A_1014 = vector.broadcast %squeeze3A_990 : f32 to vector<16xf32>
          %mul3A_1015 = arith.mulf %get3A_1013, %mul3A_1014 : vector<16xf32>
          %swap3A_1016 = arith.index_cast %add3A_994 : i32 to index
          %swap3A_1017 = arith.constant 32 : index
          %swap3A_1018 = tpu.vector_load %arg19[%swap3A_1016, %swap3A_1017] {strides = array<i32>} : memref<128x128xf32, #tpu.memory_space<vmem>>, vector<16xf32>,
          tpu.vector_store %arg19[%swap3A_1016, %swap3A_1017], %mul3A_1015 {strides = array<i32>} : memref<128x128xf32, #tpu.memory_space<vmem>>, vector<16xf32>,
          %get3A_1019 = arith.index_cast %add3A_994 : i32 to index
          %get3A_1020 = arith.constant 48 : index
          %get3A_1021 = tpu.vector_load %arg19[%get3A_1019, %get3A_1020] {strides = array<i32>} : memref<128x128xf32, #tpu.memory_space<vmem>>, vector<16xf32>,
          %mul3A_1022 = vector.broadcast %squeeze3A_990 : f32 to vector<16xf32>
          %mul3A_1023 = arith.mulf %get3A_1021, %mul3A_1022 : vector<16xf32>
          %swap3A_1024 = arith.index_cast %add3A_994 : i32 to index
          %swap3A_1025 = arith.constant 48 : index
          %swap3A_1026 = tpu.vector_load %arg19[%swap3A_1024, %swap3A_1025] {strides = array<i32>} : memref<128x128xf32, #tpu.memory_space<vmem>>, vector<16xf32>,
          tpu.vector_store %arg19[%swap3A_1024, %swap3A_1025], %mul3A_1023 {strides = array<i32>} : memref<128x128xf32, #tpu.memory_space<vmem>>, vector<16xf32>,
          %get3A_1027 = arith.index_cast %add3A_994 : i32 to index
          %get3A_1028 = arith.constant 64 : index
          %get3A_1029 = tpu.vector_load %arg19[%get3A_1027, %get3A_1028] {strides = array<i32>} : memref<128x128xf32, #tpu.memory_space<vmem>>, vector<16xf32>,
          %mul3A_1030 = vector.broadcast %squeeze3A_990 : f32 to vector<16xf32>
          %mul3A_1031 = arith.mulf %get3A_1029, %mul3A_1030 : vector<16xf32>
          %swap3A_1032 = arith.index_cast %add3A_994 : i32 to index
          %swap3A_1033 = arith.constant 64 : index
          %swap3A_1034 = tpu.vector_load %arg19[%swap3A_1032, %swap3A_1033] {strides = array<i32>} : memref<128x128xf32, #tpu.memory_space<vmem>>, vector<16xf32>,
          tpu.vector_store %arg19[%swap3A_1032, %swap3A_1033], %mul3A_1031 {strides = array<i32>} : memref<128x128xf32, #tpu.memory_space<vmem>>, vector<16xf32>,
          %get3A_1035 = arith.index_cast %add3A_994 : i32 to index
          %get3A_1036 = arith.constant 80 : index
          %get3A_1037 = tpu.vector_load %arg19[%get3A_1035, %get3A_1036] {strides = array<i32>} : memref<128x128xf32, #tpu.memory_space<vmem>>, vector<16xf32>,
          %mul3A_1038 = vector.broadcast %squeeze3A_990 : f32 to vector<16xf32>
          %mul3A_1039 = arith.mulf %get3A_1037, %mul3A_1038 : vector<16xf32>
          %swap3A_1040 = arith.index_cast %add3A_994 : i32 to index
          %swap3A_1041 = arith.constant 80 : index
          %swap3A_1042 = tpu.vector_load %arg19[%swap3A_1040, %swap3A_1041] {strides = array<i32>} : memref<128x128xf32, #tpu.memory_space<vmem>>, vector<16xf32>,
          tpu.vector_store %arg19[%swap3A_1040, %swap3A_1041], %mul3A_1039 {strides = array<i32>} : memref<128x128xf32, #tpu.memory_space<vmem>>, vector<16xf32>,
          %get3A_1043 = arith.index_cast %add3A_994 : i32 to index
          %get3A_1044 = arith.constant 96 : index
          %get3A_1045 = tpu.vector_load %arg19[%get3A_1043, %get3A_1044] {strides = array<i32>} : memref<128x128xf32, #tpu.memory_space<vmem>>, vector<16xf32>,
          %mul3A_1046 = vector.broadcast %squeeze3A_990 : f32 to vector<16xf32>
          %mul3A_1047 = arith.mulf %get3A_1045, %mul3A_1046 : vector<16xf32>
          %swap3A_1048 = arith.index_cast %add3A_994 : i32 to index
          %swap3A_1049 = arith.constant 96 : index
          %swap3A_1050 = tpu.vector_load %arg19[%swap3A_1048, %swap3A_1049] {strides = array<i32>} : memref<128x128xf32, #tpu.memory_space<vmem>>, vector<16xf32>,
          tpu.vector_store %arg19[%swap3A_1048, %swap3A_1049], %mul3A_1047 {strides = array<i32>} : memref<128x128xf32, #tpu.memory_space<vmem>>, vector<16xf32>,
          %get3A_1051 = arith.index_cast %add3A_994 : i32 to index
          %get3A_1052 = arith.constant 112 : index
          %get3A_1053 = tpu.vector_load %arg19[%get3A_1051, %get3A_1052] {strides = array<i32>} : memref<128x128xf32, #tpu.memory_space<vmem>>, vector<16xf32>,
          %mul3A_1054 = vector.broadcast %squeeze3A_990 : f32 to vector<16xf32>
          %mul3A_1055 = arith.mulf %get3A_1053, %mul3A_1054 : vector<16xf32>
          %swap3A_1056 = arith.index_cast %add3A_994 : i32 to index
          %swap3A_1057 = arith.constant 112 : index
          %swap3A_1058 = tpu.vector_load %arg19[%swap3A_1056, %swap3A_1057] {strides = array<i32>} : memref<128x128xf32, #tpu.memory_space<vmem>>, vector<16xf32>,
          tpu.vector_store %arg19[%swap3A_1056, %swap3A_1057], %mul3A_1055 {strides = array<i32>} : memref<128x128xf32, #tpu.memory_space<vmem>>, vector<16xf32>,
          %slice3A_1059 = vector.extract_strided_slice %get3A_151 {offsets = [13], sizes = [1], strides = [1]} : vector<16xf32> to vector<1xf32>
          %squeeze3A_1060 = vector.extract %slice3A_1059[0] : f32 from vector<1xf32>
          %mul3A_1061 = arith.constant 16 : i32
          %mul3A_1062 = arith.muli %add3A_145, %mul3A_1061 : i32
          %add3A_1063 = arith.constant 13 : i32
          %add3A_1064 = arith.addi %mul3A_1062, %add3A_1063 : i32
          %get3A_1065 = arith.index_cast %add3A_1064 : i32 to index
          %get3A_1066 = arith.constant 0 : index
          %get3A_1067 = tpu.vector_load %arg19[%get3A_1065, %get3A_1066] {strides = array<i32>} : memref<128x128xf32, #tpu.memory_space<vmem>>, vector<16xf32>,
          %mul3A_1068 = vector.broadcast %squeeze3A_1060 : f32 to vector<16xf32>
          %mul3A_1069 = arith.mulf %get3A_1067, %mul3A_1068 : vector<16xf32>
          %swap3A_1070 = arith.index_cast %add3A_1064 : i32 to index
          %swap3A_1071 = arith.constant 0 : index
          %swap3A_1072 = tpu.vector_load %arg19[%swap3A_1070, %swap3A_1071] {strides = array<i32>} : memref<128x128xf32, #tpu.memory_space<vmem>>, vector<16xf32>,
          tpu.vector_store %arg19[%swap3A_1070, %swap3A_1071], %mul3A_1069 {strides = array<i32>} : memref<128x128xf32, #tpu.memory_space<vmem>>, vector<16xf32>,
          %get3A_1073 = arith.index_cast %add3A_1064 : i32 to index
          %get3A_1074 = arith.constant 16 : index
          %get3A_1075 = tpu.vector_load %arg19[%get3A_1073, %get3A_1074] {strides = array<i32>} : memref<128x128xf32, #tpu.memory_space<vmem>>, vector<16xf32>,
          %mul3A_1076 = vector.broadcast %squeeze3A_1060 : f32 to vector<16xf32>
          %mul3A_1077 = arith.mulf %get3A_1075, %mul3A_1076 : vector<16xf32>
          %swap3A_1078 = arith.index_cast %add3A_1064 : i32 to index
          %swap3A_1079 = arith.constant 16 : index
          %swap3A_1080 = tpu.vector_load %arg19[%swap3A_1078, %swap3A_1079] {strides = array<i32>} : memref<128x128xf32, #tpu.memory_space<vmem>>, vector<16xf32>,
          tpu.vector_store %arg19[%swap3A_1078, %swap3A_1079], %mul3A_1077 {strides = array<i32>} : memref<128x128xf32, #tpu.memory_space<vmem>>, vector<16xf32>,
          %get3A_1081 = arith.index_cast %add3A_1064 : i32 to index
          %get3A_1082 = arith.constant 32 : index
          %get3A_1083 = tpu.vector_load %arg19[%get3A_1081, %get3A_1082] {strides = array<i32>} : memref<128x128xf32, #tpu.memory_space<vmem>>, vector<16xf32>,
          %mul3A_1084 = vector.broadcast %squeeze3A_1060 : f32 to vector<16xf32>
          %mul3A_1085 = arith.mulf %get3A_1083, %mul3A_1084 : vector<16xf32>
          %swap3A_1086 = arith.index_cast %add3A_1064 : i32 to index
          %swap3A_1087 = arith.constant 32 : index
          %swap3A_1088 = tpu.vector_load %arg19[%swap3A_1086, %swap3A_1087] {strides = array<i32>} : memref<128x128xf32, #tpu.memory_space<vmem>>, vector<16xf32>,
          tpu.vector_store %arg19[%swap3A_1086, %swap3A_1087], %mul3A_1085 {strides = array<i32>} : memref<128x128xf32, #tpu.memory_space<vmem>>, vector<16xf32>,
          %get3A_1089 = arith.index_cast %add3A_1064 : i32 to index
          %get3A_1090 = arith.constant 48 : index
          %get3A_1091 = tpu.vector_load %arg19[%get3A_1089, %get3A_1090] {strides = array<i32>} : memref<128x128xf32, #tpu.memory_space<vmem>>, vector<16xf32>,
          %mul3A_1092 = vector.broadcast %squeeze3A_1060 : f32 to vector<16xf32>
          %mul3A_1093 = arith.mulf %get3A_1091, %mul3A_1092 : vector<16xf32>
          %swap3A_1094 = arith.index_cast %add3A_1064 : i32 to index
          %swap3A_1095 = arith.constant 48 : index
          %swap3A_1096 = tpu.vector_load %arg19[%swap3A_1094, %swap3A_1095] {strides = array<i32>} : memref<128x128xf32, #tpu.memory_space<vmem>>, vector<16xf32>,
          tpu.vector_store %arg19[%swap3A_1094, %swap3A_1095], %mul3A_1093 {strides = array<i32>} : memref<128x128xf32, #tpu.memory_space<vmem>>, vector<16xf32>,
          %get3A_1097 = arith.index_cast %add3A_1064 : i32 to index
          %get3A_1098 = arith.constant 64 : index
          %get3A_1099 = tpu.vector_load %arg19[%get3A_1097, %get3A_1098] {strides = array<i32>} : memref<128x128xf32, #tpu.memory_space<vmem>>, vector<16xf32>,
          %mul3A_1100 = vector.broadcast %squeeze3A_1060 : f32 to vector<16xf32>
          %mul3A_1101 = arith.mulf %get3A_1099, %mul3A_1100 : vector<16xf32>
          %swap3A_1102 = arith.index_cast %add3A_1064 : i32 to index
          %swap3A_1103 = arith.constant 64 : index
          %swap3A_1104 = tpu.vector_load %arg19[%swap3A_1102, %swap3A_1103] {strides = array<i32>} : memref<128x128xf32, #tpu.memory_space<vmem>>, vector<16xf32>,
          tpu.vector_store %arg19[%swap3A_1102, %swap3A_1103], %mul3A_1101 {strides = array<i32>} : memref<128x128xf32, #tpu.memory_space<vmem>>, vector<16xf32>,
          %get3A_1105 = arith.index_cast %add3A_1064 : i32 to index
          %get3A_1106 = arith.constant 80 : index
          %get3A_1107 = tpu.vector_load %arg19[%get3A_1105, %get3A_1106] {strides = array<i32>} : memref<128x128xf32, #tpu.memory_space<vmem>>, vector<16xf32>,
          %mul3A_1108 = vector.broadcast %squeeze3A_1060 : f32 to vector<16xf32>
          %mul3A_1109 = arith.mulf %get3A_1107, %mul3A_1108 : vector<16xf32>
          %swap3A_1110 = arith.index_cast %add3A_1064 : i32 to index
          %swap3A_1111 = arith.constant 80 : index
          %swap3A_1112 = tpu.vector_load %arg19[%swap3A_1110, %swap3A_1111] {strides = array<i32>} : memref<128x128xf32, #tpu.memory_space<vmem>>, vector<16xf32>,
          tpu.vector_store %arg19[%swap3A_1110, %swap3A_1111], %mul3A_1109 {strides = array<i32>} : memref<128x128xf32, #tpu.memory_space<vmem>>, vector<16xf32>,
          %get3A_1113 = arith.index_cast %add3A_1064 : i32 to index
          %get3A_1114 = arith.constant 96 : index
          %get3A_1115 = tpu.vector_load %arg19[%get3A_1113, %get3A_1114] {strides = array<i32>} : memref<128x128xf32, #tpu.memory_space<vmem>>, vector<16xf32>,
          %mul3A_1116 = vector.broadcast %squeeze3A_1060 : f32 to vector<16xf32>
          %mul3A_1117 = arith.mulf %get3A_1115, %mul3A_1116 : vector<16xf32>
          %swap3A_1118 = arith.index_cast %add3A_1064 : i32 to index
          %swap3A_1119 = arith.constant 96 : index
          %swap3A_1120 = tpu.vector_load %arg19[%swap3A_1118, %swap3A_1119] {strides = array<i32>} : memref<128x128xf32, #tpu.memory_space<vmem>>, vector<16xf32>,
          tpu.vector_store %arg19[%swap3A_1118, %swap3A_1119], %mul3A_1117 {strides = array<i32>} : memref<128x128xf32, #tpu.memory_space<vmem>>, vector<16xf32>,
          %get3A_1121 = arith.index_cast %add3A_1064 : i32 to index
          %get3A_1122 = arith.constant 112 : index
          %get3A_1123 = tpu.vector_load %arg19[%get3A_1121, %get3A_1122] {strides = array<i32>} : memref<128x128xf32, #tpu.memory_space<vmem>>, vector<16xf32>,
          %mul3A_1124 = vector.broadcast %squeeze3A_1060 : f32 to vector<16xf32>
          %mul3A_1125 = arith.mulf %get3A_1123, %mul3A_1124 : vector<16xf32>
          %swap3A_1126 = arith.index_cast %add3A_1064 : i32 to index
          %swap3A_1127 = arith.constant 112 : index
          %swap3A_1128 = tpu.vector_load %arg19[%swap3A_1126, %swap3A_1127] {strides = array<i32>} : memref<128x128xf32, #tpu.memory_space<vmem>>, vector<16xf32>,
          tpu.vector_store %arg19[%swap3A_1126, %swap3A_1127], %mul3A_1125 {strides = array<i32>} : memref<128x128xf32, #tpu.memory_space<vmem>>, vector<16xf32>,
          %slice3A_1129 = vector.extract_strided_slice %get3A_151 {offsets = [14], sizes = [1], strides = [1]} : vector<16xf32> to vector<1xf32>
          %squeeze3A_1130 = vector.extract %slice3A_1129[0] : f32 from vector<1xf32>
          %mul3A_1131 = arith.constant 16 : i32
          %mul3A_1132 = arith.muli %add3A_145, %mul3A_1131 : i32
          %add3A_1133 = arith.constant 14 : i32
          %add3A_1134 = arith.addi %mul3A_1132, %add3A_1133 : i32
          %get3A_1135 = arith.index_cast %add3A_1134 : i32 to index
          %get3A_1136 = arith.constant 0 : index
          %get3A_1137 = tpu.vector_load %arg19[%get3A_1135, %get3A_1136] {strides = array<i32>} : memref<128x128xf32, #tpu.memory_space<vmem>>, vector<16xf32>,
          %mul3A_1138 = vector.broadcast %squeeze3A_1130 : f32 to vector<16xf32>
          %mul3A_1139 = arith.mulf %get3A_1137, %mul3A_1138 : vector<16xf32>
          %swap3A_1140 = arith.index_cast %add3A_1134 : i32 to index
          %swap3A_1141 = arith.constant 0 : index
          %swap3A_1142 = tpu.vector_load %arg19[%swap3A_1140, %swap3A_1141] {strides = array<i32>} : memref<128x128xf32, #tpu.memory_space<vmem>>, vector<16xf32>,
          tpu.vector_store %arg19[%swap3A_1140, %swap3A_1141], %mul3A_1139 {strides = array<i32>} : memref<128x128xf32, #tpu.memory_space<vmem>>, vector<16xf32>,
          %get3A_1143 = arith.index_cast %add3A_1134 : i32 to index
          %get3A_1144 = arith.constant 16 : index
          %get3A_1145 = tpu.vector_load %arg19[%get3A_1143, %get3A_1144] {strides = array<i32>} : memref<128x128xf32, #tpu.memory_space<vmem>>, vector<16xf32>,
          %mul3A_1146 = vector.broadcast %squeeze3A_1130 : f32 to vector<16xf32>
          %mul3A_1147 = arith.mulf %get3A_1145, %mul3A_1146 : vector<16xf32>
          %swap3A_1148 = arith.index_cast %add3A_1134 : i32 to index
          %swap3A_1149 = arith.constant 16 : index
          %swap3A_1150 = tpu.vector_load %arg19[%swap3A_1148, %swap3A_1149] {strides = array<i32>} : memref<128x128xf32, #tpu.memory_space<vmem>>, vector<16xf32>,
          tpu.vector_store %arg19[%swap3A_1148, %swap3A_1149], %mul3A_1147 {strides = array<i32>} : memref<128x128xf32, #tpu.memory_space<vmem>>, vector<16xf32>,
          %get3A_1151 = arith.index_cast %add3A_1134 : i32 to index
          %get3A_1152 = arith.constant 32 : index
          %get3A_1153 = tpu.vector_load %arg19[%get3A_1151, %get3A_1152] {strides = array<i32>} : memref<128x128xf32, #tpu.memory_space<vmem>>, vector<16xf32>,
          %mul3A_1154 = vector.broadcast %squeeze3A_1130 : f32 to vector<16xf32>
          %mul3A_1155 = arith.mulf %get3A_1153, %mul3A_1154 : vector<16xf32>
          %swap3A_1156 = arith.index_cast %add3A_1134 : i32 to index
          %swap3A_1157 = arith.constant 32 : index
          %swap3A_1158 = tpu.vector_load %arg19[%swap3A_1156, %swap3A_1157] {strides = array<i32>} : memref<128x128xf32, #tpu.memory_space<vmem>>, vector<16xf32>,
          tpu.vector_store %arg19[%swap3A_1156, %swap3A_1157], %mul3A_1155 {strides = array<i32>} : memref<128x128xf32, #tpu.memory_space<vmem>>, vector<16xf32>,
          %get3A_1159 = arith.index_cast %add3A_1134 : i32 to index
          %get3A_1160 = arith.constant 48 : index
          %get3A_1161 = tpu.vector_load %arg19[%get3A_1159, %get3A_1160] {strides = array<i32>} : memref<128x128xf32, #tpu.memory_space<vmem>>, vector<16xf32>,
          %mul3A_1162 = vector.broadcast %squeeze3A_1130 : f32 to vector<16xf32>
          %mul3A_1163 = arith.mulf %get3A_1161, %mul3A_1162 : vector<16xf32>
          %swap3A_1164 = arith.index_cast %add3A_1134 : i32 to index
          %swap3A_1165 = arith.constant 48 : index
          %swap3A_1166 = tpu.vector_load %arg19[%swap3A_1164, %swap3A_1165] {strides = array<i32>} : memref<128x128xf32, #tpu.memory_space<vmem>>, vector<16xf32>,
          tpu.vector_store %arg19[%swap3A_1164, %swap3A_1165], %mul3A_1163 {strides = array<i32>} : memref<128x128xf32, #tpu.memory_space<vmem>>, vector<16xf32>,
          %get3A_1167 = arith.index_cast %add3A_1134 : i32 to index
          %get3A_1168 = arith.constant 64 : index
          %get3A_1169 = tpu.vector_load %arg19[%get3A_1167, %get3A_1168] {strides = array<i32>} : memref<128x128xf32, #tpu.memory_space<vmem>>, vector<16xf32>,
          %mul3A_1170 = vector.broadcast %squeeze3A_1130 : f32 to vector<16xf32>
          %mul3A_1171 = arith.mulf %get3A_1169, %mul3A_1170 : vector<16xf32>
          %swap3A_1172 = arith.index_cast %add3A_1134 : i32 to index
          %swap3A_1173 = arith.constant 64 : index
          %swap3A_1174 = tpu.vector_load %arg19[%swap3A_1172, %swap3A_1173] {strides = array<i32>} : memref<128x128xf32, #tpu.memory_space<vmem>>, vector<16xf32>,
          tpu.vector_store %arg19[%swap3A_1172, %swap3A_1173], %mul3A_1171 {strides = array<i32>} : memref<128x128xf32, #tpu.memory_space<vmem>>, vector<16xf32>,
          %get3A_1175 = arith.index_cast %add3A_1134 : i32 to index
          %get3A_1176 = arith.constant 80 : index
          %get3A_1177 = tpu.vector_load %arg19[%get3A_1175, %get3A_1176] {strides = array<i32>} : memref<128x128xf32, #tpu.memory_space<vmem>>, vector<16xf32>,
          %mul3A_1178 = vector.broadcast %squeeze3A_1130 : f32 to vector<16xf32>
          %mul3A_1179 = arith.mulf %get3A_1177, %mul3A_1178 : vector<16xf32>
          %swap3A_1180 = arith.index_cast %add3A_1134 : i32 to index
          %swap3A_1181 = arith.constant 80 : index
          %swap3A_1182 = tpu.vector_load %arg19[%swap3A_1180, %swap3A_1181] {strides = array<i32>} : memref<128x128xf32, #tpu.memory_space<vmem>>, vector<16xf32>,
          tpu.vector_store %arg19[%swap3A_1180, %swap3A_1181], %mul3A_1179 {strides = array<i32>} : memref<128x128xf32, #tpu.memory_space<vmem>>, vector<16xf32>,
          %get3A_1183 = arith.index_cast %add3A_1134 : i32 to index
          %get3A_1184 = arith.constant 96 : index
          %get3A_1185 = tpu.vector_load %arg19[%get3A_1183, %get3A_1184] {strides = array<i32>} : memref<128x128xf32, #tpu.memory_space<vmem>>, vector<16xf32>,
          %mul3A_1186 = vector.broadcast %squeeze3A_1130 : f32 to vector<16xf32>
          %mul3A_1187 = arith.mulf %get3A_1185, %mul3A_1186 : vector<16xf32>
          %swap3A_1188 = arith.index_cast %add3A_1134 : i32 to index
          %swap3A_1189 = arith.constant 96 : index
          %swap3A_1190 = tpu.vector_load %arg19[%swap3A_1188, %swap3A_1189] {strides = array<i32>} : memref<128x128xf32, #tpu.memory_space<vmem>>, vector<16xf32>,
          tpu.vector_store %arg19[%swap3A_1188, %swap3A_1189], %mul3A_1187 {strides = array<i32>} : memref<128x128xf32, #tpu.memory_space<vmem>>, vector<16xf32>,
          %get3A_1191 = arith.index_cast %add3A_1134 : i32 to index
          %get3A_1192 = arith.constant 112 : index
          %get3A_1193 = tpu.vector_load %arg19[%get3A_1191, %get3A_1192] {strides = array<i32>} : memref<128x128xf32, #tpu.memory_space<vmem>>, vector<16xf32>,
          %mul3A_1194 = vector.broadcast %squeeze3A_1130 : f32 to vector<16xf32>
          %mul3A_1195 = arith.mulf %get3A_1193, %mul3A_1194 : vector<16xf32>
          %swap3A_1196 = arith.index_cast %add3A_1134 : i32 to index
          %swap3A_1197 = arith.constant 112 : index
          %swap3A_1198 = tpu.vector_load %arg19[%swap3A_1196, %swap3A_1197] {strides = array<i32>} : memref<128x128xf32, #tpu.memory_space<vmem>>, vector<16xf32>,
          tpu.vector_store %arg19[%swap3A_1196, %swap3A_1197], %mul3A_1195 {strides = array<i32>} : memref<128x128xf32, #tpu.memory_space<vmem>>, vector<16xf32>,
          %slice3A_1199 = vector.extract_strided_slice %get3A_151 {offsets = [15], sizes = [1], strides = [1]} : vector<16xf32> to vector<1xf32>
          %squeeze3A_1200 = vector.extract %slice3A_1199[0] : f32 from vector<1xf32>
          %mul3A_1201 = arith.constant 16 : i32
          %mul3A_1202 = arith.muli %add3A_145, %mul3A_1201 : i32
          %add3A_1203 = arith.constant 15 : i32
          %add3A_1204 = arith.addi %mul3A_1202, %add3A_1203 : i32
          %get3A_1205 = arith.index_cast %add3A_1204 : i32 to index
          %get3A_1206 = arith.constant 0 : index
          %get3A_1207 = tpu.vector_load %arg19[%get3A_1205, %get3A_1206] {strides = array<i32>} : memref<128x128xf32, #tpu.memory_space<vmem>>, vector<16xf32>,
          %mul3A_1208 = vector.broadcast %squeeze3A_1200 : f32 to vector<16xf32>
          %mul3A_1209 = arith.mulf %get3A_1207, %mul3A_1208 : vector<16xf32>
          %swap3A_1210 = arith.index_cast %add3A_1204 : i32 to index
          %swap3A_1211 = arith.constant 0 : index
          %swap3A_1212 = tpu.vector_load %arg19[%swap3A_1210, %swap3A_1211] {strides = array<i32>} : memref<128x128xf32, #tpu.memory_space<vmem>>, vector<16xf32>,
          tpu.vector_store %arg19[%swap3A_1210, %swap3A_1211], %mul3A_1209 {strides = array<i32>} : memref<128x128xf32, #tpu.memory_space<vmem>>, vector<16xf32>,
          %get3A_1213 = arith.index_cast %add3A_1204 : i32 to index
          %get3A_1214 = arith.constant 16 : index
          %get3A_1215 = tpu.vector_load %arg19[%get3A_1213, %get3A_1214] {strides = array<i32>} : memref<128x128xf32, #tpu.memory_space<vmem>>, vector<16xf32>,
          %mul3A_1216 = vector.broadcast %squeeze3A_1200 : f32 to vector<16xf32>
          %mul3A_1217 = arith.mulf %get3A_1215, %mul3A_1216 : vector<16xf32>
          %swap3A_1218 = arith.index_cast %add3A_1204 : i32 to index
          %swap3A_1219 = arith.constant 16 : index
          %swap3A_1220 = tpu.vector_load %arg19[%swap3A_1218, %swap3A_1219] {strides = array<i32>} : memref<128x128xf32, #tpu.memory_space<vmem>>, vector<16xf32>,
          tpu.vector_store %arg19[%swap3A_1218, %swap3A_1219], %mul3A_1217 {strides = array<i32>} : memref<128x128xf32, #tpu.memory_space<vmem>>, vector<16xf32>,
          %get3A_1221 = arith.index_cast %add3A_1204 : i32 to index
          %get3A_1222 = arith.constant 32 : index
          %get3A_1223 = tpu.vector_load %arg19[%get3A_1221, %get3A_1222] {strides = array<i32>} : memref<128x128xf32, #tpu.memory_space<vmem>>, vector<16xf32>,
          %mul3A_1224 = vector.broadcast %squeeze3A_1200 : f32 to vector<16xf32>
          %mul3A_1225 = arith.mulf %get3A_1223, %mul3A_1224 : vector<16xf32>
          %swap3A_1226 = arith.index_cast %add3A_1204 : i32 to index
          %swap3A_1227 = arith.constant 32 : index
          %swap3A_1228 = tpu.vector_load %arg19[%swap3A_1226, %swap3A_1227] {strides = array<i32>} : memref<128x128xf32, #tpu.memory_space<vmem>>, vector<16xf32>,
          tpu.vector_store %arg19[%swap3A_1226, %swap3A_1227], %mul3A_1225 {strides = array<i32>} : memref<128x128xf32, #tpu.memory_space<vmem>>, vector<16xf32>,
          %get3A_1229 = arith.index_cast %add3A_1204 : i32 to index
          %get3A_1230 = arith.constant 48 : index
          %get3A_1231 = tpu.vector_load %arg19[%get3A_1229, %get3A_1230] {strides = array<i32>} : memref<128x128xf32, #tpu.memory_space<vmem>>, vector<16xf32>,
          %mul3A_1232 = vector.broadcast %squeeze3A_1200 : f32 to vector<16xf32>
          %mul3A_1233 = arith.mulf %get3A_1231, %mul3A_1232 : vector<16xf32>
          %swap3A_1234 = arith.index_cast %add3A_1204 : i32 to index
          %swap3A_1235 = arith.constant 48 : index
          %swap3A_1236 = tpu.vector_load %arg19[%swap3A_1234, %swap3A_1235] {strides = array<i32>} : memref<128x128xf32, #tpu.memory_space<vmem>>, vector<16xf32>,
          tpu.vector_store %arg19[%swap3A_1234, %swap3A_1235], %mul3A_1233 {strides = array<i32>} : memref<128x128xf32, #tpu.memory_space<vmem>>, vector<16xf32>,
          %get3A_1237 = arith.index_cast %add3A_1204 : i32 to index
          %get3A_1238 = arith.constant 64 : index
          %get3A_1239 = tpu.vector_load %arg19[%get3A_1237, %get3A_1238] {strides = array<i32>} : memref<128x128xf32, #tpu.memory_space<vmem>>, vector<16xf32>,
          %mul3A_1240 = vector.broadcast %squeeze3A_1200 : f32 to vector<16xf32>
          %mul3A_1241 = arith.mulf %get3A_1239, %mul3A_1240 : vector<16xf32>
          %swap3A_1242 = arith.index_cast %add3A_1204 : i32 to index
          %swap3A_1243 = arith.constant 64 : index
          %swap3A_1244 = tpu.vector_load %arg19[%swap3A_1242, %swap3A_1243] {strides = array<i32>} : memref<128x128xf32, #tpu.memory_space<vmem>>, vector<16xf32>,
          tpu.vector_store %arg19[%swap3A_1242, %swap3A_1243], %mul3A_1241 {strides = array<i32>} : memref<128x128xf32, #tpu.memory_space<vmem>>, vector<16xf32>,
          %get3A_1245 = arith.index_cast %add3A_1204 : i32 to index
          %get3A_1246 = arith.constant 80 : index
          %get3A_1247 = tpu.vector_load %arg19[%get3A_1245, %get3A_1246] {strides = array<i32>} : memref<128x128xf32, #tpu.memory_space<vmem>>, vector<16xf32>,
          %mul3A_1248 = vector.broadcast %squeeze3A_1200 : f32 to vector<16xf32>
          %mul3A_1249 = arith.mulf %get3A_1247, %mul3A_1248 : vector<16xf32>
          %swap3A_1250 = arith.index_cast %add3A_1204 : i32 to index
          %swap3A_1251 = arith.constant 80 : index
          %swap3A_1252 = tpu.vector_load %arg19[%swap3A_1250, %swap3A_1251] {strides = array<i32>} : memref<128x128xf32, #tpu.memory_space<vmem>>, vector<16xf32>,
          tpu.vector_store %arg19[%swap3A_1250, %swap3A_1251], %mul3A_1249 {strides = array<i32>} : memref<128x128xf32, #tpu.memory_space<vmem>>, vector<16xf32>,
          %get3A_1253 = arith.index_cast %add3A_1204 : i32 to index
          %get3A_1254 = arith.constant 96 : index
          %get3A_1255 = tpu.vector_load %arg19[%get3A_1253, %get3A_1254] {strides = array<i32>} : memref<128x128xf32, #tpu.memory_space<vmem>>, vector<16xf32>,
          %mul3A_1256 = vector.broadcast %squeeze3A_1200 : f32 to vector<16xf32>
          %mul3A_1257 = arith.mulf %get3A_1255, %mul3A_1256 : vector<16xf32>
          %swap3A_1258 = arith.index_cast %add3A_1204 : i32 to index
          %swap3A_1259 = arith.constant 96 : index
          %swap3A_1260 = tpu.vector_load %arg19[%swap3A_1258, %swap3A_1259] {strides = array<i32>} : memref<128x128xf32, #tpu.memory_space<vmem>>, vector<16xf32>,
          tpu.vector_store %arg19[%swap3A_1258, %swap3A_1259], %mul3A_1257 {strides = array<i32>} : memref<128x128xf32, #tpu.memory_space<vmem>>, vector<16xf32>,
          %get3A_1261 = arith.index_cast %add3A_1204 : i32 to index
          %get3A_1262 = arith.constant 112 : index
          %get3A_1263 = tpu.vector_load %arg19[%get3A_1261, %get3A_1262] {strides = array<i32>} : memref<128x128xf32, #tpu.memory_space<vmem>>, vector<16xf32>,
          %mul3A_1264 = vector.broadcast %squeeze3A_1200 : f32 to vector<16xf32>
          %mul3A_1265 = arith.mulf %get3A_1263, %mul3A_1264 : vector<16xf32>
          %swap3A_1266 = arith.index_cast %add3A_1204 : i32 to index
          %swap3A_1267 = arith.constant 112 : index
          %swap3A_1268 = tpu.vector_load %arg19[%swap3A_1266, %swap3A_1267] {strides = array<i32>} : memref<128x128xf32, #tpu.memory_space<vmem>>, vector<16xf32>,
          tpu.vector_store %arg19[%swap3A_1266, %swap3A_1267], %mul3A_1265 {strides = array<i32>} : memref<128x128xf32, #tpu.memory_space<vmem>>, vector<16xf32>,
        }
        %scan3A_134 = arith.constant 8 : i32
        %dma_start3A_135 = arith.constant 0 : i32
        %dma_start3A_136 = tpu.memref_slice %arg17[%add3A_89, %dma_start3A_135] : memref<8x128xi32, #tpu.memory_space<vmem>> -> memref<1x128xi32, #tpu.memory_space<vmem>>
        %dma_start3A_137 = tpu.memref_squeeze %dma_start3A_136 : memref<1x128xi32, #tpu.memory_space<vmem>> -> memref<128xi32, #tpu.memory_space<vmem>>
        %dma_start3A_138 = arith.constant 0 : i32
        %dma_start3A_139 = arith.constant 0 : i32
        %dma_start3A_140 = tpu.memref_slice %arg20[%dma_start3A_138, %dma_start3A_139] : memref<10240x128xf32, #tpu.memory_space<vmem_shared>> -> memref<10240x128xf32, #tpu.memory_space<vmem_shared>>
        tpu.enqueue_indirect_dma source(%arg19 : memref<128x128xf32, #tpu.memory_space<vmem>>) target(%dma_start3A_140 : memref<10240x128xf32, #tpu.memory_space<vmem_shared>>) offsets(%dma_start3A_137 : memref<128xi32, #tpu.memory_space<vmem>>) semaphore(%arg29 : memref<!tpu.dma_semaphore, #tpu.memory_space<semaphore_mem>>) {add = true}
      }
      %scan3A_69 = arith.constant 4 : i32
      %dma_wait3A_70 = arith.constant 0 : i32
      %dma_wait3A_71 = arith.constant 0 : i32
      %dma_wait3A_72 = tpu.memref_slice %arg17[%dma_wait3A_70, %dma_wait3A_71] : memref<8x128xi32, #tpu.memory_space<vmem>> -> memref<1x128xi32, #tpu.memory_space<vmem>>
      %dma_wait3A_73 = tpu.memref_squeeze %dma_wait3A_72 : memref<1x128xi32, #tpu.memory_space<vmem>> -> memref<128xi32, #tpu.memory_space<vmem>>
      %dma_wait3A_74 = arith.constant 0 : i32
      %dma_wait3A_75 = arith.constant 0 : i32
      %dma_wait3A_76 = tpu.memref_slice %arg20[%dma_wait3A_74, %dma_wait3A_75] : memref<10240x128xf32, #tpu.memory_space<vmem_shared>> -> memref<10240x128xf32, #tpu.memory_space<vmem_shared>>
      tpu.wait_indirect_dma semaphore(%arg29 : memref<!tpu.dma_semaphore, #tpu.memory_space<semaphore_mem>>) src(%arg19 : memref<128x128xf32, #tpu.memory_space<vmem>>) dst(%dma_wait3A_76 : memref<10240x128xf32, #tpu.memory_space<vmem_shared>>)
      %dma_wait3A_77 = arith.constant 0 : i32
      %dma_wait3A_78 = tpu.memref_slice %arg21[%dma_wait3A_77] : memref<10240xf32, #tpu.memory_space<vmem_shared>> -> memref<10240xf32, #tpu.memory_space<vmem_shared>>
      tpu.wait_indirect_dma semaphore(%arg25 : memref<!tpu.dma_semaphore, #tpu.memory_space<semaphore_mem>>) src(%arg16 : memref<1024xf32, #tpu.memory_space<vmem>>) dst(%dma_wait3A_78 : memref<10240xf32, #tpu.memory_space<vmem_shared>>)
    }
    %scan3A_16 = arith.constant 5 : i32
    %barrier3A_17 = arith.constant 0 : index
    tpu.barrier barrier_id(%barrier3A_17)
    "tpu.region"() ({
      %run_scoped3A = tpu.sem_alloc : memref<!tpu.dma_semaphore, #tpu.memory_space<semaphore_mem>>
      %dma_start3A = arith.constant 0 : i32
      %dma_start3A_18 = tpu.memref_slice %arg8[%arg0, %mul3A_2, %dma_start3A] : memref<2x10240x128xf32, #tpu.memory_space<hbm>> -> memref<1x640x128xf32, #tpu.memory_space<hbm>>
      %dma_start3A_19 = tpu.memref_squeeze %dma_start3A_18 : memref<1x640x128xf32, #tpu.memory_space<hbm>> -> memref<640x128xf32, #tpu.memory_space<hbm>>
      %dma_start3A_20 = arith.constant 0 : i32
      %dma_start3A_21 = tpu.memref_slice %arg20[%mul3A_2, %dma_start3A_20] : memref<10240x128xf32, #tpu.memory_space<vmem_shared>> -> memref<640x128xf32, #tpu.memory_space<vmem_shared>>
      tpu.enqueue_dma source(%dma_start3A_21 : memref<640x128xf32, #tpu.memory_space<vmem_shared>>) target(%dma_start3A_19 : memref<640x128xf32, #tpu.memory_space<hbm>>) target_semaphore(%run_scoped3A : memref<!tpu.dma_semaphore, #tpu.memory_space<semaphore_mem>>)
      %dma_wait3A = arith.constant 0 : i32
      %dma_wait3A_22 = tpu.memref_slice %arg8[%arg0, %mul3A_2, %dma_wait3A] : memref<2x10240x128xf32, #tpu.memory_space<hbm>> -> memref<1x640x128xf32, #tpu.memory_space<hbm>>
      %dma_wait3A_23 = tpu.memref_squeeze %dma_wait3A_22 : memref<1x640x128xf32, #tpu.memory_space<hbm>> -> memref<640x128xf32, #tpu.memory_space<hbm>>
      %dma_wait3A_24 = arith.constant 0 : i32
      %dma_wait3A_25 = tpu.memref_slice %arg20[%mul3A_2, %dma_wait3A_24] : memref<10240x128xf32, #tpu.memory_space<vmem_shared>> -> memref<640x128xf32, #tpu.memory_space<vmem_shared>>
      tpu.wait_dma2 semaphore(%run_scoped3A : memref<!tpu.dma_semaphore, #tpu.memory_space<semaphore_mem>>) src(%dma_wait3A_25 : memref<640x128xf32, #tpu.memory_space<vmem_shared>>) dst(%dma_wait3A_23 : memref<640x128xf32, #tpu.memory_space<hbm>>)
      tpu.yield
    }) : () -> ()
    "tpu.region"() ({
      %run_scoped3A = tpu.sem_alloc : memref<!tpu.dma_semaphore, #tpu.memory_space<semaphore_mem>>
      %dma_start3A = tpu.memref_slice %arg9[%arg0, %mul3A_2] : memref<2x10240xf32, #tpu.memory_space<hbm>> -> memref<1x640xf32, #tpu.memory_space<hbm>>
      %dma_start3A_18 = tpu.memref_squeeze %dma_start3A : memref<1x640xf32, #tpu.memory_space<hbm>> -> memref<640xf32, #tpu.memory_space<hbm>>
      %dma_start3A_19 = tpu.memref_slice %arg21[%mul3A_2] : memref<10240xf32, #tpu.memory_space<vmem_shared>> -> memref<640xf32, #tpu.memory_space<vmem_shared>>
      tpu.enqueue_dma source(%dma_start3A_19 : memref<640xf32, #tpu.memory_space<vmem_shared>>) target(%dma_start3A_18 : memref<640xf32, #tpu.memory_space<hbm>>) target_semaphore(%run_scoped3A : memref<!tpu.dma_semaphore, #tpu.memory_space<semaphore_mem>>)
      %dma_wait3A = tpu.memref_slice %arg9[%arg0, %mul3A_2] : memref<2x10240xf32, #tpu.memory_space<hbm>> -> memref<1x640xf32, #tpu.memory_space<hbm>>
      %dma_wait3A_20 = tpu.memref_squeeze %dma_wait3A : memref<1x640xf32, #tpu.memory_space<hbm>> -> memref<640xf32, #tpu.memory_space<hbm>>
      %dma_wait3A_21 = tpu.memref_slice %arg21[%mul3A_2] : memref<10240xf32, #tpu.memory_space<vmem_shared>> -> memref<640xf32, #tpu.memory_space<vmem_shared>>
      tpu.wait_dma2 semaphore(%run_scoped3A : memref<!tpu.dma_semaphore, #tpu.memory_space<semaphore_mem>>) src(%dma_wait3A_21 : memref<640xf32, #tpu.memory_space<vmem_shared>>) dst(%dma_wait3A_20 : memref<640xf32, #tpu.memory_space<hbm>>)
      tpu.yield
    }) : () -> ()
    return
  }
}

#map = affine_map<(d0, d1) -> (0)>
module attributes {stable_mosaic.version = 14 : i64} {
  func.func @_sc_dedup(%arg0: i32, %arg1: i32, %arg2: memref<163840xi32, #tpu.memory_space<hbm>>, %arg3: memref<163840xi32, #tpu.memory_space<hbm>>, %arg4: memref<102400000xi32, #tpu.memory_space<hbm>>, %arg5: memref<5120xi32, #tpu.memory_space<vmem>>, %arg6: memref<5120xi32, #tpu.memory_space<vmem>>, %arg7: memref<5120xi32, #tpu.memory_space<vmem>>, %arg8: memref<5120xi32, #tpu.memory_space<vmem>>, %arg9: memref<!tpu.dma_semaphore, #tpu.memory_space<semaphore_mem>>) attributes {dimension_semantics = [#tpu.dimension_semantics<core_parallel>, #tpu.dimension_semantics<subcore_parallel>], iteration_bounds = array<i64: 2, 16>, scalar_prefetch = 0 : i64, scratch_operands = 5 : i64, tpu.core_type = #tpu.core_type<sc_vector_subcore>, window_params = [{transform_indices = #map}, {transform_indices = #map}, {transform_indices = #map}]} {
    %mul3A = arith.constant 16 : i32
    %mul3A_0 = arith.muli %arg0, %mul3A : i32
    %add3A = arith.addi %mul3A_0, %arg1 : i32
    %mul3A_1 = arith.constant 5120 : i32
    %mul3A_2 = arith.muli %add3A, %mul3A_1 : i32
    %dma_start3A = tpu.memref_slice %arg2[%mul3A_2] : memref<163840xi32, #tpu.memory_space<hbm>> -> memref<5120xi32, #tpu.memory_space<hbm>>
    %dma_start3A_3 = tpu.memref_slice %arg2[%mul3A_2] : memref<163840xi32, #tpu.memory_space<hbm>> -> memref<5120xi32, #tpu.memory_space<hbm>>
    tpu.enqueue_dma source(%dma_start3A_3 : memref<5120xi32, #tpu.memory_space<hbm>>) target(%arg5 : memref<5120xi32, #tpu.memory_space<vmem>>) target_semaphore(%arg9 : memref<!tpu.dma_semaphore, #tpu.memory_space<semaphore_mem>>)
    %dma_start3A_4 = tpu.memref_slice %arg3[%mul3A_2] : memref<163840xi32, #tpu.memory_space<hbm>> -> memref<5120xi32, #tpu.memory_space<hbm>>
    %dma_start3A_5 = tpu.memref_slice %arg3[%mul3A_2] : memref<163840xi32, #tpu.memory_space<hbm>> -> memref<5120xi32, #tpu.memory_space<hbm>>
    tpu.enqueue_dma source(%dma_start3A_5 : memref<5120xi32, #tpu.memory_space<hbm>>) target(%arg6 : memref<5120xi32, #tpu.memory_space<vmem>>) target_semaphore(%arg9 : memref<!tpu.dma_semaphore, #tpu.memory_space<semaphore_mem>>)
    %dma_wait3A = tpu.memref_slice %arg2[%mul3A_2] : memref<163840xi32, #tpu.memory_space<hbm>> -> memref<5120xi32, #tpu.memory_space<hbm>>
    %dma_wait3A_6 = tpu.memref_slice %arg2[%mul3A_2] : memref<163840xi32, #tpu.memory_space<hbm>> -> memref<5120xi32, #tpu.memory_space<hbm>>
    tpu.wait_dma2 semaphore(%arg9 : memref<!tpu.dma_semaphore, #tpu.memory_space<semaphore_mem>>) src(%dma_wait3A_6 : memref<5120xi32, #tpu.memory_space<hbm>>) dst(%arg5 : memref<5120xi32, #tpu.memory_space<vmem>>)
    %dma_wait3A_7 = tpu.memref_slice %arg3[%mul3A_2] : memref<163840xi32, #tpu.memory_space<hbm>> -> memref<5120xi32, #tpu.memory_space<hbm>>
    %dma_wait3A_8 = tpu.memref_slice %arg3[%mul3A_2] : memref<163840xi32, #tpu.memory_space<hbm>> -> memref<5120xi32, #tpu.memory_space<hbm>>
    tpu.wait_dma2 semaphore(%arg9 : memref<!tpu.dma_semaphore, #tpu.memory_space<semaphore_mem>>) src(%dma_wait3A_8 : memref<5120xi32, #tpu.memory_space<hbm>>) dst(%arg6 : memref<5120xi32, #tpu.memory_space<vmem>>)
    %scan3A = arith.constant 0 : i32
    %scan3A_9 = arith.constant 320 : i32
    %scan3A_10 = arith.addi %scan3A, %scan3A_9 : i32
    %scan3A_11 = arith.constant 1 : i32
    scf.for %scan3A_13 = %scan3A to %scan3A_10 step %scan3A_11  : i32 {
      %mul3A_14 = arith.constant 1 : i32
      %mul3A_15 = arith.muli %scan3A_13, %mul3A_14 : i32
      %add3A_16 = arith.constant 0 : i32
      %add3A_17 = arith.addi %add3A_16, %mul3A_15 : i32
      %mul3A_18 = arith.constant 16 : i32
      %mul3A_19 = arith.muli %add3A_17, %mul3A_18 : i32
      %get3A = arith.index_cast %mul3A_19 : i32 to index
      %get3A_20 = tpu.vector_load %arg5[%get3A] {strides = array<i32>} : memref<5120xi32, #tpu.memory_space<vmem>>, vector<16xi32>,
      %mul3A_21 = arith.constant 10000 : i32
      %mul3A_22 = vector.broadcast %mul3A_21 : i32 to vector<16xi32>
      %mul3A_23 = arith.muli %get3A_20, %mul3A_22 : vector<16xi32>
      %get3A_24 = arith.index_cast %mul3A_19 : i32 to index
      %get3A_25 = tpu.vector_load %arg6[%get3A_24] {strides = array<i32>} : memref<5120xi32, #tpu.memory_space<vmem>>, vector<16xi32>,
      %add3A_26 = arith.addi %mul3A_23, %get3A_25 : vector<16xi32>
      %swap3A = arith.index_cast %mul3A_19 : i32 to index
      %swap3A_27 = tpu.vector_load %arg7[%swap3A] {strides = array<i32>} : memref<5120xi32, #tpu.memory_space<vmem>>, vector<16xi32>,
      tpu.vector_store %arg7[%swap3A], %add3A_26 {strides = array<i32>} : memref<5120xi32, #tpu.memory_space<vmem>>, vector<16xi32>,
      %mul3A_28 = arith.constant 16 : i32
      %mul3A_29 = arith.muli %add3A_17, %mul3A_28 : i32
      %add3A_30 = arith.addi %mul3A_2, %mul3A_29 : i32
      %iota3A = tpu.iota {dimensions = array<i32: 0>} : vector<16xi32>
      %add3A_31 = vector.broadcast %add3A_30 : i32 to vector<16xi32>
      %add3A_32 = arith.addi %add3A_31, %iota3A : vector<16xi32>
      %swap3A_33 = arith.index_cast %mul3A_19 : i32 to index
      %swap3A_34 = tpu.vector_load %arg8[%swap3A_33] {strides = array<i32>} : memref<5120xi32, #tpu.memory_space<vmem>>, vector<16xi32>,
      tpu.vector_store %arg8[%swap3A_33], %add3A_32 {strides = array<i32>} : memref<5120xi32, #tpu.memory_space<vmem>>, vector<16xi32>,
    }
    %scan3A_12 = arith.constant 320 : i32
    "tpu.region"() ({
      %run_scoped3A = tpu.sem_alloc : memref<!tpu.dma_semaphore, #tpu.memory_space<semaphore_mem>>
      %dma_start3A_13 = arith.constant 0 : i32
      %dma_start3A_14 = tpu.memref_slice %arg4[%dma_start3A_13] : memref<102400000xi32, #tpu.memory_space<hbm>> -> memref<102400000xi32, #tpu.memory_space<hbm>>
      tpu.enqueue_indirect_dma source(%arg8 : memref<5120xi32, #tpu.memory_space<vmem>>) target(%dma_start3A_14 : memref<102400000xi32, #tpu.memory_space<hbm>>) offsets(%arg7 : memref<5120xi32, #tpu.memory_space<vmem>>) semaphore(%run_scoped3A : memref<!tpu.dma_semaphore, #tpu.memory_space<semaphore_mem>>)
      %dma_wait3A_15 = arith.constant 0 : i32
      %dma_wait3A_16 = tpu.memref_slice %arg4[%dma_wait3A_15] : memref<102400000xi32, #tpu.memory_space<hbm>> -> memref<102400000xi32, #tpu.memory_space<hbm>>
      tpu.wait_indirect_dma semaphore(%run_scoped3A : memref<!tpu.dma_semaphore, #tpu.memory_space<semaphore_mem>>) src(%arg8 : memref<5120xi32, #tpu.memory_space<vmem>>) dst(%dma_wait3A_16 : memref<102400000xi32, #tpu.memory_space<hbm>>)
      tpu.yield
    }) : () -> ()
    return
  }
}

module attributes {stable_mosaic.version = 14 : i64} {
  func.func @_tc_project_body(%arg0: i32, %arg1: memref<400x128xf32, #tpu.memory_space<vmem>>, %arg2: memref<128x128xf32, #tpu.memory_space<vmem>>, %arg3: memref<128x128xf32, #tpu.memory_space<vmem>>, %arg4: memref<400x128xf32, #tpu.memory_space<vmem>>, %arg5: memref<400x128xf32, #tpu.memory_space<vmem>>, %arg6: memref<1x128xf32, #tpu.memory_space<vmem>>) attributes {dimension_semantics = [#tpu.dimension_semantics<arbitrary>], iteration_bounds = array<i64: 25>, scalar_prefetch = 0 : i64, scratch_operands = 0 : i64, tpu.core_type = #tpu.core_type<tc>, window_params = [{transform_indices = @transform_0, window_bounds = array<i64: 400, 128>}, {pipeline_mode = #tpu.pipeline_mode<synchronous>, transform_indices = @transform_1, window_bounds = array<i64: 128, 128>}, {pipeline_mode = #tpu.pipeline_mode<synchronous>, transform_indices = @transform_2, window_bounds = array<i64: 128, 128>}, {transform_indices = @transform_3, window_bounds = array<i64: 400, 128>}, {transform_indices = @transform_4, window_bounds = array<i64: 400, 128>}, {pipeline_mode = #tpu.pipeline_mode<synchronous>, transform_indices = @transform_5, window_bounds = array<i64: 1, 128>}]} {
    %get3A = arith.constant 0 : index
    %get3A_0 = arith.constant 0 : index
    %get3A_1 = vector.load %arg1[%get3A, %get3A_0] : memref<400x128xf32, #tpu.memory_space<vmem>>, vector<400x128xf32>
    %get3A_2 = arith.constant 0 : index
    %get3A_3 = arith.constant 0 : index
    %get3A_4 = vector.load %arg2[%get3A_2, %get3A_3] : memref<128x128xf32, #tpu.memory_space<vmem>>, vector<128x128xf32>
    %dot_general3A = arith.constant dense<0.000000e+00> : vector<400x128xf32>
    %dot_general3A_5 = tpu.matmul %get3A_1, %get3A_4, %dot_general3A {dimension_numbers = #tpu.dot_dimension_numbers<[1], [0], [0], [1], [0, 0, 1, 1], [], []>, transpose_lhs_hint = false} : vector<400x128xf32>, vector<128x128xf32>, vector<400x128xf32> -> vector<400x128xf32>
    %swap3A = arith.constant 0 : index
    %swap3A_6 = arith.constant 0 : index
    %swap3A_7 = vector.load %arg4[%swap3A, %swap3A_6] : memref<400x128xf32, #tpu.memory_space<vmem>>, vector<400x128xf32>
    tpu.vector_store %arg4[%swap3A, %swap3A_6], %dot_general3A_5 {strides = array<i32>} : memref<400x128xf32, #tpu.memory_space<vmem>>, vector<400x128xf32>,
    %get3A_8 = arith.constant 0 : index
    %get3A_9 = arith.constant 0 : index
    %get3A_10 = vector.load %arg3[%get3A_8, %get3A_9] : memref<128x128xf32, #tpu.memory_space<vmem>>, vector<128x128xf32>
    %dot_general3A_11 = arith.constant dense<0.000000e+00> : vector<400x128xf32>
    %dot_general3A_12 = tpu.matmul %dot_general3A_5, %get3A_10, %dot_general3A_11 {dimension_numbers = #tpu.dot_dimension_numbers<[1], [0], [0], [1], [0, 0, 1, 1], [], []>, transpose_lhs_hint = false} : vector<400x128xf32>, vector<128x128xf32>, vector<400x128xf32> -> vector<400x128xf32>
    %swap3A_13 = arith.constant 0 : index
    %swap3A_14 = arith.constant 0 : index
    %swap3A_15 = vector.load %arg5[%swap3A_13, %swap3A_14] : memref<400x128xf32, #tpu.memory_space<vmem>>, vector<400x128xf32>
    tpu.vector_store %arg5[%swap3A_13, %swap3A_14], %dot_general3A_12 {strides = array<i32>} : memref<400x128xf32, #tpu.memory_space<vmem>>, vector<400x128xf32>,
    %eq3A = arith.constant 0 : i32
    %eq3A_16 = arith.cmpi eq, %arg0, %eq3A : i32
    %convert_element_type3A = arith.extui %eq3A_16 : i1 to i32
    %cond3A = arith.constant 0 : i32
    %cond3A_17 = arith.cmpi ne, %convert_element_type3A, %cond3A : i32
    scf.if %cond3A_17 {
      %broadcast_in_dim3A_25 = arith.constant 0.000000e+00 : f32
      %broadcast_in_dim3A_26 = vector.broadcast %broadcast_in_dim3A_25 : f32 to vector<1x128xf32>
      %swap3A_27 = arith.constant 0 : index
      %swap3A_28 = arith.constant 0 : index
      %swap3A_29 = vector.load %arg6[%swap3A_27, %swap3A_28] : memref<1x128xf32, #tpu.memory_space<vmem>>, vector<1x128xf32>
      tpu.vector_store %arg6[%swap3A_27, %swap3A_28], %broadcast_in_dim3A_26 {strides = array<i32>} : memref<1x128xf32, #tpu.memory_space<vmem>>, vector<1x128xf32>,
    } else {
    }
    %get3A_18 = arith.constant 0 : index
    %get3A_19 = arith.constant 0 : index
    %get3A_20 = vector.load %arg6[%get3A_18, %get3A_19] : memref<1x128xf32, #tpu.memory_space<vmem>>, vector<1x128xf32>
    %reduce_sum3A = arith.constant dense<0.000000e+00> : vector<128xf32>
    %reduce_sum3A_21 = vector.multi_reduction <add>, %dot_general3A_5, %reduce_sum3A [0] : vector<400x128xf32> to vector<128xf32>
    %broadcast_in_dim3A = vector.shape_cast %reduce_sum3A_21 : vector<128xf32> to vector<1x128xf32>
    %add3A = arith.addf %get3A_20, %broadcast_in_dim3A : vector<1x128xf32>
    %swap3A_22 = arith.constant 0 : index
    %swap3A_23 = arith.constant 0 : index
    %swap3A_24 = vector.load %arg6[%swap3A_22, %swap3A_23] : memref<1x128xf32, #tpu.memory_space<vmem>>, vector<1x128xf32>
    tpu.vector_store %arg6[%swap3A_22, %swap3A_23], %add3A {strides = array<i32>} : memref<1x128xf32, #tpu.memory_space<vmem>>, vector<1x128xf32>,
    return
  }
  func.func @transform_0(%arg0: i32) -> (i32, i32) {
    %c0_i32 = arith.constant 0 : i32
    %c0_i32_0 = arith.constant 0 : i32
    return %arg0, %c0_i32 : i32, i32
  }
  func.func @transform_1(%arg0: i32) -> (i32, i32) {
    %c0_i32 = arith.constant 0 : i32
    %c0_i32_0 = arith.constant 0 : i32
    %c0_i32_1 = arith.constant 0 : i32
    return %c0_i32, %c0_i32_0 : i32, i32
  }
  func.func @transform_2(%arg0: i32) -> (i32, i32) {
    %c0_i32 = arith.constant 0 : i32
    %c0_i32_0 = arith.constant 0 : i32
    %c0_i32_1 = arith.constant 0 : i32
    return %c0_i32, %c0_i32_0 : i32, i32
  }
  func.func @transform_3(%arg0: i32) -> (i32, i32) {
    %c0_i32 = arith.constant 0 : i32
    %c0_i32_0 = arith.constant 0 : i32
    return %arg0, %c0_i32 : i32, i32
  }
  func.func @transform_4(%arg0: i32) -> (i32, i32) {
    %c0_i32 = arith.constant 0 : i32
    %c0_i32_0 = arith.constant 0 : i32
    return %arg0, %c0_i32 : i32, i32
  }
  func.func @transform_5(%arg0: i32) -> (i32, i32) {
    %c0_i32 = arith.constant 0 : i32
    %c0_i32_0 = arith.constant 0 : i32
    %c0_i32_1 = arith.constant 0 : i32
    return %c0_i32, %c0_i32_0 : i32, i32
  }
}

module attributes {stable_mosaic.version = 14 : i64} {
  func.func @_tc_finalize_body(%arg0: i32, %arg1: memref<2x512x128xf32, #tpu.memory_space<vmem>>, %arg2: memref<2x512x1xf32, #tpu.memory_space<vmem>>, %arg3: memref<1x128xf32, #tpu.memory_space<vmem>>, %arg4: memref<1x128xf32, #tpu.memory_space<vmem>>, %arg5: memref<512x128xf32, #tpu.memory_space<vmem>>) attributes {dimension_semantics = [#tpu.dimension_semantics<arbitrary>], iteration_bounds = array<i64: 20>, scalar_prefetch = 0 : i64, scratch_operands = 0 : i64, tpu.core_type = #tpu.core_type<tc>, window_params = [{transform_indices = @transform_0, window_bounds = array<i64: 2, 512, 128>}, {transform_indices = @transform_1, window_bounds = array<i64: 2, 512, 1>}, {pipeline_mode = #tpu.pipeline_mode<synchronous>, transform_indices = @transform_2, window_bounds = array<i64: 1, 128>}, {pipeline_mode = #tpu.pipeline_mode<synchronous>, transform_indices = @transform_3, window_bounds = array<i64: 1, 128>}, {transform_indices = @transform_4, window_bounds = array<i64: 512, 128>}]} {
    %get3A = arith.constant 0 : index
    %get3A_0 = arith.constant 0 : index
    %get3A_1 = arith.constant 0 : index
    %get3A_2 = vector.load %arg1[%get3A, %get3A_0, %get3A_1] : memref<2x512x128xf32, #tpu.memory_space<vmem>>, vector<1x512x128xf32>
    %get3A_3 = vector.shape_cast %get3A_2 : vector<1x512x128xf32> to vector<512x128xf32>
    %get3A_4 = arith.constant 1 : index
    %get3A_5 = arith.constant 0 : index
    %get3A_6 = arith.constant 0 : index
    %get3A_7 = vector.load %arg1[%get3A_4, %get3A_5, %get3A_6] : memref<2x512x128xf32, #tpu.memory_space<vmem>>, vector<1x512x128xf32>
    %get3A_8 = vector.shape_cast %get3A_7 : vector<1x512x128xf32> to vector<512x128xf32>
    %add3A = arith.addf %get3A_3, %get3A_8 : vector<512x128xf32>
    %get3A_9 = arith.constant 0 : index
    %get3A_10 = arith.constant 0 : index
    %get3A_11 = arith.constant 0 : index
    %get3A_12 = vector.load %arg2[%get3A_9, %get3A_10, %get3A_11] : memref<2x512x1xf32, #tpu.memory_space<vmem>>, vector<1x512x1xf32>
    %get3A_13 = vector.shape_cast %get3A_12 : vector<1x512x1xf32> to vector<512x1xf32>
    %get3A_14 = arith.constant 1 : index
    %get3A_15 = arith.constant 0 : index
    %get3A_16 = arith.constant 0 : index
    %get3A_17 = vector.load %arg2[%get3A_14, %get3A_15, %get3A_16] : memref<2x512x1xf32, #tpu.memory_space<vmem>>, vector<1x512x1xf32>
    %get3A_18 = vector.shape_cast %get3A_17 : vector<1x512x1xf32> to vector<512x1xf32>
    %add3A_19 = arith.addf %get3A_13, %get3A_18 : vector<512x1xf32>
    %gt3A = arith.constant 0.000000e+00 : f32
    %gt3A_20 = vector.broadcast %gt3A : f32 to vector<512x1xf32>
    %gt3A_21 = arith.cmpf ogt, %add3A_19, %gt3A_20 : vector<512x1xf32>
    %get3A_22 = arith.constant 0 : index
    %get3A_23 = arith.constant 0 : index
    %get3A_24 = vector.load %arg3[%get3A_22, %get3A_23] : memref<1x128xf32, #tpu.memory_space<vmem>>, vector<1x128xf32>
    %mul3A = arith.constant 9.99999974E-5 : f32
    %mul3A_25 = vector.broadcast %mul3A : f32 to vector<1x128xf32>
    %mul3A_26 = arith.mulf %get3A_24, %mul3A_25 : vector<1x128xf32>
    %jit3A = arith.constant 1.000000e+00 : f32
    %broadcast_in_dim3A = vector.broadcast %jit3A : f32 to vector<512x1xf32>
    %select_n3A = arith.select %gt3A_21, %add3A_19, %broadcast_in_dim3A : vector<512x1xi1>, vector<512x1xf32>
    %div3A = vector.broadcast %select_n3A : vector<512x1xf32> to vector<512x128xf32>
    %div3A_27 = arith.divf %add3A, %div3A : vector<512x128xf32>
    %broadcast_in_dim3A_28 = vector.shape_cast %gt3A_21 : vector<512x1xi1> to vector<512x1xi1>
    %broadcast_in_dim3A_29 = vector.broadcast %broadcast_in_dim3A_28 : vector<512x1xi1> to vector<512x128xi1>
    %broadcast_in_dim3A_30 = vector.shape_cast %mul3A_26 : vector<1x128xf32> to vector<1x128xf32>
    %broadcast_in_dim3A_31 = vector.broadcast %broadcast_in_dim3A_30 : vector<1x128xf32> to vector<512x128xf32>
    %select_n3A_32 = arith.select %broadcast_in_dim3A_29, %div3A_27, %broadcast_in_dim3A_31 : vector<512x128xi1>, vector<512x128xf32>
    %get3A_33 = arith.constant 0 : index
    %get3A_34 = arith.constant 0 : index
    %get3A_35 = vector.load %arg4[%get3A_33, %get3A_34] : memref<1x128xf32, #tpu.memory_space<vmem>>, vector<1x128xf32>
    %add3A_36 = vector.broadcast %get3A_35 : vector<1x128xf32> to vector<512x128xf32>
    %add3A_37 = arith.addf %select_n3A_32, %add3A_36 : vector<512x128xf32>
    %gt3A_38 = arith.constant 0.000000e+00 : f32
    %gt3A_39 = vector.broadcast %gt3A_38 : f32 to vector<512x128xf32>
    %gt3A_40 = arith.cmpf ogt, %add3A_37, %gt3A_39 : vector<512x128xf32>
    %mul3A_41 = arith.constant 3.000000e-01 : f32
    %mul3A_42 = vector.broadcast %mul3A_41 : f32 to vector<512x128xf32>
    %mul3A_43 = arith.mulf %add3A_37, %mul3A_42 : vector<512x128xf32>
    %select_n3A_44 = arith.select %gt3A_40, %add3A_37, %mul3A_43 : vector<512x128xi1>, vector<512x128xf32>
    %swap3A = arith.constant 0 : index
    %swap3A_45 = arith.constant 0 : index
    %swap3A_46 = vector.load %arg5[%swap3A, %swap3A_45] : memref<512x128xf32, #tpu.memory_space<vmem>>, vector<512x128xf32>
    tpu.vector_store %arg5[%swap3A, %swap3A_45], %select_n3A_44 {strides = array<i32>} : memref<512x128xf32, #tpu.memory_space<vmem>>, vector<512x128xf32>,
    return
  }
  func.func @transform_0(%arg0: i32) -> (i32, i32, i32) {
    %c0_i32 = arith.constant 0 : i32
    %c0_i32_0 = arith.constant 0 : i32
    %c0_i32_1 = arith.constant 0 : i32
    return %c0_i32, %arg0, %c0_i32_0 : i32, i32, i32
  }
  func.func @transform_1(%arg0: i32) -> (i32, i32, i32) {
    %c0_i32 = arith.constant 0 : i32
    %c0_i32_0 = arith.constant 0 : i32
    %c0_i32_1 = arith.constant 0 : i32
    return %c0_i32, %arg0, %c0_i32_0 : i32, i32, i32
  }
  func.func @transform_2(%arg0: i32) -> (i32, i32) {
    %c0_i32 = arith.constant 0 : i32
    %c0_i32_0 = arith.constant 0 : i32
    %c0_i32_1 = arith.constant 0 : i32
    return %c0_i32, %c0_i32_0 : i32, i32
  }
  func.func @transform_3(%arg0: i32) -> (i32, i32) {
    %c0_i32 = arith.constant 0 : i32
    %c0_i32_0 = arith.constant 0 : i32
    %c0_i32_1 = arith.constant 0 : i32
    return %c0_i32, %c0_i32_0 : i32, i32
  }
  func.func @transform_4(%arg0: i32) -> (i32, i32) {
    %c0_i32 = arith.constant 0 : i32
    %c0_i32_0 = arith.constant 0 : i32
    return %arg0, %c0_i32 : i32, i32
  }
}

</mosaic_0001>

<sc_bundles>
// kernel: kernel.6.cloned.1.call-start
scs
__scs_entry_jumppad:
0x0: {  	(pc) =	sbr.rel $0x88, $3  }
0x1: {  	(tag) =	ssettag $0x0;
	lr =	simm.s32 $0x1  }
0x2: {  	[smem:$0x3F9B] =	sst lr;
	_ =	strace $0xD0000000  }
0x3: {  	_ = 	snop  }
0x4: {  	_ = 	snop  }
0x5: {  	_ = 	snop  }
0x6: {  	_ = 	snop  }
0x7: {  	_ = 	snop  }
__scs_overlays_trampoline_lowered:
0x8: {  	[smem:$0x3FAA] =	sst s0  }
0x9: {  	[smem:$0x3FAB] =	sst s1  }
0xa: {  	[smem:$0x3FAC] =	sst s2  }
0xb: {  	[smem:$0x3FAD] =	sst s3  }
0xc: {  	[smem:$0x3FAE] =	sst s4  }
0xd: {  	[smem:$0x3FAF] =	sst s5  }
0xe: {  	[smem:$0x3FB0] =	sst s6  }
0xf: {  	[smem:$0x3FB1] =	sst s7  }
0x10: {  	[smem:$0x3FB2] =	sst s8  }
0x11: {  	[smem:$0x3FB3] =	sst s9;
	s0 =	simm.s32 @!p0 $0x0  }
0x12: {  	s1 =	sld [smem:$0x3F99];
	s0 =	simm.s32 @p0 $0x1  }
0x13: {  	[smem:$0x3FB4] =	sst s0;
	s0 =	simm.s32 @!p1 $0x0  }
0x14: {  	s2 =	sld [smem:$0x3F98];
	s0 =	simm.s32 @p1 $0x1  }
0x15: {  	[smem:$0x3FB5] =	sst s0;
	s0 =	simm.s32 @!p2 $0x0  }
0x16: {  	s3 =	sld [smem:$0x3FDB];
	s0 =	simm.s32 @p2 $0x1  }
0x17: {  	s4 =	simm.s32 $0x1BF5;
	[smem:$0x3FB7] =	sst s0  }
0x18: {  	s0 =	sld [smem:$0x3F9A];
	_ =	swait.ge [sflag:s4], $0x0  }
0x19: {  	s7 =	sld [smem:$0x3F9B]  }
0x1a: {  	s8 =	sadd.s32 $0xFFFFE003, lr  }
0x1b: {  	s9 =	sadd.s32 $0xFFFFFEF7, lr;
	s5 =	simm.s32 $0xFFFFFFFF;
	p2 =	slt.u32 s8, $0xFFFFF086  }
0x1c: {  	p1 =	slt.u32 s9, $0xF7A;
	s5 =	simm.s32 @!p2 $0x0  }
0x1d: {  	s5 =	simm.s32 @p1 $0x1;
	p0 =	seq.s32 s7, s2  }
0x1e: {  	s7 =	smul.u32 @!p0 $0xF7A, s2;
	p2 =	seq.s32 @!p0 s5, $0x0  }
0x1f: {  	s9 =	smul.u32 $0xF7A, s1;
	s8 =	simm.s32 @!p0 $0x1BF5;
	p2 =	por !p2, p0  }
0x20: {  	[sflag:s8] =	ssyncset.s32 @!p0 $0xFFFFF086;
	s6 =	sadd.s32 @!p0 s3, s7;
	s7 =	simm.s32 @!p0 $0x108  }
0x21: {  	s3 =	sadd.s32 s3, s9;
	s6 =	sadd.s32 @!p0 $0x88, s6;
	s7 =	simm.s32 @p2 $0x1082  }
0x22: {  	[simem:s7], [sflag:s8] =	dma.local @!p0 [hbm:s6], $0xF7A  }
0x23: {  	s9 =	sor.u32 $0xD0000000, s2;
	s6 =	simm.s32 $0x108;
	_ =	swait.ge @!p0 [sflag:s8], $0x0  }
0x24: {  	s3 =	sadd.s32 $0x88, s3;
	s6 =	simm.s32 @!p1 $0x1082;
	[sflag:s4] =	ssyncset.s32 $0xFFFFF086  }
0x25: {  	[simem:s6], [sflag:s4] =	dma.local [hbm:s3], $0xF7A  }
0x26: {  	[smem:$0x3F9B] =	sst s1;
	(tag) =	ssettag s2;
	_ =	strace s9  }
0x27: {  	s1 =	sld [smem:$0x3FAB]  }
0x28: {  	s2 =	sld [smem:$0x3FAC]  }
0x29: {  	s4 =	sld [smem:$0x3FAE]  }
0x2a: {  	p0 =	seq.s32 s5, $0x0;
	s5 =	sld [smem:$0x3FAF]  }
0x2b: {  	s6 =	sld [smem:$0x3FB0]  }
0x2c: {  	s7 =	sld [smem:$0x3FB1]  }
0x2d: {  	s3 =	simm.s32 $0x108;
	s8 =	sld [smem:$0x3FB2]  }
0x2e: {  	s3 =	simm.s32 @!p0 $0x1082;
	s9 =	sld [smem:$0x3FB3]  }
0x2f: {  	lr =	sadd.s32 s0, s3;
	s0 =	sld [smem:$0x3FAA]  }
0x30: {  	s3 =	sld [smem:$0x3FAD]  }
0x31: {  	[smem:$0x3FB6] =	sst s10  }
0x32: {  	s10 =	sld [smem:$0x3FB4];
	_ =	sdelay $0x3  }
0x33: {  	p0 =	seq.s32 s10, $0x1;
	s10 =	sld [smem:$0x3FB6];
	_ =	sdelay $0x3  }
0x34: {  	[smem:$0x3FB6] =	sst s10  }
0x35: {  	s10 =	sld [smem:$0x3FB5];
	_ =	sdelay $0x3  }
0x36: {  	p1 =	seq.s32 s10, $0x1;
	s10 =	sld [smem:$0x3FB6];
	_ =	sdelay $0x3  }
0x37: {  	[smem:$0x3FB6] =	sst s10  }
0x38: {  	s10 =	sld [smem:$0x3FB7]  }
0x39: {  	_ = 	snop;
	(pc) =	sbr.ind lr, $3  }
0x3a: {  	_ = 	snop  }
0x3b: {  	_ = 	snop  }
0x3c: {  	p2 =	seq.s32 s10, $0x1;
	s10 =	sld [smem:$0x3FB6]  }
0x3d: {  	_ =	shalt  }
0x3e: {  	_ =	shalt  }
0x3f: {  	_ =	shalt  }
0x40: {  	_ =	shalt  }
0x41: {  	_ =	shalt  }
0x42: {  	_ =	shalt  }
0x43: {  	_ =	shalt  }
0x44: {  	_ =	shalt  }
0x45: {  	_ =	shalt  }
0x46: {  	_ =	shalt  }
0x47: {  	_ =	shalt  }
0x48: {  	_ =	shalt  }
0x49: {  	_ =	shalt  }
0x4a: {  	_ =	shalt  }
0x4b: {  	_ =	shalt  }
0x4c: {  	_ =	shalt  }
0x4d: {  	_ =	shalt  }
0x4e: {  	_ =	shalt  }
0x4f: {  	_ =	shalt  }
0x50: {  	_ =	shalt  }
0x51: {  	_ =	shalt  }
0x52: {  	_ =	shalt  }
0x53: {  	_ =	shalt  }
0x54: {  	_ =	shalt  }
0x55: {  	_ =	shalt  }
0x56: {  	_ =	shalt  }
0x57: {  	_ =	shalt  }
0x58: {  	_ =	shalt  }
0x59: {  	_ =	shalt  }
0x5a: {  	_ =	shalt  }
0x5b: {  	_ =	shalt  }
0x5c: {  	_ =	shalt  }
0x5d: {  	_ =	shalt  }
0x5e: {  	_ =	shalt  }
0x5f: {  	_ =	shalt  }
0x60: {  	_ =	shalt  }
0x61: {  	_ =	shalt  }
0x62: {  	_ =	shalt  }
0x63: {  	_ =	shalt  }
0x64: {  	_ =	shalt  }
0x65: {  	_ =	shalt  }
0x66: {  	_ =	shalt  }
0x67: {  	_ =	shalt  }
0x68: {  	_ =	shalt  }
0x69: {  	_ =	shalt  }
0x6a: {  	_ =	shalt  }
0x6b: {  	_ =	shalt  }
0x6c: {  	_ =	shalt  }
0x6d: {  	_ =	shalt  }
0x6e: {  	_ =	shalt  }
0x6f: {  	_ =	shalt  }
0x70: {  	_ =	shalt  }
0x71: {  	_ =	shalt  }
0x72: {  	_ =	shalt  }
0x73: {  	_ =	shalt  }
0x74: {  	_ =	shalt  }
0x75: {  	_ =	shalt  }
0x76: {  	_ =	shalt  }
0x77: {  	_ =	shalt  }
0x78: {  	_ =	shalt  }
0x79: {  	_ =	shalt  }
0x7a: {  	_ =	shalt  }
0x7b: {  	_ =	shalt  }
0x7c: {  	_ =	shalt  }
0x7d: {  	_ =	shalt  }
0x7e: {  	_ =	shalt  }
0x7f: {  	_ =	shalt  }
0x80: {  	_ =	shalt  }
0x81: {  	_ =	shalt  }
0x82: {  	_ =	shalt  }
0x83: {  	_ =	shalt  }
0x84: {  	_ =	shalt  }
0x85: {  	_ =	shalt  }
0x86: {  	_ =	shalt  }
0x87: {  	_ =	shalt  }
.Lfunc_end0:
.L_simem_size_0:
called_computation_lowered:
.L_overlay_start_0:
0x88: {  	s2 =	sld [smem:$0x3FD9]  }
0x89: {  	s3 =	sld [smem:$0x3FFE];
	_ =	sdelay $0x1  }
0x8a: {  	s1 =	srdreg.scid  }
0x8b: {  	s0 =	sand.u32 $0x1, s1  }
0x8c: {  	s16 =	sshll.u32 s0, $0xA;
	s2 =	sadd.s32 s3, s2  }
0x8d: {  	s2 =	sadd.s32 s2, s16  }
0x8e: {  	[smem:$0x3FC2] =	sst s2  }
0x8f: {  	_ = 	snop  }
0x90: {  	(tm) =	ssettm $0x1  }
0x91: {  	s17 =	sld [smem:$0x3FFB];
	_ =	sdelay $0x3  }
0x92: {  	_ =	strace s17  }
0x93: {  	s2 =	sld [smem:$0x3FFC];
	_ =	sdelay $0x3  }
0x94: {  	_ =	strace s2  }
0x95: {  	s2 =	sld [smem:$0x3FFD];
	_ =	sdelay $0x3  }
0x96: {  	_ =	strace s2  }
0x97: {  	_ =	strace $0x8FFFFFFF  }
0x98: {  	s18 =	sld [smem:$0x3FDB];
	_ =	sdelay $0x1  }
0x99: {  	s19 =	simm.s32 $_scs_section_size  }
0x9a: {  	s4 =	simm.s32 $_size__tile_overlayer_lowered;
	s5 =	simm.s32 $_tile_overlayer_lowered  }
0x9b: {  	s22 =	simm.s32 $0x1BFF;
	s21 =	sshll.u32 s5, $0x1;
	s2 =	sadd.s32 s19, s18  }
0x9c: {  	s6 =	simm.s32 $0x0;
	s20 =	sshll.u32 s4, $0x1;
	s4 =	sadd.s32 s21, s2  }
0x9d: {  	[timem:s6], [sflag:s22] =	dma.local [hbm:s4], s20  }
0x9e: {  	_ =	swait.ge [sflag:s22], s20  }
0x9f: {  	s3 =	ssub.s32 $0x0, s20;
	[sflag:s22] =	ssyncset.done $0x0  }
0xa0: {  	[sflag:s22] =	ssyncadd.s32 s3;
	_ =	sdelay $0x1  }
0xa1: {  	s23 =	simm.s32 $0x1B8B  }
0xa2: {  	_ =	swait.ge [sflag:s23], $0x1  }
0xa3: {  	[sflag:s23] =	ssyncset.done $0x0  }
0xa4: {  	s25 =	simm.s32 $0x1B8E;
	s24 =	sld [smem:$0x3FFE];
	[sflag:s23] =	ssyncadd.s32 $0xFFFFFFFF  }
0xa5: {  	s26 =	simm.s32 $execute0_lowered;
	[smem:$0x3FD2] =	sst s25  }
0xa6: {  	s4 =	sshll.u32 s26, $0x1;
	_ =	strace $0x80000046;
	[dreg:$0x1] =	wrdreg $0xFFFFFFFF  }
0xa7: {  	s28 =	simm.s32 $_size_execute0_lowered;
	s2 =	sadd.s32 s2, s4;
	[dreg:$0x0] =	wrdreg $0x0  }
0xa8: {  	s4 =	sshll.u32 s28, $0x1;
	[dreg:$0x2] =	wrdreg s2  }
0xa9: {  	[dreg:$0x3] =	wrdreg s4  }
0xaa: {  	[dreg:$0x4] =	wrdreg $0xC0  }
0xab: {  	_ =	task [dreg:s6], $0x5FFFF  }
0xac: {  	[dreg:$0x1] =	wrdreg $0xFFFFFFFF  }
0xad: {  	[dreg:$0x0] =	wrdreg $0x60  }
0xae: {  	[dreg:$0x2] =	wrdreg s24  }
0xaf: {  	[dreg:$0x3] =	wrdreg $0x9  }
0xb0: {  	_ =	task.clear_ibuf [dreg:s6], $0x4FFFF;
	_ =	strace $0x90000046  }
0xb1: {  	s29 =	simm.s32 $0x9;
	_ =	strace $0x80000048  }
0xb2: {  	_ =	swait.ge [sflag:s29], $0x1  }
0xb3: {  	[sflag:s29] =	ssyncadd.s32 $0xFFFFFFFF  }
0xb4: {  	_ =	strace $0x90000048  }
0xb5: {  	_ =	sfence  }
0xb6: {  	s30 =	sld [smem:$0x0];
	_ =	sdelay $0x2  }
0xb7: {  	s31 =	sshll.u32 s1, $0xD;
	s1 =	sshrl.u32 s1, $0x2  }
0xb8: {  	s3 =	sand.u32 $0x4000, s31;
	s1 =	sadd.s32 s1, s30  }
0xb9: {  	s0 =	sor.u32 s3, s0;
	s1 =	sshll.u32 s1, $0x11  }
0xba: {  	s0 =	sor.u32 s1, s0  }
0xbb: {  	s0 =	sadd.s32 $0x8F2B, s0  }
0xbc: {  	[sflag:s0] =	ssyncadd.remote.s32 $0x1  }
0xbd: {  	_ =	sfence.sel $0xFFFF  }
0xbe: {  	[dreg:$0x0] =	wrdreg $0xFFFFFFFF;
	(pc) =	sbr.abs _section_cstart, $3  }
0xbf: {  	[dreg:$0x1] =	wrdreg $0xFFFFFFFF  }
0xc0: {  	_ =	task.clear_ibuf [dreg:s6], $0x2FFFF;
	_ =	strace $0x9FFFFFFF  }
0xc1: {  	(tm) =	ssettm $0x7FFFFFFF  }
tec
execute0_lowered:
.L_overlay_start_1:
0x0: {  	(tag) =	ssettag $0x1  }
0x1: {  	s0 =	srdreg.scid;
	s4 =	rddreg [dreg:$0x0]  }
0x2: {  	s1 =	stileid.u32;
	s2 =	simm.s32 $0x0;
	s10 =	simm.s32 $0x2800  }
0x3: {  	s11 =	simm.s32 $0x3C00;
	s12 =	simm.s32 $0x2;
	s3 =	sand.u32 $0x1, s0  }
0x4: {  	s13 =	simm.s32 $0x0;
	s9 =	smul.u32 $0x1400, s1;
	s5 =	sshll.u32 s3, $0x4  }
0x5: {  	s0 =	rddreg [dreg:$0x1];
	s7 =	smul.u32 $0x14000, s3;
	s5 =	sor.u32 s1, s5  }
0x6: {  	[smem:$0x7FF] =	sst s2;
	s6 =	ssub.s32 $0x2, s3;
	s5 =	smul.u32 $0x1400, s5  }
0x7: {  	_ =	strace $0x80000047;
	s3 =	sadd.s32 $0xB000, s4;
	s8 =	sshrl.u32 s6, $0x1  }
0x8: {  	s6 =	ssub.s32 s6, s8;
	s7 =	sadd.s32 s9, s7;
	s5 =	sshrl.u32 s5, $0x3  }
0x9: {  	s8 =	simm.s32 $0x1400;
	s9 =	simm.s32 $0x1;
	s5 =	sadd.s32 s5, s4  }
0xa: {  	v0 =	vlaneseq.u32;
	s6 =	smax.u32 s6, $0x1;
	s4 =	sadd.s32 $0x1000, s5;
	s5 =	sadd.s32 $0x6000, s5  }
.LBB2_1:
0xb: {  	[tilespmem:s2], [sflag:$0x1] =	stream.linear.gather [hbm4b:s4+s2], $0x1400, $0x38;
	[tilespmem:$0x5000] =	vst v63  }
0xc: {  	_ = 	snop  }
0xd: {  	[tilespmem:s8], [sflag:$0x1] =	stream.linear.gather [hbm4b:s5+s2], $0x1400, $0x38;
	[tilespmem:$0x5000] =	vst v63  }
0xe: {  	_ =	swait.ge [sflag:s9], $0x1400  }
0xf: {  	[sflag:s9] =	ssyncset.done $0x0  }
0x10: {  	[sflag:s9] =	ssyncadd.s32 $0xFFFFEC00  }
0x11: {  	_ =	swait.ge [sflag:s9], $0x1400  }
0x12: {  	[sflag:s9] =	ssyncset.done $0x0  }
0x13: {  	s14 =	simm.s32 $0x0;
	[sflag:s9] =	ssyncadd.s32 $0xFFFFEC00  }
0x14: {  	v1 =	vld [tilespmem:s14+$0x0]  }
0x15: {  	v2 =	vor.u32 s7, v0  }
0x16: {  	[tilespmem:s14+$0x3C00] =	vst v2;
	v2 =	vld [tilespmem:s14+$0x1400];
	_ =	sdelay $0x1  }
0x17: {  	s15 =	simm.s32 $0x40;
	s16 =	sadd.s32 $0x10, s7  }
.LBB2_2:
0x18: {  	s17 =	sshra.s32 s15, $0x2;
	v3 =	vor.u32 s16, v0;
	p0 =	sne.s32 s15, $0x4FC0;
	s15 =	sadd.s32 $0x40, s15;
	v4 =	vmul.u32 $0x2710, v1  }
.Ltmp0:
0x19: {  	v1 =	vld [tilespmem:s17+$0x0];
	[tilespmem:s17+$0x3C00] =	vst v3;
	(pc) =	sbr.rel @p0 .LBB2_2-.Ltmp0, $3  }
0x1a: {  	v3 =	vadd.s32 v2, v4  }
0x1b: {  	v2 =	vld [tilespmem:s17+$0x1400];
	[tilespmem:s14+$0x2800] =	vst v3;
	s14 =	smov.u32 s17;
	_ =	sdelay $0x1  }
0x1c: {  	s16 =	sadd.s32 $0x10, s16  }
0x1d: {  	v1 =	vmul.u32 $0x2710, v1  }
0x1e: {  	s13 =	sadd.s32 $0x1, s13  }
0x1f: {  	p0 =	sne.s32 s13, s6;
	v1 =	vadd.s32 v2, v1  }
.Ltmp1:
0x20: {  	[tilespmem:s14+$0x2800] =	vst v1;
	(pc) =	sbr.rel @p0 .LBB2_1-.Ltmp1, $4  }
0x21: {  	[hbm4b:s3+s8] =	stream.indirect.scatter [tilespmem:s11], [sflag:$0x2], $0x1, s10, s8, $0xb8;
	[tilespmem:$0x5000] =	vst v63  }
0x22: {  	_ =	swait.ge [sflag:s12], $0x1400  }
0x23: {  	[sflag:s12] =	ssyncset.done $0x0  }
0x24: {  	[sflag:s12] =	ssyncadd.s32 $0xFFFFEC00  }
0x25: {  	_ =	sfence.sel $0x180000  }
0x26: {  	[bflag:$0x0] =	sbarrier.arrive $0xFFFF  }
0x27: {  	p0 =	sne.s32 s1, $0x0;
	_ =	strace $0x90000047  }
0x28: {  	s0 =	sadd.s32 @!p0 $0x100000, s0;
	[bflag:$0x2] =	sbarrier.arrive $0xFFFF  }
0x29: {  	[sflag:s0] =	ssyncadd.tile.s32 @!p0 $0x1;
	_ =	shalt  }
.Lfunc_end2:
_tile_overlayer_lowered:
.L_overlay_start_2:
0x2a: {  	(tag) =	ssettag $0x2  }
0x2b: {  	s0 =	rddreg [dreg:$0x0];
	s2 =	stileid.u32  }
0x2c: {  	s1 =	rddreg [dreg:$0x1];
	p0 =	sne.s32 s2, $0x0  }
0x2d: {  	s3 =	rddreg [dreg:$0x2];
	[bflag:$0x3] =	sbarrier.arrive $0xFFFF;
	s2 =	simm.s32 @!p0 $0x1C02  }
0x2e: {  	[timem:s3], [sflag:s2] =	dma.local @!p0 [hbm:s0], s1  }
0x2f: {  	s0 =	simm.s32 @!p0 $0x2  }
0x30: {  	_ =	swait.ge @!p0 [sflag:s0], s1  }
0x31: {  	s1 =	ssub.s32 @!p0 $0x0, s1;
	[sflag:s0] =	ssyncset.done @!p0 $0x0  }
0x32: {  	[sflag:s0] =	ssyncadd.s32 @!p0 s1  }
0x33: {  	[bflag:$0x3] =	sbarrier.arrive $0xFFFF  }
0x34: {  	_ =	shalt  }

// kernel: kernel.9.cloned.1.call-start
scs
__scs_entry_jumppad:
0x0: {  	(pc) =	sbr.rel $0x88, $3  }
0x1: {  	(tag) =	ssettag $0x0;
	lr =	simm.s32 $0x1  }
0x2: {  	[smem:$0x3F9B] =	sst lr;
	_ =	strace $0xD0000000  }
0x3: {  	_ = 	snop  }
0x4: {  	_ = 	snop  }
0x5: {  	_ = 	snop  }
0x6: {  	_ = 	snop  }
0x7: {  	_ = 	snop  }
__scs_overlays_trampoline_lowered:
0x8: {  	[smem:$0x3FAA] =	sst s0  }
0x9: {  	[smem:$0x3FAB] =	sst s1  }
0xa: {  	[smem:$0x3FAC] =	sst s2  }
0xb: {  	[smem:$0x3FAD] =	sst s3  }
0xc: {  	[smem:$0x3FAE] =	sst s4  }
0xd: {  	[smem:$0x3FAF] =	sst s5  }
0xe: {  	[smem:$0x3FB0] =	sst s6  }
0xf: {  	[smem:$0x3FB1] =	sst s7  }
0x10: {  	[smem:$0x3FB2] =	sst s8  }
0x11: {  	[smem:$0x3FB3] =	sst s9;
	s0 =	simm.s32 @!p0 $0x0  }
0x12: {  	s1 =	sld [smem:$0x3F99];
	s0 =	simm.s32 @p0 $0x1  }
0x13: {  	[smem:$0x3FB4] =	sst s0;
	s0 =	simm.s32 @!p1 $0x0  }
0x14: {  	s2 =	sld [smem:$0x3F98];
	s0 =	simm.s32 @p1 $0x1  }
0x15: {  	[smem:$0x3FB5] =	sst s0;
	s0 =	simm.s32 @!p2 $0x0  }
0x16: {  	s3 =	sld [smem:$0x3FDB];
	s0 =	simm.s32 @p2 $0x1  }
0x17: {  	s4 =	simm.s32 $0x1BF5;
	[smem:$0x3FB7] =	sst s0  }
0x18: {  	s0 =	sld [smem:$0x3F9A];
	_ =	swait.ge [sflag:s4], $0x0  }
0x19: {  	s7 =	sld [smem:$0x3F9B]  }
0x1a: {  	s8 =	sadd.s32 $0xFFFFE003, lr  }
0x1b: {  	s9 =	sadd.s32 $0xFFFFFEF7, lr;
	s5 =	simm.s32 $0xFFFFFFFF;
	p2 =	slt.u32 s8, $0xFFFFF086  }
0x1c: {  	p1 =	slt.u32 s9, $0xF7A;
	s5 =	simm.s32 @!p2 $0x0  }
0x1d: {  	s5 =	simm.s32 @p1 $0x1;
	p0 =	seq.s32 s7, s2  }
0x1e: {  	s7 =	smul.u32 @!p0 $0xF7A, s2;
	p2 =	seq.s32 @!p0 s5, $0x0  }
0x1f: {  	s9 =	smul.u32 $0xF7A, s1;
	s8 =	simm.s32 @!p0 $0x1BF5;
	p2 =	por !p2, p0  }
0x20: {  	[sflag:s8] =	ssyncset.s32 @!p0 $0xFFFFF086;
	s6 =	sadd.s32 @!p0 s3, s7;
	s7 =	simm.s32 @!p0 $0x108  }
0x21: {  	s3 =	sadd.s32 s3, s9;
	s6 =	sadd.s32 @!p0 $0x88, s6;
	s7 =	simm.s32 @p2 $0x1082  }
0x22: {  	[simem:s7], [sflag:s8] =	dma.local @!p0 [hbm:s6], $0xF7A  }
0x23: {  	s9 =	sor.u32 $0xD0000000, s2;
	s6 =	simm.s32 $0x108;
	_ =	swait.ge @!p0 [sflag:s8], $0x0  }
0x24: {  	s3 =	sadd.s32 $0x88, s3;
	s6 =	simm.s32 @!p1 $0x1082;
	[sflag:s4] =	ssyncset.s32 $0xFFFFF086  }
0x25: {  	[simem:s6], [sflag:s4] =	dma.local [hbm:s3], $0xF7A  }
0x26: {  	[smem:$0x3F9B] =	sst s1;
	(tag) =	ssettag s2;
	_ =	strace s9  }
0x27: {  	s1 =	sld [smem:$0x3FAB]  }
0x28: {  	s2 =	sld [smem:$0x3FAC]  }
0x29: {  	s4 =	sld [smem:$0x3FAE]  }
0x2a: {  	p0 =	seq.s32 s5, $0x0;
	s5 =	sld [smem:$0x3FAF]  }
0x2b: {  	s6 =	sld [smem:$0x3FB0]  }
0x2c: {  	s7 =	sld [smem:$0x3FB1]  }
0x2d: {  	s3 =	simm.s32 $0x108;
	s8 =	sld [smem:$0x3FB2]  }
0x2e: {  	s3 =	simm.s32 @!p0 $0x1082;
	s9 =	sld [smem:$0x3FB3]  }
0x2f: {  	lr =	sadd.s32 s0, s3;
	s0 =	sld [smem:$0x3FAA]  }
0x30: {  	s3 =	sld [smem:$0x3FAD]  }
0x31: {  	[smem:$0x3FB6] =	sst s10  }
0x32: {  	s10 =	sld [smem:$0x3FB4];
	_ =	sdelay $0x3  }
0x33: {  	p0 =	seq.s32 s10, $0x1;
	s10 =	sld [smem:$0x3FB6];
	_ =	sdelay $0x3  }
0x34: {  	[smem:$0x3FB6] =	sst s10  }
0x35: {  	s10 =	sld [smem:$0x3FB5];
	_ =	sdelay $0x3  }
0x36: {  	p1 =	seq.s32 s10, $0x1;
	s10 =	sld [smem:$0x3FB6];
	_ =	sdelay $0x3  }
0x37: {  	[smem:$0x3FB6] =	sst s10  }
0x38: {  	s10 =	sld [smem:$0x3FB7]  }
0x39: {  	_ = 	snop;
	(pc) =	sbr.ind lr, $3  }
0x3a: {  	_ = 	snop  }
0x3b: {  	_ = 	snop  }
0x3c: {  	p2 =	seq.s32 s10, $0x1;
	s10 =	sld [smem:$0x3FB6]  }
0x3d: {  	_ =	shalt  }
0x3e: {  	_ =	shalt  }
0x3f: {  	_ =	shalt  }
0x40: {  	_ =	shalt  }
0x41: {  	_ =	shalt  }
0x42: {  	_ =	shalt  }
0x43: {  	_ =	shalt  }
0x44: {  	_ =	shalt  }
0x45: {  	_ =	shalt  }
0x46: {  	_ =	shalt  }
0x47: {  	_ =	shalt  }
0x48: {  	_ =	shalt  }
0x49: {  	_ =	shalt  }
0x4a: {  	_ =	shalt  }
0x4b: {  	_ =	shalt  }
0x4c: {  	_ =	shalt  }
0x4d: {  	_ =	shalt  }
0x4e: {  	_ =	shalt  }
0x4f: {  	_ =	shalt  }
0x50: {  	_ =	shalt  }
0x51: {  	_ =	shalt  }
0x52: {  	_ =	shalt  }
0x53: {  	_ =	shalt  }
0x54: {  	_ =	shalt  }
0x55: {  	_ =	shalt  }
0x56: {  	_ =	shalt  }
0x57: {  	_ =	shalt  }
0x58: {  	_ =	shalt  }
0x59: {  	_ =	shalt  }
0x5a: {  	_ =	shalt  }
0x5b: {  	_ =	shalt  }
0x5c: {  	_ =	shalt  }
0x5d: {  	_ =	shalt  }
0x5e: {  	_ =	shalt  }
0x5f: {  	_ =	shalt  }
0x60: {  	_ =	shalt  }
0x61: {  	_ =	shalt  }
0x62: {  	_ =	shalt  }
0x63: {  	_ =	shalt  }
0x64: {  	_ =	shalt  }
0x65: {  	_ =	shalt  }
0x66: {  	_ =	shalt  }
0x67: {  	_ =	shalt  }
0x68: {  	_ =	shalt  }
0x69: {  	_ =	shalt  }
0x6a: {  	_ =	shalt  }
0x6b: {  	_ =	shalt  }
0x6c: {  	_ =	shalt  }
0x6d: {  	_ =	shalt  }
0x6e: {  	_ =	shalt  }
0x6f: {  	_ =	shalt  }
0x70: {  	_ =	shalt  }
0x71: {  	_ =	shalt  }
0x72: {  	_ =	shalt  }
0x73: {  	_ =	shalt  }
0x74: {  	_ =	shalt  }
0x75: {  	_ =	shalt  }
0x76: {  	_ =	shalt  }
0x77: {  	_ =	shalt  }
0x78: {  	_ =	shalt  }
0x79: {  	_ =	shalt  }
0x7a: {  	_ =	shalt  }
0x7b: {  	_ =	shalt  }
0x7c: {  	_ =	shalt  }
0x7d: {  	_ =	shalt  }
0x7e: {  	_ =	shalt  }
0x7f: {  	_ =	shalt  }
0x80: {  	_ =	shalt  }
0x81: {  	_ =	shalt  }
0x82: {  	_ =	shalt  }
0x83: {  	_ =	shalt  }
0x84: {  	_ =	shalt  }
0x85: {  	_ =	shalt  }
0x86: {  	_ =	shalt  }
0x87: {  	_ =	shalt  }
.Lfunc_end0:
.L_simem_size_0:
called_computation.1_lowered:
.L_overlay_start_0:
0x88: {  	s2 =	sld [smem:$0x3FD9]  }
0x89: {  	s3 =	sld [smem:$0x3FFE];
	_ =	sdelay $0x1  }
0x8a: {  	s1 =	srdreg.scid  }
0x8b: {  	s0 =	sand.u32 $0x1, s1  }
0x8c: {  	s17 =	sshll.u32 s0, $0xA;
	s2 =	sadd.s32 s3, s2  }
0x8d: {  	s2 =	sadd.s32 s2, s17  }
0x8e: {  	[smem:$0x3FC2] =	sst s2  }
0x8f: {  	_ = 	snop  }
0x90: {  	s2 =	sld [smem:$0x3FD0];
	(tm) =	ssettm $0x1  }
0x91: {  	s18 =	sld [smem:$0x3FFB];
	_ =	sdelay $0x3  }
0x92: {  	_ =	strace s18  }
0x93: {  	s3 =	sld [smem:$0x3FFC];
	_ =	sdelay $0x3  }
0x94: {  	_ =	strace s3  }
0x95: {  	s3 =	sld [smem:$0x3FFD];
	_ =	sdelay $0x3  }
0x96: {  	_ =	strace s3  }
0x97: {  	_ =	strace $0x8FFFFFFF  }
0x98: {  	s19 =	sld [smem:$0x3FDB];
	_ =	sdelay $0x1  }
0x99: {  	s4 =	simm.s32 $_scs_section_size  }
0x9a: {  	s5 =	simm.s32 $_size__tile_overlayer_lowered;
	s6 =	simm.s32 $_tile_overlayer_lowered  }
0x9b: {  	s22 =	simm.s32 $0x1BFF;
	s21 =	sshll.u32 s6, $0x1;
	s3 =	sadd.s32 s4, s19  }
0x9c: {  	s7 =	simm.s32 $0x0;
	s20 =	sshll.u32 s5, $0x1;
	s5 =	sadd.s32 s21, s3  }
0x9d: {  	[timem:s7], [sflag:s22] =	dma.local [hbm:s5], s20  }
0x9e: {  	_ =	swait.ge [sflag:s22], s20  }
0x9f: {  	s4 =	ssub.s32 $0x0, s20;
	[sflag:s22] =	ssyncset.done $0x0  }
0xa0: {  	[sflag:s22] =	ssyncadd.s32 s4;
	_ =	sdelay $0x1  }
0xa1: {  	s23 =	simm.s32 $0x1B8B  }
0xa2: {  	_ =	swait.ge [sflag:s23], $0x1  }
0xa3: {  	[sflag:s23] =	ssyncset.done $0x0  }
0xa4: {  	s25 =	simm.s32 $0x1B8E;
	s24 =	sld [smem:$0x3FFE];
	[sflag:s23] =	ssyncadd.s32 $0xFFFFFFFF  }
0xa5: {  	s26 =	simm.s32 $execute0_lowered;
	[smem:$0x3FD2] =	sst s25  }
0xa6: {  	s5 =	sshll.u32 s26, $0x1;
	_ =	strace $0x80000049;
	[dreg:$0x1] =	wrdreg $0xFFFFFFFF  }
0xa7: {  	s28 =	simm.s32 $_size_execute0_lowered;
	s3 =	sadd.s32 s3, s5;
	[dreg:$0x0] =	wrdreg $0x0  }
0xa8: {  	s5 =	sshll.u32 s28, $0x1;
	[dreg:$0x2] =	wrdreg s3  }
0xa9: {  	[dreg:$0x3] =	wrdreg s5  }
0xaa: {  	[dreg:$0x4] =	wrdreg $0xC0  }
0xab: {  	_ =	task [dreg:s7], $0x5FFFF  }
0xac: {  	[dreg:$0x1] =	wrdreg $0xFFFFFFFF  }
0xad: {  	[dreg:$0x0] =	wrdreg $0x60  }
0xae: {  	[dreg:$0x2] =	wrdreg s2  }
0xaf: {  	[dreg:$0x3] =	wrdreg s24  }
0xb0: {  	[dreg:$0x4] =	wrdreg $0xA0000  }
0xb1: {  	[dreg:$0x5] =	wrdreg $0x1E0000  }
0xb2: {  	[dreg:$0x6] =	wrdreg $0x9  }
0xb3: {  	_ =	task.clear_ibuf [dreg:s7], $0x7FFFF;
	_ =	strace $0x90000049  }
0xb4: {  	s29 =	simm.s32 $0x9;
	_ =	strace $0x8000004B  }
0xb5: {  	_ =	swait.ge [sflag:s29], $0x1  }
0xb6: {  	[sflag:s29] =	ssyncadd.s32 $0xFFFFFFFF  }
0xb7: {  	_ =	strace $0x9000004B  }
0xb8: {  	_ =	sfence  }
0xb9: {  	s30 =	sld [smem:$0x0];
	_ =	sdelay $0x2  }
0xba: {  	s31 =	sshll.u32 s1, $0xD;
	s1 =	sshrl.u32 s1, $0x2  }
0xbb: {  	s3 =	sand.u32 $0x4000, s31;
	s1 =	sadd.s32 s1, s30  }
0xbc: {  	s0 =	sor.u32 s3, s0;
	s1 =	sshll.u32 s1, $0x11  }
0xbd: {  	s0 =	sor.u32 s1, s0  }
0xbe: {  	s0 =	sadd.s32 $0x8F2B, s0  }
0xbf: {  	[sflag:s0] =	ssyncadd.remote.s32 $0x1  }
0xc0: {  	_ =	sfence.sel $0xFFFF  }
0xc1: {  	[dreg:$0x0] =	wrdreg $0xFFFFFFFF;
	(pc) =	sbr.abs _section_cstart, $3  }
0xc2: {  	[dreg:$0x1] =	wrdreg $0xFFFFFFFF  }
0xc3: {  	_ =	task.clear_ibuf [dreg:s7], $0x2FFFF;
	_ =	strace $0x9FFFFFFF  }
0xc4: {  	(tm) =	ssettm $0x7FFFFFFF  }
0xc5: {  	_ =	shalt  }
tec
execute0_lowered:
.L_overlay_start_1:
0x0: {  	(tag) =	ssettag $0x1  }
0x1: {  	s1 =	rddreg [dreg:$0x0]  }
0x2: {  	s0 =	rddreg [dreg:$0x1]  }
0x3: {  	s2 =	rddreg [dreg:$0x2]  }
0x4: {  	s14 =	rddreg [dreg:$0x3];
	s15 =	simm.s32 $0x0  }
0x5: {  	s3 =	srdreg.scid;
	s16 =	stileid.u32;
	s28 =	simm.s32 $0x9  }
0x6: {  	s29 =	simm.s32 $0x400;
	s30 =	simm.s32 $0x1;
	s5 =	smul.u32 $0x14000, s16  }
0x7: {  	[smem:$0x7FF] =	sst s15;
	s6 =	sadd.s32 $0xC40800, s0;
	s18 =	smul.u32 $0x500, s16  }
0x8: {  	s3 =	sand.u32 $0x1, s3;
	s7 =	sadd.s32 $0xC40200, s0;
	s13 =	smul.u32 $0x50000, s16  }
0x9: {  	s8 =	sadd.s32 $0x1000, s0;
	s9 =	sadd.s32 $0x6000, s0;
	s22 =	smul.u32 $0x280, s16  }
0xa: {  	s10 =	sadd.s32 $0xB000, s0;
	_ =	strace $0x8000004A;
	s4 =	smul.u32 $0x140000, s3  }
0xb: {  	s11 =	sshll.u32 s3, $0x7;
	s19 =	ssub.s32 $0x2, s3;
	s21 =	sshll.u32 s3, $0x4  }
0xc: {  	s3 =	smul.u32 $0x14000, s3;
	s12 =	sshrl.u32 s19, $0x1;
	s13 =	sshrl.u32 s13, $0x2  }
0xd: {  	s17 =	sadd.s32 s22, s14;
	s23 =	sadd.s32 $0x80, s22;
	s26 =	sadd.s32 $0x100, s22  }
0xe: {  	s4 =	sadd.s32 s5, s4;
	s5 =	sor.u32 s11, s18;
	s20 =	ssub.s32 s19, s12  }
0xf: {  	s11 =	sor.u32 s16, s21;
	s13 =	sadd.s32 s13, s2;
	s25 =	sshll.u32 s23, $0x7  }
0x10: {  	s31 =	sshll.u32 s26, $0x7;
	s19 =	smul.u32 $0x1400, s16;
	s21 =	sadd.s32 $0x180, s22  }
0x11: {  	s22 =	sadd.s32 $0x200, s22;
	s16 =	simm.s32 $0x3;
	[dreg:$0x9] =	wrdreg s17  }
0x12: {  	s4 =	sshrl.u32 s4, $0x3;
	s24 =	smax.u32 s20, $0x1;
	[dreg:$0x7] =	wrdreg s13  }
0x13: {  	s5 =	sshrl.u32 s5, $0x3;
	s18 =	sadd.s32 s31, s2;
	[dreg:$0xa] =	wrdreg s24  }
0x14: {  	s11 =	smul.u32 $0x1400, s11;
	s20 =	sadd.s32 s26, s14;
	[dreg:$0xd] =	wrdreg s18  }
0x15: {  	s26 =	sadd.s32 s21, s14;
	s31 =	sadd.s32 s22, s14;
	[dreg:$0xe] =	wrdreg s20  }
0x16: {  	s4 =	sadd.s32 s4, s0;
	s0 =	sadd.s32 s5, s0;
	[dreg:$0x11] =	wrdreg s26  }
0x17: {  	s24 =	sshll.u32 s22, $0x7;
	[dreg:$0x13] =	wrdreg s31;
	s26 =	simm.s32 $0x2000  }
0x18: {  	s18 =	simm.s32 $0x80;
	s20 =	simm.s32 $0x6000;
	s4 =	sadd.s32 $0xC41800, s4  }
0x19: {  	s22 =	simm.s32 $0x6;
	s0 =	sadd.s32 $0xC40E00, s0;
	[dreg:$0x6] =	wrdreg s4  }
0x1a: {  	[dreg:$0x8] =	wrdreg s0;
	s4 =	sadd.s32 s25, s2;
	s0 =	sadd.s32 s23, s14  }
0x1b: {  	s23 =	sshll.u32 s21, $0x7;
	s14 =	simm.s32 $0x2;
	[dreg:$0xb] =	wrdreg s4  }
0x1c: {  	s21 =	simm.s32 $0x0;
	[dreg:$0xc] =	wrdreg s0;
	s0 =	sadd.s32 s19, s3  }
0x1d: {  	s25 =	sadd.s32 s23, s2;
	s19 =	simm.s32 $0x5;
	[dreg:$0xf] =	wrdreg s0  }
0x1e: {  	s23 =	simm.s32 $0x7;
	[dreg:$0x10] =	wrdreg s25;
	s0 =	sadd.s32 s24, s2  }
0x1f: {  	v0 =	vimm.f32 $0.0e+00;
	v1 =	vlaneseq.u32;
	s24 =	simm.s32 $0x8;
	s25 =	simm.s32 $0x4;
	[dreg:$0x12] =	wrdreg s0  }
.LBB2_1:
0x20: {  	[dreg:$0x5] =	wrdreg s15;
	s0 =	simm.s32 $0x0;
	s3 =	simm.s32 $0x200  }
.LBB2_2:
0x21: {  	p0 =	sne.s32 s3, $0xFE00;
	[tilespmem:s0+$0x2070] =	vst v0  }
0x22: {  	[tilespmem:s0+$0x2000] =	vst v0  }
0x23: {  	[tilespmem:s0+$0x2010] =	vst v0  }
.Ltmp0:
0x24: {  	[tilespmem:s0+$0x2020] =	vst v0;
	(pc) =	sbr.rel @p0 .LBB2_2-.Ltmp0, $4  }
0x25: {  	[tilespmem:s0+$0x2030] =	vst v0  }
0x26: {  	[tilespmem:s0+$0x2040] =	vst v0  }
0x27: {  	[tilespmem:s0+$0x2050] =	vst v0  }
0x28: {  	[tilespmem:s0+$0x2060] =	vst v0;
	s0 =	sshra.s32 s3, $0x2;
	s3 =	sadd.s32 $0x200, s3  }
0x29: {  	[tilespmem:s0+$0x2070] =	vst v0  }
0x2a: {  	[tilespmem:s0+$0x2000] =	vst v0  }
0x2b: {  	[tilespmem:s0+$0x2010] =	vst v0  }
0x2c: {  	[tilespmem:s0+$0x2020] =	vst v0  }
0x2d: {  	[tilespmem:s0+$0x2030] =	vst v0  }
0x2e: {  	[tilespmem:s0+$0x2040] =	vst v0  }
0x2f: {  	[tilespmem:s0+$0x2050] =	vst v0  }
0x30: {  	[tilespmem:s0+$0x2060] =	vst v0  }
0x31: {  	[spmem:s13] =	stream.linear.scatter [tilespmem:s26], [sflag:$0x9], $0x4000, $0x38;
	[tilespmem:$0x1E280] =	vst v63  }
0x32: {  	_ =	swait.ge [sflag:s28], $0x4000  }
0x33: {  	[sflag:s28] =	ssyncset.done $0x0  }
0x34: {  	[sflag:s28] =	ssyncadd.s32 $0xFFFFC000  }
0x35: {  	[spmem:s17] =	stream.linear.scatter [tilespmem:s26], [sflag:$0x9], $0x80, $0x38;
	[tilespmem:$0x1E280] =	vst v63  }
0x36: {  	_ =	swait.ge [sflag:s28], $0x80  }
0x37: {  	[sflag:s28] =	ssyncset.done $0x0  }
0x38: {  	s3 =	rddreg [dreg:$0xb];
	[sflag:s28] =	ssyncadd.s32 $0xFFFFFF80  }
0x39: {  	[spmem:s3] =	stream.linear.scatter [tilespmem:s26], [sflag:$0x9], $0x4000, $0x38;
	[tilespmem:$0x1E280] =	vst v63  }
0x3a: {  	_ =	swait.ge [sflag:s28], $0x4000  }
0x3b: {  	[sflag:s28] =	ssyncset.done $0x0  }
0x3c: {  	s4 =	rddreg [dreg:$0xc];
	[sflag:s28] =	ssyncadd.s32 $0xFFFFC000  }
0x3d: {  	[spmem:s4] =	stream.linear.scatter [tilespmem:s26], [sflag:$0x9], $0x80, $0x38;
	[tilespmem:$0x1E280] =	vst v63  }
0x3e: {  	_ =	swait.ge [sflag:s28], $0x80  }
0x3f: {  	[sflag:s28] =	ssyncset.done $0x0  }
0x40: {  	s5 =	rddreg [dreg:$0xd];
	[sflag:s28] =	ssyncadd.s32 $0xFFFFFF80  }
0x41: {  	[spmem:s5] =	stream.linear.scatter [tilespmem:s26], [sflag:$0x9], $0x4000, $0x38;
	[tilespmem:$0x1E280] =	vst v63  }
0x42: {  	_ =	swait.ge [sflag:s28], $0x4000  }
0x43: {  	[sflag:s28] =	ssyncset.done $0x0  }
0x44: {  	s12 =	rddreg [dreg:$0xe];
	[sflag:s28] =	ssyncadd.s32 $0xFFFFC000  }
0x45: {  	[spmem:s12] =	stream.linear.scatter [tilespmem:s26], [sflag:$0x9], $0x80, $0x38;
	[tilespmem:$0x1E280] =	vst v63  }
0x46: {  	_ =	swait.ge [sflag:s28], $0x80  }
0x47: {  	[sflag:s28] =	ssyncset.done $0x0  }
0x48: {  	s13 =	rddreg [dreg:$0x10];
	[sflag:s28] =	ssyncadd.s32 $0xFFFFFF80  }
0x49: {  	[spmem:s13] =	stream.linear.scatter [tilespmem:s26], [sflag:$0x9], $0x4000, $0x38;
	[tilespmem:$0x1E280] =	vst v63  }
0x4a: {  	_ =	swait.ge [sflag:s28], $0x4000  }
0x4b: {  	[sflag:s28] =	ssyncset.done $0x0  }
0x4c: {  	s15 =	rddreg [dreg:$0x11];
	[sflag:s28] =	ssyncadd.s32 $0xFFFFC000  }
0x4d: {  	[spmem:s15] =	stream.linear.scatter [tilespmem:s26], [sflag:$0x9], $0x80, $0x38;
	[tilespmem:$0x1E280] =	vst v63  }
0x4e: {  	_ =	swait.ge [sflag:s28], $0x80  }
0x4f: {  	[sflag:s28] =	ssyncset.done $0x0  }
0x50: {  	s17 =	rddreg [dreg:$0x12];
	[sflag:s28] =	ssyncadd.s32 $0xFFFFFF80  }
0x51: {  	[spmem:s17] =	stream.linear.scatter [tilespmem:s26], [sflag:$0x9], $0x4000, $0x38;
	[tilespmem:$0x1E280] =	vst v63  }
0x52: {  	_ =	swait.ge [sflag:s28], $0x4000  }
0x53: {  	[sflag:s28] =	ssyncset.done $0x0  }
0x54: {  	s31 =	rddreg [dreg:$0x13];
	[sflag:s28] =	ssyncadd.s32 $0xFFFFC000  }
0x55: {  	[spmem:s31] =	stream.linear.scatter [tilespmem:s26], [sflag:$0x9], $0x80, $0x38;
	[tilespmem:$0x1E280] =	vst v63  }
0x56: {  	_ =	swait.ge [sflag:s28], $0x80  }
0x57: {  	[sflag:s28] =	ssyncset.done $0x0  }
0x58: {  	[sflag:s28] =	ssyncadd.s32 $0xFFFFFF80  }
0x59: {  	[bflag:$0x0] =	sbarrier.arrive $0xFFFF  }
0x5a: {  	s15 =	simm.s32 $0x0;
	s13 =	rddreg [dreg:$0xf]  }
.LBB2_4:
0x5b: {  	s0 =	sshll.u32 s15, $0xA  }
0x5c: {  	s0 =	sadd.s32 s11, s0  }
0x5d: {  	s0 =	sshrl.u32 s0, $0x3  }
0x5e: {  	s3 =	sadd.s32 s8, s0  }
0x5f: {  	[tilespmem:s21], [sflag:$0x1] =	stream.linear.gather [hbm4b:s3+s21], $0x400, $0x38;
	[tilespmem:$0x1E280] =	vst v63  }
0x60: {  	s0 =	sadd.s32 s9, s0  }
0x61: {  	[tilespmem:s29], [sflag:$0x1] =	stream.linear.gather [hbm4b:s0+s21], $0x400, $0x38;
	[tilespmem:$0x1E280] =	vst v63  }
0x62: {  	_ =	swait.ge [sflag:s30], $0x400  }
0x63: {  	[sflag:s30] =	ssyncset.done $0x0  }
0x64: {  	[sflag:s30] =	ssyncadd.s32 $0xFFFFFC00  }
0x65: {  	_ =	swait.ge [sflag:s30], $0x400  }
0x66: {  	[sflag:s30] =	ssyncset.done $0x0  }
0x67: {  	s0 =	simm.s32 $0x0;
	[sflag:s30] =	ssyncadd.s32 $0xFFFFFC00  }
0x68: {  	v2 =	vld [tilespmem:s0+$0x0]  }
0x69: {  	s3 =	simm.s32 $0x40;
	v3 =	vld [tilespmem:s0+$0x400]  }
.LBB2_5:
0x6a: {  	_ = 	snop  }
0x6b: {  	p0 =	sne.s32 s3, $0xFC0  }
.Ltmp1:
0x6c: {  	_ = 	snop;
	(pc) =	sbr.rel @p0 .LBB2_5-.Ltmp1, $4  }
0x6d: {  	v4 =	vmul.u32 $0x2710, v2  }
0x6e: {  	s4 =	sshra.s32 s3, $0x2  }
0x6f: {  	v2 =	vld [tilespmem:s4+$0x0];
	v4 =	vadd.s32 v3, v4  }
0x70: {  	s3 =	sadd.s32 $0x40, s3;
	v3 =	vld [tilespmem:s4+$0x400];
	[tilespmem:s0+$0x800] =	vst v4;
	s0 =	smov.u32 s4  }
0x71: {  	_ =	sdelay $0x2  }
0x72: {  	v2 =	vmul.u32 $0x2710, v2;
	_ =	sdelay $0x1  }
0x73: {  	v2 =	vadd.s32 v3, v2  }
0x74: {  	s4 =	simm.s32 $0x800;
	s3 =	simm.s32 $0xC00;
	[tilespmem:s0+$0x800] =	vst v2  }
0x75: {  	[tilespmem:s3], [sflag:$0x2] =	stream.indirect.gather [hbm4b:s10+s29], $0x1, s4, s29, $0xb8;
	[tilespmem:$0x1E280] =	vst v63  }
0x76: {  	s5 =	simm.s32 $0x1000;
	s0 =	simm.s32 $0x0  }
0x77: {  	[tilespmem:s5], [sflag:$0x3] =	stream.indirect.gather [hbm4b:s6+s29], $0x1, s0, s29, $0xb8;
	[tilespmem:$0x1E280] =	vst v63  }
0x78: {  	s12 =	simm.s32 $0x1400  }
0x79: {  	[tilespmem:s12], [sflag:$0x3] =	stream.indirect.gather [hbm4b:s7+s29], $0x1, s29, s29, $0xb8;
	[tilespmem:$0x1E280] =	vst v63  }
0x7a: {  	_ =	swait.ge [sflag:s14], $0x400  }
0x7b: {  	[sflag:s14] =	ssyncset.done $0x0  }
0x7c: {  	[sflag:s14] =	ssyncadd.s32 $0xFFFFFC00  }
0x7d: {  	_ =	swait.ge [sflag:s16], $0x400  }
0x7e: {  	[sflag:s16] =	ssyncset.done $0x0  }
0x7f: {  	[sflag:s16] =	ssyncadd.s32 $0xFFFFFC00  }
0x80: {  	_ =	swait.ge [sflag:s16], $0x400  }
0x81: {  	[sflag:s16] =	ssyncset.done $0x0  }
0x82: {  	s17 =	simm.s32 $0x0;
	[sflag:s16] =	ssyncadd.s32 $0xFFFFFC00  }
0x83: {  	v2 =	vld [tilespmem:s17+$0x1400]  }
0x84: {  	v3 =	vld [tilespmem:s17+$0x1000];
	_ =	sdelay $0x4  }
0x85: {  	v2 =	vadd.f32 v2, v3;
	_ =	sdelay $0x1  }
0x86: {  	v3 =	vmul.f32 $2.000000030e-01, v2  }
0x87: {  	vm0 =	vgt.f32 v2, $0.0e+00  }
0x88: {  	v2 =	vsel vm0, v2, v3  }
0x89: {  	v2 =	vmul.f32 $1.442695020e+00, v2;
	_ =	sdelay $0x1  }
0x8a: {  	(erf) = vpow2.f32 v2;
	_ =	sdelay $0x1  }
0x8b: {  	v3 =	vld [tilespmem:s17+$0x0]  }
0x8c: {  	v2 =	vld [tilespmem:s17+$0xC00]  }
0x8d: {  	v4 =	vld [tilespmem:s17+$0x400];
	_ =	sdelay $0x1  }
0x8e: {  	s4 =	sadd.s32 $0x0, s13  }
0x8f: {  	v5 =	vor.u32 s4, v1  }
0x90: {  	vm15 =	vlt.s32 v3, $0x2710;
	vm1 =	veq.s32 v2, v5  }
0x91: {  	s31 =	sand.u32 $0xE00, s0;
	v2 =	vsel vm15, v3, v4;
	vm1 =	vmand vm15, vm1;
	v3 =	vpop (erf)  }
0x92: {  	s4 =	sshrl.u32 s31, $0x2;
	s5 =	sand.u32 $0x70, s0;
	[tilespmem:s17+$0x0] =	vst v2;
	v3 =	vnsel vm1, $0x0, v3  }
0x93: {  	s4 =	sor.u32 s5, s4;
	[tilespmem:s17+$0x1800] =	vst v3  }
0x94: {  	s3 =	simm.s32 $0x10;
	[tilespmem:s4+$0x1C00] =	vst v2  }
0x95: {  	v2 =	vld [tilespmem:s3+$0x1400]  }
0x96: {  	s5 =	simm.s32 $0x80;
	s4 =	simm.s32 $0x40;
	v3 =	vld [tilespmem:s3+$0x1000]  }
.LBB2_7:
0x97: {  	p0 =	sne.s32 s5, $0xFC0;
	_ =	sdelay $0x3  }
0x98: {  	v2 =	vadd.f32 v2, v3;
	_ =	sdelay $0x1  }
0x99: {  	v3 =	vmul.f32 $2.000000030e-01, v2  }
0x9a: {  	vm0 =	vgt.f32 v2, $0.0e+00  }
0x9b: {  	v2 =	vsel vm0, v2, v3  }
0x9c: {  	v2 =	vmul.f32 $1.442695020e+00, v2;
	_ =	sdelay $0x1  }
0x9d: {  	(erf) = vpow2.f32 v2;
	_ =	sdelay $0x1  }
0x9e: {  	v2 =	vld [tilespmem:s3+$0xC00]  }
0x9f: {  	v3 =	vld [tilespmem:s3+$0x0]  }
0xa0: {  	v4 =	vld [tilespmem:s3+$0x400]  }
0xa1: {  	s0 =	sadd.s32 $0x10, s0  }
0xa2: {  	s12 =	sadd.s32 s0, s13  }
0xa3: {  	v5 =	vor.u32 s12, v1  }
0xa4: {  	vm1 =	veq.s32 v2, v5;
	vm0 =	vlt.s32 v3, $0x2710  }
0xa5: {  	s12 =	sand.u32 $0xE00, s4;
	s4 =	smov.u32 s5;
	vm1 =	vmand vm0, vm1;
	v2 =	vsel vm0, v3, v4;
	v3 =	vpop (erf)  }
.Ltmp2:
0xa6: {  	s31 =	sand.u32 $0x70, s0;
	s12 =	sshrl.u32 s12, $0x2;
	v3 =	vnsel vm1, $0x0, v3;
	[tilespmem:s3+$0x0] =	vst v2;
	(pc) =	sbr.rel @p0 .LBB2_7-.Ltmp2, $4  }
0xa7: {  	s12 =	sor.u32 s31, s12;
	[tilespmem:s3+$0x1800] =	vst v3  }
0xa8: {  	s3 =	sshra.s32 s5, $0x2;
	[tilespmem:s12+$0x1C00] =	vst v2  }
0xa9: {  	v2 =	vld [tilespmem:s3+$0x1400]  }
0xaa: {  	s5 =	sadd.s32 $0x40, s5;
	v3 =	vld [tilespmem:s3+$0x1000]  }
0xab: {  	_ =	sdelay $0x3  }
0xac: {  	v2 =	vadd.f32 v2, v3;
	_ =	sdelay $0x1  }
0xad: {  	v3 =	vmul.f32 $2.000000030e-01, v2  }
0xae: {  	vm0 =	vgt.f32 v2, $0.0e+00  }
0xaf: {  	v2 =	vsel vm0, v2, v3  }
0xb0: {  	v2 =	vmul.f32 $1.442695020e+00, v2;
	_ =	sdelay $0x1  }
0xb1: {  	(erf) = vpow2.f32 v2;
	_ =	sdelay $0x1  }
0xb2: {  	v3 =	vld [tilespmem:s3+$0x0]  }
0xb3: {  	v2 =	vld [tilespmem:s3+$0xC00]  }
0xb4: {  	v4 =	vld [tilespmem:s3+$0x400]  }
0xb5: {  	s0 =	sadd.s32 $0x10, s0  }
0xb6: {  	s5 =	sadd.s32 s0, s13  }
0xb7: {  	v5 =	vor.u32 s5, v1  }
0xb8: {  	vm15 =	vlt.s32 v3, $0x2710;
	vm1 =	veq.s32 v2, v5  }
0xb9: {  	s4 =	sand.u32 $0xE00, s4;
	v2 =	vsel vm15, v3, v4;
	vm1 =	vmand vm15, vm1;
	v3 =	vpop (erf)  }
0xba: {  	s0 =	sand.u32 $0x70, s0;
	s4 =	sshrl.u32 s4, $0x2;
	[tilespmem:s3+$0x0] =	vst v2;
	v3 =	vnsel vm1, $0x0, v3  }
0xbb: {  	s0 =	sor.u32 s0, s4;
	[tilespmem:s3+$0x1800] =	vst v3  }
0xbc: {  	s17 =	rddreg [dreg:$0x3];
	s31 =	simm.s32 $0x1800;
	s4 =	simm.s32 $0x0;
	[tilespmem:s0+$0x1C00] =	vst v2  }
0xbd: {  	[spmem:s17] =	stream.indirect.scatter.add.f32 [tilespmem:s31], [sflag:$0x4], $0x1, s4, s29, $0xb8;
	[tilespmem:$0x1E280] =	vst v63  }
0xbe: {  	_ = 	snop  }
0xbf: {  	[tilespmem:s26], [sflag:$0x5] =	stream.indirect.gather [hbm4b:s1+s18], $0x80, s29, s18, $0xb8;
	[tilespmem:$0x1E280] =	vst v63  }
.LBB2_9:
0xc0: {  	_ =	swait.ge [sflag:s19], $0x4000;
	s31 =	sshll.u32 s4, $0xA  }
0xc1: {  	p0 =	seq.s32 s4, $0x0;
	[sflag:s19] =	ssyncset.done $0x0;
	s0 =	sshrl.u32 s31, $0x2  }
0xc2: {  	s5 =	simm.s32 @!p0 $0x8;
	[sflag:s19] =	ssyncadd.s32 $0xFFFFC000;
	s12 =	sadd.s32 $0x1800, s0  }
0xc3: {  	_ =	swait.ge @!p0 [sflag:s5], $0x4000;
	v2 =	vmov s12  }
0xc4: {  	s3 =	sshll.u32 s4, $0x8;
	[sflag:s5] =	ssyncset.done @!p0 $0x0  }
0xc5: {  	s17 =	sadd.s32 $0x480, s3;
	s12 =	simm.s32 $0x0;
	[sflag:s5] =	ssyncadd.s32 @!p0 $0xFFFFC000  }
0xc6: {  	[tilespmem:s20], [sflag:$0x6] =	stream.indirect.gather [hbm4b:s1+s18], $0x80, s17, s18, $0xb8;
	[tilespmem:$0x1E280] =	vst v63  }
0xc7: {  	s5 =	sand.u32 $0x3FFFFFF0, s12;
	s17 =	simm.s32 $0x0  }
0xc8: {  	v3 =	vld.idx.msk [tilespmem:v2+s5+$0x0 ss:$0x1], $0xffff;
	s5 =	sand.u32 $0x3FFFF800, s17  }
0xc9: {  	v9 =	vld [tilespmem:s5+$0x20C0]  }
0xca: {  	v10 =	vld [tilespmem:s5+$0x20D0]  }
0xcb: {  	v11 =	vld [tilespmem:s5+$0x20B0]  }
0xcc: {  	v5 =	vld [tilespmem:s5+$0x2020]  }
0xcd: {  	v6 =	vld [tilespmem:s5+$0x2030]  }
0xce: {  	v12 =	vld [tilespmem:s5+$0x2060]  }
0xcf: {  	v13 =	vld [tilespmem:s5+$0x2070];
	v4 =	vbroadcast v3, $0x0  }
0xd0: {  	v14 =	vld [tilespmem:s5+$0x2080]  }
0xd1: {  	v15 =	vld [tilespmem:s5+$0x2090];
	v5 =	vmul.f32 v5, v4  }
0xd2: {  	v16 =	vld [tilespmem:s5+$0x20A0];
	v6 =	vmul.f32 v6, v4  }
0xd3: {  	v8 =	vld [tilespmem:s5+$0x2570];
	v27 =	vbroadcast v3, $0x1;
	v26 =	vmul.f32 v12, v4;
	[tilespmem:s5+$0x2020] =	vst v5  }
0xd4: {  	v28 =	vld [tilespmem:s5+$0x20E0];
	v13 =	vmul.f32 v13, v4;
	[tilespmem:s5+$0x2030] =	vst v6  }
0xd5: {  	v29 =	vld [tilespmem:s5+$0x20F0];
	v14 =	vmul.f32 v14, v27;
	[tilespmem:s5+$0x2060] =	vst v26  }
0xd6: {  	v30 =	vld [tilespmem:s5+$0x2100];
	v15 =	vmul.f32 v15, v27;
	[tilespmem:s5+$0x2070] =	vst v13  }
0xd7: {  	v31 =	vld [tilespmem:s5+$0x2110];
	v16 =	vmul.f32 v16, v27;
	[tilespmem:s5+$0x2080] =	vst v14  }
0xd8: {  	v32 =	vld [tilespmem:s5+$0x2120];
	v11 =	vmul.f32 v11, v27;
	[tilespmem:s5+$0x2090] =	vst v15  }
0xd9: {  	v33 =	vld [tilespmem:s5+$0x2130];
	v9 =	vmul.f32 v9, v27;
	[tilespmem:s5+$0x20A0] =	vst v16  }
0xda: {  	v34 =	vld [tilespmem:s5+$0x2140];
	v17 =	vbroadcast v3, $0x2;
	v10 =	vmul.f32 v10, v27;
	[tilespmem:s5+$0x20B0] =	vst v11  }
0xdb: {  	v35 =	vld [tilespmem:s5+$0x2150];
	v12 =	vmul.f32 v29, v27;
	[tilespmem:s5+$0x20C0] =	vst v9  }
0xdc: {  	v37 =	vld [tilespmem:s5+$0x2160];
	v7 =	vbroadcast v3, $0xA;
	v36 =	vmul.f32 v30, v17;
	[tilespmem:s5+$0x20D0] =	vst v10  }
0xdd: {  	v39 =	vld [tilespmem:s5+$0x2170];
	v38 =	vmul.f32 v31, v17;
	[tilespmem:s5+$0x20F0] =	vst v12  }
0xde: {  	v40 =	vld [tilespmem:s5+$0x2180];
	v5 =	vmul.f32 v8, v7;
	[tilespmem:s5+$0x2100] =	vst v36  }
0xdf: {  	v41 =	vld [tilespmem:s5+$0x2190];
	v13 =	vmul.f32 v28, v27;
	[tilespmem:s5+$0x2110] =	vst v38  }
0xe0: {  	v42 =	vld [tilespmem:s5+$0x21A0];
	v11 =	vmul.f32 v32, v17;
	[tilespmem:s5+$0x2570] =	vst v5  }
0xe1: {  	v43 =	vld [tilespmem:s5+$0x21B0];
	v9 =	vmul.f32 v33, v17;
	[tilespmem:s5+$0x20E0] =	vst v13  }
0xe2: {  	v44 =	vld [tilespmem:s5+$0x21C0];
	v10 =	vmul.f32 v34, v17;
	[tilespmem:s5+$0x2120] =	vst v11  }
0xe3: {  	v46 =	vld [tilespmem:s5+$0x21D0];
	v45 =	vbroadcast v3, $0x3;
	v12 =	vmul.f32 v37, v17;
	[tilespmem:s5+$0x2130] =	vst v9  }
0xe4: {  	v47 =	vld [tilespmem:s5+$0x21E0];
	v14 =	vmul.f32 v39, v17;
	[tilespmem:s5+$0x2140] =	vst v10  }
0xe5: {  	v48 =	vld [tilespmem:s5+$0x21F0];
	v15 =	vmul.f32 v40, v45;
	[tilespmem:s5+$0x2160] =	vst v12  }
0xe6: {  	v49 =	vld [tilespmem:s5+$0x2200];
	v13 =	vmul.f32 v35, v17;
	[tilespmem:s5+$0x2170] =	vst v14  }
0xe7: {  	v50 =	vld [tilespmem:s5+$0x2210];
	v11 =	vmul.f32 v41, v45;
	[tilespmem:s5+$0x2180] =	vst v15  }
0xe8: {  	v51 =	vld [tilespmem:s5+$0x2220];
	v9 =	vmul.f32 v42, v45;
	[tilespmem:s5+$0x2150] =	vst v13  }
0xe9: {  	v52 =	vld [tilespmem:s5+$0x2230];
	v10 =	vmul.f32 v43, v45;
	[tilespmem:s5+$0x2190] =	vst v11  }
0xea: {  	v53 =	vld [tilespmem:s5+$0x2240];
	v12 =	vmul.f32 v46, v45;
	[tilespmem:s5+$0x21A0] =	vst v9  }
0xeb: {  	v55 =	vld [tilespmem:s5+$0x2250];
	v14 =	vmul.f32 v47, v45;
	[tilespmem:s5+$0x21B0] =	vst v10  }
0xec: {  	v56 =	vld [tilespmem:s5+$0x2260];
	v54 =	vbroadcast v3, $0x4;
	v15 =	vmul.f32 v48, v45;
	[tilespmem:s5+$0x21D0] =	vst v12  }
0xed: {  	v57 =	vld [tilespmem:s5+$0x2270];
	v13 =	vmul.f32 v44, v45;
	[tilespmem:s5+$0x21E0] =	vst v14  }
0xee: {  	v58 =	vld [tilespmem:s5+$0x2280];
	v11 =	vmul.f32 v49, v54;
	[tilespmem:s5+$0x21F0] =	vst v15  }
0xef: {  	v59 =	vld [tilespmem:s5+$0x2290];
	v9 =	vmul.f32 v50, v54;
	[tilespmem:s5+$0x21C0] =	vst v13  }
0xf0: {  	v60 =	vld [tilespmem:s5+$0x22A0];
	v10 =	vmul.f32 v51, v54;
	[tilespmem:s5+$0x2200] =	vst v11  }
0xf1: {  	v61 =	vld [tilespmem:s5+$0x22B0];
	v12 =	vmul.f32 v53, v54;
	[tilespmem:s5+$0x2210] =	vst v9  }
0xf2: {  	v62 =	vld [tilespmem:s5+$0x22C0];
	v14 =	vmul.f32 v55, v54;
	[tilespmem:s5+$0x2220] =	vst v10  }
0xf3: {  	v20 =	vld [tilespmem:s5+$0x22D0];
	v15 =	vmul.f32 v56, v54;
	[tilespmem:s5+$0x2240] =	vst v12  }
0xf4: {  	v21 =	vld [tilespmem:s5+$0x22E0];
	v63 =	vbroadcast v3, $0x5;
	v13 =	vmul.f32 v52, v54;
	[tilespmem:s5+$0x2250] =	vst v14  }
0xf5: {  	v22 =	vld [tilespmem:s5+$0x22F0];
	v11 =	vmul.f32 v57, v54;
	[tilespmem:s5+$0x2260] =	vst v15  }
0xf6: {  	v23 =	vld [tilespmem:s5+$0x2300];
	v9 =	vmul.f32 v58, v63;
	[tilespmem:s5+$0x2230] =	vst v13  }
0xf7: {  	v24 =	vld [tilespmem:s5+$0x2310];
	v10 =	vmul.f32 v59, v63;
	[tilespmem:s5+$0x2270] =	vst v11  }
0xf8: {  	v25 =	vld [tilespmem:s5+$0x2320];
	v12 =	vmul.f32 v61, v63;
	[tilespmem:s5+$0x2280] =	vst v9  }
0xf9: {  	v29 =	vld [tilespmem:s5+$0x2350];
	v14 =	vmul.f32 v62, v63;
	[tilespmem:s5+$0x2290] =	vst v10  }
0xfa: {  	v30 =	vld [tilespmem:s5+$0x2360];
	v15 =	vmul.f32 v20, v63;
	[tilespmem:s5+$0x22B0] =	vst v12  }
0xfb: {  	v26 =	vld [tilespmem:s5+$0x2330];
	v13 =	vmul.f32 v60, v63;
	[tilespmem:s5+$0x22C0] =	vst v14  }
0xfc: {  	v27 =	vld [tilespmem:s5+$0x2340];
	v28 =	vbroadcast v3, $0x6;
	v11 =	vmul.f32 v21, v63;
	[tilespmem:s5+$0x22D0] =	vst v15  }
0xfd: {  	v31 =	vld [tilespmem:s5+$0x2370];
	v9 =	vmul.f32 v22, v63;
	[tilespmem:s5+$0x22A0] =	vst v13  }
0xfe: {  	v6 =	vld [tilespmem:s5+$0x2580];
	v10 =	vmul.f32 v23, v28;
	[tilespmem:s5+$0x22E0] =	vst v11  }
0xff: {  	v8 =	vld [tilespmem:s5+$0x2590];
	v12 =	vmul.f32 v25, v28;
	[tilespmem:s5+$0x22F0] =	vst v9  }
0x100: {  	v32 =	vld [tilespmem:s5+$0x2380];
	v14 =	vmul.f32 v26, v28;
	[tilespmem:s5+$0x2300] =	vst v10  }
0x101: {  	v33 =	vld [tilespmem:s5+$0x2390];
	v15 =	vmul.f32 v27, v28;
	[tilespmem:s5+$0x2320] =	vst v12  }
0x102: {  	v34 =	vld [tilespmem:s5+$0x23A0];
	v13 =	vmul.f32 v24, v28;
	[tilespmem:s5+$0x2330] =	vst v14  }
0x103: {  	v35 =	vld [tilespmem:s5+$0x23B0];
	v11 =	vmul.f32 v29, v28;
	[tilespmem:s5+$0x2340] =	vst v15  }
0x104: {  	v37 =	vbroadcast v3, $0x7;
	v59 =	vld [tilespmem:s5+$0x2500];
	v9 =	vmul.f32 v30, v28;
	[tilespmem:s5+$0x2310] =	vst v13  }
0x105: {  	v20 =	vld [tilespmem:s5+$0x2550];
	v10 =	vmul.f32 v31, v28;
	[tilespmem:s5+$0x2350] =	vst v11  }
0x106: {  	v36 =	vld [tilespmem:s5+$0x23C0];
	v12 =	vmul.f32 v33, v37;
	[tilespmem:s5+$0x2360] =	vst v9  }
0x107: {  	v38 =	vld [tilespmem:s5+$0x23D0];
	v14 =	vmul.f32 v34, v37;
	[tilespmem:s5+$0x2370] =	vst v10  }
0x108: {  	v39 =	vld [tilespmem:s5+$0x23E0];
	v15 =	vmul.f32 v35, v37;
	[tilespmem:s5+$0x2390] =	vst v12  }
0x109: {  	v40 =	vld [tilespmem:s5+$0x23F0];
	v21 =	vmul.f32 v59, v7;
	[tilespmem:s5+$0x23A0] =	vst v14  }
0x10a: {  	v41 =	vld [tilespmem:s5+$0x2400];
	v28 =	vmul.f32 v20, v7;
	[tilespmem:s5+$0x23B0] =	vst v15  }
0x10b: {  	v42 =	vld [tilespmem:s5+$0x2410];
	v13 =	vmul.f32 v32, v37;
	[tilespmem:s5+$0x2500] =	vst v21  }
0x10c: {  	v43 =	vld [tilespmem:s5+$0x2420];
	v11 =	vmul.f32 v36, v37;
	[tilespmem:s5+$0x2550] =	vst v28  }
0x10d: {  	v5 =	vld [tilespmem:s5+$0x27D0];
	v46 =	vbroadcast v3, $0x8;
	v9 =	vmul.f32 v38, v37;
	[tilespmem:s5+$0x2380] =	vst v13  }
0x10e: {  	v47 =	vld [tilespmem:s5+$0x2450];
	v10 =	vmul.f32 v39, v37;
	[tilespmem:s5+$0x23C0] =	vst v11  }
0x10f: {  	v63 =	vld [tilespmem:s5+$0x2540];
	v12 =	vmul.f32 v41, v46;
	[tilespmem:s5+$0x23D0] =	vst v9  }
0x110: {  	v23 =	vld [tilespmem:s5+$0x2000];
	v31 =	vbroadcast v3, $0xB;
	v14 =	vmul.f32 v42, v46;
	[tilespmem:s5+$0x23E0] =	vst v10  }
0x111: {  	v48 =	vld [tilespmem:s5+$0x2460];
	v15 =	vmul.f32 v43, v46;
	[tilespmem:s5+$0x2400] =	vst v12  }
0x112: {  	v44 =	vld [tilespmem:s5+$0x2430];
	v6 =	vmul.f32 v6, v31;
	[tilespmem:s5+$0x2410] =	vst v14  }
0x113: {  	v45 =	vld [tilespmem:s5+$0x2440];
	v8 =	vmul.f32 v8, v31;
	[tilespmem:s5+$0x2420] =	vst v15  }
0x114: {  	v49 =	vld [tilespmem:s5+$0x2470];
	v26 =	vmul.f32 v63, v7;
	[tilespmem:s5+$0x2580] =	vst v6  }
0x115: {  	v50 =	vld [tilespmem:s5+$0x2480];
	v32 =	vmul.f32 v4, v23;
	[tilespmem:s5+$0x2590] =	vst v8  }
0x116: {  	v51 =	vld [tilespmem:s5+$0x2490];
	v13 =	vmul.f32 v40, v37;
	[tilespmem:s5+$0x2540] =	vst v26  }
0x117: {  	v53 =	vld [tilespmem:s5+$0x24B0];
	v11 =	vmul.f32 v44, v46;
	[tilespmem:s5+$0x2000] =	vst v32  }
0x118: {  	v33 =	vld [tilespmem:s5+$0x25D0];
	v9 =	vmul.f32 v45, v46;
	[tilespmem:s5+$0x23F0] =	vst v13  }
0x119: {  	v55 =	vbroadcast v3, $0x9;
	v34 =	vld [tilespmem:s5+$0x25E0];
	v10 =	vmul.f32 v47, v46;
	[tilespmem:s5+$0x2430] =	vst v11  }
0x11a: {  	v35 =	vld [tilespmem:s5+$0x25F0];
	v12 =	vmul.f32 v49, v46;
	[tilespmem:s5+$0x2440] =	vst v9  }
0x11b: {  	v52 =	vld [tilespmem:s5+$0x24A0];
	v14 =	vmul.f32 v50, v55;
	[tilespmem:s5+$0x2450] =	vst v10  }
0x11c: {  	v54 =	vld [tilespmem:s5+$0x24C0];
	v15 =	vmul.f32 v51, v55;
	[tilespmem:s5+$0x2470] =	vst v12  }
0x11d: {  	v57 =	vld [tilespmem:s5+$0x24E0];
	v38 =	vmul.f32 v33, v31;
	[tilespmem:s5+$0x2480] =	vst v14  }
0x11e: {  	v58 =	vld [tilespmem:s5+$0x24F0];
	v45 =	vmul.f32 v34, v31;
	[tilespmem:s5+$0x2490] =	vst v15  }
0x11f: {  	v61 =	vld [tilespmem:s5+$0x2520];
	v8 =	vmul.f32 v35, v31;
	[tilespmem:s5+$0x25D0] =	vst v38  }
0x120: {  	v62 =	vld [tilespmem:s5+$0x2530];
	v13 =	vmul.f32 v48, v46;
	[tilespmem:s5+$0x25E0] =	vst v45  }
0x121: {  	v36 =	vld [tilespmem:s5+$0x2600];
	v11 =	vmul.f32 v52, v55;
	[tilespmem:s5+$0x25F0] =	vst v8  }
0x122: {  	v60 =	vld [tilespmem:s5+$0x2510];
	v9 =	vmul.f32 v53, v55;
	[tilespmem:s5+$0x2460] =	vst v13  }
0x123: {  	v22 =	vld [tilespmem:s5+$0x2560];
	v41 =	vbroadcast v3, $0xC;
	v10 =	vmul.f32 v54, v55;
	[tilespmem:s5+$0x24A0] =	vst v11  }
0x124: {  	v56 =	vld [tilespmem:s5+$0x24D0];
	v6 =	vbroadcast v3, $0xF;
	v12 =	vmul.f32 v57, v55;
	[tilespmem:s5+$0x24B0] =	vst v9  }
0x125: {  	v14 =	vmul.f32 v58, v55;
	[tilespmem:s5+$0x24C0] =	vst v10  }
0x126: {  	v5 =	vmul.f32 v5, v6;
	v17 =	vmul.f32 v36, v41;
	[tilespmem:s5+$0x24E0] =	vst v12  }
0x127: {  	[tilespmem:s5+$0x24F0] =	vst v14;
	v11 =	vmul.f32 v60, v7;
	v9 =	vmul.f32 v61, v7  }
0x128: {  	v24 =	vld [tilespmem:s5+$0x2010];
	v10 =	vmul.f32 v62, v7;
	v7 =	vmul.f32 v22, v7;
	[tilespmem:s5+$0x27D0] =	vst v5  }
0x129: {  	v25 =	vld [tilespmem:s5+$0x2040];
	v13 =	vmul.f32 v56, v55;
	[tilespmem:s5+$0x2600] =	vst v17  }
0x12a: {  	[tilespmem:s5+$0x2560] =	vst v7;
	v7 =	vld [tilespmem:s5+$0x25C0]  }
0x12b: {  	v27 =	vld [tilespmem:s5+$0x2050];
	[tilespmem:s5+$0x24D0] =	vst v13  }
0x12c: {  	v43 =	vld [tilespmem:s5+$0x2670];
	[tilespmem:s5+$0x2510] =	vst v11  }
0x12d: {  	v50 =	vld [tilespmem:s5+$0x26E0];
	v14 =	vmul.f32 v24, v4;
	[tilespmem:s5+$0x2520] =	vst v9  }
0x12e: {  	v29 =	vld [tilespmem:s5+$0x25A0];
	v5 =	vmul.f32 v25, v4;
	[tilespmem:s5+$0x2530] =	vst v10  }
0x12f: {  	v30 =	vld [tilespmem:s5+$0x25B0];
	[tilespmem:s5+$0x2010] =	vst v14;
	v7 =	vmul.f32 v7, v31  }
0x130: {  	v37 =	vld [tilespmem:s5+$0x2610];
	v49 =	vbroadcast v3, $0xD;
	v4 =	vmul.f32 v27, v4;
	[tilespmem:s5+$0x2040] =	vst v5  }
0x131: {  	v17 =	vmul.f32 v43, v41;
	[tilespmem:s5+$0x25C0] =	vst v7;
	v7 =	vld [tilespmem:s5+$0x2660]  }
0x132: {  	v40 =	vld [tilespmem:s5+$0x2640];
	v55 =	vmul.f32 v50, v49;
	[tilespmem:s5+$0x2050] =	vst v4  }
0x133: {  	v46 =	vld [tilespmem:s5+$0x26A0];
	v9 =	vmul.f32 v29, v31;
	[tilespmem:s5+$0x2670] =	vst v17  }
0x134: {  	v10 =	vmul.f32 v30, v31;
	v4 =	vld [tilespmem:s5+$0x2690];
	[tilespmem:s5+$0x26E0] =	vst v55  }
0x135: {  	v53 =	vld [tilespmem:s5+$0x2720];
	v11 =	vmul.f32 v37, v41;
	[tilespmem:s5+$0x25A0] =	vst v9  }
0x136: {  	v54 =	vld [tilespmem:s5+$0x2730];
	[tilespmem:s5+$0x25B0] =	vst v10;
	v7 =	vmul.f32 v7, v41  }
0x137: {  	v42 =	vld [tilespmem:s5+$0x2650];
	v14 =	vmul.f32 v40, v41;
	[tilespmem:s5+$0x2610] =	vst v11  }
0x138: {  	v3 =	vbroadcast v3, $0xE;
	v13 =	vmul.f32 v46, v49;
	[tilespmem:s5+$0x2660] =	vst v7;
	v7 =	vld [tilespmem:s5+$0x26D0]  }
0x139: {  	v44 =	vld [tilespmem:s5+$0x2680];
	[tilespmem:s5+$0x2640] =	vst v14;
	v4 =	vmul.f32 v4, v49  }
0x13a: {  	v47 =	vld [tilespmem:s5+$0x26B0];
	v12 =	vmul.f32 v53, v3;
	[tilespmem:s5+$0x26A0] =	vst v13  }
0x13b: {  	v8 =	vmul.f32 v54, v3;
	[tilespmem:s5+$0x2690] =	vst v4;
	v4 =	vld [tilespmem:s5+$0x2700]  }
0x13c: {  	v52 =	vld [tilespmem:s5+$0x2710];
	v10 =	vmul.f32 v42, v41;
	[tilespmem:s5+$0x2720] =	vst v12  }
0x13d: {  	v60 =	vld [tilespmem:s5+$0x27A0];
	[tilespmem:s5+$0x2730] =	vst v8;
	v7 =	vmul.f32 v7, v49  }
0x13e: {  	v51 =	vld [tilespmem:s5+$0x26F0];
	v11 =	vmul.f32 v44, v49;
	[tilespmem:s5+$0x2650] =	vst v10  }
0x13f: {  	v14 =	vmul.f32 v47, v49;
	[tilespmem:s5+$0x26D0] =	vst v7;
	v7 =	vld [tilespmem:s5+$0x2740]  }
0x140: {  	v48 =	vld [tilespmem:s5+$0x26C0];
	[tilespmem:s5+$0x2680] =	vst v11;
	v4 =	vmul.f32 v4, v3  }
0x141: {  	v58 =	vld [tilespmem:s5+$0x2780];
	v13 =	vmul.f32 v52, v3;
	[tilespmem:s5+$0x26B0] =	vst v14  }
0x142: {  	v8 =	vmul.f32 v60, v6;
	[tilespmem:s5+$0x2700] =	vst v4;
	v4 =	vld [tilespmem:s5+$0x2770]  }
0x143: {  	v57 =	vld [tilespmem:s5+$0x2760];
	v11 =	vmul.f32 v51, v49;
	[tilespmem:s5+$0x2710] =	vst v13  }
0x144: {  	v59 =	vld [tilespmem:s5+$0x2790];
	[tilespmem:s5+$0x27A0] =	vst v8;
	v7 =	vmul.f32 v7, v3  }
0x145: {  	v56 =	vld [tilespmem:s5+$0x2750];
	v10 =	vmul.f32 v48, v49;
	[tilespmem:s5+$0x26F0] =	vst v11  }
0x146: {  	v13 =	vmul.f32 v58, v6;
	[tilespmem:s5+$0x2740] =	vst v7;
	v7 =	vld [tilespmem:s5+$0x27B0]  }
0x147: {  	v39 =	vld [tilespmem:s5+$0x2630];
	[tilespmem:s5+$0x26C0] =	vst v10;
	v4 =	vmul.f32 v4, v3  }
0x148: {  	v61 =	vld [tilespmem:s5+$0x27C0];
	v11 =	vmul.f32 v57, v3;
	[tilespmem:s5+$0x2780] =	vst v13  }
0x149: {  	v63 =	vld [tilespmem:s5+$0x27F0];
	[tilespmem:s5+$0x2770] =	vst v4;
	v4 =	vmul.f32 v59, v6  }
0x14a: {  	v62 =	vld [tilespmem:s5+$0x27E0];
	[tilespmem:s5+$0x2760] =	vst v11;
	v3 =	vmul.f32 v56, v3  }
0x14b: {  	[tilespmem:s5+$0x2790] =	vst v4;
	v4 =	vmul.f32 v7, v6  }
0x14c: {  	v5 =	vld [tilespmem:s5+$0x2620];
	[tilespmem:s5+$0x2750] =	vst v3;
	v7 =	vmul.f32 v39, v41  }
0x14d: {  	[tilespmem:s5+$0x27B0] =	vst v4;
	v4 =	vmul.f32 v61, v6  }
0x14e: {  	[tilespmem:s5+$0x2630] =	vst v7;
	v7 =	vmul.f32 v63, v6  }
0x14f: {  	v6 =	vmul.f32 v62, v6;
	[tilespmem:s5+$0x27C0] =	vst v4  }
0x150: {  	[tilespmem:s5+$0x27F0] =	vst v7  }
0x151: {  	s3 =	sor.u32 $0x80, s3;
	s12 =	simm.s32 $0x1;
	v4 =	vmul.f32 v5, v41;
	[tilespmem:s5+$0x27E0] =	vst v6  }
.LBB2_10:
0x152: {  	s17 =	sshll.u32 s12, $0x4  }
0x153: {  	p0 =	sne.s32 s12, $0x7;
	[tilespmem:s5+$0x2620] =	vst v4;
	s5 =	smov.u32 s12;
	s12 =	sadd.s32 $0x1, s12  }
0x154: {  	s17 =	sand.u32 $0x3FFFFFF0, s17  }
0x155: {  	v3 =	vld.idx.msk [tilespmem:v2+s17+$0x0 ss:$0x1], $0xffff  }
0x156: {  	s5 =	sshll.u32 s5, $0xB  }
0x157: {  	s5 =	sand.u32 $0x3FFFF800, s5  }
0x158: {  	v10 =	vld [tilespmem:s5+$0x20C0]  }
0x159: {  	v11 =	vld [tilespmem:s5+$0x20D0]  }
0x15a: {  	v12 =	vld [tilespmem:s5+$0x20B0]  }
0x15b: {  	v4 =	vbroadcast v3, $0x0;
	v9 =	vbroadcast v3, $0x4;
	v5 =	vld [tilespmem:s5+$0x2020]  }
0x15c: {  	v7 =	vld [tilespmem:s5+$0x2030]  }
0x15d: {  	v8 =	vld [tilespmem:s5+$0x2570]  }
0x15e: {  	v13 =	vld [tilespmem:s5+$0x2060]  }
0x15f: {  	v14 =	vld [tilespmem:s5+$0x2070]  }
0x160: {  	v6 =	vbroadcast v3, $0xA;
	v5 =	vmul.f32 v5, v4;
	v15 =	vld [tilespmem:s5+$0x2080]  }
0x161: {  	v7 =	vmul.f32 v7, v4;
	v16 =	vld [tilespmem:s5+$0x2090]  }
0x162: {  	[tilespmem:s5+$0x2020] =	vst v5;
	v17 =	vld [tilespmem:s5+$0x20A0];
	v5 =	vmul.f32 v8, v6  }
0x163: {  	[tilespmem:s5+$0x2030] =	vst v7;
	v8 =	vmul.f32 v13, v4;
	v13 =	vbroadcast v3, $0x1;
	v7 =	vld [tilespmem:s5+$0x2580]  }
0x164: {  	v14 =	vmul.f32 v14, v4;
	[tilespmem:s5+$0x2570] =	vst v5;
	v5 =	vld [tilespmem:s5+$0x27D0]  }
0x165: {  	[tilespmem:s5+$0x2060] =	vst v8;
	v15 =	vmul.f32 v15, v13;
	v8 =	vld [tilespmem:s5+$0x2590]  }
0x166: {  	[tilespmem:s5+$0x2070] =	vst v14;
	v14 =	vmul.f32 v16, v13;
	v16 =	vld [tilespmem:s5+$0x20E0]  }
0x167: {  	[tilespmem:s5+$0x2080] =	vst v15;
	v15 =	vmul.f32 v17, v13;
	v17 =	vld [tilespmem:s5+$0x20F0]  }
0x168: {  	v12 =	vmul.f32 v12, v13;
	[tilespmem:s5+$0x2090] =	vst v14;
	v14 =	vld [tilespmem:s5+$0x2100]  }
0x169: {  	v10 =	vmul.f32 v10, v13;
	[tilespmem:s5+$0x20A0] =	vst v15;
	v15 =	vld [tilespmem:s5+$0x2110]  }
0x16a: {  	v11 =	vmul.f32 v11, v13;
	[tilespmem:s5+$0x20B0] =	vst v12;
	v12 =	vld [tilespmem:s5+$0x2120]  }
0x16b: {  	[tilespmem:s5+$0x20C0] =	vst v10;
	v10 =	vmul.f32 v16, v13;
	v16 =	vbroadcast v3, $0x2;
	v18 =	vld [tilespmem:s5+$0x2130]  }
0x16c: {  	[tilespmem:s5+$0x20D0] =	vst v11;
	v11 =	vmul.f32 v17, v13;
	v13 =	vld [tilespmem:s5+$0x2140]  }
0x16d: {  	[tilespmem:s5+$0x20E0] =	vst v10;
	v10 =	vmul.f32 v14, v16;
	v14 =	vld [tilespmem:s5+$0x2150]  }
0x16e: {  	[tilespmem:s5+$0x20F0] =	vst v11;
	v11 =	vmul.f32 v15, v16;
	v15 =	vld [tilespmem:s5+$0x2160]  }
0x16f: {  	[tilespmem:s5+$0x2100] =	vst v10;
	v10 =	vmul.f32 v12, v16;
	v12 =	vld [tilespmem:s5+$0x2170]  }
0x170: {  	[tilespmem:s5+$0x2110] =	vst v11;
	v11 =	vmul.f32 v18, v16;
	v17 =	vld [tilespmem:s5+$0x2180]  }
0x171: {  	[tilespmem:s5+$0x2120] =	vst v10;
	v10 =	vmul.f32 v13, v16;
	v13 =	vld [tilespmem:s5+$0x2190]  }
0x172: {  	[tilespmem:s5+$0x2130] =	vst v11;
	v11 =	vmul.f32 v14, v16;
	v14 =	vld [tilespmem:s5+$0x21A0]  }
0x173: {  	[tilespmem:s5+$0x2140] =	vst v10;
	v10 =	vmul.f32 v15, v16;
	v15 =	vbroadcast v3, $0x3;
	v18 =	vld [tilespmem:s5+$0x21B0]  }
0x174: {  	[tilespmem:s5+$0x2150] =	vst v11;
	v11 =	vmul.f32 v12, v16;
	v12 =	vld [tilespmem:s5+$0x21C0]  }
0x175: {  	[tilespmem:s5+$0x2160] =	vst v10;
	v10 =	vmul.f32 v17, v15;
	v16 =	vld [tilespmem:s5+$0x21D0]  }
0x176: {  	[tilespmem:s5+$0x2170] =	vst v11;
	v11 =	vmul.f32 v13, v15;
	v13 =	vld [tilespmem:s5+$0x21E0]  }
0x177: {  	[tilespmem:s5+$0x2180] =	vst v10;
	v10 =	vmul.f32 v14, v15;
	v14 =	vld [tilespmem:s5+$0x21F0]  }
0x178: {  	[tilespmem:s5+$0x2190] =	vst v11;
	v11 =	vmul.f32 v18, v15;
	v17 =	vld [tilespmem:s5+$0x2200]  }
0x179: {  	[tilespmem:s5+$0x21A0] =	vst v10;
	v10 =	vmul.f32 v12, v15;
	v12 =	vld [tilespmem:s5+$0x2210]  }
0x17a: {  	[tilespmem:s5+$0x21B0] =	vst v11;
	v11 =	vmul.f32 v16, v15;
	v16 =	vld [tilespmem:s5+$0x2220]  }
0x17b: {  	[tilespmem:s5+$0x21C0] =	vst v10;
	v10 =	vmul.f32 v13, v15;
	v13 =	vld [tilespmem:s5+$0x2230]  }
0x17c: {  	[tilespmem:s5+$0x21D0] =	vst v11;
	v11 =	vmul.f32 v14, v15;
	v14 =	vld [tilespmem:s5+$0x2240]  }
0x17d: {  	[tilespmem:s5+$0x21E0] =	vst v10;
	v10 =	vmul.f32 v17, v9;
	v15 =	vld [tilespmem:s5+$0x2250]  }
0x17e: {  	[tilespmem:s5+$0x21F0] =	vst v11;
	v11 =	vmul.f32 v12, v9;
	v12 =	vld [tilespmem:s5+$0x2260]  }
0x17f: {  	[tilespmem:s5+$0x2200] =	vst v10;
	v10 =	vmul.f32 v16, v9;
	v16 =	vld [tilespmem:s5+$0x2270]  }
0x180: {  	[tilespmem:s5+$0x2210] =	vst v11;
	v11 =	vmul.f32 v13, v9;
	v13 =	vld [tilespmem:s5+$0x2280]  }
0x181: {  	[tilespmem:s5+$0x2220] =	vst v10;
	v10 =	vmul.f32 v14, v9;
	v14 =	vld [tilespmem:s5+$0x2290]  }
0x182: {  	[tilespmem:s5+$0x2230] =	vst v11;
	v11 =	vmul.f32 v15, v9;
	v15 =	vld [tilespmem:s5+$0x22A0]  }
0x183: {  	[tilespmem:s5+$0x2240] =	vst v10;
	v10 =	vmul.f32 v12, v9;
	v12 =	vbroadcast v3, $0x5;
	v17 =	vld [tilespmem:s5+$0x22B0]  }
0x184: {  	[tilespmem:s5+$0x2250] =	vst v11;
	v9 =	vmul.f32 v16, v9;
	v11 =	vld [tilespmem:s5+$0x22C0]  }
0x185: {  	[tilespmem:s5+$0x2260] =	vst v10;
	v10 =	vmul.f32 v13, v12;
	v13 =	vld [tilespmem:s5+$0x22D0]  }
0x186: {  	[tilespmem:s5+$0x2270] =	vst v9;
	v9 =	vmul.f32 v14, v12;
	v14 =	vld [tilespmem:s5+$0x22E0]  }
0x187: {  	[tilespmem:s5+$0x2280] =	vst v10;
	v10 =	vmul.f32 v15, v12;
	v15 =	vld [tilespmem:s5+$0x22F0]  }
0x188: {  	[tilespmem:s5+$0x2290] =	vst v9;
	v9 =	vmul.f32 v17, v12;
	v16 =	vld [tilespmem:s5+$0x2300]  }
0x189: {  	[tilespmem:s5+$0x22A0] =	vst v10;
	v10 =	vmul.f32 v11, v12;
	v11 =	vld [tilespmem:s5+$0x2310]  }
0x18a: {  	[tilespmem:s5+$0x22B0] =	vst v9;
	v9 =	vmul.f32 v13, v12;
	v13 =	vld [tilespmem:s5+$0x2320]  }
0x18b: {  	[tilespmem:s5+$0x22C0] =	vst v10;
	v10 =	vmul.f32 v14, v12;
	v14 =	vbroadcast v3, $0x6;
	v17 =	vld [tilespmem:s5+$0x2330]  }
0x18c: {  	[tilespmem:s5+$0x22D0] =	vst v9;
	v9 =	vmul.f32 v15, v12;
	v12 =	vld [tilespmem:s5+$0x2340]  }
0x18d: {  	[tilespmem:s5+$0x22E0] =	vst v10;
	v10 =	vmul.f32 v16, v14;
	v15 =	vld [tilespmem:s5+$0x2350]  }
0x18e: {  	[tilespmem:s5+$0x22F0] =	vst v9;
	v9 =	vmul.f32 v11, v14;
	v11 =	vld [tilespmem:s5+$0x2360]  }
0x18f: {  	[tilespmem:s5+$0x2300] =	vst v10;
	v10 =	vmul.f32 v13, v14;
	v13 =	vld [tilespmem:s5+$0x2370]  }
0x190: {  	[tilespmem:s5+$0x2310] =	vst v9;
	v9 =	vmul.f32 v17, v14;
	v16 =	vld [tilespmem:s5+$0x2380]  }
0x191: {  	[tilespmem:s5+$0x2320] =	vst v10;
	v10 =	vmul.f32 v12, v14;
	v12 =	vld [tilespmem:s5+$0x2390]  }
0x192: {  	[tilespmem:s5+$0x2330] =	vst v9;
	v9 =	vmul.f32 v15, v14;
	v15 =	vld [tilespmem:s5+$0x23A0]  }
0x193: {  	[tilespmem:s5+$0x2340] =	vst v10;
	v10 =	vmul.f32 v11, v14;
	v11 =	vbroadcast v3, $0x7;
	v17 =	vld [tilespmem:s5+$0x23B0]  }
0x194: {  	[tilespmem:s5+$0x2350] =	vst v9;
	v9 =	vmul.f32 v13, v14;
	v13 =	vld [tilespmem:s5+$0x23C0]  }
0x195: {  	[tilespmem:s5+$0x2360] =	vst v10;
	v10 =	vmul.f32 v16, v11;
	v14 =	vld [tilespmem:s5+$0x23D0]  }
0x196: {  	[tilespmem:s5+$0x2370] =	vst v9;
	v9 =	vmul.f32 v12, v11;
	v12 =	vld [tilespmem:s5+$0x23E0]  }
0x197: {  	[tilespmem:s5+$0x2380] =	vst v10;
	v10 =	vmul.f32 v15, v11;
	v15 =	vld [tilespmem:s5+$0x23F0]  }
0x198: {  	[tilespmem:s5+$0x2390] =	vst v9;
	v9 =	vmul.f32 v17, v11;
	v16 =	vld [tilespmem:s5+$0x2400]  }
0x199: {  	[tilespmem:s5+$0x23A0] =	vst v10;
	v10 =	vmul.f32 v13, v11;
	v13 =	vld [tilespmem:s5+$0x2410]  }
0x19a: {  	[tilespmem:s5+$0x23B0] =	vst v9;
	v9 =	vmul.f32 v14, v11;
	v14 =	vld [tilespmem:s5+$0x2420]  }
0x19b: {  	[tilespmem:s5+$0x23C0] =	vst v10;
	v10 =	vmul.f32 v12, v11;
	v12 =	vbroadcast v3, $0x8;
	v17 =	vld [tilespmem:s5+$0x2430]  }
0x19c: {  	[tilespmem:s5+$0x23D0] =	vst v9;
	v9 =	vmul.f32 v15, v11;
	v11 =	vld [tilespmem:s5+$0x2440]  }
0x19d: {  	[tilespmem:s5+$0x23E0] =	vst v10;
	v10 =	vmul.f32 v16, v12;
	v15 =	vld [tilespmem:s5+$0x2450]  }
0x19e: {  	[tilespmem:s5+$0x23F0] =	vst v9;
	v9 =	vmul.f32 v13, v12;
	v13 =	vld [tilespmem:s5+$0x2460]  }
0x19f: {  	[tilespmem:s5+$0x2400] =	vst v10;
	v10 =	vmul.f32 v14, v12;
	v14 =	vld [tilespmem:s5+$0x2470]  }
0x1a0: {  	[tilespmem:s5+$0x2410] =	vst v9;
	v9 =	vmul.f32 v17, v12;
	v16 =	vld [tilespmem:s5+$0x2480]  }
0x1a1: {  	[tilespmem:s5+$0x2420] =	vst v10;
	v10 =	vmul.f32 v11, v12;
	v11 =	vld [tilespmem:s5+$0x2490]  }
0x1a2: {  	[tilespmem:s5+$0x2430] =	vst v9;
	v9 =	vmul.f32 v15, v12;
	v15 =	vld [tilespmem:s5+$0x24A0]  }
0x1a3: {  	[tilespmem:s5+$0x2440] =	vst v10;
	v10 =	vmul.f32 v13, v12;
	v13 =	vbroadcast v3, $0x9;
	v17 =	vld [tilespmem:s5+$0x24B0]  }
0x1a4: {  	[tilespmem:s5+$0x2450] =	vst v9;
	v9 =	vmul.f32 v14, v12;
	v12 =	vld [tilespmem:s5+$0x24C0]  }
0x1a5: {  	[tilespmem:s5+$0x2460] =	vst v10;
	v10 =	vmul.f32 v16, v13;
	v14 =	vld [tilespmem:s5+$0x24D0]  }
0x1a6: {  	[tilespmem:s5+$0x2470] =	vst v9;
	v9 =	vmul.f32 v11, v13;
	v11 =	vld [tilespmem:s5+$0x24E0]  }
0x1a7: {  	[tilespmem:s5+$0x2480] =	vst v10;
	v10 =	vmul.f32 v15, v13;
	v15 =	vld [tilespmem:s5+$0x24F0]  }
0x1a8: {  	[tilespmem:s5+$0x2490] =	vst v9;
	v9 =	vmul.f32 v17, v13;
	v16 =	vld [tilespmem:s5+$0x2500]  }
0x1a9: {  	[tilespmem:s5+$0x24A0] =	vst v10;
	v10 =	vmul.f32 v12, v13;
	v12 =	vld [tilespmem:s5+$0x2510]  }
0x1aa: {  	[tilespmem:s5+$0x24B0] =	vst v9;
	v9 =	vmul.f32 v14, v13;
	v14 =	vld [tilespmem:s5+$0x2520]  }
0x1ab: {  	[tilespmem:s5+$0x24C0] =	vst v10;
	v10 =	vmul.f32 v11, v13;
	v11 =	vld [tilespmem:s5+$0x2530]  }
0x1ac: {  	[tilespmem:s5+$0x24D0] =	vst v9;
	v9 =	vmul.f32 v15, v13;
	v13 =	vld [tilespmem:s5+$0x2540]  }
0x1ad: {  	[tilespmem:s5+$0x24E0] =	vst v10;
	v10 =	vmul.f32 v16, v6;
	v15 =	vld [tilespmem:s5+$0x2550]  }
0x1ae: {  	[tilespmem:s5+$0x24F0] =	vst v9;
	v9 =	vmul.f32 v12, v6;
	v12 =	vld [tilespmem:s5+$0x2560]  }
0x1af: {  	v16 =	vld [tilespmem:s5+$0x2000];
	[tilespmem:s5+$0x2500] =	vst v10;
	v10 =	vmul.f32 v14, v6  }
0x1b0: {  	v14 =	vld [tilespmem:s5+$0x2010];
	[tilespmem:s5+$0x2510] =	vst v9;
	v9 =	vmul.f32 v11, v6  }
0x1b1: {  	v11 =	vld [tilespmem:s5+$0x2040];
	[tilespmem:s5+$0x2520] =	vst v10;
	v10 =	vmul.f32 v13, v6  }
0x1b2: {  	v13 =	vld [tilespmem:s5+$0x2050];
	[tilespmem:s5+$0x2530] =	vst v9;
	v9 =	vmul.f32 v15, v6  }
0x1b3: {  	[tilespmem:s5+$0x2540] =	vst v10;
	v10 =	vmul.f32 v12, v6;
	v12 =	vbroadcast v3, $0xB;
	v15 =	vld [tilespmem:s5+$0x25A0]  }
0x1b4: {  	v6 =	vbroadcast v3, $0xF;
	v16 =	vmul.f32 v4, v16;
	[tilespmem:s5+$0x2550] =	vst v9;
	v9 =	vld [tilespmem:s5+$0x25B0]  }
0x1b5: {  	v14 =	vmul.f32 v14, v4;
	[tilespmem:s5+$0x2560] =	vst v10;
	v7 =	vmul.f32 v7, v12;
	v10 =	vld [tilespmem:s5+$0x25C0]  }
0x1b6: {  	v8 =	vmul.f32 v8, v12;
	[tilespmem:s5+$0x2000] =	vst v16;
	v11 =	vmul.f32 v11, v4;
	v16 =	vld [tilespmem:s5+$0x25D0]  }
0x1b7: {  	v5 =	vmul.f32 v5, v6;
	v13 =	vmul.f32 v13, v4;
	[tilespmem:s5+$0x2580] =	vst v7;
	v4 =	vld [tilespmem:s5+$0x25E0]  }
0x1b8: {  	[tilespmem:s5+$0x2590] =	vst v8;
	v7 =	vmul.f32 v15, v12;
	v8 =	vld [tilespmem:s5+$0x25F0]  }
0x1b9: {  	v9 =	vmul.f32 v9, v12;
	v15 =	vld [tilespmem:s5+$0x2600];
	[tilespmem:s5+$0x27D0] =	vst v5  }
0x1ba: {  	[tilespmem:s5+$0x2010] =	vst v14;
	v5 =	vmul.f32 v10, v12;
	v10 =	vld [tilespmem:s5+$0x2610]  }
0x1bb: {  	[tilespmem:s5+$0x2040] =	vst v11;
	v11 =	vmul.f32 v16, v12;
	v14 =	vld [tilespmem:s5+$0x2620]  }
0x1bc: {  	v16 =	vbroadcast v3, $0xC;
	[tilespmem:s5+$0x25A0] =	vst v7;
	v7 =	vmul.f32 v4, v12;
	v17 =	vld [tilespmem:s5+$0x2630]  }
0x1bd: {  	[tilespmem:s5+$0x25D0] =	vst v11;
	v8 =	vmul.f32 v8, v12;
	v11 =	vld [tilespmem:s5+$0x2640]  }
0x1be: {  	[tilespmem:s5+$0x25B0] =	vst v9;
	v4 =	vmul.f32 v15, v16;
	v9 =	vld [tilespmem:s5+$0x2650]  }
0x1bf: {  	[tilespmem:s5+$0x25C0] =	vst v5;
	v5 =	vmul.f32 v10, v16;
	v10 =	vld [tilespmem:s5+$0x2660]  }
0x1c0: {  	[tilespmem:s5+$0x2600] =	vst v4;
	v4 =	vmul.f32 v14, v16;
	v12 =	vld [tilespmem:s5+$0x2670]  }
0x1c1: {  	[tilespmem:s5+$0x2610] =	vst v5;
	v5 =	vld [tilespmem:s5+$0x2680]  }
0x1c2: {  	[tilespmem:s5+$0x2050] =	vst v13;
	v11 =	vmul.f32 v11, v16;
	v13 =	vld [tilespmem:s5+$0x2690]  }
0x1c3: {  	[tilespmem:s5+$0x25E0] =	vst v7;
	v7 =	vmul.f32 v9, v16;
	v9 =	vld [tilespmem:s5+$0x26A0]  }
0x1c4: {  	[tilespmem:s5+$0x2640] =	vst v11;
	v10 =	vmul.f32 v10, v16;
	v11 =	vbroadcast v3, $0xD;
	v14 =	vld [tilespmem:s5+$0x26B0]  }
0x1c5: {  	[tilespmem:s5+$0x2650] =	vst v7;
	v7 =	vmul.f32 v12, v16;
	v12 =	vld [tilespmem:s5+$0x26C0]  }
0x1c6: {  	[tilespmem:s5+$0x2660] =	vst v10;
	v5 =	vmul.f32 v5, v11;
	v10 =	vld [tilespmem:s5+$0x26D0]  }
0x1c7: {  	[tilespmem:s5+$0x2670] =	vst v7;
	v7 =	vmul.f32 v13, v11;
	v13 =	vld [tilespmem:s5+$0x26E0]  }
0x1c8: {  	[tilespmem:s5+$0x2680] =	vst v5;
	v5 =	vmul.f32 v9, v11;
	v9 =	vld [tilespmem:s5+$0x26F0]  }
0x1c9: {  	[tilespmem:s5+$0x2690] =	vst v7;
	v7 =	vmul.f32 v14, v11;
	v14 =	vld [tilespmem:s5+$0x2700]  }
0x1ca: {  	[tilespmem:s5+$0x26A0] =	vst v5;
	v5 =	vmul.f32 v12, v11;
	v12 =	vld [tilespmem:s5+$0x2710]  }
0x1cb: {  	[tilespmem:s5+$0x26B0] =	vst v7;
	v7 =	vmul.f32 v10, v11;
	v10 =	vld [tilespmem:s5+$0x2720]  }
0x1cc: {  	v3 =	vbroadcast v3, $0xE;
	[tilespmem:s5+$0x25F0] =	vst v8;
	v8 =	vmul.f32 v13, v11;
	v13 =	vld [tilespmem:s5+$0x2730]  }
0x1cd: {  	[tilespmem:s5+$0x26D0] =	vst v7;
	v7 =	vmul.f32 v9, v11;
	v9 =	vld [tilespmem:s5+$0x2740]  }
0x1ce: {  	[tilespmem:s5+$0x26E0] =	vst v8;
	v8 =	vmul.f32 v14, v3;
	v11 =	vld [tilespmem:s5+$0x2750]  }
0x1cf: {  	[tilespmem:s5+$0x26F0] =	vst v7;
	v7 =	vmul.f32 v12, v3;
	v12 =	vld [tilespmem:s5+$0x2760]  }
0x1d0: {  	[tilespmem:s5+$0x2700] =	vst v8;
	v8 =	vmul.f32 v10, v3;
	v10 =	vld [tilespmem:s5+$0x2770]  }
0x1d1: {  	[tilespmem:s5+$0x2710] =	vst v7;
	v7 =	vmul.f32 v13, v3;
	v13 =	vld [tilespmem:s5+$0x2780]  }
0x1d2: {  	[tilespmem:s5+$0x2720] =	vst v8;
	v8 =	vmul.f32 v9, v3;
	v9 =	vld [tilespmem:s5+$0x2790]  }
0x1d3: {  	[tilespmem:s5+$0x2730] =	vst v7;
	v7 =	vmul.f32 v11, v3;
	v11 =	vld [tilespmem:s5+$0x27A0]  }
0x1d4: {  	[tilespmem:s5+$0x2740] =	vst v8;
	v8 =	vmul.f32 v12, v3;
	v12 =	vld [tilespmem:s5+$0x27B0]  }
0x1d5: {  	[tilespmem:s5+$0x26C0] =	vst v5;
	v3 =	vmul.f32 v10, v3;
	v5 =	vld [tilespmem:s5+$0x27C0]  }
0x1d6: {  	[tilespmem:s5+$0x2760] =	vst v8;
	v8 =	vmul.f32 v13, v6;
	v10 =	vld [tilespmem:s5+$0x27E0]  }
0x1d7: {  	[tilespmem:s5+$0x2770] =	vst v3;
	v3 =	vmul.f32 v9, v6;
	v9 =	vld [tilespmem:s5+$0x27F0]  }
0x1d8: {  	[tilespmem:s5+$0x2780] =	vst v8;
	v8 =	vmul.f32 v11, v6  }
0x1d9: {  	[tilespmem:s5+$0x2790] =	vst v3;
	v3 =	vmul.f32 v12, v6  }
0x1da: {  	v11 =	vmul.f32 v17, v16;
	[tilespmem:s5+$0x27A0] =	vst v8  }
0x1db: {  	[tilespmem:s5+$0x27B0] =	vst v3;
	v3 =	vmul.f32 v5, v6  }
.Ltmp3:
0x1dc: {  	[tilespmem:s5+$0x2630] =	vst v11;
	v5 =	vmul.f32 v9, v6;
	(pc) =	sbr.rel @p0 .LBB2_10-.Ltmp3, $4  }
0x1dd: {  	[tilespmem:s5+$0x27C0] =	vst v3  }
0x1de: {  	v3 =	vmul.f32 v10, v6;
	[tilespmem:s5+$0x27F0] =	vst v5  }
0x1df: {  	[tilespmem:s5+$0x2750] =	vst v7  }
0x1e0: {  	[tilespmem:s5+$0x27E0] =	vst v3  }
0x1e1: {  	[tilespmem:s5+$0x2620] =	vst v4;
	s0 =	sadd.s32 $0x1C00, s0  }
0x1e2: {  	[spmem:s2] =	stream.indirect.scatter.add.f32 [tilespmem:s26], [sflag:$0x7], $0x80, s0, s18, $0xb8;
	[tilespmem:$0x1E280] =	vst v63  }
0x1e3: {  	_ =	swait.ge [sflag:s22], $0x4000  }
0x1e4: {  	[sflag:s22] =	ssyncset.done $0x0  }
0x1e5: {  	s12 =	sadd.s32 $0x1800, s3;
	[sflag:s22] =	ssyncadd.s32 $0xFFFFC000  }
0x1e6: {  	p0 =	seq.s32 s4, $0x3;
	s17 =	simm.s32 $0x0;
	v2 =	vmov s12;
	_ =	swait.ge [sflag:s23], $0x4000  }
0x1e7: {  	s5 =	sshrl.u32 @!p0 s31, $0x2;
	s12 =	simm.s32 @!p0 $0x2000;
	[sflag:s23] =	ssyncset.done $0x0  }
0x1e8: {  	s0 =	sadd.s32 @!p0 $0x500, s5;
	s5 =	simm.s32 @!p0 $0x80;
	[sflag:s23] =	ssyncadd.s32 $0xFFFFC000  }
0x1e9: {  	[tilespmem:s12], [sflag:$0x5] =	stream.indirect.gather @!p0 [hbm4b:s1+s5], $0x80, s0, s5, $0xb8;
	[tilespmem:$0x1E280] =	vst v63  }
0x1ea: {  	s31 =	simm.s32 $0x0;
	s0 =	sand.u32 $0x3FFFFFF0, s17  }
0x1eb: {  	v3 =	vld.idx.msk [tilespmem:v2+s0+$0x0 ss:$0x1], $0xffff;
	s0 =	sand.u32 $0x3FFFF800, s31  }
0x1ec: {  	v9 =	vld [tilespmem:s0+$0x60C0]  }
0x1ed: {  	v10 =	vld [tilespmem:s0+$0x60D0]  }
0x1ee: {  	v11 =	vld [tilespmem:s0+$0x60B0]  }
0x1ef: {  	v5 =	vld [tilespmem:s0+$0x6020]  }
0x1f0: {  	v6 =	vld [tilespmem:s0+$0x6030]  }
0x1f1: {  	v12 =	vld [tilespmem:s0+$0x6060]  }
0x1f2: {  	v13 =	vld [tilespmem:s0+$0x6070];
	v4 =	vbroadcast v3, $0x0  }
0x1f3: {  	v14 =	vld [tilespmem:s0+$0x6080]  }
0x1f4: {  	v15 =	vld [tilespmem:s0+$0x6090];
	v5 =	vmul.f32 v5, v4  }
0x1f5: {  	v16 =	vld [tilespmem:s0+$0x60A0];
	v6 =	vmul.f32 v6, v4  }
0x1f6: {  	v8 =	vld [tilespmem:s0+$0x6570];
	v27 =	vbroadcast v3, $0x1;
	v26 =	vmul.f32 v12, v4;
	[tilespmem:s0+$0x6020] =	vst v5  }
0x1f7: {  	v28 =	vld [tilespmem:s0+$0x60E0];
	v13 =	vmul.f32 v13, v4;
	[tilespmem:s0+$0x6030] =	vst v6  }
0x1f8: {  	v29 =	vld [tilespmem:s0+$0x60F0];
	v14 =	vmul.f32 v14, v27;
	[tilespmem:s0+$0x6060] =	vst v26  }
0x1f9: {  	v30 =	vld [tilespmem:s0+$0x6100];
	v15 =	vmul.f32 v15, v27;
	[tilespmem:s0+$0x6070] =	vst v13  }
0x1fa: {  	v31 =	vld [tilespmem:s0+$0x6110];
	v16 =	vmul.f32 v16, v27;
	[tilespmem:s0+$0x6080] =	vst v14  }
0x1fb: {  	v32 =	vld [tilespmem:s0+$0x6120];
	v11 =	vmul.f32 v11, v27;
	[tilespmem:s0+$0x6090] =	vst v15  }
0x1fc: {  	v33 =	vld [tilespmem:s0+$0x6130];
	v9 =	vmul.f32 v9, v27;
	[tilespmem:s0+$0x60A0] =	vst v16  }
0x1fd: {  	v34 =	vld [tilespmem:s0+$0x6140];
	v17 =	vbroadcast v3, $0x2;
	v10 =	vmul.f32 v10, v27;
	[tilespmem:s0+$0x60B0] =	vst v11  }
0x1fe: {  	v35 =	vld [tilespmem:s0+$0x6150];
	v12 =	vmul.f32 v29, v27;
	[tilespmem:s0+$0x60C0] =	vst v9  }
0x1ff: {  	v37 =	vld [tilespmem:s0+$0x6160];
	v7 =	vbroadcast v3, $0xA;
	v36 =	vmul.f32 v30, v17;
	[tilespmem:s0+$0x60D0] =	vst v10  }
0x200: {  	v39 =	vld [tilespmem:s0+$0x6170];
	v38 =	vmul.f32 v31, v17;
	[tilespmem:s0+$0x60F0] =	vst v12  }
0x201: {  	v40 =	vld [tilespmem:s0+$0x6180];
	v5 =	vmul.f32 v8, v7;
	[tilespmem:s0+$0x6100] =	vst v36  }
0x202: {  	v41 =	vld [tilespmem:s0+$0x6190];
	v13 =	vmul.f32 v28, v27;
	[tilespmem:s0+$0x6110] =	vst v38  }
0x203: {  	v42 =	vld [tilespmem:s0+$0x61A0];
	v11 =	vmul.f32 v32, v17;
	[tilespmem:s0+$0x6570] =	vst v5  }
0x204: {  	v43 =	vld [tilespmem:s0+$0x61B0];
	v9 =	vmul.f32 v33, v17;
	[tilespmem:s0+$0x60E0] =	vst v13  }
0x205: {  	v44 =	vld [tilespmem:s0+$0x61C0];
	v10 =	vmul.f32 v34, v17;
	[tilespmem:s0+$0x6120] =	vst v11  }
0x206: {  	v46 =	vld [tilespmem:s0+$0x61D0];
	v45 =	vbroadcast v3, $0x3;
	v12 =	vmul.f32 v37, v17;
	[tilespmem:s0+$0x6130] =	vst v9  }
0x207: {  	v47 =	vld [tilespmem:s0+$0x61E0];
	v14 =	vmul.f32 v39, v17;
	[tilespmem:s0+$0x6140] =	vst v10  }
0x208: {  	v48 =	vld [tilespmem:s0+$0x61F0];
	v15 =	vmul.f32 v40, v45;
	[tilespmem:s0+$0x6160] =	vst v12  }
0x209: {  	v49 =	vld [tilespmem:s0+$0x6200];
	v13 =	vmul.f32 v35, v17;
	[tilespmem:s0+$0x6170] =	vst v14  }
0x20a: {  	v50 =	vld [tilespmem:s0+$0x6210];
	v11 =	vmul.f32 v41, v45;
	[tilespmem:s0+$0x6180] =	vst v15  }
0x20b: {  	v51 =	vld [tilespmem:s0+$0x6220];
	v9 =	vmul.f32 v42, v45;
	[tilespmem:s0+$0x6150] =	vst v13  }
0x20c: {  	v52 =	vld [tilespmem:s0+$0x6230];
	v10 =	vmul.f32 v43, v45;
	[tilespmem:s0+$0x6190] =	vst v11  }
0x20d: {  	v53 =	vld [tilespmem:s0+$0x6240];
	v12 =	vmul.f32 v46, v45;
	[tilespmem:s0+$0x61A0] =	vst v9  }
0x20e: {  	v55 =	vld [tilespmem:s0+$0x6250];
	v14 =	vmul.f32 v47, v45;
	[tilespmem:s0+$0x61B0] =	vst v10  }
0x20f: {  	v56 =	vld [tilespmem:s0+$0x6260];
	v54 =	vbroadcast v3, $0x4;
	v15 =	vmul.f32 v48, v45;
	[tilespmem:s0+$0x61D0] =	vst v12  }
0x210: {  	v57 =	vld [tilespmem:s0+$0x6270];
	v13 =	vmul.f32 v44, v45;
	[tilespmem:s0+$0x61E0] =	vst v14  }
0x211: {  	v58 =	vld [tilespmem:s0+$0x6280];
	v11 =	vmul.f32 v49, v54;
	[tilespmem:s0+$0x61F0] =	vst v15  }
0x212: {  	v59 =	vld [tilespmem:s0+$0x6290];
	v9 =	vmul.f32 v50, v54;
	[tilespmem:s0+$0x61C0] =	vst v13  }
0x213: {  	v60 =	vld [tilespmem:s0+$0x62A0];
	v10 =	vmul.f32 v51, v54;
	[tilespmem:s0+$0x6200] =	vst v11  }
0x214: {  	v61 =	vld [tilespmem:s0+$0x62B0];
	v12 =	vmul.f32 v53, v54;
	[tilespmem:s0+$0x6210] =	vst v9  }
0x215: {  	v62 =	vld [tilespmem:s0+$0x62C0];
	v14 =	vmul.f32 v55, v54;
	[tilespmem:s0+$0x6220] =	vst v10  }
0x216: {  	v20 =	vld [tilespmem:s0+$0x62D0];
	v15 =	vmul.f32 v56, v54;
	[tilespmem:s0+$0x6240] =	vst v12  }
0x217: {  	v21 =	vld [tilespmem:s0+$0x62E0];
	v63 =	vbroadcast v3, $0x5;
	v13 =	vmul.f32 v52, v54;
	[tilespmem:s0+$0x6250] =	vst v14  }
0x218: {  	v22 =	vld [tilespmem:s0+$0x62F0];
	v11 =	vmul.f32 v57, v54;
	[tilespmem:s0+$0x6260] =	vst v15  }
0x219: {  	v23 =	vld [tilespmem:s0+$0x6300];
	v9 =	vmul.f32 v58, v63;
	[tilespmem:s0+$0x6230] =	vst v13  }
0x21a: {  	v24 =	vld [tilespmem:s0+$0x6310];
	v10 =	vmul.f32 v59, v63;
	[tilespmem:s0+$0x6270] =	vst v11  }
0x21b: {  	v25 =	vld [tilespmem:s0+$0x6320];
	v12 =	vmul.f32 v61, v63;
	[tilespmem:s0+$0x6280] =	vst v9  }
0x21c: {  	v29 =	vld [tilespmem:s0+$0x6350];
	v14 =	vmul.f32 v62, v63;
	[tilespmem:s0+$0x6290] =	vst v10  }
0x21d: {  	v30 =	vld [tilespmem:s0+$0x6360];
	v15 =	vmul.f32 v20, v63;
	[tilespmem:s0+$0x62B0] =	vst v12  }
0x21e: {  	v26 =	vld [tilespmem:s0+$0x6330];
	v13 =	vmul.f32 v60, v63;
	[tilespmem:s0+$0x62C0] =	vst v14  }
0x21f: {  	v27 =	vld [tilespmem:s0+$0x6340];
	v28 =	vbroadcast v3, $0x6;
	v11 =	vmul.f32 v21, v63;
	[tilespmem:s0+$0x62D0] =	vst v15  }
0x220: {  	v31 =	vld [tilespmem:s0+$0x6370];
	v9 =	vmul.f32 v22, v63;
	[tilespmem:s0+$0x62A0] =	vst v13  }
0x221: {  	v6 =	vld [tilespmem:s0+$0x6580];
	v10 =	vmul.f32 v23, v28;
	[tilespmem:s0+$0x62E0] =	vst v11  }
0x222: {  	v8 =	vld [tilespmem:s0+$0x6590];
	v12 =	vmul.f32 v25, v28;
	[tilespmem:s0+$0x62F0] =	vst v9  }
0x223: {  	v32 =	vld [tilespmem:s0+$0x6380];
	v14 =	vmul.f32 v26, v28;
	[tilespmem:s0+$0x6300] =	vst v10  }
0x224: {  	v33 =	vld [tilespmem:s0+$0x6390];
	v15 =	vmul.f32 v27, v28;
	[tilespmem:s0+$0x6320] =	vst v12  }
0x225: {  	v34 =	vld [tilespmem:s0+$0x63A0];
	v13 =	vmul.f32 v24, v28;
	[tilespmem:s0+$0x6330] =	vst v14  }
0x226: {  	v35 =	vld [tilespmem:s0+$0x63B0];
	v11 =	vmul.f32 v29, v28;
	[tilespmem:s0+$0x6340] =	vst v15  }
0x227: {  	v37 =	vbroadcast v3, $0x7;
	v59 =	vld [tilespmem:s0+$0x6500];
	v9 =	vmul.f32 v30, v28;
	[tilespmem:s0+$0x6310] =	vst v13  }
0x228: {  	v20 =	vld [tilespmem:s0+$0x6550];
	v10 =	vmul.f32 v31, v28;
	[tilespmem:s0+$0x6350] =	vst v11  }
0x229: {  	v36 =	vld [tilespmem:s0+$0x63C0];
	v12 =	vmul.f32 v33, v37;
	[tilespmem:s0+$0x6360] =	vst v9  }
0x22a: {  	v38 =	vld [tilespmem:s0+$0x63D0];
	v14 =	vmul.f32 v34, v37;
	[tilespmem:s0+$0x6370] =	vst v10  }
0x22b: {  	v39 =	vld [tilespmem:s0+$0x63E0];
	v15 =	vmul.f32 v35, v37;
	[tilespmem:s0+$0x6390] =	vst v12  }
0x22c: {  	v40 =	vld [tilespmem:s0+$0x63F0];
	v21 =	vmul.f32 v59, v7;
	[tilespmem:s0+$0x63A0] =	vst v14  }
0x22d: {  	v41 =	vld [tilespmem:s0+$0x6400];
	v28 =	vmul.f32 v20, v7;
	[tilespmem:s0+$0x63B0] =	vst v15  }
0x22e: {  	v42 =	vld [tilespmem:s0+$0x6410];
	v13 =	vmul.f32 v32, v37;
	[tilespmem:s0+$0x6500] =	vst v21  }
0x22f: {  	v43 =	vld [tilespmem:s0+$0x6420];
	v11 =	vmul.f32 v36, v37;
	[tilespmem:s0+$0x6550] =	vst v28  }
0x230: {  	v5 =	vld [tilespmem:s0+$0x67D0];
	v46 =	vbroadcast v3, $0x8;
	v9 =	vmul.f32 v38, v37;
	[tilespmem:s0+$0x6380] =	vst v13  }
0x231: {  	v47 =	vld [tilespmem:s0+$0x6450];
	v10 =	vmul.f32 v39, v37;
	[tilespmem:s0+$0x63C0] =	vst v11  }
0x232: {  	v63 =	vld [tilespmem:s0+$0x6540];
	v12 =	vmul.f32 v41, v46;
	[tilespmem:s0+$0x63D0] =	vst v9  }
0x233: {  	v23 =	vld [tilespmem:s0+$0x6000];
	v31 =	vbroadcast v3, $0xB;
	v14 =	vmul.f32 v42, v46;
	[tilespmem:s0+$0x63E0] =	vst v10  }
0x234: {  	v48 =	vld [tilespmem:s0+$0x6460];
	v15 =	vmul.f32 v43, v46;
	[tilespmem:s0+$0x6400] =	vst v12  }
0x235: {  	v44 =	vld [tilespmem:s0+$0x6430];
	v6 =	vmul.f32 v6, v31;
	[tilespmem:s0+$0x6410] =	vst v14  }
0x236: {  	v45 =	vld [tilespmem:s0+$0x6440];
	v8 =	vmul.f32 v8, v31;
	[tilespmem:s0+$0x6420] =	vst v15  }
0x237: {  	v49 =	vld [tilespmem:s0+$0x6470];
	v26 =	vmul.f32 v63, v7;
	[tilespmem:s0+$0x6580] =	vst v6  }
0x238: {  	v50 =	vld [tilespmem:s0+$0x6480];
	v32 =	vmul.f32 v4, v23;
	[tilespmem:s0+$0x6590] =	vst v8  }
0x239: {  	v51 =	vld [tilespmem:s0+$0x6490];
	v13 =	vmul.f32 v40, v37;
	[tilespmem:s0+$0x6540] =	vst v26  }
0x23a: {  	v53 =	vld [tilespmem:s0+$0x64B0];
	v11 =	vmul.f32 v44, v46;
	[tilespmem:s0+$0x6000] =	vst v32  }
0x23b: {  	v33 =	vld [tilespmem:s0+$0x65D0];
	v9 =	vmul.f32 v45, v46;
	[tilespmem:s0+$0x63F0] =	vst v13  }
0x23c: {  	v55 =	vbroadcast v3, $0x9;
	v34 =	vld [tilespmem:s0+$0x65E0];
	v10 =	vmul.f32 v47, v46;
	[tilespmem:s0+$0x6430] =	vst v11  }
0x23d: {  	v35 =	vld [tilespmem:s0+$0x65F0];
	v12 =	vmul.f32 v49, v46;
	[tilespmem:s0+$0x6440] =	vst v9  }
0x23e: {  	v52 =	vld [tilespmem:s0+$0x64A0];
	v14 =	vmul.f32 v50, v55;
	[tilespmem:s0+$0x6450] =	vst v10  }
0x23f: {  	v54 =	vld [tilespmem:s0+$0x64C0];
	v15 =	vmul.f32 v51, v55;
	[tilespmem:s0+$0x6470] =	vst v12  }
0x240: {  	v57 =	vld [tilespmem:s0+$0x64E0];
	v38 =	vmul.f32 v33, v31;
	[tilespmem:s0+$0x6480] =	vst v14  }
0x241: {  	v58 =	vld [tilespmem:s0+$0x64F0];
	v45 =	vmul.f32 v34, v31;
	[tilespmem:s0+$0x6490] =	vst v15  }
0x242: {  	v61 =	vld [tilespmem:s0+$0x6520];
	v8 =	vmul.f32 v35, v31;
	[tilespmem:s0+$0x65D0] =	vst v38  }
0x243: {  	v62 =	vld [tilespmem:s0+$0x6530];
	v13 =	vmul.f32 v48, v46;
	[tilespmem:s0+$0x65E0] =	vst v45  }
0x244: {  	v36 =	vld [tilespmem:s0+$0x6600];
	v11 =	vmul.f32 v52, v55;
	[tilespmem:s0+$0x65F0] =	vst v8  }
0x245: {  	v60 =	vld [tilespmem:s0+$0x6510];
	v9 =	vmul.f32 v53, v55;
	[tilespmem:s0+$0x6460] =	vst v13  }
0x246: {  	v22 =	vld [tilespmem:s0+$0x6560];
	v41 =	vbroadcast v3, $0xC;
	v10 =	vmul.f32 v54, v55;
	[tilespmem:s0+$0x64A0] =	vst v11  }
0x247: {  	v56 =	vld [tilespmem:s0+$0x64D0];
	v6 =	vbroadcast v3, $0xF;
	v12 =	vmul.f32 v57, v55;
	[tilespmem:s0+$0x64B0] =	vst v9  }
0x248: {  	v14 =	vmul.f32 v58, v55;
	[tilespmem:s0+$0x64C0] =	vst v10  }
0x249: {  	v5 =	vmul.f32 v5, v6;
	v17 =	vmul.f32 v36, v41;
	[tilespmem:s0+$0x64E0] =	vst v12  }
0x24a: {  	[tilespmem:s0+$0x64F0] =	vst v14;
	v11 =	vmul.f32 v60, v7;
	v9 =	vmul.f32 v61, v7  }
0x24b: {  	v24 =	vld [tilespmem:s0+$0x6010];
	v10 =	vmul.f32 v62, v7;
	v7 =	vmul.f32 v22, v7;
	[tilespmem:s0+$0x67D0] =	vst v5  }
0x24c: {  	v25 =	vld [tilespmem:s0+$0x6040];
	v13 =	vmul.f32 v56, v55;
	[tilespmem:s0+$0x6600] =	vst v17  }
0x24d: {  	[tilespmem:s0+$0x6560] =	vst v7;
	v7 =	vld [tilespmem:s0+$0x65C0]  }
0x24e: {  	v27 =	vld [tilespmem:s0+$0x6050];
	[tilespmem:s0+$0x64D0] =	vst v13  }
0x24f: {  	v43 =	vld [tilespmem:s0+$0x6670];
	[tilespmem:s0+$0x6510] =	vst v11  }
0x250: {  	v50 =	vld [tilespmem:s0+$0x66E0];
	v14 =	vmul.f32 v24, v4;
	[tilespmem:s0+$0x6520] =	vst v9  }
0x251: {  	v29 =	vld [tilespmem:s0+$0x65A0];
	v5 =	vmul.f32 v25, v4;
	[tilespmem:s0+$0x6530] =	vst v10  }
0x252: {  	v30 =	vld [tilespmem:s0+$0x65B0];
	[tilespmem:s0+$0x6010] =	vst v14;
	v7 =	vmul.f32 v7, v31  }
0x253: {  	v37 =	vld [tilespmem:s0+$0x6610];
	v49 =	vbroadcast v3, $0xD;
	v4 =	vmul.f32 v27, v4;
	[tilespmem:s0+$0x6040] =	vst v5  }
0x254: {  	v17 =	vmul.f32 v43, v41;
	[tilespmem:s0+$0x65C0] =	vst v7;
	v7 =	vld [tilespmem:s0+$0x6660]  }
0x255: {  	v40 =	vld [tilespmem:s0+$0x6640];
	v55 =	vmul.f32 v50, v49;
	[tilespmem:s0+$0x6050] =	vst v4  }
0x256: {  	v46 =	vld [tilespmem:s0+$0x66A0];
	v9 =	vmul.f32 v29, v31;
	[tilespmem:s0+$0x6670] =	vst v17  }
0x257: {  	v10 =	vmul.f32 v30, v31;
	v4 =	vld [tilespmem:s0+$0x6690];
	[tilespmem:s0+$0x66E0] =	vst v55  }
0x258: {  	v53 =	vld [tilespmem:s0+$0x6720];
	v11 =	vmul.f32 v37, v41;
	[tilespmem:s0+$0x65A0] =	vst v9  }
0x259: {  	v54 =	vld [tilespmem:s0+$0x6730];
	[tilespmem:s0+$0x65B0] =	vst v10;
	v7 =	vmul.f32 v7, v41  }
0x25a: {  	v42 =	vld [tilespmem:s0+$0x6650];
	v14 =	vmul.f32 v40, v41;
	[tilespmem:s0+$0x6610] =	vst v11  }
0x25b: {  	v3 =	vbroadcast v3, $0xE;
	v13 =	vmul.f32 v46, v49;
	[tilespmem:s0+$0x6660] =	vst v7;
	v7 =	vld [tilespmem:s0+$0x66D0]  }
0x25c: {  	v44 =	vld [tilespmem:s0+$0x6680];
	[tilespmem:s0+$0x6640] =	vst v14;
	v4 =	vmul.f32 v4, v49  }
0x25d: {  	v47 =	vld [tilespmem:s0+$0x66B0];
	v12 =	vmul.f32 v53, v3;
	[tilespmem:s0+$0x66A0] =	vst v13  }
0x25e: {  	v8 =	vmul.f32 v54, v3;
	[tilespmem:s0+$0x6690] =	vst v4;
	v4 =	vld [tilespmem:s0+$0x6700]  }
0x25f: {  	v52 =	vld [tilespmem:s0+$0x6710];
	v10 =	vmul.f32 v42, v41;
	[tilespmem:s0+$0x6720] =	vst v12  }
0x260: {  	v60 =	vld [tilespmem:s0+$0x67A0];
	[tilespmem:s0+$0x6730] =	vst v8;
	v7 =	vmul.f32 v7, v49  }
0x261: {  	v51 =	vld [tilespmem:s0+$0x66F0];
	v11 =	vmul.f32 v44, v49;
	[tilespmem:s0+$0x6650] =	vst v10  }
0x262: {  	v14 =	vmul.f32 v47, v49;
	[tilespmem:s0+$0x66D0] =	vst v7;
	v7 =	vld [tilespmem:s0+$0x6740]  }
0x263: {  	v48 =	vld [tilespmem:s0+$0x66C0];
	[tilespmem:s0+$0x6680] =	vst v11;
	v4 =	vmul.f32 v4, v3  }
0x264: {  	v58 =	vld [tilespmem:s0+$0x6780];
	v13 =	vmul.f32 v52, v3;
	[tilespmem:s0+$0x66B0] =	vst v14  }
0x265: {  	v8 =	vmul.f32 v60, v6;
	[tilespmem:s0+$0x6700] =	vst v4;
	v4 =	vld [tilespmem:s0+$0x6770]  }
0x266: {  	v57 =	vld [tilespmem:s0+$0x6760];
	v11 =	vmul.f32 v51, v49;
	[tilespmem:s0+$0x6710] =	vst v13  }
0x267: {  	v59 =	vld [tilespmem:s0+$0x6790];
	[tilespmem:s0+$0x67A0] =	vst v8;
	v7 =	vmul.f32 v7, v3  }
0x268: {  	v56 =	vld [tilespmem:s0+$0x6750];
	v10 =	vmul.f32 v48, v49;
	[tilespmem:s0+$0x66F0] =	vst v11  }
0x269: {  	v13 =	vmul.f32 v58, v6;
	[tilespmem:s0+$0x6740] =	vst v7;
	v7 =	vld [tilespmem:s0+$0x67B0]  }
0x26a: {  	v39 =	vld [tilespmem:s0+$0x6630];
	[tilespmem:s0+$0x66C0] =	vst v10;
	v4 =	vmul.f32 v4, v3  }
0x26b: {  	v61 =	vld [tilespmem:s0+$0x67C0];
	v11 =	vmul.f32 v57, v3;
	[tilespmem:s0+$0x6780] =	vst v13  }
0x26c: {  	v63 =	vld [tilespmem:s0+$0x67F0];
	[tilespmem:s0+$0x6770] =	vst v4;
	v4 =	vmul.f32 v59, v6  }
0x26d: {  	v62 =	vld [tilespmem:s0+$0x67E0];
	[tilespmem:s0+$0x6760] =	vst v11;
	v3 =	vmul.f32 v56, v3  }
0x26e: {  	[tilespmem:s0+$0x6790] =	vst v4;
	v4 =	vmul.f32 v7, v6  }
0x26f: {  	v5 =	vld [tilespmem:s0+$0x6620];
	[tilespmem:s0+$0x6750] =	vst v3;
	v7 =	vmul.f32 v39, v41  }
0x270: {  	[tilespmem:s0+$0x67B0] =	vst v4;
	v4 =	vmul.f32 v61, v6  }
0x271: {  	[tilespmem:s0+$0x6630] =	vst v7;
	v7 =	vmul.f32 v63, v6  }
0x272: {  	v6 =	vmul.f32 v62, v6;
	[tilespmem:s0+$0x67C0] =	vst v4  }
0x273: {  	[tilespmem:s0+$0x67F0] =	vst v7  }
0x274: {  	s5 =	simm.s32 $0x1;
	v4 =	vmul.f32 v5, v41;
	[tilespmem:s0+$0x67E0] =	vst v6  }
.LBB2_12:
0x275: {  	s12 =	sshll.u32 s5, $0x4  }
0x276: {  	p0 =	sne.s32 s5, $0x7;
	[tilespmem:s0+$0x6620] =	vst v4;
	s0 =	smov.u32 s5;
	s5 =	sadd.s32 $0x1, s5  }
0x277: {  	s12 =	sand.u32 $0x3FFFFFF0, s12  }
0x278: {  	v3 =	vld.idx.msk [tilespmem:v2+s12+$0x0 ss:$0x1], $0xffff  }
0x279: {  	s0 =	sshll.u32 s0, $0xB  }
0x27a: {  	s0 =	sand.u32 $0x3FFFF800, s0  }
0x27b: {  	v10 =	vld [tilespmem:s0+$0x60C0]  }
0x27c: {  	v11 =	vld [tilespmem:s0+$0x60D0]  }
0x27d: {  	v12 =	vld [tilespmem:s0+$0x60B0]  }
0x27e: {  	v4 =	vbroadcast v3, $0x0;
	v9 =	vbroadcast v3, $0x4;
	v5 =	vld [tilespmem:s0+$0x6020]  }
0x27f: {  	v7 =	vld [tilespmem:s0+$0x6030]  }
0x280: {  	v8 =	vld [tilespmem:s0+$0x6570]  }
0x281: {  	v13 =	vld [tilespmem:s0+$0x6060]  }
0x282: {  	v14 =	vld [tilespmem:s0+$0x6070]  }
0x283: {  	v6 =	vbroadcast v3, $0xA;
	v5 =	vmul.f32 v5, v4;
	v15 =	vld [tilespmem:s0+$0x6080]  }
0x284: {  	v7 =	vmul.f32 v7, v4;
	v16 =	vld [tilespmem:s0+$0x6090]  }
0x285: {  	[tilespmem:s0+$0x6020] =	vst v5;
	v17 =	vld [tilespmem:s0+$0x60A0];
	v5 =	vmul.f32 v8, v6  }
0x286: {  	[tilespmem:s0+$0x6030] =	vst v7;
	v8 =	vmul.f32 v13, v4;
	v13 =	vbroadcast v3, $0x1;
	v7 =	vld [tilespmem:s0+$0x6580]  }
0x287: {  	v14 =	vmul.f32 v14, v4;
	[tilespmem:s0+$0x6570] =	vst v5;
	v5 =	vld [tilespmem:s0+$0x67D0]  }
0x288: {  	[tilespmem:s0+$0x6060] =	vst v8;
	v15 =	vmul.f32 v15, v13;
	v8 =	vld [tilespmem:s0+$0x6590]  }
0x289: {  	[tilespmem:s0+$0x6070] =	vst v14;
	v14 =	vmul.f32 v16, v13;
	v16 =	vld [tilespmem:s0+$0x60E0]  }
0x28a: {  	[tilespmem:s0+$0x6080] =	vst v15;
	v15 =	vmul.f32 v17, v13;
	v17 =	vld [tilespmem:s0+$0x60F0]  }
0x28b: {  	v12 =	vmul.f32 v12, v13;
	[tilespmem:s0+$0x6090] =	vst v14;
	v14 =	vld [tilespmem:s0+$0x6100]  }
0x28c: {  	v10 =	vmul.f32 v10, v13;
	[tilespmem:s0+$0x60A0] =	vst v15;
	v15 =	vld [tilespmem:s0+$0x6110]  }
0x28d: {  	v11 =	vmul.f32 v11, v13;
	[tilespmem:s0+$0x60B0] =	vst v12;
	v12 =	vld [tilespmem:s0+$0x6120]  }
0x28e: {  	[tilespmem:s0+$0x60C0] =	vst v10;
	v10 =	vmul.f32 v16, v13;
	v16 =	vbroadcast v3, $0x2;
	v18 =	vld [tilespmem:s0+$0x6130]  }
0x28f: {  	[tilespmem:s0+$0x60D0] =	vst v11;
	v11 =	vmul.f32 v17, v13;
	v13 =	vld [tilespmem:s0+$0x6140]  }
0x290: {  	[tilespmem:s0+$0x60E0] =	vst v10;
	v10 =	vmul.f32 v14, v16;
	v14 =	vld [tilespmem:s0+$0x6150]  }
0x291: {  	[tilespmem:s0+$0x60F0] =	vst v11;
	v11 =	vmul.f32 v15, v16;
	v15 =	vld [tilespmem:s0+$0x6160]  }
0x292: {  	[tilespmem:s0+$0x6100] =	vst v10;
	v10 =	vmul.f32 v12, v16;
	v12 =	vld [tilespmem:s0+$0x6170]  }
0x293: {  	[tilespmem:s0+$0x6110] =	vst v11;
	v11 =	vmul.f32 v18, v16;
	v17 =	vld [tilespmem:s0+$0x6180]  }
0x294: {  	[tilespmem:s0+$0x6120] =	vst v10;
	v10 =	vmul.f32 v13, v16;
	v13 =	vld [tilespmem:s0+$0x6190]  }
0x295: {  	[tilespmem:s0+$0x6130] =	vst v11;
	v11 =	vmul.f32 v14, v16;
	v14 =	vld [tilespmem:s0+$0x61A0]  }
0x296: {  	[tilespmem:s0+$0x6140] =	vst v10;
	v10 =	vmul.f32 v15, v16;
	v15 =	vbroadcast v3, $0x3;
	v18 =	vld [tilespmem:s0+$0x61B0]  }
0x297: {  	[tilespmem:s0+$0x6150] =	vst v11;
	v11 =	vmul.f32 v12, v16;
	v12 =	vld [tilespmem:s0+$0x61C0]  }
0x298: {  	[tilespmem:s0+$0x6160] =	vst v10;
	v10 =	vmul.f32 v17, v15;
	v16 =	vld [tilespmem:s0+$0x61D0]  }
0x299: {  	[tilespmem:s0+$0x6170] =	vst v11;
	v11 =	vmul.f32 v13, v15;
	v13 =	vld [tilespmem:s0+$0x61E0]  }
0x29a: {  	[tilespmem:s0+$0x6180] =	vst v10;
	v10 =	vmul.f32 v14, v15;
	v14 =	vld [tilespmem:s0+$0x61F0]  }
0x29b: {  	[tilespmem:s0+$0x6190] =	vst v11;
	v11 =	vmul.f32 v18, v15;
	v17 =	vld [tilespmem:s0+$0x6200]  }
0x29c: {  	[tilespmem:s0+$0x61A0] =	vst v10;
	v10 =	vmul.f32 v12, v15;
	v12 =	vld [tilespmem:s0+$0x6210]  }
0x29d: {  	[tilespmem:s0+$0x61B0] =	vst v11;
	v11 =	vmul.f32 v16, v15;
	v16 =	vld [tilespmem:s0+$0x6220]  }
0x29e: {  	[tilespmem:s0+$0x61C0] =	vst v10;
	v10 =	vmul.f32 v13, v15;
	v13 =	vld [tilespmem:s0+$0x6230]  }
0x29f: {  	[tilespmem:s0+$0x61D0] =	vst v11;
	v11 =	vmul.f32 v14, v15;
	v14 =	vld [tilespmem:s0+$0x6240]  }
0x2a0: {  	[tilespmem:s0+$0x61E0] =	vst v10;
	v10 =	vmul.f32 v17, v9;
	v15 =	vld [tilespmem:s0+$0x6250]  }
0x2a1: {  	[tilespmem:s0+$0x61F0] =	vst v11;
	v11 =	vmul.f32 v12, v9;
	v12 =	vld [tilespmem:s0+$0x6260]  }
0x2a2: {  	[tilespmem:s0+$0x6200] =	vst v10;
	v10 =	vmul.f32 v16, v9;
	v16 =	vld [tilespmem:s0+$0x6270]  }
0x2a3: {  	[tilespmem:s0+$0x6210] =	vst v11;
	v11 =	vmul.f32 v13, v9;
	v13 =	vld [tilespmem:s0+$0x6280]  }
0x2a4: {  	[tilespmem:s0+$0x6220] =	vst v10;
	v10 =	vmul.f32 v14, v9;
	v14 =	vld [tilespmem:s0+$0x6290]  }
0x2a5: {  	[tilespmem:s0+$0x6230] =	vst v11;
	v11 =	vmul.f32 v15, v9;
	v15 =	vld [tilespmem:s0+$0x62A0]  }
0x2a6: {  	[tilespmem:s0+$0x6240] =	vst v10;
	v10 =	vmul.f32 v12, v9;
	v12 =	vbroadcast v3, $0x5;
	v17 =	vld [tilespmem:s0+$0x62B0]  }
0x2a7: {  	[tilespmem:s0+$0x6250] =	vst v11;
	v9 =	vmul.f32 v16, v9;
	v11 =	vld [tilespmem:s0+$0x62C0]  }
0x2a8: {  	[tilespmem:s0+$0x6260] =	vst v10;
	v10 =	vmul.f32 v13, v12;
	v13 =	vld [tilespmem:s0+$0x62D0]  }
0x2a9: {  	[tilespmem:s0+$0x6270] =	vst v9;
	v9 =	vmul.f32 v14, v12;
	v14 =	vld [tilespmem:s0+$0x62E0]  }
0x2aa: {  	[tilespmem:s0+$0x6280] =	vst v10;
	v10 =	vmul.f32 v15, v12;
	v15 =	vld [tilespmem:s0+$0x62F0]  }
0x2ab: {  	[tilespmem:s0+$0x6290] =	vst v9;
	v9 =	vmul.f32 v17, v12;
	v16 =	vld [tilespmem:s0+$0x6300]  }
0x2ac: {  	[tilespmem:s0+$0x62A0] =	vst v10;
	v10 =	vmul.f32 v11, v12;
	v11 =	vld [tilespmem:s0+$0x6310]  }
0x2ad: {  	[tilespmem:s0+$0x62B0] =	vst v9;
	v9 =	vmul.f32 v13, v12;
	v13 =	vld [tilespmem:s0+$0x6320]  }
0x2ae: {  	[tilespmem:s0+$0x62C0] =	vst v10;
	v10 =	vmul.f32 v14, v12;
	v14 =	vbroadcast v3, $0x6;
	v17 =	vld [tilespmem:s0+$0x6330]  }
0x2af: {  	[tilespmem:s0+$0x62D0] =	vst v9;
	v9 =	vmul.f32 v15, v12;
	v12 =	vld [tilespmem:s0+$0x6340]  }
0x2b0: {  	[tilespmem:s0+$0x62E0] =	vst v10;
	v10 =	vmul.f32 v16, v14;
	v15 =	vld [tilespmem:s0+$0x6350]  }
0x2b1: {  	[tilespmem:s0+$0x62F0] =	vst v9;
	v9 =	vmul.f32 v11, v14;
	v11 =	vld [tilespmem:s0+$0x6360]  }
0x2b2: {  	[tilespmem:s0+$0x6300] =	vst v10;
	v10 =	vmul.f32 v13, v14;
	v13 =	vld [tilespmem:s0+$0x6370]  }
0x2b3: {  	[tilespmem:s0+$0x6310] =	vst v9;
	v9 =	vmul.f32 v17, v14;
	v16 =	vld [tilespmem:s0+$0x6380]  }
0x2b4: {  	[tilespmem:s0+$0x6320] =	vst v10;
	v10 =	vmul.f32 v12, v14;
	v12 =	vld [tilespmem:s0+$0x6390]  }
0x2b5: {  	[tilespmem:s0+$0x6330] =	vst v9;
	v9 =	vmul.f32 v15, v14;
	v15 =	vld [tilespmem:s0+$0x63A0]  }
0x2b6: {  	[tilespmem:s0+$0x6340] =	vst v10;
	v10 =	vmul.f32 v11, v14;
	v11 =	vbroadcast v3, $0x7;
	v17 =	vld [tilespmem:s0+$0x63B0]  }
0x2b7: {  	[tilespmem:s0+$0x6350] =	vst v9;
	v9 =	vmul.f32 v13, v14;
	v13 =	vld [tilespmem:s0+$0x63C0]  }
0x2b8: {  	[tilespmem:s0+$0x6360] =	vst v10;
	v10 =	vmul.f32 v16, v11;
	v14 =	vld [tilespmem:s0+$0x63D0]  }
0x2b9: {  	[tilespmem:s0+$0x6370] =	vst v9;
	v9 =	vmul.f32 v12, v11;
	v12 =	vld [tilespmem:s0+$0x63E0]  }
0x2ba: {  	[tilespmem:s0+$0x6380] =	vst v10;
	v10 =	vmul.f32 v15, v11;
	v15 =	vld [tilespmem:s0+$0x63F0]  }
0x2bb: {  	[tilespmem:s0+$0x6390] =	vst v9;
	v9 =	vmul.f32 v17, v11;
	v16 =	vld [tilespmem:s0+$0x6400]  }
0x2bc: {  	[tilespmem:s0+$0x63A0] =	vst v10;
	v10 =	vmul.f32 v13, v11;
	v13 =	vld [tilespmem:s0+$0x6410]  }
0x2bd: {  	[tilespmem:s0+$0x63B0] =	vst v9;
	v9 =	vmul.f32 v14, v11;
	v14 =	vld [tilespmem:s0+$0x6420]  }
0x2be: {  	[tilespmem:s0+$0x63C0] =	vst v10;
	v10 =	vmul.f32 v12, v11;
	v12 =	vbroadcast v3, $0x8;
	v17 =	vld [tilespmem:s0+$0x6430]  }
0x2bf: {  	[tilespmem:s0+$0x63D0] =	vst v9;
	v9 =	vmul.f32 v15, v11;
	v11 =	vld [tilespmem:s0+$0x6440]  }
0x2c0: {  	[tilespmem:s0+$0x63E0] =	vst v10;
	v10 =	vmul.f32 v16, v12;
	v15 =	vld [tilespmem:s0+$0x6450]  }
0x2c1: {  	[tilespmem:s0+$0x63F0] =	vst v9;
	v9 =	vmul.f32 v13, v12;
	v13 =	vld [tilespmem:s0+$0x6460]  }
0x2c2: {  	[tilespmem:s0+$0x6400] =	vst v10;
	v10 =	vmul.f32 v14, v12;
	v14 =	vld [tilespmem:s0+$0x6470]  }
0x2c3: {  	[tilespmem:s0+$0x6410] =	vst v9;
	v9 =	vmul.f32 v17, v12;
	v16 =	vld [tilespmem:s0+$0x6480]  }
0x2c4: {  	[tilespmem:s0+$0x6420] =	vst v10;
	v10 =	vmul.f32 v11, v12;
	v11 =	vld [tilespmem:s0+$0x6490]  }
0x2c5: {  	[tilespmem:s0+$0x6430] =	vst v9;
	v9 =	vmul.f32 v15, v12;
	v15 =	vld [tilespmem:s0+$0x64A0]  }
0x2c6: {  	[tilespmem:s0+$0x6440] =	vst v10;
	v10 =	vmul.f32 v13, v12;
	v13 =	vbroadcast v3, $0x9;
	v17 =	vld [tilespmem:s0+$0x64B0]  }
0x2c7: {  	[tilespmem:s0+$0x6450] =	vst v9;
	v9 =	vmul.f32 v14, v12;
	v12 =	vld [tilespmem:s0+$0x64C0]  }
0x2c8: {  	[tilespmem:s0+$0x6460] =	vst v10;
	v10 =	vmul.f32 v16, v13;
	v14 =	vld [tilespmem:s0+$0x64D0]  }
0x2c9: {  	[tilespmem:s0+$0x6470] =	vst v9;
	v9 =	vmul.f32 v11, v13;
	v11 =	vld [tilespmem:s0+$0x64E0]  }
0x2ca: {  	[tilespmem:s0+$0x6480] =	vst v10;
	v10 =	vmul.f32 v15, v13;
	v15 =	vld [tilespmem:s0+$0x64F0]  }
0x2cb: {  	[tilespmem:s0+$0x6490] =	vst v9;
	v9 =	vmul.f32 v17, v13;
	v16 =	vld [tilespmem:s0+$0x6500]  }
0x2cc: {  	[tilespmem:s0+$0x64A0] =	vst v10;
	v10 =	vmul.f32 v12, v13;
	v12 =	vld [tilespmem:s0+$0x6510]  }
0x2cd: {  	[tilespmem:s0+$0x64B0] =	vst v9;
	v9 =	vmul.f32 v14, v13;
	v14 =	vld [tilespmem:s0+$0x6520]  }
0x2ce: {  	[tilespmem:s0+$0x64C0] =	vst v10;
	v10 =	vmul.f32 v11, v13;
	v11 =	vld [tilespmem:s0+$0x6530]  }
0x2cf: {  	[tilespmem:s0+$0x64D0] =	vst v9;
	v9 =	vmul.f32 v15, v13;
	v13 =	vld [tilespmem:s0+$0x6540]  }
0x2d0: {  	[tilespmem:s0+$0x64E0] =	vst v10;
	v10 =	vmul.f32 v16, v6;
	v15 =	vld [tilespmem:s0+$0x6550]  }
0x2d1: {  	[tilespmem:s0+$0x64F0] =	vst v9;
	v9 =	vmul.f32 v12, v6;
	v12 =	vld [tilespmem:s0+$0x6560]  }
0x2d2: {  	v16 =	vld [tilespmem:s0+$0x6000];
	[tilespmem:s0+$0x6500] =	vst v10;
	v10 =	vmul.f32 v14, v6  }
0x2d3: {  	v14 =	vld [tilespmem:s0+$0x6010];
	[tilespmem:s0+$0x6510] =	vst v9;
	v9 =	vmul.f32 v11, v6  }
0x2d4: {  	v11 =	vld [tilespmem:s0+$0x6040];
	[tilespmem:s0+$0x6520] =	vst v10;
	v10 =	vmul.f32 v13, v6  }
0x2d5: {  	v13 =	vld [tilespmem:s0+$0x6050];
	[tilespmem:s0+$0x6530] =	vst v9;
	v9 =	vmul.f32 v15, v6  }
0x2d6: {  	[tilespmem:s0+$0x6540] =	vst v10;
	v10 =	vmul.f32 v12, v6;
	v12 =	vbroadcast v3, $0xB;
	v15 =	vld [tilespmem:s0+$0x65A0]  }
0x2d7: {  	v6 =	vbroadcast v3, $0xF;
	v16 =	vmul.f32 v4, v16;
	[tilespmem:s0+$0x6550] =	vst v9;
	v9 =	vld [tilespmem:s0+$0x65B0]  }
0x2d8: {  	v14 =	vmul.f32 v14, v4;
	[tilespmem:s0+$0x6560] =	vst v10;
	v7 =	vmul.f32 v7, v12;
	v10 =	vld [tilespmem:s0+$0x65C0]  }
0x2d9: {  	v8 =	vmul.f32 v8, v12;
	[tilespmem:s0+$0x6000] =	vst v16;
	v11 =	vmul.f32 v11, v4;
	v16 =	vld [tilespmem:s0+$0x65D0]  }
0x2da: {  	v5 =	vmul.f32 v5, v6;
	v13 =	vmul.f32 v13, v4;
	[tilespmem:s0+$0x6580] =	vst v7;
	v4 =	vld [tilespmem:s0+$0x65E0]  }
0x2db: {  	[tilespmem:s0+$0x6590] =	vst v8;
	v7 =	vmul.f32 v15, v12;
	v8 =	vld [tilespmem:s0+$0x65F0]  }
0x2dc: {  	v9 =	vmul.f32 v9, v12;
	v15 =	vld [tilespmem:s0+$0x6600];
	[tilespmem:s0+$0x67D0] =	vst v5  }
0x2dd: {  	[tilespmem:s0+$0x6010] =	vst v14;
	v5 =	vmul.f32 v10, v12;
	v10 =	vld [tilespmem:s0+$0x6610]  }
0x2de: {  	[tilespmem:s0+$0x6040] =	vst v11;
	v11 =	vmul.f32 v16, v12;
	v14 =	vld [tilespmem:s0+$0x6620]  }
0x2df: {  	v16 =	vbroadcast v3, $0xC;
	[tilespmem:s0+$0x65A0] =	vst v7;
	v7 =	vmul.f32 v4, v12;
	v17 =	vld [tilespmem:s0+$0x6630]  }
0x2e0: {  	[tilespmem:s0+$0x65D0] =	vst v11;
	v8 =	vmul.f32 v8, v12;
	v11 =	vld [tilespmem:s0+$0x6640]  }
0x2e1: {  	[tilespmem:s0+$0x65B0] =	vst v9;
	v4 =	vmul.f32 v15, v16;
	v9 =	vld [tilespmem:s0+$0x6650]  }
0x2e2: {  	[tilespmem:s0+$0x65C0] =	vst v5;
	v5 =	vmul.f32 v10, v16;
	v10 =	vld [tilespmem:s0+$0x6660]  }
0x2e3: {  	[tilespmem:s0+$0x6600] =	vst v4;
	v4 =	vmul.f32 v14, v16;
	v12 =	vld [tilespmem:s0+$0x6670]  }
0x2e4: {  	[tilespmem:s0+$0x6610] =	vst v5;
	v5 =	vld [tilespmem:s0+$0x6680]  }
0x2e5: {  	[tilespmem:s0+$0x6050] =	vst v13;
	v11 =	vmul.f32 v11, v16;
	v13 =	vld [tilespmem:s0+$0x6690]  }
0x2e6: {  	[tilespmem:s0+$0x65E0] =	vst v7;
	v7 =	vmul.f32 v9, v16;
	v9 =	vld [tilespmem:s0+$0x66A0]  }
0x2e7: {  	[tilespmem:s0+$0x6640] =	vst v11;
	v10 =	vmul.f32 v10, v16;
	v11 =	vbroadcast v3, $0xD;
	v14 =	vld [tilespmem:s0+$0x66B0]  }
0x2e8: {  	[tilespmem:s0+$0x6650] =	vst v7;
	v7 =	vmul.f32 v12, v16;
	v12 =	vld [tilespmem:s0+$0x66C0]  }
0x2e9: {  	[tilespmem:s0+$0x6660] =	vst v10;
	v5 =	vmul.f32 v5, v11;
	v10 =	vld [tilespmem:s0+$0x66D0]  }
0x2ea: {  	[tilespmem:s0+$0x6670] =	vst v7;
	v7 =	vmul.f32 v13, v11;
	v13 =	vld [tilespmem:s0+$0x66E0]  }
0x2eb: {  	[tilespmem:s0+$0x6680] =	vst v5;
	v5 =	vmul.f32 v9, v11;
	v9 =	vld [tilespmem:s0+$0x66F0]  }
0x2ec: {  	[tilespmem:s0+$0x6690] =	vst v7;
	v7 =	vmul.f32 v14, v11;
	v14 =	vld [tilespmem:s0+$0x6700]  }
0x2ed: {  	[tilespmem:s0+$0x66A0] =	vst v5;
	v5 =	vmul.f32 v12, v11;
	v12 =	vld [tilespmem:s0+$0x6710]  }
0x2ee: {  	[tilespmem:s0+$0x66B0] =	vst v7;
	v7 =	vmul.f32 v10, v11;
	v10 =	vld [tilespmem:s0+$0x6720]  }
0x2ef: {  	v3 =	vbroadcast v3, $0xE;
	[tilespmem:s0+$0x65F0] =	vst v8;
	v8 =	vmul.f32 v13, v11;
	v13 =	vld [tilespmem:s0+$0x6730]  }
0x2f0: {  	[tilespmem:s0+$0x66D0] =	vst v7;
	v7 =	vmul.f32 v9, v11;
	v9 =	vld [tilespmem:s0+$0x6740]  }
0x2f1: {  	[tilespmem:s0+$0x66E0] =	vst v8;
	v8 =	vmul.f32 v14, v3;
	v11 =	vld [tilespmem:s0+$0x6750]  }
0x2f2: {  	[tilespmem:s0+$0x66F0] =	vst v7;
	v7 =	vmul.f32 v12, v3;
	v12 =	vld [tilespmem:s0+$0x6760]  }
0x2f3: {  	[tilespmem:s0+$0x6700] =	vst v8;
	v8 =	vmul.f32 v10, v3;
	v10 =	vld [tilespmem:s0+$0x6770]  }
0x2f4: {  	[tilespmem:s0+$0x6710] =	vst v7;
	v7 =	vmul.f32 v13, v3;
	v13 =	vld [tilespmem:s0+$0x6780]  }
0x2f5: {  	[tilespmem:s0+$0x6720] =	vst v8;
	v8 =	vmul.f32 v9, v3;
	v9 =	vld [tilespmem:s0+$0x6790]  }
0x2f6: {  	[tilespmem:s0+$0x6730] =	vst v7;
	v7 =	vmul.f32 v11, v3;
	v11 =	vld [tilespmem:s0+$0x67A0]  }
0x2f7: {  	[tilespmem:s0+$0x6740] =	vst v8;
	v8 =	vmul.f32 v12, v3;
	v12 =	vld [tilespmem:s0+$0x67B0]  }
0x2f8: {  	[tilespmem:s0+$0x66C0] =	vst v5;
	v3 =	vmul.f32 v10, v3;
	v5 =	vld [tilespmem:s0+$0x67C0]  }
0x2f9: {  	[tilespmem:s0+$0x6760] =	vst v8;
	v8 =	vmul.f32 v13, v6;
	v10 =	vld [tilespmem:s0+$0x67E0]  }
0x2fa: {  	[tilespmem:s0+$0x6770] =	vst v3;
	v3 =	vmul.f32 v9, v6;
	v9 =	vld [tilespmem:s0+$0x67F0]  }
0x2fb: {  	[tilespmem:s0+$0x6780] =	vst v8;
	v8 =	vmul.f32 v11, v6  }
0x2fc: {  	[tilespmem:s0+$0x6790] =	vst v3;
	v3 =	vmul.f32 v12, v6  }
0x2fd: {  	v11 =	vmul.f32 v17, v16;
	[tilespmem:s0+$0x67A0] =	vst v8  }
0x2fe: {  	[tilespmem:s0+$0x67B0] =	vst v3;
	v3 =	vmul.f32 v5, v6  }
.Ltmp4:
0x2ff: {  	[tilespmem:s0+$0x6630] =	vst v11;
	v5 =	vmul.f32 v9, v6;
	(pc) =	sbr.rel @p0 .LBB2_12-.Ltmp4, $4  }
0x300: {  	[tilespmem:s0+$0x67C0] =	vst v3  }
0x301: {  	v3 =	vmul.f32 v10, v6;
	[tilespmem:s0+$0x67F0] =	vst v5  }
0x302: {  	[tilespmem:s0+$0x6750] =	vst v7  }
0x303: {  	[tilespmem:s0+$0x67E0] =	vst v3  }
0x304: {  	s4 =	sadd.s32 $0x1, s4  }
0x305: {  	p0 =	sne.s32 s4, $0x4  }
.Ltmp5:
0x306: {  	_ = 	snop;
	(pc) =	sbr.rel @p0 .LBB2_9-.Ltmp5, $3  }
0x307: {  	_ =	sdelay $0x1  }
0x308: {  	[tilespmem:s0+$0x6620] =	vst v4;
	s31 =	sadd.s32 $0x1C00, s3  }
0x309: {  	[spmem:s2] =	stream.indirect.scatter.add.f32 [tilespmem:s20], [sflag:$0x8], $0x80, s31, s18, $0xb8;
	[tilespmem:$0x1E280] =	vst v63  }
0x30a: {  	s15 =	sadd.s32 $0x1, s15  }
0x30b: {  	_ =	swait.ge [sflag:s24], $0x4000;
	p0 =	sne.s32 s15, $0x5  }
.Ltmp6:
0x30c: {  	[sflag:s24] =	ssyncset.done $0x0;
	(pc) =	sbr.rel @p0 .LBB2_4-.Ltmp6, $4  }
0x30d: {  	[sflag:s24] =	ssyncadd.s32 $0xFFFFC000  }
0x30e: {  	_ =	swait.ge [sflag:s25], $0x400  }
0x30f: {  	[sflag:s25] =	ssyncset.done $0x0  }
0x310: {  	s13 =	sadd.s32 $0x400, s13;
	[sflag:s25] =	ssyncadd.s32 $0xFFFFFC00  }
0x311: {  	s0 =	stileid.u32;
	[bflag:$0x0] =	sbarrier.arrive $0xFFFF  }
0x312: {  	s0 =	sshll.u32 s0, $0x6;
	s13 =	rddreg [dreg:$0x7]  }
0x313: {  	s4 =	rddreg [dreg:$0x6];
	s0 =	sor.u32 $0x1C09, s0;
	s3 =	sshrl.u32 s13, $0x3  }
0x314: {  	[hbm:s4], [sflag:s0] =	dma.local [spmem:s3], $0x2800  }
0x315: {  	s5 =	simm.s32 $0x20;
	_ =	swait.ge [sflag:s28], $0x2800  }
0x316: {  	s12 =	simm.s32 $0x10;
	[sflag:s28] =	ssyncset.done $0x0;
	s17 =	rddreg [dreg:$0x9]  }
0x317: {  	s15 =	rddreg [dreg:$0x8];
	[sflag:s28] =	ssyncadd.s32 $0xFFFFD800;
	s4 =	sshrl.u32 s17, $0x3  }
0x318: {  	[hbm:s15@s5], [sflag:s0] =	dma.strided [spmem:s4@s12], $0x50, s30, $0x10   }
0x319: {  	_ =	swait.ge [sflag:s28], $0x50  }
0x31a: {  	s15 =	rddreg [dreg:$0x5]  }
0x31b: {  	s31 =	rddreg [dreg:$0xa];
	s15 =	sadd.s32 $0x1, s15  }
0x31c: {  	p0 =	sne.s32 s15, s31  }
.Ltmp7:
0x31d: {  	_ = 	snop;
	(pc) =	sbr.rel @p0 .LBB2_1-.Ltmp7, $3  }
0x31e: {  	_ =	sdelay $0x1  }
0x31f: {  	[sflag:s28] =	ssyncset.done $0x0  }
0x320: {  	[sflag:s28] =	ssyncadd.s32 $0xFFFFFFB0  }
0x321: {  	_ =	sfence.sel $0x180000  }
0x322: {  	[bflag:$0x0] =	sbarrier.arrive $0xFFFF  }
0x323: {  	_ =	strace $0x9000004A  }
0x324: {  	s0 =	stileid.u32;
	[bflag:$0x2] =	sbarrier.arrive $0xFFFF  }
0x325: {  	p0 =	sne.s32 s0, $0x0;
	s0 =	rddreg [dreg:$0x4]  }
0x326: {  	s0 =	sadd.s32 @!p0 $0x100000, s0  }
0x327: {  	[sflag:s0] =	ssyncadd.tile.s32 @!p0 $0x1;
	_ =	shalt  }
.Lfunc_end2:
_tile_overlayer_lowered:
.L_overlay_start_2:
0x328: {  	(tag) =	ssettag $0x2  }
0x329: {  	s0 =	rddreg [dreg:$0x0];
	s2 =	stileid.u32  }
0x32a: {  	s1 =	rddreg [dreg:$0x1];
	p0 =	sne.s32 s2, $0x0  }
0x32b: {  	s3 =	rddreg [dreg:$0x2];
	[bflag:$0x3] =	sbarrier.arrive $0xFFFF;
	s2 =	simm.s32 @!p0 $0x1C09  }
0x32c: {  	[timem:s3], [sflag:s2] =	dma.local @!p0 [hbm:s0], s1  }
0x32d: {  	s0 =	simm.s32 @!p0 $0x9  }
0x32e: {  	_ =	swait.ge @!p0 [sflag:s0], s1  }
0x32f: {  	s1 =	ssub.s32 @!p0 $0x0, s1;
	[sflag:s0] =	ssyncset.done @!p0 $0x0  }
0x330: {  	[sflag:s0] =	ssyncadd.s32 @!p0 s1  }
0x331: {  	[bflag:$0x3] =	sbarrier.arrive $0xFFFF  }
0x332: {  	_ =	shalt  }

</sc_bundles>
